<compile_context>
chip_gen: v7x
topology: tpu7x:2x2x1
jax: 0.10.2.dev20260603
libtpu: 0.0.44.dev20260713+nightly
codegen_flags: <defaults>
</compile_context>

<pallas_src>
import functools

import jax
import jax.numpy as jnp
import numpy as np
from jax import lax
from jax.experimental import pallas as pl
from jax.experimental.pallas import tpu as pltpu
from jax.experimental.pallas import tpu_sc as plsc

HEADS = 4
SLOPE = 0.2
KNN_K = 32
MS = [1024, 512]

_NT = (((1,), (1,)), ((), ()))


def _dot(a, b, dims):
    return lax.dot_general(a, b, dims, precision=lax.Precision.HIGHEST)


def _rb(x):
    return x.astype(jnp.bfloat16).astype(jnp.float32)


def _bdot(a, b, dims):
    return _dot(_rb(a), _rb(b), dims)


def _leaky(x):
    return jnp.where(x >= 0, x, SLOPE * x)



def _knn_body(xall_ref, xblk_ref, idx_ref, d_ref):
    xall = xall_ref[0]
    xblk = xblk_ref[0]
    R, N = d_ref.shape
    xsq = xall * xall
    ones = jnp.ones((1, xall.shape[1]), jnp.float32)
    sqa = _dot(ones, xsq, _NT)
    sqb = jnp.sum(xblk * xblk, axis=1, keepdims=True)
    d = sqb + sqa - 2.0 * _bdot(xblk, xall, _NT)
    d_ref[...] = d
    iota = lax.broadcasted_iota(jnp.int32, (R, N), 1)
    lane = lax.broadcasted_iota(jnp.int32, (R, KNN_K), 1)

    def body(s, acc):
        dd = d_ref[...]
        mn = jnp.min(dd, axis=1, keepdims=True)
        am = jnp.min(jnp.where(dd == mn, iota, N), axis=1, keepdims=True)
        d_ref[...] = jnp.where(iota == am, jnp.float32(jnp.inf), dd)
        return jnp.where(lane == s, am, acc)

    idx_ref[0] = lax.fori_loop(0, KNN_K, body,
                               jnp.zeros((R, KNN_K), jnp.int32))


@functools.lru_cache(None)
def _knn_fn(B, N, C, R):
    grid = (B, N // R)
    return pl.pallas_call(
        _knn_body,
        grid=grid,
        in_specs=[
            pl.BlockSpec((1, N, C), lambda b, i: (b, 0, 0)),
            pl.BlockSpec((1, R, C), lambda b, i: (b, i, 0)),
        ],
        out_specs=pl.BlockSpec((1, R, KNN_K), lambda b, i: (b, i, 0)),
        out_shape=jax.ShapeDtypeStruct((B, N, KNN_K), jnp.int32),
        scratch_shapes=[pltpu.VMEM((R, N), jnp.float32)],
    )


def _knn(x):
    B, N, C = x.shape
    if C < 128:
        x = jnp.pad(x, ((0, 0), (0, 0), (0, 128 - C)))
        C = 128
    R = min(256, N)
    return _knn_fn(B, N, C, R)(x, x)



def _proj_body(x_ref, w_ref, o_ref):
    o_ref[0] = _bdot(x_ref[0], w_ref[...], _NT)


@functools.lru_cache(None)
def _proj_fn(B, N, Cin, Cout, R):
    return pl.pallas_call(
        _proj_body,
        grid=(B, N // R),
        in_specs=[
            pl.BlockSpec((1, R, Cin), lambda b, i: (b, i, 0)),
            pl.BlockSpec((Cout, Cin), lambda b, i: (0, 0)),
        ],
        out_specs=pl.BlockSpec((1, R, Cout), lambda b, i: (b, i, 0)),
        out_shape=jax.ShapeDtypeStruct((B, N, Cout), jnp.float32),
    )


def _proj(x, w):
    B, N, Cin = x.shape
    R = min(512, N)
    return _proj_fn(B, N, Cin, w.shape[0], R)(x, w)



def _ec_post_body(nb_ref, c_ref, w1_ref, w2_ref, o_ref):
    R = c_ref.shape[1]
    nb = nb_ref[0].reshape(R, KNN_K, 128)
    c = c_ref[0][:, None, :]
    feat = jnp.concatenate([nb - c, jnp.broadcast_to(c, nb.shape)], axis=2)
    h = _leaky(_bdot(feat.reshape(R * KNN_K, 256), w1_ref[...], _NT))
    h = jnp.concatenate([h, jnp.zeros_like(h)], axis=1)
    h2 = _leaky(_bdot(h, w2_ref[...], _NT))
    o_ref[0] = jnp.max(h2.reshape(R, KNN_K, 64), axis=1)


@functools.lru_cache(None)
def _ec_post_fn(B, N, R):
    return pl.pallas_call(
        _ec_post_body,
        grid=(B, N // R),
        in_specs=[
            pl.BlockSpec((1, R * KNN_K, 128), lambda b, i: (b, i, 0)),
            pl.BlockSpec((1, R, 128), lambda b, i: (b, i, 0)),
            pl.BlockSpec((64, 256), lambda b, i: (0, 0)),
            pl.BlockSpec((64, 128), lambda b, i: (0, 0)),
        ],
        out_specs=pl.BlockSpec((1, R, 64), lambda b, i: (b, i, 0)),
        out_shape=jax.ShapeDtypeStruct((B, N, 64), jnp.float32),
    )


def _ec_post(nbg, xpad, w1pad, w2pad):
    B, NK, _ = nbg.shape
    N = NK // KNN_K
    return _ec_post_fn(B, N, 128)(nbg, xpad, w1pad, w2pad)



def _attn_post_body(x_ref, q_ref, kv_ref, ff1_ref, ff2_ref, o_ref):
    R = x_ref.shape[1]
    C = x_ref.shape[2]
    d = C // HEADS
    kv = kv_ref[0]
    kg = kv[:, :C].reshape(R, KNN_K, C)
    vg = kv[:, C:].reshape(R, KNN_K, C)
    q = q_ref[0]
    qk = q[:, None, :] * kg
    ii = lax.broadcasted_iota(jnp.int32, (C, C), 0) // d
    jj = lax.broadcasted_iota(jnp.int32, (C, C), 1) // d
    hm = (ii == jj).astype(jnp.float32)
    s = _dot(qk.reshape(R * KNN_K, C), hm,
             (((1,), (0,)), ((), ()))) / jnp.float32(np.sqrt(d))
    s3 = s.reshape(R, KNN_K, C)
    mx = jnp.max(s3, axis=1, keepdims=True)
    a = jnp.exp(s3 - mx)
    a = a / jnp.sum(a, axis=1, keepdims=True)
    o = jnp.sum(a * vg, axis=1)
    xn = x_ref[0] + o
    f1 = _leaky(_bdot(xn, ff1_ref[...], _NT))
    f2 = _bdot(f1, ff2_ref[...], _NT)
    o_ref[0] = xn + f2


@functools.lru_cache(None)
def _attn_post_fn(B, N, C, F, R):
    return pl.pallas_call(
        _attn_post_body,
        grid=(B, N // R),
        in_specs=[
            pl.BlockSpec((1, R, C), lambda b, i: (b, i, 0)),
            pl.BlockSpec((1, R, C), lambda b, i: (b, i, 0)),
            pl.BlockSpec((1, R * KNN_K, 2 * C), lambda b, i: (b, i, 0)),
            pl.BlockSpec((F, C), lambda b, i: (0, 0)),
            pl.BlockSpec((C, F), lambda b, i: (0, 0)),
        ],
        out_specs=pl.BlockSpec((1, R, C), lambda b, i: (b, i, 0)),
        out_shape=jax.ShapeDtypeStruct((B, N, C), jnp.float32),
    )


def _attn_post(x, q, kvg, ff1, ff2):
    B, N, C = x.shape
    return _attn_post_fn(B, N, C, ff1.shape[0], 128)(x, q, kvg, ff1, ff2)



def _ds_scores_body(q_ref, k_ref, o_ref):
    i = pl.program_id(1)
    R = q_ref.shape[1]
    C = q_ref.shape[2]
    e = _bdot(q_ref[0], k_ref[0], _NT) / jnp.float32(np.sqrt(C))
    mx = jnp.max(e, axis=1, keepdims=True)
    a = jnp.exp(e - mx)
    a = a / jnp.sum(a, axis=1, keepdims=True)

    @pl.when(i == 0)
    def _init():
        o_ref[0] = jnp.zeros_like(o_ref[0])

    for t in range(R // 8):
        o_ref[0] += a[8 * t:8 * t + 8]


@functools.lru_cache(None)
def _ds_scores_fn(B, N, C, R):
    return pl.pallas_call(
        _ds_scores_body,
        grid=(B, N // R),
        in_specs=[
            pl.BlockSpec((1, R, C), lambda b, i: (b, i, 0)),
            pl.BlockSpec((1, N, C), lambda b, i: (b, 0, 0)),
        ],
        out_specs=pl.BlockSpec((1, 8, N), lambda b, i: (b, 0, 0)),
        out_shape=jax.ShapeDtypeStruct((B, 8, N), jnp.float32),
    )


def _ds_scores(q, k):
    B, N, C = q.shape
    return _ds_scores_fn(B, N, C, 256)(q, k)



def _ds_perm_body(sc_ref, p_ref, *, m):
    s8 = sc_ref[0]
    s4 = s8[:4] + s8[4:]
    s2 = s4[:2] + s4[2:]
    s = (s2[0] + s2[1])
    S = s.shape[0]
    bits = lax.bitcast_convert_type(s, jnp.int32)

    def bis(_, lohi):
        lo, hi = lohi
        mid = (lo + hi) // 2
        c = jnp.sum((bits >= mid).astype(jnp.int32))
        ok = c >= m
        return jnp.where(ok, mid, lo), jnp.where(ok, hi, mid)

    T, _ = lax.fori_loop(0, 31, bis,
                         (jnp.int32(0), jnp.int32(0x7F800000)))
    gt = bits > T
    eq = bits == T
    need = m - jnp.sum(gt.astype(jnp.int32))
    U = (lax.broadcasted_iota(jnp.int32, (128, 128), 0)
         <= lax.broadcasted_iota(jnp.int32, (128, 128), 1)).astype(jnp.float32)
    L = (lax.broadcasted_iota(jnp.int32, (S, S), 1)
         < lax.broadcasted_iota(jnp.int32, (S, S), 0)).astype(jnp.float32)

    def incl_cumsum(mask):
        mf = mask.astype(jnp.float32)
        rowcs = _dot(mf, U, (((1,), (0,)), ((), ())))
        rt = jnp.sum(mf, axis=1, keepdims=True)
        off = _dot(L, rt, (((1,), (0,)), ((), ())))
        return (rowcs + off).astype(jnp.int32)

    cse = incl_cumsum(eq)
    sel = gt | (eq & (cse <= need))
    css = incl_cumsum(sel)
    pos = (lax.broadcasted_iota(jnp.int32, (S, 128), 0) * 128
           + lax.broadcasted_iota(jnp.int32, (S, 128), 1))
    p_ref[0] = jnp.where(sel, css - 1, m + pos - css)


@functools.lru_cache(None)
def _ds_perm_fn(B, S, m):
    return pl.pallas_call(
        functools.partial(_ds_perm_body, m=m),
        grid=(B,),
        in_specs=[pl.BlockSpec((1, 8, S, 128), lambda b: (b, 0, 0, 0))],
        out_specs=pl.BlockSpec((1, S, 128), lambda b: (b, 0, 0)),
        out_shape=jax.ShapeDtypeStruct((B, S, 128), jnp.int32),
    )


def _ds_perm(scores8, m):
    B, _, S, _ = scores8.shape
    return _ds_perm_fn(B, S, m)(scores8)



def _res_body(h_ref, w_ref, o_ref):
    y = _bdot(h_ref[0], w_ref[...], _NT)
    o_ref[0] = jnp.max(y, axis=0, keepdims=True)


@functools.lru_cache(None)
def _res_fn(B, N, C, O):
    return pl.pallas_call(
        _res_body,
        grid=(B,),
        in_specs=[
            pl.BlockSpec((1, N, C), lambda b: (b, 0, 0)),
            pl.BlockSpec((O, C), lambda b: (0, 0)),
        ],
        out_specs=pl.BlockSpec((1, 1, O), lambda b: (b, 0, 0)),
        out_shape=jax.ShapeDtypeStruct((B, 1, O), jnp.float32),
    )


def _res_max(h, w):
    B, N, C = h.shape
    return _res_fn(B, N, C, w.shape[0])(h, w).reshape(B, w.shape[0])



_SC_NC = 2
_SC_NS = 16
_SC_NW = _SC_NC * _SC_NS


def _sc_mesh():
    return plsc.VectorSubcoreMesh(core_axis_name="c", subcore_axis_name="s",
                                  num_cores=_SC_NC, num_subcores=_SC_NS)


@functools.lru_cache(None)
def _sc_gather_fn(T, D, G):
    per_w = G // _SC_NW
    ch = min(per_w, 128)
    n_ch = per_w // ch

    @functools.partial(
        pl.kernel,
        out_type=jax.ShapeDtypeStruct((G, D), jnp.float32),
        mesh=_sc_mesh(),
        scratch_types=[
            pltpu.VMEM((ch,), jnp.int32),
            pltpu.VMEM((ch, D), jnp.float32),
            pltpu.SemaphoreType.DMA,
        ],
    )
    def k(table_hbm, idx_hbm, out_hbm, idx_v, rows_v, sem):
        wid = lax.axis_index("s") * _SC_NC + lax.axis_index("c")
        base = wid * per_w

        def body(j, _):
            off = base + j * ch
            pltpu.sync_copy(idx_hbm.at[pl.ds(off, ch)], idx_v)
            pltpu.async_copy(table_hbm.at[idx_v], rows_v, sem).wait()
            pltpu.sync_copy(rows_v, out_hbm.at[pl.ds(off, ch)])
            return 0

        lax.fori_loop(0, n_ch, body, 0)

    return k


def _sc_gather(table, idxg):
    T, D = table.shape
    (G,) = idxg.shape
    return _sc_gather_fn(T, D, G)(table, idxg)


@functools.lru_cache(None)
def _sc_scatter_fn(NR, D):
    per_w = NR // _SC_NW
    ch = min(per_w, 128)
    n_ch = per_w // ch

    @functools.partial(
        pl.kernel,
        out_type=jax.ShapeDtypeStruct((NR, D), jnp.float32),
        mesh=_sc_mesh(),
        scratch_types=[
            pltpu.VMEM((ch,), jnp.int32),
            pltpu.VMEM((ch, D), jnp.float32),
            pltpu.SemaphoreType.DMA,
        ],
    )
    def k(src_hbm, p_hbm, out_hbm, idx_v, rows_v, sem):
        wid = lax.axis_index("s") * _SC_NC + lax.axis_index("c")
        base = wid * per_w

        def body(j, _):
            off = base + j * ch
            pltpu.sync_copy(p_hbm.at[pl.ds(off, ch)], idx_v)
            pltpu.sync_copy(src_hbm.at[pl.ds(off, ch)], rows_v)
            pltpu.async_copy(rows_v, out_hbm.at[idx_v], sem).wait()
            return 0

        lax.fori_loop(0, n_ch, body, 0)

    return k


def _sc_scatter_perm(src, pg):
    NR, D = src.shape
    return _sc_scatter_fn(NR, D)(src, pg)



def _gidx(idx, N):
    B = idx.shape[0]
    off = (jnp.arange(B, dtype=jnp.int32) * N)[:, None, None]
    return (idx + off).reshape(-1)


def _edge_conv(x, w1, w2):
    B, N, C = x.shape
    idx = _knn(x)
    half = w1.shape[1] // 2
    pad = 128 - half
    w1pad = jnp.concatenate([jnp.pad(w1[:, :half], ((0, 0), (0, pad))),
                             jnp.pad(w1[:, half:], ((0, 0), (0, pad)))], axis=1)
    w2pad = jnp.pad(w2, ((0, 0), (0, 64)))
    if C < 128:
        x = jnp.pad(x, ((0, 0), (0, 0), (0, 128 - C)))
    nbg = _sc_gather(x.reshape(B * N, 128), _gidx(idx, N))
    return _ec_post(nbg.reshape(B, N * KNN_K, 128), x, w1pad, w2pad)


def _attention(h, p, j):
    B, N, C = h.shape
    idx = _knn(h)
    wqkv = jnp.concatenate(
        [p['attn%d_wq' % j], p['attn%d_wk' % j], p['attn%d_wv' % j]], axis=0)
    y = _proj(h, wqkv)
    q = y[..., :C]
    kv = y[..., C:]
    kvg = _sc_gather(kv.reshape(B * N, 2 * C), _gidx(idx, N))
    return _attn_post(h, q, kvg.reshape(B, N * KNN_K, 2 * C),
                      p['attn%d_ff1' % j], p['attn%d_ff2' % j])


def kernel(x, params):
    p = params
    B, _, N = x.shape
    xt = jnp.transpose(x, (0, 2, 1))
    x0 = _edge_conv(xt, p['emb0_w1'], p['emb0_w2'])
    x1 = _edge_conv(x0, p['emb1_w1'], p['emb1_w2'])
    h = jnp.concatenate([x0, x1], axis=-1)
    h = _attention(h, p, 0)
    res = [_res_max(h, p['res0_w'])]
    for i in range(2):
        m = MS[i]
        y = _proj(h, jnp.concatenate([p['ds%d_wq' % i], p['ds%d_wk' % i]],
                                     axis=0))
        sc = _ds_scores(y[..., :128], y[..., 128:])
        perm = _ds_perm(sc.reshape(B, 8, N // 128, 128), m)
        pg = (perm.reshape(B, N)
              + (jnp.arange(B, dtype=jnp.int32) * N)[:, None]).reshape(-1)
        hp = _sc_scatter_perm(h.reshape(B * N, 128), pg)
        h = hp.reshape(B, N, 128)[:, :m]
        N = m
        h = _attention(h, p, i + 1)
        res.append(_res_max(h, p['res%d_w' % (i + 1)]))
    out = jnp.concatenate(res, axis=-1)
    return (out, res[0], res[1], res[2])

# --- scband reference (transcript-rebuilt; emitter-appended) ---
"""Pipeline reference for scband-neighbor2-point-attention-block-21844203667623 (READ-ONLY COPY).

The authoritative reference and input builder live on the scoring server;
editing this copy changes nothing except your own understanding.
"""

import jax, jax.numpy as jnp
import numpy as np

HEADS = 4
SLOPE = 0.2
KNN_K = 32
MS = [1024, 512]

def knn_idx(x, k):
    sq = jnp.sum(x * x, axis=-1)
    d = sq[:, :, None] + sq[:, None, :] - 2.0 * jnp.einsum('bnc,bmc->bnm', x, x)
    return jax.lax.top_k(-d, k)[1]

def gather_nb(x, idx):
    return jax.vmap(lambda xb, ib: xb[ib])(x, idx)

def edge_conv(x, w1, w2, k):
    idx = knn_idx(x, k)
    nb = gather_nb(x, idx)
    center = jnp.broadcast_to(x[:, :, None, :], nb.shape)
    feat = jnp.concatenate([nb - center, center], axis=-1)
    h = jax.nn.leaky_relu(feat @ w1.T, SLOPE)
    h = jax.nn.leaky_relu(h @ w2.T, SLOPE)
    return jnp.max(h, axis=2)

def n2p_attention(x, wq, wk, wv, ff1, ff2, k):
    B, N, C = x.shape
    d = C // HEADS
    idx = knn_idx(x, k)
    nb = gather_nb(x, idx)
    q = (x @ wq.T).reshape(B, N, HEADS, d)
    kk = (nb @ wk.T).reshape(B, N, k, HEADS, d)
    v = (nb @ wv.T).reshape(B, N, k, HEADS, d)
    energy = jnp.einsum('bnhd,bnkhd->bnhk', q, kk) / np.sqrt(d)
    a = jax.nn.softmax(energy, axis=-1)
    out = jnp.einsum('bnhk,bnkhd->bnhd', a, v).reshape(B, N, C)
    x = x + out
    ff = jax.nn.leaky_relu(x @ ff1.T, SLOPE) @ ff2.T
    return x + ff

def down_sample(x, wq, wk, m):
    q = x @ wq.T
    kk = x @ wk.T
    attn = jax.nn.softmax(jnp.einsum('bnc,bmc->bnm', q, kk) / np.sqrt(q.shape[-1]), axis=-1)
    scores = jnp.sum(attn, axis=1)
    idx = jax.lax.top_k(scores, m)[1]
    xds = jnp.take_along_axis(x, idx[:, :, None], axis=1)
    return xds, idx

def _forward(x, params):
    p = params
    xt = jnp.transpose(x, (0, 2, 1))
    x_xyz = xt
    x0 = edge_conv(xt, p['emb0_w1'], p['emb0_w2'], KNN_K)
    x1 = edge_conv(x0, p['emb1_w1'], p['emb1_w2'], KNN_K)
    h = jnp.concatenate([x0, x1], axis=-1)
    h = n2p_attention(h, p['attn0_wq'], p['attn0_wk'], p['attn0_wv'], p['attn0_ff1'], p['attn0_ff2'], KNN_K)
    res = [jnp.max(h @ p['res0_w'].T, axis=1)]
    for i in range(2):
        h, idx = down_sample(h, p['ds%d_wq' % i], p['ds%d_wk' % i], MS[i])
        h = n2p_attention(h, p['attn%d_wq' % (i + 1)], p['attn%d_wk' % (i + 1)], p['attn%d_wv' % (i + 1)], p['attn%d_ff1' % (i + 1)], p['attn%d_ff2' % (i + 1)], KNN_K)
        x_xyz = jnp.take_along_axis(x_xyz, idx[:, :, None], axis=1)
        res.append(jnp.max(h @ p['res%d_w' % (i + 1)].T, axis=1))
    return jnp.concatenate(res, axis=-1), res

def setup_inputs(seed: int = 0):
    key = jax.random.key(seed)
    ks = jax.random.split(key, 32)
    B, N = 4, 2048
    x = jax.random.normal(ks[0], (B, 3, N), dtype=jnp.float32)
    def w(k, shape):
        return jax.random.normal(k, shape, dtype=jnp.float32) * 0.05
    params = {
        'emb0_w1': w(ks[1], (64, 6)), 'emb0_w2': w(ks[2], (64, 64)),
        'emb1_w1': w(ks[3], (64, 128)), 'emb1_w2': w(ks[4], (64, 64)),
        'ds0_wq': w(ks[5], (128, 128)), 'ds0_wk': w(ks[6], (128, 128)),
        'ds1_wq': w(ks[7], (128, 128)), 'ds1_wk': w(ks[8], (128, 128)),
        'res0_w': w(ks[9], (1024, 128)), 'res1_w': w(ks[10], (1024, 128)), 'res2_w': w(ks[11], (1024, 128)),
    }
    ki = 12
    for i in range(3):
        params['attn%d_wq' % i] = w(ks[ki], (128, 128)); ki += 1
        params['attn%d_wk' % i] = w(ks[ki], (128, 128)); ki += 1
        params['attn%d_wv' % i] = w(ks[ki], (128, 128)); ki += 1
        params['attn%d_ff1' % i] = w(ks[ki], (512, 128)); ki += 1
        params['attn%d_ff2' % i] = w(ks[ki], (128, 512)); ki += 1
    return {'x': x, 'params': params}

def reference(x, params):
    out, res = _forward(x, params)
    return (out, res[0], res[1], res[2])

if __name__ == "__main__":
    import jax
    _d = setup_inputs()
    print(jax.jit(kernel)(*tuple(_d.values())))

</pallas_src>

<mosaic_0001>
#map = affine_map<(d0, d1) -> (0, 0)>
#map1 = affine_map<(d0, d1) -> (0)>
module attributes {stable_mosaic.version = 14 : i64} {
  func.func @k(%arg0: i32, %arg1: i32, %arg2: memref<8192x128xf32, #tpu.memory_space<hbm>>, %arg3: memref<262144xi32, #tpu.memory_space<hbm>>, %arg4: memref<262144x128xf32, #tpu.memory_space<hbm>>, %arg5: memref<128xi32, #tpu.memory_space<vmem>>, %arg6: memref<128x128xf32, #tpu.memory_space<vmem>>, %arg7: memref<!tpu.dma_semaphore, #tpu.memory_space<semaphore_mem>>) attributes {dimension_semantics = [#tpu.dimension_semantics<core_parallel>, #tpu.dimension_semantics<subcore_parallel>], iteration_bounds = array<i64: 2, 16>, scalar_prefetch = 0 : i64, scratch_operands = 3 : i64, tpu.core_type = #tpu.core_type<sc_vector_subcore>, window_params = [{transform_indices = #map}, {transform_indices = #map1}, {transform_indices = #map}]} {
    %mul3A = arith.constant 2 : i32
    %mul3A_0 = arith.muli %arg1, %mul3A : i32
    %add3A = arith.addi %mul3A_0, %arg0 : i32
    %mul3A_1 = arith.constant 8192 : i32
    %mul3A_2 = arith.muli %add3A, %mul3A_1 : i32
    %scan3A = arith.constant 0 : i32
    %scan3A_3 = arith.constant 0 : i32
    %scan3A_4 = arith.constant 64 : i32
    %scan3A_5 = arith.addi %scan3A_3, %scan3A_4 : i32
    %scan3A_6 = arith.constant 1 : i32
    %scan3A_7 = scf.for %scan3A_9 = %scan3A_3 to %scan3A_5 step %scan3A_6 iter_args(%scan3A_10 = %scan3A) -> (i32)  : i32 {
      %mul3A_11 = arith.constant 128 : i32
      %mul3A_12 = arith.muli %scan3A_9, %mul3A_11 : i32
      %add3A_13 = arith.addi %mul3A_2, %mul3A_12 : i32
      "tpu.region"() ({
        %run_scoped3A = tpu.sem_alloc : memref<!tpu.dma_semaphore, #tpu.memory_space<semaphore_mem>>
        %dma_start3A_19 = tpu.memref_slice %arg3[%add3A_13] : memref<262144xi32, #tpu.memory_space<hbm>> -> memref<128xi32, #tpu.memory_space<hbm>>
        %dma_start3A_20 = tpu.memref_slice %arg3[%add3A_13] : memref<262144xi32, #tpu.memory_space<hbm>> -> memref<128xi32, #tpu.memory_space<hbm>>
        tpu.enqueue_dma source(%dma_start3A_20 : memref<128xi32, #tpu.memory_space<hbm>>) target(%arg5 : memref<128xi32, #tpu.memory_space<vmem>>) target_semaphore(%run_scoped3A : memref<!tpu.dma_semaphore, #tpu.memory_space<semaphore_mem>>)
        %dma_wait3A_21 = tpu.memref_slice %arg3[%add3A_13] : memref<262144xi32, #tpu.memory_space<hbm>> -> memref<128xi32, #tpu.memory_space<hbm>>
        %dma_wait3A_22 = tpu.memref_slice %arg3[%add3A_13] : memref<262144xi32, #tpu.memory_space<hbm>> -> memref<128xi32, #tpu.memory_space<hbm>>
        tpu.wait_dma2 semaphore(%run_scoped3A : memref<!tpu.dma_semaphore, #tpu.memory_space<semaphore_mem>>) src(%dma_wait3A_22 : memref<128xi32, #tpu.memory_space<hbm>>) dst(%arg5 : memref<128xi32, #tpu.memory_space<vmem>>)
        tpu.yield
      }) : () -> ()
      %dma_start3A = arith.constant 0 : i32
      %dma_start3A_14 = arith.constant 0 : i32
      %dma_start3A_15 = tpu.memref_slice %arg2[%dma_start3A, %dma_start3A_14] : memref<8192x128xf32, #tpu.memory_space<hbm>> -> memref<8192x128xf32, #tpu.memory_space<hbm>>
      tpu.enqueue_indirect_dma source(%dma_start3A_15 : memref<8192x128xf32, #tpu.memory_space<hbm>>) target(%arg6 : memref<128x128xf32, #tpu.memory_space<vmem>>) offsets(%arg5 : memref<128xi32, #tpu.memory_space<vmem>>) semaphore(%arg7 : memref<!tpu.dma_semaphore, #tpu.memory_space<semaphore_mem>>)
      %dma_wait3A = arith.constant 0 : i32
      %dma_wait3A_16 = arith.constant 0 : i32
      %dma_wait3A_17 = tpu.memref_slice %arg2[%dma_wait3A, %dma_wait3A_16] : memref<8192x128xf32, #tpu.memory_space<hbm>> -> memref<8192x128xf32, #tpu.memory_space<hbm>>
      tpu.wait_indirect_dma semaphore(%arg7 : memref<!tpu.dma_semaphore, #tpu.memory_space<semaphore_mem>>) src(%dma_wait3A_17 : memref<8192x128xf32, #tpu.memory_space<hbm>>) dst(%arg6 : memref<128x128xf32, #tpu.memory_space<vmem>>)
      "tpu.region"() ({
        %run_scoped3A = tpu.sem_alloc : memref<!tpu.dma_semaphore, #tpu.memory_space<semaphore_mem>>
        %dma_start3A_19 = arith.constant 0 : i32
        %dma_start3A_20 = tpu.memref_slice %arg4[%add3A_13, %dma_start3A_19] : memref<262144x128xf32, #tpu.memory_space<hbm>> -> memref<128x128xf32, #tpu.memory_space<hbm>>
        %dma_start3A_21 = arith.constant 0 : i32
        %dma_start3A_22 = tpu.memref_slice %arg4[%add3A_13, %dma_start3A_21] : memref<262144x128xf32, #tpu.memory_space<hbm>> -> memref<128x128xf32, #tpu.memory_space<hbm>>
        tpu.enqueue_dma source(%arg6 : memref<128x128xf32, #tpu.memory_space<vmem>>) target(%dma_start3A_22 : memref<128x128xf32, #tpu.memory_space<hbm>>) target_semaphore(%run_scoped3A : memref<!tpu.dma_semaphore, #tpu.memory_space<semaphore_mem>>)
        %dma_wait3A_23 = arith.constant 0 : i32
        %dma_wait3A_24 = tpu.memref_slice %arg4[%add3A_13, %dma_wait3A_23] : memref<262144x128xf32, #tpu.memory_space<hbm>> -> memref<128x128xf32, #tpu.memory_space<hbm>>
        %dma_wait3A_25 = arith.constant 0 : i32
        %dma_wait3A_26 = tpu.memref_slice %arg4[%add3A_13, %dma_wait3A_25] : memref<262144x128xf32, #tpu.memory_space<hbm>> -> memref<128x128xf32, #tpu.memory_space<hbm>>
        tpu.wait_dma2 semaphore(%run_scoped3A : memref<!tpu.dma_semaphore, #tpu.memory_space<semaphore_mem>>) src(%arg6 : memref<128x128xf32, #tpu.memory_space<vmem>>) dst(%dma_wait3A_26 : memref<128x128xf32, #tpu.memory_space<hbm>>)
        tpu.yield
      }) : () -> ()
      %scan3A_18 = arith.constant 0 : i32
      scf.yield %scan3A_18 : i32
    }
    %scan3A_8 = arith.constant 64 : i32
    return
  }
}

#map = affine_map<(d0, d1) -> (0, 0)>
#map1 = affine_map<(d0, d1) -> (0)>
module attributes {stable_mosaic.version = 14 : i64} {
  func.func @k(%arg0: i32, %arg1: i32, %arg2: memref<8192x128xf32, #tpu.memory_space<hbm>>, %arg3: memref<262144xi32, #tpu.memory_space<hbm>>, %arg4: memref<262144x128xf32, #tpu.memory_space<hbm>>, %arg5: memref<128xi32, #tpu.memory_space<vmem>>, %arg6: memref<128x128xf32, #tpu.memory_space<vmem>>, %arg7: memref<!tpu.dma_semaphore, #tpu.memory_space<semaphore_mem>>) attributes {dimension_semantics = [#tpu.dimension_semantics<core_parallel>, #tpu.dimension_semantics<subcore_parallel>], iteration_bounds = array<i64: 2, 16>, scalar_prefetch = 0 : i64, scratch_operands = 3 : i64, tpu.core_type = #tpu.core_type<sc_vector_subcore>, window_params = [{transform_indices = #map}, {transform_indices = #map1}, {transform_indices = #map}]} {
    %mul3A = arith.constant 2 : i32
    %mul3A_0 = arith.muli %arg1, %mul3A : i32
    %add3A = arith.addi %mul3A_0, %arg0 : i32
    %mul3A_1 = arith.constant 8192 : i32
    %mul3A_2 = arith.muli %add3A, %mul3A_1 : i32
    %scan3A = arith.constant 0 : i32
    %scan3A_3 = arith.constant 0 : i32
    %scan3A_4 = arith.constant 64 : i32
    %scan3A_5 = arith.addi %scan3A_3, %scan3A_4 : i32
    %scan3A_6 = arith.constant 1 : i32
    %scan3A_7 = scf.for %scan3A_9 = %scan3A_3 to %scan3A_5 step %scan3A_6 iter_args(%scan3A_10 = %scan3A) -> (i32)  : i32 {
      %mul3A_11 = arith.constant 128 : i32
      %mul3A_12 = arith.muli %scan3A_9, %mul3A_11 : i32
      %add3A_13 = arith.addi %mul3A_2, %mul3A_12 : i32
      "tpu.region"() ({
        %run_scoped3A = tpu.sem_alloc : memref<!tpu.dma_semaphore, #tpu.memory_space<semaphore_mem>>
        %dma_start3A_19 = tpu.memref_slice %arg3[%add3A_13] : memref<262144xi32, #tpu.memory_space<hbm>> -> memref<128xi32, #tpu.memory_space<hbm>>
        %dma_start3A_20 = tpu.memref_slice %arg3[%add3A_13] : memref<262144xi32, #tpu.memory_space<hbm>> -> memref<128xi32, #tpu.memory_space<hbm>>
        tpu.enqueue_dma source(%dma_start3A_20 : memref<128xi32, #tpu.memory_space<hbm>>) target(%arg5 : memref<128xi32, #tpu.memory_space<vmem>>) target_semaphore(%run_scoped3A : memref<!tpu.dma_semaphore, #tpu.memory_space<semaphore_mem>>)
        %dma_wait3A_21 = tpu.memref_slice %arg3[%add3A_13] : memref<262144xi32, #tpu.memory_space<hbm>> -> memref<128xi32, #tpu.memory_space<hbm>>
        %dma_wait3A_22 = tpu.memref_slice %arg3[%add3A_13] : memref<262144xi32, #tpu.memory_space<hbm>> -> memref<128xi32, #tpu.memory_space<hbm>>
        tpu.wait_dma2 semaphore(%run_scoped3A : memref<!tpu.dma_semaphore, #tpu.memory_space<semaphore_mem>>) src(%dma_wait3A_22 : memref<128xi32, #tpu.memory_space<hbm>>) dst(%arg5 : memref<128xi32, #tpu.memory_space<vmem>>)
        tpu.yield
      }) : () -> ()
      %dma_start3A = arith.constant 0 : i32
      %dma_start3A_14 = arith.constant 0 : i32
      %dma_start3A_15 = tpu.memref_slice %arg2[%dma_start3A, %dma_start3A_14] : memref<8192x128xf32, #tpu.memory_space<hbm>> -> memref<8192x128xf32, #tpu.memory_space<hbm>>
      tpu.enqueue_indirect_dma source(%dma_start3A_15 : memref<8192x128xf32, #tpu.memory_space<hbm>>) target(%arg6 : memref<128x128xf32, #tpu.memory_space<vmem>>) offsets(%arg5 : memref<128xi32, #tpu.memory_space<vmem>>) semaphore(%arg7 : memref<!tpu.dma_semaphore, #tpu.memory_space<semaphore_mem>>)
      %dma_wait3A = arith.constant 0 : i32
      %dma_wait3A_16 = arith.constant 0 : i32
      %dma_wait3A_17 = tpu.memref_slice %arg2[%dma_wait3A, %dma_wait3A_16] : memref<8192x128xf32, #tpu.memory_space<hbm>> -> memref<8192x128xf32, #tpu.memory_space<hbm>>
      tpu.wait_indirect_dma semaphore(%arg7 : memref<!tpu.dma_semaphore, #tpu.memory_space<semaphore_mem>>) src(%dma_wait3A_17 : memref<8192x128xf32, #tpu.memory_space<hbm>>) dst(%arg6 : memref<128x128xf32, #tpu.memory_space<vmem>>)
      "tpu.region"() ({
        %run_scoped3A = tpu.sem_alloc : memref<!tpu.dma_semaphore, #tpu.memory_space<semaphore_mem>>
        %dma_start3A_19 = arith.constant 0 : i32
        %dma_start3A_20 = tpu.memref_slice %arg4[%add3A_13, %dma_start3A_19] : memref<262144x128xf32, #tpu.memory_space<hbm>> -> memref<128x128xf32, #tpu.memory_space<hbm>>
        %dma_start3A_21 = arith.constant 0 : i32
        %dma_start3A_22 = tpu.memref_slice %arg4[%add3A_13, %dma_start3A_21] : memref<262144x128xf32, #tpu.memory_space<hbm>> -> memref<128x128xf32, #tpu.memory_space<hbm>>
        tpu.enqueue_dma source(%arg6 : memref<128x128xf32, #tpu.memory_space<vmem>>) target(%dma_start3A_22 : memref<128x128xf32, #tpu.memory_space<hbm>>) target_semaphore(%run_scoped3A : memref<!tpu.dma_semaphore, #tpu.memory_space<semaphore_mem>>)
        %dma_wait3A_23 = arith.constant 0 : i32
        %dma_wait3A_24 = tpu.memref_slice %arg4[%add3A_13, %dma_wait3A_23] : memref<262144x128xf32, #tpu.memory_space<hbm>> -> memref<128x128xf32, #tpu.memory_space<hbm>>
        %dma_wait3A_25 = arith.constant 0 : i32
        %dma_wait3A_26 = tpu.memref_slice %arg4[%add3A_13, %dma_wait3A_25] : memref<262144x128xf32, #tpu.memory_space<hbm>> -> memref<128x128xf32, #tpu.memory_space<hbm>>
        tpu.wait_dma2 semaphore(%run_scoped3A : memref<!tpu.dma_semaphore, #tpu.memory_space<semaphore_mem>>) src(%arg6 : memref<128x128xf32, #tpu.memory_space<vmem>>) dst(%dma_wait3A_26 : memref<128x128xf32, #tpu.memory_space<hbm>>)
        tpu.yield
      }) : () -> ()
      %scan3A_18 = arith.constant 0 : i32
      scf.yield %scan3A_18 : i32
    }
    %scan3A_8 = arith.constant 64 : i32
    return
  }
}

#map = affine_map<(d0, d1) -> (0, 0)>
#map1 = affine_map<(d0, d1) -> (0)>
module attributes {stable_mosaic.version = 14 : i64} {
  func.func @k(%arg0: i32, %arg1: i32, %arg2: memref<8192x128xf32, #tpu.memory_space<hbm>>, %arg3: memref<8192xi32, #tpu.memory_space<hbm>>, %arg4: memref<8192x128xf32, #tpu.memory_space<hbm>>, %arg5: memref<128xi32, #tpu.memory_space<vmem>>, %arg6: memref<128x128xf32, #tpu.memory_space<vmem>>, %arg7: memref<!tpu.dma_semaphore, #tpu.memory_space<semaphore_mem>>) attributes {dimension_semantics = [#tpu.dimension_semantics<core_parallel>, #tpu.dimension_semantics<subcore_parallel>], iteration_bounds = array<i64: 2, 16>, scalar_prefetch = 0 : i64, scratch_operands = 3 : i64, tpu.core_type = #tpu.core_type<sc_vector_subcore>, window_params = [{transform_indices = #map}, {transform_indices = #map1}, {transform_indices = #map}]} {
    %mul3A = arith.constant 2 : i32
    %mul3A_0 = arith.muli %arg1, %mul3A : i32
    %add3A = arith.addi %mul3A_0, %arg0 : i32
    %mul3A_1 = arith.constant 256 : i32
    %mul3A_2 = arith.muli %add3A, %mul3A_1 : i32
    %scan3A = arith.constant 0 : i32
    %scan3A_3 = arith.constant 0 : i32
    %scan3A_4 = arith.constant 2 : i32
    %scan3A_5 = arith.addi %scan3A_3, %scan3A_4 : i32
    %scan3A_6 = arith.constant 1 : i32
    %scan3A_7 = scf.for %scan3A_9 = %scan3A_3 to %scan3A_5 step %scan3A_6 iter_args(%scan3A_10 = %scan3A) -> (i32)  : i32 {
      %mul3A_11 = arith.constant 128 : i32
      %mul3A_12 = arith.muli %scan3A_9, %mul3A_11 : i32
      %add3A_13 = arith.addi %mul3A_2, %mul3A_12 : i32
      "tpu.region"() ({
        %run_scoped3A = tpu.sem_alloc : memref<!tpu.dma_semaphore, #tpu.memory_space<semaphore_mem>>
        %dma_start3A_19 = tpu.memref_slice %arg3[%add3A_13] : memref<8192xi32, #tpu.memory_space<hbm>> -> memref<128xi32, #tpu.memory_space<hbm>>
        %dma_start3A_20 = tpu.memref_slice %arg3[%add3A_13] : memref<8192xi32, #tpu.memory_space<hbm>> -> memref<128xi32, #tpu.memory_space<hbm>>
        tpu.enqueue_dma source(%dma_start3A_20 : memref<128xi32, #tpu.memory_space<hbm>>) target(%arg5 : memref<128xi32, #tpu.memory_space<vmem>>) target_semaphore(%run_scoped3A : memref<!tpu.dma_semaphore, #tpu.memory_space<semaphore_mem>>)
        %dma_wait3A_21 = tpu.memref_slice %arg3[%add3A_13] : memref<8192xi32, #tpu.memory_space<hbm>> -> memref<128xi32, #tpu.memory_space<hbm>>
        %dma_wait3A_22 = tpu.memref_slice %arg3[%add3A_13] : memref<8192xi32, #tpu.memory_space<hbm>> -> memref<128xi32, #tpu.memory_space<hbm>>
        tpu.wait_dma2 semaphore(%run_scoped3A : memref<!tpu.dma_semaphore, #tpu.memory_space<semaphore_mem>>) src(%dma_wait3A_22 : memref<128xi32, #tpu.memory_space<hbm>>) dst(%arg5 : memref<128xi32, #tpu.memory_space<vmem>>)
        tpu.yield
      }) : () -> ()
      "tpu.region"() ({
        %run_scoped3A = tpu.sem_alloc : memref<!tpu.dma_semaphore, #tpu.memory_space<semaphore_mem>>
        %dma_start3A_19 = arith.constant 0 : i32
        %dma_start3A_20 = tpu.memref_slice %arg2[%add3A_13, %dma_start3A_19] : memref<8192x128xf32, #tpu.memory_space<hbm>> -> memref<128x128xf32, #tpu.memory_space<hbm>>
        %dma_start3A_21 = arith.constant 0 : i32
        %dma_start3A_22 = tpu.memref_slice %arg2[%add3A_13, %dma_start3A_21] : memref<8192x128xf32, #tpu.memory_space<hbm>> -> memref<128x128xf32, #tpu.memory_space<hbm>>
        tpu.enqueue_dma source(%dma_start3A_22 : memref<128x128xf32, #tpu.memory_space<hbm>>) target(%arg6 : memref<128x128xf32, #tpu.memory_space<vmem>>) target_semaphore(%run_scoped3A : memref<!tpu.dma_semaphore, #tpu.memory_space<semaphore_mem>>)
        %dma_wait3A_23 = arith.constant 0 : i32
        %dma_wait3A_24 = tpu.memref_slice %arg2[%add3A_13, %dma_wait3A_23] : memref<8192x128xf32, #tpu.memory_space<hbm>> -> memref<128x128xf32, #tpu.memory_space<hbm>>
        %dma_wait3A_25 = arith.constant 0 : i32
        %dma_wait3A_26 = tpu.memref_slice %arg2[%add3A_13, %dma_wait3A_25] : memref<8192x128xf32, #tpu.memory_space<hbm>> -> memref<128x128xf32, #tpu.memory_space<hbm>>
        tpu.wait_dma2 semaphore(%run_scoped3A : memref<!tpu.dma_semaphore, #tpu.memory_space<semaphore_mem>>) src(%dma_wait3A_26 : memref<128x128xf32, #tpu.memory_space<hbm>>) dst(%arg6 : memref<128x128xf32, #tpu.memory_space<vmem>>)
        tpu.yield
      }) : () -> ()
      %dma_start3A = arith.constant 0 : i32
      %dma_start3A_14 = arith.constant 0 : i32
      %dma_start3A_15 = tpu.memref_slice %arg4[%dma_start3A, %dma_start3A_14] : memref<8192x128xf32, #tpu.memory_space<hbm>> -> memref<8192x128xf32, #tpu.memory_space<hbm>>
      tpu.enqueue_indirect_dma source(%arg6 : memref<128x128xf32, #tpu.memory_space<vmem>>) target(%dma_start3A_15 : memref<8192x128xf32, #tpu.memory_space<hbm>>) offsets(%arg5 : memref<128xi32, #tpu.memory_space<vmem>>) semaphore(%arg7 : memref<!tpu.dma_semaphore, #tpu.memory_space<semaphore_mem>>)
      %dma_wait3A = arith.constant 0 : i32
      %dma_wait3A_16 = arith.constant 0 : i32
      %dma_wait3A_17 = tpu.memref_slice %arg4[%dma_wait3A, %dma_wait3A_16] : memref<8192x128xf32, #tpu.memory_space<hbm>> -> memref<8192x128xf32, #tpu.memory_space<hbm>>
      tpu.wait_indirect_dma semaphore(%arg7 : memref<!tpu.dma_semaphore, #tpu.memory_space<semaphore_mem>>) src(%arg6 : memref<128x128xf32, #tpu.memory_space<vmem>>) dst(%dma_wait3A_17 : memref<8192x128xf32, #tpu.memory_space<hbm>>)
      %scan3A_18 = arith.constant 0 : i32
      scf.yield %scan3A_18 : i32
    }
    %scan3A_8 = arith.constant 2 : i32
    return
  }
}

#map = affine_map<(d0, d1) -> (0, 0)>
#map1 = affine_map<(d0, d1) -> (0)>
module attributes {stable_mosaic.version = 14 : i64} {
  func.func @k(%arg0: i32, %arg1: i32, %arg2: memref<8192x256xf32, #tpu.memory_space<hbm>>, %arg3: memref<262144xi32, #tpu.memory_space<hbm>>, %arg4: memref<262144x256xf32, #tpu.memory_space<hbm>>, %arg5: memref<128xi32, #tpu.memory_space<vmem>>, %arg6: memref<128x256xf32, #tpu.memory_space<vmem>>, %arg7: memref<!tpu.dma_semaphore, #tpu.memory_space<semaphore_mem>>) attributes {dimension_semantics = [#tpu.dimension_semantics<core_parallel>, #tpu.dimension_semantics<subcore_parallel>], iteration_bounds = array<i64: 2, 16>, scalar_prefetch = 0 : i64, scratch_operands = 3 : i64, tpu.core_type = #tpu.core_type<sc_vector_subcore>, window_params = [{transform_indices = #map}, {transform_indices = #map1}, {transform_indices = #map}]} {
    %mul3A = arith.constant 2 : i32
    %mul3A_0 = arith.muli %arg1, %mul3A : i32
    %add3A = arith.addi %mul3A_0, %arg0 : i32
    %mul3A_1 = arith.constant 8192 : i32
    %mul3A_2 = arith.muli %add3A, %mul3A_1 : i32
    %scan3A = arith.constant 0 : i32
    %scan3A_3 = arith.constant 0 : i32
    %scan3A_4 = arith.constant 64 : i32
    %scan3A_5 = arith.addi %scan3A_3, %scan3A_4 : i32
    %scan3A_6 = arith.constant 1 : i32
    %scan3A_7 = scf.for %scan3A_9 = %scan3A_3 to %scan3A_5 step %scan3A_6 iter_args(%scan3A_10 = %scan3A) -> (i32)  : i32 {
      %mul3A_11 = arith.constant 128 : i32
      %mul3A_12 = arith.muli %scan3A_9, %mul3A_11 : i32
      %add3A_13 = arith.addi %mul3A_2, %mul3A_12 : i32
      "tpu.region"() ({
        %run_scoped3A = tpu.sem_alloc : memref<!tpu.dma_semaphore, #tpu.memory_space<semaphore_mem>>
        %dma_start3A_19 = tpu.memref_slice %arg3[%add3A_13] : memref<262144xi32, #tpu.memory_space<hbm>> -> memref<128xi32, #tpu.memory_space<hbm>>
        %dma_start3A_20 = tpu.memref_slice %arg3[%add3A_13] : memref<262144xi32, #tpu.memory_space<hbm>> -> memref<128xi32, #tpu.memory_space<hbm>>
        tpu.enqueue_dma source(%dma_start3A_20 : memref<128xi32, #tpu.memory_space<hbm>>) target(%arg5 : memref<128xi32, #tpu.memory_space<vmem>>) target_semaphore(%run_scoped3A : memref<!tpu.dma_semaphore, #tpu.memory_space<semaphore_mem>>)
        %dma_wait3A_21 = tpu.memref_slice %arg3[%add3A_13] : memref<262144xi32, #tpu.memory_space<hbm>> -> memref<128xi32, #tpu.memory_space<hbm>>
        %dma_wait3A_22 = tpu.memref_slice %arg3[%add3A_13] : memref<262144xi32, #tpu.memory_space<hbm>> -> memref<128xi32, #tpu.memory_space<hbm>>
        tpu.wait_dma2 semaphore(%run_scoped3A : memref<!tpu.dma_semaphore, #tpu.memory_space<semaphore_mem>>) src(%dma_wait3A_22 : memref<128xi32, #tpu.memory_space<hbm>>) dst(%arg5 : memref<128xi32, #tpu.memory_space<vmem>>)
        tpu.yield
      }) : () -> ()
      %dma_start3A = arith.constant 0 : i32
      %dma_start3A_14 = arith.constant 0 : i32
      %dma_start3A_15 = tpu.memref_slice %arg2[%dma_start3A, %dma_start3A_14] : memref<8192x256xf32, #tpu.memory_space<hbm>> -> memref<8192x256xf32, #tpu.memory_space<hbm>>
      tpu.enqueue_indirect_dma source(%dma_start3A_15 : memref<8192x256xf32, #tpu.memory_space<hbm>>) target(%arg6 : memref<128x256xf32, #tpu.memory_space<vmem>>) offsets(%arg5 : memref<128xi32, #tpu.memory_space<vmem>>) semaphore(%arg7 : memref<!tpu.dma_semaphore, #tpu.memory_space<semaphore_mem>>)
      %dma_wait3A = arith.constant 0 : i32
      %dma_wait3A_16 = arith.constant 0 : i32
      %dma_wait3A_17 = tpu.memref_slice %arg2[%dma_wait3A, %dma_wait3A_16] : memref<8192x256xf32, #tpu.memory_space<hbm>> -> memref<8192x256xf32, #tpu.memory_space<hbm>>
      tpu.wait_indirect_dma semaphore(%arg7 : memref<!tpu.dma_semaphore, #tpu.memory_space<semaphore_mem>>) src(%dma_wait3A_17 : memref<8192x256xf32, #tpu.memory_space<hbm>>) dst(%arg6 : memref<128x256xf32, #tpu.memory_space<vmem>>)
      "tpu.region"() ({
        %run_scoped3A = tpu.sem_alloc : memref<!tpu.dma_semaphore, #tpu.memory_space<semaphore_mem>>
        %dma_start3A_19 = arith.constant 0 : i32
        %dma_start3A_20 = tpu.memref_slice %arg4[%add3A_13, %dma_start3A_19] : memref<262144x256xf32, #tpu.memory_space<hbm>> -> memref<128x256xf32, #tpu.memory_space<hbm>>
        %dma_start3A_21 = arith.constant 0 : i32
        %dma_start3A_22 = tpu.memref_slice %arg4[%add3A_13, %dma_start3A_21] : memref<262144x256xf32, #tpu.memory_space<hbm>> -> memref<128x256xf32, #tpu.memory_space<hbm>>
        tpu.enqueue_dma source(%arg6 : memref<128x256xf32, #tpu.memory_space<vmem>>) target(%dma_start3A_22 : memref<128x256xf32, #tpu.memory_space<hbm>>) target_semaphore(%run_scoped3A : memref<!tpu.dma_semaphore, #tpu.memory_space<semaphore_mem>>)
        %dma_wait3A_23 = arith.constant 0 : i32
        %dma_wait3A_24 = tpu.memref_slice %arg4[%add3A_13, %dma_wait3A_23] : memref<262144x256xf32, #tpu.memory_space<hbm>> -> memref<128x256xf32, #tpu.memory_space<hbm>>
        %dma_wait3A_25 = arith.constant 0 : i32
        %dma_wait3A_26 = tpu.memref_slice %arg4[%add3A_13, %dma_wait3A_25] : memref<262144x256xf32, #tpu.memory_space<hbm>> -> memref<128x256xf32, #tpu.memory_space<hbm>>
        tpu.wait_dma2 semaphore(%run_scoped3A : memref<!tpu.dma_semaphore, #tpu.memory_space<semaphore_mem>>) src(%arg6 : memref<128x256xf32, #tpu.memory_space<vmem>>) dst(%dma_wait3A_26 : memref<128x256xf32, #tpu.memory_space<hbm>>)
        tpu.yield
      }) : () -> ()
      %scan3A_18 = arith.constant 0 : i32
      scf.yield %scan3A_18 : i32
    }
    %scan3A_8 = arith.constant 64 : i32
    return
  }
}

#map = affine_map<(d0, d1) -> (0, 0)>
#map1 = affine_map<(d0, d1) -> (0)>
module attributes {stable_mosaic.version = 14 : i64} {
  func.func @k(%arg0: i32, %arg1: i32, %arg2: memref<4096x256xf32, #tpu.memory_space<hbm>>, %arg3: memref<131072xi32, #tpu.memory_space<hbm>>, %arg4: memref<131072x256xf32, #tpu.memory_space<hbm>>, %arg5: memref<128xi32, #tpu.memory_space<vmem>>, %arg6: memref<128x256xf32, #tpu.memory_space<vmem>>, %arg7: memref<!tpu.dma_semaphore, #tpu.memory_space<semaphore_mem>>) attributes {dimension_semantics = [#tpu.dimension_semantics<core_parallel>, #tpu.dimension_semantics<subcore_parallel>], iteration_bounds = array<i64: 2, 16>, scalar_prefetch = 0 : i64, scratch_operands = 3 : i64, tpu.core_type = #tpu.core_type<sc_vector_subcore>, window_params = [{transform_indices = #map}, {transform_indices = #map1}, {transform_indices = #map}]} {
    %mul3A = arith.constant 2 : i32
    %mul3A_0 = arith.muli %arg1, %mul3A : i32
    %add3A = arith.addi %mul3A_0, %arg0 : i32
    %mul3A_1 = arith.constant 4096 : i32
    %mul3A_2 = arith.muli %add3A, %mul3A_1 : i32
    %scan3A = arith.constant 0 : i32
    %scan3A_3 = arith.constant 0 : i32
    %scan3A_4 = arith.constant 32 : i32
    %scan3A_5 = arith.addi %scan3A_3, %scan3A_4 : i32
    %scan3A_6 = arith.constant 1 : i32
    %scan3A_7 = scf.for %scan3A_9 = %scan3A_3 to %scan3A_5 step %scan3A_6 iter_args(%scan3A_10 = %scan3A) -> (i32)  : i32 {
      %mul3A_11 = arith.constant 128 : i32
      %mul3A_12 = arith.muli %scan3A_9, %mul3A_11 : i32
      %add3A_13 = arith.addi %mul3A_2, %mul3A_12 : i32
      "tpu.region"() ({
        %run_scoped3A = tpu.sem_alloc : memref<!tpu.dma_semaphore, #tpu.memory_space<semaphore_mem>>
        %dma_start3A_19 = tpu.memref_slice %arg3[%add3A_13] : memref<131072xi32, #tpu.memory_space<hbm>> -> memref<128xi32, #tpu.memory_space<hbm>>
        %dma_start3A_20 = tpu.memref_slice %arg3[%add3A_13] : memref<131072xi32, #tpu.memory_space<hbm>> -> memref<128xi32, #tpu.memory_space<hbm>>
        tpu.enqueue_dma source(%dma_start3A_20 : memref<128xi32, #tpu.memory_space<hbm>>) target(%arg5 : memref<128xi32, #tpu.memory_space<vmem>>) target_semaphore(%run_scoped3A : memref<!tpu.dma_semaphore, #tpu.memory_space<semaphore_mem>>)
        %dma_wait3A_21 = tpu.memref_slice %arg3[%add3A_13] : memref<131072xi32, #tpu.memory_space<hbm>> -> memref<128xi32, #tpu.memory_space<hbm>>
        %dma_wait3A_22 = tpu.memref_slice %arg3[%add3A_13] : memref<131072xi32, #tpu.memory_space<hbm>> -> memref<128xi32, #tpu.memory_space<hbm>>
        tpu.wait_dma2 semaphore(%run_scoped3A : memref<!tpu.dma_semaphore, #tpu.memory_space<semaphore_mem>>) src(%dma_wait3A_22 : memref<128xi32, #tpu.memory_space<hbm>>) dst(%arg5 : memref<128xi32, #tpu.memory_space<vmem>>)
        tpu.yield
      }) : () -> ()
      %dma_start3A = arith.constant 0 : i32
      %dma_start3A_14 = arith.constant 0 : i32
      %dma_start3A_15 = tpu.memref_slice %arg2[%dma_start3A, %dma_start3A_14] : memref<4096x256xf32, #tpu.memory_space<hbm>> -> memref<4096x256xf32, #tpu.memory_space<hbm>>
      tpu.enqueue_indirect_dma source(%dma_start3A_15 : memref<4096x256xf32, #tpu.memory_space<hbm>>) target(%arg6 : memref<128x256xf32, #tpu.memory_space<vmem>>) offsets(%arg5 : memref<128xi32, #tpu.memory_space<vmem>>) semaphore(%arg7 : memref<!tpu.dma_semaphore, #tpu.memory_space<semaphore_mem>>)
      %dma_wait3A = arith.constant 0 : i32
      %dma_wait3A_16 = arith.constant 0 : i32
      %dma_wait3A_17 = tpu.memref_slice %arg2[%dma_wait3A, %dma_wait3A_16] : memref<4096x256xf32, #tpu.memory_space<hbm>> -> memref<4096x256xf32, #tpu.memory_space<hbm>>
      tpu.wait_indirect_dma semaphore(%arg7 : memref<!tpu.dma_semaphore, #tpu.memory_space<semaphore_mem>>) src(%dma_wait3A_17 : memref<4096x256xf32, #tpu.memory_space<hbm>>) dst(%arg6 : memref<128x256xf32, #tpu.memory_space<vmem>>)
      "tpu.region"() ({
        %run_scoped3A = tpu.sem_alloc : memref<!tpu.dma_semaphore, #tpu.memory_space<semaphore_mem>>
        %dma_start3A_19 = arith.constant 0 : i32
        %dma_start3A_20 = tpu.memref_slice %arg4[%add3A_13, %dma_start3A_19] : memref<131072x256xf32, #tpu.memory_space<hbm>> -> memref<128x256xf32, #tpu.memory_space<hbm>>
        %dma_start3A_21 = arith.constant 0 : i32
        %dma_start3A_22 = tpu.memref_slice %arg4[%add3A_13, %dma_start3A_21] : memref<131072x256xf32, #tpu.memory_space<hbm>> -> memref<128x256xf32, #tpu.memory_space<hbm>>
        tpu.enqueue_dma source(%arg6 : memref<128x256xf32, #tpu.memory_space<vmem>>) target(%dma_start3A_22 : memref<128x256xf32, #tpu.memory_space<hbm>>) target_semaphore(%run_scoped3A : memref<!tpu.dma_semaphore, #tpu.memory_space<semaphore_mem>>)
        %dma_wait3A_23 = arith.constant 0 : i32
        %dma_wait3A_24 = tpu.memref_slice %arg4[%add3A_13, %dma_wait3A_23] : memref<131072x256xf32, #tpu.memory_space<hbm>> -> memref<128x256xf32, #tpu.memory_space<hbm>>
        %dma_wait3A_25 = arith.constant 0 : i32
        %dma_wait3A_26 = tpu.memref_slice %arg4[%add3A_13, %dma_wait3A_25] : memref<131072x256xf32, #tpu.memory_space<hbm>> -> memref<128x256xf32, #tpu.memory_space<hbm>>
        tpu.wait_dma2 semaphore(%run_scoped3A : memref<!tpu.dma_semaphore, #tpu.memory_space<semaphore_mem>>) src(%arg6 : memref<128x256xf32, #tpu.memory_space<vmem>>) dst(%dma_wait3A_26 : memref<128x256xf32, #tpu.memory_space<hbm>>)
        tpu.yield
      }) : () -> ()
      %scan3A_18 = arith.constant 0 : i32
      scf.yield %scan3A_18 : i32
    }
    %scan3A_8 = arith.constant 32 : i32
    return
  }
}

#map = affine_map<(d0, d1) -> (0, 0)>
#map1 = affine_map<(d0, d1) -> (0)>
module attributes {stable_mosaic.version = 14 : i64} {
  func.func @k(%arg0: i32, %arg1: i32, %arg2: memref<4096x128xf32, #tpu.memory_space<hbm>>, %arg3: memref<4096xi32, #tpu.memory_space<hbm>>, %arg4: memref<4096x128xf32, #tpu.memory_space<hbm>>, %arg5: memref<128xi32, #tpu.memory_space<vmem>>, %arg6: memref<128x128xf32, #tpu.memory_space<vmem>>, %arg7: memref<!tpu.dma_semaphore, #tpu.memory_space<semaphore_mem>>) attributes {dimension_semantics = [#tpu.dimension_semantics<core_parallel>, #tpu.dimension_semantics<subcore_parallel>], iteration_bounds = array<i64: 2, 16>, scalar_prefetch = 0 : i64, scratch_operands = 3 : i64, tpu.core_type = #tpu.core_type<sc_vector_subcore>, window_params = [{transform_indices = #map}, {transform_indices = #map1}, {transform_indices = #map}]} {
    %mul3A = arith.constant 2 : i32
    %mul3A_0 = arith.muli %arg1, %mul3A : i32
    %add3A = arith.addi %mul3A_0, %arg0 : i32
    %mul3A_1 = arith.constant 128 : i32
    %mul3A_2 = arith.muli %add3A, %mul3A_1 : i32
    %scan3A = arith.constant 0 : i32
    %scan3A_3 = arith.constant 0 : i32
    %mul3A_4 = arith.constant 128 : i32
    %mul3A_5 = arith.muli %scan3A_3, %mul3A_4 : i32
    %add3A_6 = arith.addi %mul3A_2, %mul3A_5 : i32
    "tpu.region"() ({
      %run_scoped3A = tpu.sem_alloc : memref<!tpu.dma_semaphore, #tpu.memory_space<semaphore_mem>>
      %dma_start3A_13 = tpu.memref_slice %arg3[%add3A_6] : memref<4096xi32, #tpu.memory_space<hbm>> -> memref<128xi32, #tpu.memory_space<hbm>>
      %dma_start3A_14 = tpu.memref_slice %arg3[%add3A_6] : memref<4096xi32, #tpu.memory_space<hbm>> -> memref<128xi32, #tpu.memory_space<hbm>>
      tpu.enqueue_dma source(%dma_start3A_14 : memref<128xi32, #tpu.memory_space<hbm>>) target(%arg5 : memref<128xi32, #tpu.memory_space<vmem>>) target_semaphore(%run_scoped3A : memref<!tpu.dma_semaphore, #tpu.memory_space<semaphore_mem>>)
      %dma_wait3A_15 = tpu.memref_slice %arg3[%add3A_6] : memref<4096xi32, #tpu.memory_space<hbm>> -> memref<128xi32, #tpu.memory_space<hbm>>
      %dma_wait3A_16 = tpu.memref_slice %arg3[%add3A_6] : memref<4096xi32, #tpu.memory_space<hbm>> -> memref<128xi32, #tpu.memory_space<hbm>>
      tpu.wait_dma2 semaphore(%run_scoped3A : memref<!tpu.dma_semaphore, #tpu.memory_space<semaphore_mem>>) src(%dma_wait3A_16 : memref<128xi32, #tpu.memory_space<hbm>>) dst(%arg5 : memref<128xi32, #tpu.memory_space<vmem>>)
      tpu.yield
    }) : () -> ()
    "tpu.region"() ({
      %run_scoped3A = tpu.sem_alloc : memref<!tpu.dma_semaphore, #tpu.memory_space<semaphore_mem>>
      %dma_start3A_13 = arith.constant 0 : i32
      %dma_start3A_14 = tpu.memref_slice %arg2[%add3A_6, %dma_start3A_13] : memref<4096x128xf32, #tpu.memory_space<hbm>> -> memref<128x128xf32, #tpu.memory_space<hbm>>
      %dma_start3A_15 = arith.constant 0 : i32
      %dma_start3A_16 = tpu.memref_slice %arg2[%add3A_6, %dma_start3A_15] : memref<4096x128xf32, #tpu.memory_space<hbm>> -> memref<128x128xf32, #tpu.memory_space<hbm>>
      tpu.enqueue_dma source(%dma_start3A_16 : memref<128x128xf32, #tpu.memory_space<hbm>>) target(%arg6 : memref<128x128xf32, #tpu.memory_space<vmem>>) target_semaphore(%run_scoped3A : memref<!tpu.dma_semaphore, #tpu.memory_space<semaphore_mem>>)
      %dma_wait3A_17 = arith.constant 0 : i32
      %dma_wait3A_18 = tpu.memref_slice %arg2[%add3A_6, %dma_wait3A_17] : memref<4096x128xf32, #tpu.memory_space<hbm>> -> memref<128x128xf32, #tpu.memory_space<hbm>>
      %dma_wait3A_19 = arith.constant 0 : i32
      %dma_wait3A_20 = tpu.memref_slice %arg2[%add3A_6, %dma_wait3A_19] : memref<4096x128xf32, #tpu.memory_space<hbm>> -> memref<128x128xf32, #tpu.memory_space<hbm>>
      tpu.wait_dma2 semaphore(%run_scoped3A : memref<!tpu.dma_semaphore, #tpu.memory_space<semaphore_mem>>) src(%dma_wait3A_20 : memref<128x128xf32, #tpu.memory_space<hbm>>) dst(%arg6 : memref<128x128xf32, #tpu.memory_space<vmem>>)
      tpu.yield
    }) : () -> ()
    %dma_start3A = arith.constant 0 : i32
    %dma_start3A_7 = arith.constant 0 : i32
    %dma_start3A_8 = tpu.memref_slice %arg4[%dma_start3A, %dma_start3A_7] : memref<4096x128xf32, #tpu.memory_space<hbm>> -> memref<4096x128xf32, #tpu.memory_space<hbm>>
    tpu.enqueue_indirect_dma source(%arg6 : memref<128x128xf32, #tpu.memory_space<vmem>>) target(%dma_start3A_8 : memref<4096x128xf32, #tpu.memory_space<hbm>>) offsets(%arg5 : memref<128xi32, #tpu.memory_space<vmem>>) semaphore(%arg7 : memref<!tpu.dma_semaphore, #tpu.memory_space<semaphore_mem>>)
    %dma_wait3A = arith.constant 0 : i32
    %dma_wait3A_9 = arith.constant 0 : i32
    %dma_wait3A_10 = tpu.memref_slice %arg4[%dma_wait3A, %dma_wait3A_9] : memref<4096x128xf32, #tpu.memory_space<hbm>> -> memref<4096x128xf32, #tpu.memory_space<hbm>>
    tpu.wait_indirect_dma semaphore(%arg7 : memref<!tpu.dma_semaphore, #tpu.memory_space<semaphore_mem>>) src(%arg6 : memref<128x128xf32, #tpu.memory_space<vmem>>) dst(%dma_wait3A_10 : memref<4096x128xf32, #tpu.memory_space<hbm>>)
    %scan3A_11 = arith.constant 0 : i32
    %scan3A_12 = arith.constant 1 : i32
    return
  }
}

#map = affine_map<(d0, d1) -> (0, 0)>
#map1 = affine_map<(d0, d1) -> (0)>
module attributes {stable_mosaic.version = 14 : i64} {
  func.func @k(%arg0: i32, %arg1: i32, %arg2: memref<2048x256xf32, #tpu.memory_space<hbm>>, %arg3: memref<65536xi32, #tpu.memory_space<hbm>>, %arg4: memref<65536x256xf32, #tpu.memory_space<hbm>>, %arg5: memref<128xi32, #tpu.memory_space<vmem>>, %arg6: memref<128x256xf32, #tpu.memory_space<vmem>>, %arg7: memref<!tpu.dma_semaphore, #tpu.memory_space<semaphore_mem>>) attributes {dimension_semantics = [#tpu.dimension_semantics<core_parallel>, #tpu.dimension_semantics<subcore_parallel>], iteration_bounds = array<i64: 2, 16>, scalar_prefetch = 0 : i64, scratch_operands = 3 : i64, tpu.core_type = #tpu.core_type<sc_vector_subcore>, window_params = [{transform_indices = #map}, {transform_indices = #map1}, {transform_indices = #map}]} {
    %mul3A = arith.constant 2 : i32
    %mul3A_0 = arith.muli %arg1, %mul3A : i32
    %add3A = arith.addi %mul3A_0, %arg0 : i32
    %mul3A_1 = arith.constant 2048 : i32
    %mul3A_2 = arith.muli %add3A, %mul3A_1 : i32
    %scan3A = arith.constant 0 : i32
    %scan3A_3 = arith.constant 0 : i32
    %scan3A_4 = arith.constant 16 : i32
    %scan3A_5 = arith.addi %scan3A_3, %scan3A_4 : i32
    %scan3A_6 = arith.constant 1 : i32
    %scan3A_7 = scf.for %scan3A_9 = %scan3A_3 to %scan3A_5 step %scan3A_6 iter_args(%scan3A_10 = %scan3A) -> (i32)  : i32 {
      %mul3A_11 = arith.constant 128 : i32
      %mul3A_12 = arith.muli %scan3A_9, %mul3A_11 : i32
      %add3A_13 = arith.addi %mul3A_2, %mul3A_12 : i32
      "tpu.region"() ({
        %run_scoped3A = tpu.sem_alloc : memref<!tpu.dma_semaphore, #tpu.memory_space<semaphore_mem>>
        %dma_start3A_19 = tpu.memref_slice %arg3[%add3A_13] : memref<65536xi32, #tpu.memory_space<hbm>> -> memref<128xi32, #tpu.memory_space<hbm>>
        %dma_start3A_20 = tpu.memref_slice %arg3[%add3A_13] : memref<65536xi32, #tpu.memory_space<hbm>> -> memref<128xi32, #tpu.memory_space<hbm>>
        tpu.enqueue_dma source(%dma_start3A_20 : memref<128xi32, #tpu.memory_space<hbm>>) target(%arg5 : memref<128xi32, #tpu.memory_space<vmem>>) target_semaphore(%run_scoped3A : memref<!tpu.dma_semaphore, #tpu.memory_space<semaphore_mem>>)
        %dma_wait3A_21 = tpu.memref_slice %arg3[%add3A_13] : memref<65536xi32, #tpu.memory_space<hbm>> -> memref<128xi32, #tpu.memory_space<hbm>>
        %dma_wait3A_22 = tpu.memref_slice %arg3[%add3A_13] : memref<65536xi32, #tpu.memory_space<hbm>> -> memref<128xi32, #tpu.memory_space<hbm>>
        tpu.wait_dma2 semaphore(%run_scoped3A : memref<!tpu.dma_semaphore, #tpu.memory_space<semaphore_mem>>) src(%dma_wait3A_22 : memref<128xi32, #tpu.memory_space<hbm>>) dst(%arg5 : memref<128xi32, #tpu.memory_space<vmem>>)
        tpu.yield
      }) : () -> ()
      %dma_start3A = arith.constant 0 : i32
      %dma_start3A_14 = arith.constant 0 : i32
      %dma_start3A_15 = tpu.memref_slice %arg2[%dma_start3A, %dma_start3A_14] : memref<2048x256xf32, #tpu.memory_space<hbm>> -> memref<2048x256xf32, #tpu.memory_space<hbm>>
      tpu.enqueue_indirect_dma source(%dma_start3A_15 : memref<2048x256xf32, #tpu.memory_space<hbm>>) target(%arg6 : memref<128x256xf32, #tpu.memory_space<vmem>>) offsets(%arg5 : memref<128xi32, #tpu.memory_space<vmem>>) semaphore(%arg7 : memref<!tpu.dma_semaphore, #tpu.memory_space<semaphore_mem>>)
      %dma_wait3A = arith.constant 0 : i32
      %dma_wait3A_16 = arith.constant 0 : i32
      %dma_wait3A_17 = tpu.memref_slice %arg2[%dma_wait3A, %dma_wait3A_16] : memref<2048x256xf32, #tpu.memory_space<hbm>> -> memref<2048x256xf32, #tpu.memory_space<hbm>>
      tpu.wait_indirect_dma semaphore(%arg7 : memref<!tpu.dma_semaphore, #tpu.memory_space<semaphore_mem>>) src(%dma_wait3A_17 : memref<2048x256xf32, #tpu.memory_space<hbm>>) dst(%arg6 : memref<128x256xf32, #tpu.memory_space<vmem>>)
      "tpu.region"() ({
        %run_scoped3A = tpu.sem_alloc : memref<!tpu.dma_semaphore, #tpu.memory_space<semaphore_mem>>
        %dma_start3A_19 = arith.constant 0 : i32
        %dma_start3A_20 = tpu.memref_slice %arg4[%add3A_13, %dma_start3A_19] : memref<65536x256xf32, #tpu.memory_space<hbm>> -> memref<128x256xf32, #tpu.memory_space<hbm>>
        %dma_start3A_21 = arith.constant 0 : i32
        %dma_start3A_22 = tpu.memref_slice %arg4[%add3A_13, %dma_start3A_21] : memref<65536x256xf32, #tpu.memory_space<hbm>> -> memref<128x256xf32, #tpu.memory_space<hbm>>
        tpu.enqueue_dma source(%arg6 : memref<128x256xf32, #tpu.memory_space<vmem>>) target(%dma_start3A_22 : memref<128x256xf32, #tpu.memory_space<hbm>>) target_semaphore(%run_scoped3A : memref<!tpu.dma_semaphore, #tpu.memory_space<semaphore_mem>>)
        %dma_wait3A_23 = arith.constant 0 : i32
        %dma_wait3A_24 = tpu.memref_slice %arg4[%add3A_13, %dma_wait3A_23] : memref<65536x256xf32, #tpu.memory_space<hbm>> -> memref<128x256xf32, #tpu.memory_space<hbm>>
        %dma_wait3A_25 = arith.constant 0 : i32
        %dma_wait3A_26 = tpu.memref_slice %arg4[%add3A_13, %dma_wait3A_25] : memref<65536x256xf32, #tpu.memory_space<hbm>> -> memref<128x256xf32, #tpu.memory_space<hbm>>
        tpu.wait_dma2 semaphore(%run_scoped3A : memref<!tpu.dma_semaphore, #tpu.memory_space<semaphore_mem>>) src(%arg6 : memref<128x256xf32, #tpu.memory_space<vmem>>) dst(%dma_wait3A_26 : memref<128x256xf32, #tpu.memory_space<hbm>>)
        tpu.yield
      }) : () -> ()
      %scan3A_18 = arith.constant 0 : i32
      scf.yield %scan3A_18 : i32
    }
    %scan3A_8 = arith.constant 16 : i32
    return
  }
}

module attributes {stable_mosaic.version = 14 : i64} {
  func.func @_knn_body(%arg0: i32, %arg1: i32, %arg2: memref<1x2048x128xf32, #tpu.memory_space<vmem>>, %arg3: memref<1x256x128xf32, #tpu.memory_space<vmem>>, %arg4: memref<1x256x32xi32, #tpu.memory_space<vmem>>, %arg5: memref<256x2048xf32, #tpu.memory_space<vmem>>) attributes {dimension_semantics = [#tpu.dimension_semantics<arbitrary>, #tpu.dimension_semantics<arbitrary>], iteration_bounds = array<i64: 4, 8>, scalar_prefetch = 0 : i64, scratch_operands = 1 : i64, tpu.core_type = #tpu.core_type<tc>, window_params = [{transform_indices = @transform_0, window_bounds = array<i64: 1, 2048, 128>}, {transform_indices = @transform_1, window_bounds = array<i64: 1, 256, 128>}, {transform_indices = @transform_2, window_bounds = array<i64: 1, 256, 32>}]} {
    %get3A = arith.constant 0 : index
    %get3A_0 = arith.constant 0 : index
    %get3A_1 = arith.constant 0 : index
    %get3A_2 = vector.load %arg2[%get3A, %get3A_0, %get3A_1] : memref<1x2048x128xf32, #tpu.memory_space<vmem>>, vector<1x2048x128xf32>
    %get3A_3 = vector.shape_cast %get3A_2 : vector<1x2048x128xf32> to vector<2048x128xf32>
    %get3A_4 = arith.constant 0 : index
    %get3A_5 = arith.constant 0 : index
    %get3A_6 = arith.constant 0 : index
    %get3A_7 = vector.load %arg3[%get3A_4, %get3A_5, %get3A_6] : memref<1x256x128xf32, #tpu.memory_space<vmem>>, vector<1x256x128xf32>
    %get3A_8 = vector.shape_cast %get3A_7 : vector<1x256x128xf32> to vector<256x128xf32>
    %mul3A = arith.mulf %get3A_3, %get3A_3 : vector<2048x128xf32>
    %broadcast_in_dim3A = arith.constant 1.000000e+00 : f32
    %broadcast_in_dim3A_9 = vector.broadcast %broadcast_in_dim3A : f32 to vector<1x128xf32>
    %dot_general3A = arith.constant dense<0.000000e+00> : vector<1x2048xf32>
    %dot_general3A_10 = tpu.matmul %broadcast_in_dim3A_9, %mul3A, %dot_general3A {dimension_numbers = #tpu.dot_dimension_numbers<[1], [1], [0], [0], [0, 0, 1, 0], [], []>, precision = #tpu.contract_precision<fp32>, transpose_lhs_hint = false} : vector<1x128xf32>, vector<2048x128xf32>, vector<1x2048xf32> -> vector<1x2048xf32>
    %mul3A_11 = arith.mulf %get3A_8, %get3A_8 : vector<256x128xf32>
    %reduce_sum3A = arith.constant dense<0.000000e+00> : vector<256xf32>
    %reduce_sum3A_12 = vector.multi_reduction <add>, %mul3A_11, %reduce_sum3A [1] : vector<256x128xf32> to vector<256xf32>
    %broadcast_in_dim3A_13 = vector.shape_cast %reduce_sum3A_12 : vector<256xf32> to vector<256x1xf32>
    %add3A = vector.broadcast %broadcast_in_dim3A_13 : vector<256x1xf32> to vector<256x2048xf32>
    %add3A_14 = vector.broadcast %dot_general3A_10 : vector<1x2048xf32> to vector<256x2048xf32>
    %add3A_15 = arith.addf %add3A, %add3A_14 : vector<256x2048xf32>
    %convert_element_type3A = arith.truncf %get3A_8 : vector<256x128xf32> to vector<256x128xbf16>
    %convert_element_type3A_16 = arith.extf %convert_element_type3A : vector<256x128xbf16> to vector<256x128xf32>
    %convert_element_type3A_17 = arith.truncf %get3A_3 : vector<2048x128xf32> to vector<2048x128xbf16>
    %convert_element_type3A_18 = arith.extf %convert_element_type3A_17 : vector<2048x128xbf16> to vector<2048x128xf32>
    %dot_general3A_19 = arith.constant dense<0.000000e+00> : vector<256x2048xf32>
    %dot_general3A_20 = tpu.matmul %convert_element_type3A_16, %convert_element_type3A_18, %dot_general3A_19 {dimension_numbers = #tpu.dot_dimension_numbers<[1], [1], [0], [0], [0, 0, 1, 0], [], []>, precision = #tpu.contract_precision<fp32>, transpose_lhs_hint = false} : vector<256x128xf32>, vector<2048x128xf32>, vector<256x2048xf32> -> vector<256x2048xf32>
    %mul3A_21 = arith.constant 2.000000e+00 : f32
    %mul3A_22 = vector.broadcast %mul3A_21 : f32 to vector<256x2048xf32>
    %mul3A_23 = arith.mulf %mul3A_22, %dot_general3A_20 : vector<256x2048xf32>
    %sub3A = arith.subf %add3A_15, %mul3A_23 : vector<256x2048xf32>
    %swap3A = arith.constant 0 : index
    %swap3A_24 = arith.constant 0 : index
    %swap3A_25 = vector.load %arg5[%swap3A, %swap3A_24] : memref<256x2048xf32, #tpu.memory_space<vmem>>, vector<256x2048xf32>
    tpu.vector_store %arg5[%swap3A, %swap3A_24], %sub3A {strides = array<i32>} : memref<256x2048xf32, #tpu.memory_space<vmem>>, vector<256x2048xf32>,
    %iota3A = tpu.iota {dimensions = array<i32: 1>} : vector<256x2048xi32>
    %iota3A_26 = tpu.iota {dimensions = array<i32: 1>} : vector<256x32xi32>
    %broadcast_in_dim3A_27 = arith.constant 0 : i32
    %broadcast_in_dim3A_28 = vector.broadcast %broadcast_in_dim3A_27 : i32 to vector<256x32xi32>
    %scan3A = arith.constant 0 : i32
    %scan3A_29 = arith.constant 32 : i32
    %scan3A_30 = arith.addi %scan3A, %scan3A_29 : i32
    %scan3A_31 = arith.constant 1 : i32
    %scan3A_32 = scf.for %scan3A_40 = %scan3A to %scan3A_30 step %scan3A_31 iter_args(%scan3A_41 = %broadcast_in_dim3A_28) -> (vector<256x32xi32>)  : i32 {
      %get3A_42 = arith.constant 0 : index
      %get3A_43 = arith.constant 0 : index
      %get3A_44 = vector.load %arg5[%get3A_42, %get3A_43] : memref<256x2048xf32, #tpu.memory_space<vmem>>, vector<256x2048xf32>
      %reduce_min3A = arith.constant dense<0x7F800000> : vector<256xf32>
      %reduce_min3A_45 = vector.multi_reduction <minimumf>, %get3A_44, %reduce_min3A [1] : vector<256x2048xf32> to vector<256xf32>
      %broadcast_in_dim3A_46 = vector.shape_cast %reduce_min3A_45 : vector<256xf32> to vector<256x1xf32>
      %eq3A = vector.broadcast %broadcast_in_dim3A_46 : vector<256x1xf32> to vector<256x2048xf32>
      %eq3A_47 = arith.cmpf oeq, %get3A_44, %eq3A : vector<256x2048xf32>
      %jit3A = arith.constant 2048 : i32
      %broadcast_in_dim3A_48 = vector.broadcast %jit3A : i32 to vector<256x2048xi32>
      %select_n3A = arith.select %eq3A_47, %iota3A, %broadcast_in_dim3A_48 : vector<256x2048xi1>, vector<256x2048xi32>
      %reduce_min3A_49 = arith.constant dense<2147483647> : vector<256xi32>
      %reduce_min3A_50 = vector.multi_reduction <minsi>, %select_n3A, %reduce_min3A_49 [1] : vector<256x2048xi32> to vector<256xi32>
      %broadcast_in_dim3A_51 = vector.shape_cast %reduce_min3A_50 : vector<256xi32> to vector<256x1xi32>
      %eq3A_52 = vector.broadcast %broadcast_in_dim3A_51 : vector<256x1xi32> to vector<256x2048xi32>
      %eq3A_53 = arith.cmpi eq, %iota3A, %eq3A_52 : vector<256x2048xi32>
      %jit3A_54 = arith.constant 0x7F800000 : f32
      %broadcast_in_dim3A_55 = vector.broadcast %jit3A_54 : f32 to vector<256x2048xf32>
      %select_n3A_56 = arith.select %eq3A_53, %broadcast_in_dim3A_55, %get3A_44 : vector<256x2048xi1>, vector<256x2048xf32>
      %swap3A_57 = arith.constant 0 : index
      %swap3A_58 = arith.constant 0 : index
      %swap3A_59 = vector.load %arg5[%swap3A_57, %swap3A_58] : memref<256x2048xf32, #tpu.memory_space<vmem>>, vector<256x2048xf32>
      tpu.vector_store %arg5[%swap3A_57, %swap3A_58], %select_n3A_56 {strides = array<i32>} : memref<256x2048xf32, #tpu.memory_space<vmem>>, vector<256x2048xf32>,
      %eq3A_60 = vector.broadcast %scan3A_40 : i32 to vector<256x32xi32>
      %eq3A_61 = arith.cmpi eq, %iota3A_26, %eq3A_60 : vector<256x32xi32>
      %broadcast_in_dim3A_62 = vector.shape_cast %broadcast_in_dim3A_51 : vector<256x1xi32> to vector<256x1xi32>
      %broadcast_in_dim3A_63 = vector.broadcast %broadcast_in_dim3A_62 : vector<256x1xi32> to vector<256x32xi32>
      %select_n3A_64 = arith.select %eq3A_61, %broadcast_in_dim3A_63, %scan3A_41 : vector<256x32xi1>, vector<256x32xi32>
      scf.yield %select_n3A_64 : vector<256x32xi32>
    }
    %scan3A_33 = arith.constant 32 : i32
    %swap3A_34 = arith.constant 0 : index
    %swap3A_35 = arith.constant 0 : index
    %swap3A_36 = arith.constant 0 : index
    %swap3A_37 = vector.load %arg4[%swap3A_34, %swap3A_35, %swap3A_36] : memref<1x256x32xi32, #tpu.memory_space<vmem>>, vector<1x256x32xi32>
    %swap3A_38 = vector.shape_cast %swap3A_37 : vector<1x256x32xi32> to vector<256x32xi32>
    %swap3A_39 = vector.shape_cast %scan3A_32 : vector<256x32xi32> to vector<1x256x32xi32>
    tpu.vector_store %arg4[%swap3A_34, %swap3A_35, %swap3A_36], %swap3A_39 {strides = array<i32>} : memref<1x256x32xi32, #tpu.memory_space<vmem>>, vector<1x256x32xi32>,
    return
  }
  func.func @transform_0(%arg0: i32, %arg1: i32) -> (i32, i32, i32) {
    %c0_i32 = arith.constant 0 : i32
    %c0_i32_0 = arith.constant 0 : i32
    %c0_i32_1 = arith.constant 0 : i32
    return %arg0, %c0_i32, %c0_i32_0 : i32, i32, i32
  }
  func.func @transform_1(%arg0: i32, %arg1: i32) -> (i32, i32, i32) {
    %c0_i32 = arith.constant 0 : i32
    %c0_i32_0 = arith.constant 0 : i32
    return %arg0, %arg1, %c0_i32 : i32, i32, i32
  }
  func.func @transform_2(%arg0: i32, %arg1: i32) -> (i32, i32, i32) {
    %c0_i32 = arith.constant 0 : i32
    %c0_i32_0 = arith.constant 0 : i32
    return %arg0, %arg1, %c0_i32 : i32, i32, i32
  }
}

module attributes {stable_mosaic.version = 14 : i64} {
  func.func @_ec_post_body(%arg0: i32, %arg1: i32, %arg2: memref<1x4096x128xf32, #tpu.memory_space<vmem>>, %arg3: memref<1x128x128xf32, #tpu.memory_space<vmem>>, %arg4: memref<64x256xf32, #tpu.memory_space<vmem>>, %arg5: memref<64x128xf32, #tpu.memory_space<vmem>>, %arg6: memref<1x128x64xf32, #tpu.memory_space<vmem>>) attributes {dimension_semantics = [#tpu.dimension_semantics<arbitrary>, #tpu.dimension_semantics<arbitrary>], iteration_bounds = array<i64: 4, 16>, scalar_prefetch = 0 : i64, scratch_operands = 0 : i64, tpu.core_type = #tpu.core_type<tc>, window_params = [{transform_indices = @transform_0, window_bounds = array<i64: 1, 4096, 128>}, {transform_indices = @transform_1, window_bounds = array<i64: 1, 128, 128>}, {pipeline_mode = #tpu.pipeline_mode<synchronous>, transform_indices = @transform_2, window_bounds = array<i64: 64, 256>}, {pipeline_mode = #tpu.pipeline_mode<synchronous>, transform_indices = @transform_3, window_bounds = array<i64: 64, 128>}, {transform_indices = @transform_4, window_bounds = array<i64: 1, 128, 64>}]} {
    %get3A = arith.constant 0 : index
    %get3A_0 = arith.constant 0 : index
    %get3A_1 = arith.constant 0 : index
    %get3A_2 = vector.load %arg2[%get3A, %get3A_0, %get3A_1] : memref<1x4096x128xf32, #tpu.memory_space<vmem>>, vector<1x4096x128xf32>
    %get3A_3 = vector.shape_cast %get3A_2 : vector<1x4096x128xf32> to vector<4096x128xf32>
    %reshape3A = vector.shape_cast %get3A_3 : vector<4096x128xf32> to vector<128x32x128xf32>
    %get3A_4 = arith.constant 0 : index
    %get3A_5 = arith.constant 0 : index
    %get3A_6 = arith.constant 0 : index
    %get3A_7 = vector.load %arg3[%get3A_4, %get3A_5, %get3A_6] : memref<1x128x128xf32, #tpu.memory_space<vmem>>, vector<1x128x128xf32>
    %get3A_8 = vector.shape_cast %get3A_7 : vector<1x128x128xf32> to vector<128x128xf32>
    %broadcast_in_dim3A = vector.shape_cast %get3A_8 : vector<128x128xf32> to vector<128x1x128xf32>
    %sub3A = vector.broadcast %broadcast_in_dim3A : vector<128x1x128xf32> to vector<128x32x128xf32>
    %sub3A_9 = arith.subf %reshape3A, %sub3A : vector<128x32x128xf32>
    %broadcast_in_dim3A_10 = vector.shape_cast %broadcast_in_dim3A : vector<128x1x128xf32> to vector<128x1x128xf32>
    %broadcast_in_dim3A_11 = vector.broadcast %broadcast_in_dim3A_10 : vector<128x1x128xf32> to vector<128x32x128xf32>
    %concatenate3A = tpu.concatenate %sub3A_9, %broadcast_in_dim3A_11 in 2 : vector<128x32x128xf32>, vector<128x32x128xf32> -> vector<128x32x256xf32>
    %reshape3A_12 = vector.shape_cast %concatenate3A : vector<128x32x256xf32> to vector<4096x256xf32>
    %get3A_13 = arith.constant 0 : index
    %get3A_14 = arith.constant 0 : index
    %get3A_15 = vector.load %arg4[%get3A_13, %get3A_14] : memref<64x256xf32, #tpu.memory_space<vmem>>, vector<64x256xf32>
    %convert_element_type3A = arith.truncf %reshape3A_12 : vector<4096x256xf32> to vector<4096x256xbf16>
    %convert_element_type3A_16 = arith.extf %convert_element_type3A : vector<4096x256xbf16> to vector<4096x256xf32>
    %convert_element_type3A_17 = arith.truncf %get3A_15 : vector<64x256xf32> to vector<64x256xbf16>
    %convert_element_type3A_18 = arith.extf %convert_element_type3A_17 : vector<64x256xbf16> to vector<64x256xf32>
    %dot_general3A = arith.constant dense<0.000000e+00> : vector<4096x64xf32>
    %dot_general3A_19 = tpu.matmul %convert_element_type3A_16, %convert_element_type3A_18, %dot_general3A {dimension_numbers = #tpu.dot_dimension_numbers<[1], [1], [0], [0], [0, 0, 1, 0], [], []>, precision = #tpu.contract_precision<fp32>, transpose_lhs_hint = false} : vector<4096x256xf32>, vector<64x256xf32>, vector<4096x64xf32> -> vector<4096x64xf32>
    %ge3A = arith.constant 0.000000e+00 : f32
    %ge3A_20 = vector.broadcast %ge3A : f32 to vector<4096x64xf32>
    %ge3A_21 = arith.cmpf oge, %dot_general3A_19, %ge3A_20 : vector<4096x64xf32>
    %mul3A = arith.constant 2.000000e-01 : f32
    %mul3A_22 = vector.broadcast %mul3A : f32 to vector<4096x64xf32>
    %mul3A_23 = arith.mulf %mul3A_22, %dot_general3A_19 : vector<4096x64xf32>
    %select_n3A = arith.select %ge3A_21, %dot_general3A_19, %mul3A_23 : vector<4096x64xi1>, vector<4096x64xf32>
    %broadcast_in_dim3A_24 = arith.constant 0.000000e+00 : f32
    %broadcast_in_dim3A_25 = vector.broadcast %broadcast_in_dim3A_24 : f32 to vector<4096x64xf32>
    %concatenate3A_26 = tpu.concatenate %select_n3A, %broadcast_in_dim3A_25 in 1 : vector<4096x64xf32>, vector<4096x64xf32> -> vector<4096x128xf32>
    %get3A_27 = arith.constant 0 : index
    %get3A_28 = arith.constant 0 : index
    %get3A_29 = vector.load %arg5[%get3A_27, %get3A_28] : memref<64x128xf32, #tpu.memory_space<vmem>>, vector<64x128xf32>
    %convert_element_type3A_30 = arith.truncf %concatenate3A_26 : vector<4096x128xf32> to vector<4096x128xbf16>
    %convert_element_type3A_31 = arith.extf %convert_element_type3A_30 : vector<4096x128xbf16> to vector<4096x128xf32>
    %convert_element_type3A_32 = arith.truncf %get3A_29 : vector<64x128xf32> to vector<64x128xbf16>
    %convert_element_type3A_33 = arith.extf %convert_element_type3A_32 : vector<64x128xbf16> to vector<64x128xf32>
    %dot_general3A_34 = arith.constant dense<0.000000e+00> : vector<4096x64xf32>
    %dot_general3A_35 = tpu.matmul %convert_element_type3A_31, %convert_element_type3A_33, %dot_general3A_34 {dimension_numbers = #tpu.dot_dimension_numbers<[1], [1], [0], [0], [0, 0, 1, 0], [], []>, precision = #tpu.contract_precision<fp32>, transpose_lhs_hint = false} : vector<4096x128xf32>, vector<64x128xf32>, vector<4096x64xf32> -> vector<4096x64xf32>
    %ge3A_36 = arith.constant 0.000000e+00 : f32
    %ge3A_37 = vector.broadcast %ge3A_36 : f32 to vector<4096x64xf32>
    %ge3A_38 = arith.cmpf oge, %dot_general3A_35, %ge3A_37 : vector<4096x64xf32>
    %mul3A_39 = arith.constant 2.000000e-01 : f32
    %mul3A_40 = vector.broadcast %mul3A_39 : f32 to vector<4096x64xf32>
    %mul3A_41 = arith.mulf %mul3A_40, %dot_general3A_35 : vector<4096x64xf32>
    %select_n3A_42 = arith.select %ge3A_38, %dot_general3A_35, %mul3A_41 : vector<4096x64xi1>, vector<4096x64xf32>
    %reshape3A_43 = vector.shape_cast %select_n3A_42 : vector<4096x64xf32> to vector<128x32x64xf32>
    %reduce_max3A = arith.constant dense<0xFF800000> : vector<128x64xf32>
    %reduce_max3A_44 = vector.multi_reduction <maximumf>, %reshape3A_43, %reduce_max3A [1] : vector<128x32x64xf32> to vector<128x64xf32>
    %swap3A = arith.constant 0 : index
    %swap3A_45 = arith.constant 0 : index
    %swap3A_46 = arith.constant 0 : index
    %swap3A_47 = vector.load %arg6[%swap3A, %swap3A_45, %swap3A_46] : memref<1x128x64xf32, #tpu.memory_space<vmem>>, vector<1x128x64xf32>
    %swap3A_48 = vector.shape_cast %swap3A_47 : vector<1x128x64xf32> to vector<128x64xf32>
    %swap3A_49 = vector.shape_cast %reduce_max3A_44 : vector<128x64xf32> to vector<1x128x64xf32>
    tpu.vector_store %arg6[%swap3A, %swap3A_45, %swap3A_46], %swap3A_49 {strides = array<i32>} : memref<1x128x64xf32, #tpu.memory_space<vmem>>, vector<1x128x64xf32>,
    return
  }
  func.func @transform_0(%arg0: i32, %arg1: i32) -> (i32, i32, i32) {
    %c0_i32 = arith.constant 0 : i32
    %c0_i32_0 = arith.constant 0 : i32
    return %arg0, %arg1, %c0_i32 : i32, i32, i32
  }
  func.func @transform_1(%arg0: i32, %arg1: i32) -> (i32, i32, i32) {
    %c0_i32 = arith.constant 0 : i32
    %c0_i32_0 = arith.constant 0 : i32
    return %arg0, %arg1, %c0_i32 : i32, i32, i32
  }
  func.func @transform_2(%arg0: i32, %arg1: i32) -> (i32, i32) {
    %c0_i32 = arith.constant 0 : i32
    %c0_i32_0 = arith.constant 0 : i32
    %c0_i32_1 = arith.constant 0 : i32
    return %c0_i32, %c0_i32_0 : i32, i32
  }
  func.func @transform_3(%arg0: i32, %arg1: i32) -> (i32, i32) {
    %c0_i32 = arith.constant 0 : i32
    %c0_i32_0 = arith.constant 0 : i32
    %c0_i32_1 = arith.constant 0 : i32
    return %c0_i32, %c0_i32_0 : i32, i32
  }
  func.func @transform_4(%arg0: i32, %arg1: i32) -> (i32, i32, i32) {
    %c0_i32 = arith.constant 0 : i32
    %c0_i32_0 = arith.constant 0 : i32
    return %arg0, %arg1, %c0_i32 : i32, i32, i32
  }
}

module attributes {stable_mosaic.version = 14 : i64} {
  func.func @_proj_body(%arg0: i32, %arg1: i32, %arg2: memref<1x512x128xf32, #tpu.memory_space<vmem>>, %arg3: memref<384x128xf32, #tpu.memory_space<vmem>>, %arg4: memref<1x512x384xf32, #tpu.memory_space<vmem>>) attributes {dimension_semantics = [#tpu.dimension_semantics<arbitrary>, #tpu.dimension_semantics<arbitrary>], iteration_bounds = array<i64: 4, 4>, scalar_prefetch = 0 : i64, scratch_operands = 0 : i64, tpu.core_type = #tpu.core_type<tc>, window_params = [{transform_indices = @transform_0, window_bounds = array<i64: 1, 512, 128>}, {pipeline_mode = #tpu.pipeline_mode<synchronous>, transform_indices = @transform_1, window_bounds = array<i64: 384, 128>}, {transform_indices = @transform_2, window_bounds = array<i64: 1, 512, 384>}]} {
    %get3A = arith.constant 0 : index
    %get3A_0 = arith.constant 0 : index
    %get3A_1 = arith.constant 0 : index
    %get3A_2 = vector.load %arg2[%get3A, %get3A_0, %get3A_1] : memref<1x512x128xf32, #tpu.memory_space<vmem>>, vector<1x512x128xf32>
    %get3A_3 = vector.shape_cast %get3A_2 : vector<1x512x128xf32> to vector<512x128xf32>
    %get3A_4 = arith.constant 0 : index
    %get3A_5 = arith.constant 0 : index
    %get3A_6 = vector.load %arg3[%get3A_4, %get3A_5] : memref<384x128xf32, #tpu.memory_space<vmem>>, vector<384x128xf32>
    %convert_element_type3A = arith.truncf %get3A_3 : vector<512x128xf32> to vector<512x128xbf16>
    %convert_element_type3A_7 = arith.extf %convert_element_type3A : vector<512x128xbf16> to vector<512x128xf32>
    %convert_element_type3A_8 = arith.truncf %get3A_6 : vector<384x128xf32> to vector<384x128xbf16>
    %convert_element_type3A_9 = arith.extf %convert_element_type3A_8 : vector<384x128xbf16> to vector<384x128xf32>
    %dot_general3A = arith.constant dense<0.000000e+00> : vector<512x384xf32>
    %dot_general3A_10 = tpu.matmul %convert_element_type3A_7, %convert_element_type3A_9, %dot_general3A {dimension_numbers = #tpu.dot_dimension_numbers<[1], [1], [0], [0], [0, 0, 1, 0], [], []>, precision = #tpu.contract_precision<fp32>, transpose_lhs_hint = false} : vector<512x128xf32>, vector<384x128xf32>, vector<512x384xf32> -> vector<512x384xf32>
    %swap3A = arith.constant 0 : index
    %swap3A_11 = arith.constant 0 : index
    %swap3A_12 = arith.constant 0 : index
    %swap3A_13 = vector.load %arg4[%swap3A, %swap3A_11, %swap3A_12] : memref<1x512x384xf32, #tpu.memory_space<vmem>>, vector<1x512x384xf32>
    %swap3A_14 = vector.shape_cast %swap3A_13 : vector<1x512x384xf32> to vector<512x384xf32>
    %swap3A_15 = vector.shape_cast %dot_general3A_10 : vector<512x384xf32> to vector<1x512x384xf32>
    tpu.vector_store %arg4[%swap3A, %swap3A_11, %swap3A_12], %swap3A_15 {strides = array<i32>} : memref<1x512x384xf32, #tpu.memory_space<vmem>>, vector<1x512x384xf32>,
    return
  }
  func.func @transform_0(%arg0: i32, %arg1: i32) -> (i32, i32, i32) {
    %c0_i32 = arith.constant 0 : i32
    %c0_i32_0 = arith.constant 0 : i32
    return %arg0, %arg1, %c0_i32 : i32, i32, i32
  }
  func.func @transform_1(%arg0: i32, %arg1: i32) -> (i32, i32) {
    %c0_i32 = arith.constant 0 : i32
    %c0_i32_0 = arith.constant 0 : i32
    %c0_i32_1 = arith.constant 0 : i32
    return %c0_i32, %c0_i32_0 : i32, i32
  }
  func.func @transform_2(%arg0: i32, %arg1: i32) -> (i32, i32, i32) {
    %c0_i32 = arith.constant 0 : i32
    %c0_i32_0 = arith.constant 0 : i32
    return %arg0, %arg1, %c0_i32 : i32, i32, i32
  }
}

module attributes {stable_mosaic.version = 14 : i64} {
  func.func @_attn_post_body(%arg0: i32, %arg1: i32, %arg2: memref<1x128x128xf32, #tpu.memory_space<vmem>>, %arg3: memref<1x128x128xf32, #tpu.memory_space<vmem>>, %arg4: memref<1x4096x256xf32, #tpu.memory_space<vmem>>, %arg5: memref<512x128xf32, #tpu.memory_space<vmem>>, %arg6: memref<128x512xf32, #tpu.memory_space<vmem>>, %arg7: memref<1x128x128xf32, #tpu.memory_space<vmem>>) attributes {dimension_semantics = [#tpu.dimension_semantics<arbitrary>, #tpu.dimension_semantics<arbitrary>], iteration_bounds = array<i64: 4, 16>, scalar_prefetch = 0 : i64, scratch_operands = 0 : i64, tpu.core_type = #tpu.core_type<tc>, window_params = [{transform_indices = @transform_0, window_bounds = array<i64: 1, 128, 128>}, {transform_indices = @transform_1, window_bounds = array<i64: 1, 128, 128>}, {transform_indices = @transform_2, window_bounds = array<i64: 1, 4096, 256>}, {pipeline_mode = #tpu.pipeline_mode<synchronous>, transform_indices = @transform_3, window_bounds = array<i64: 512, 128>}, {pipeline_mode = #tpu.pipeline_mode<synchronous>, transform_indices = @transform_4, window_bounds = array<i64: 128, 512>}, {transform_indices = @transform_5, window_bounds = array<i64: 1, 128, 128>}]} {
    %get3A = arith.constant 0 : index
    %get3A_0 = arith.constant 0 : index
    %get3A_1 = arith.constant 0 : index
    %get3A_2 = vector.load %arg4[%get3A, %get3A_0, %get3A_1] : memref<1x4096x256xf32, #tpu.memory_space<vmem>>, vector<1x4096x256xf32>
    %get3A_3 = vector.shape_cast %get3A_2 : vector<1x4096x256xf32> to vector<4096x256xf32>
    %slice3A = vector.extract_strided_slice %get3A_3 {offsets = [0, 0], sizes = [4096, 128], strides = [1, 1]} : vector<4096x256xf32> to vector<4096x128xf32>
    %reshape3A = vector.shape_cast %slice3A : vector<4096x128xf32> to vector<128x32x128xf32>
    %slice3A_4 = vector.extract_strided_slice %get3A_3 {offsets = [0, 128], sizes = [4096, 128], strides = [1, 1]} : vector<4096x256xf32> to vector<4096x128xf32>
    %reshape3A_5 = vector.shape_cast %slice3A_4 : vector<4096x128xf32> to vector<128x32x128xf32>
    %get3A_6 = arith.constant 0 : index
    %get3A_7 = arith.constant 0 : index
    %get3A_8 = arith.constant 0 : index
    %get3A_9 = vector.load %arg3[%get3A_6, %get3A_7, %get3A_8] : memref<1x128x128xf32, #tpu.memory_space<vmem>>, vector<1x128x128xf32>
    %get3A_10 = vector.shape_cast %get3A_9 : vector<1x128x128xf32> to vector<128x128xf32>
    %broadcast_in_dim3A = vector.shape_cast %get3A_10 : vector<128x128xf32> to vector<128x1x128xf32>
    %mul3A = vector.broadcast %broadcast_in_dim3A : vector<128x1x128xf32> to vector<128x32x128xf32>
    %mul3A_11 = arith.mulf %mul3A, %reshape3A : vector<128x32x128xf32>
    %iota3A = tpu.iota {dimensions = array<i32: 0>} : vector<128x128xi32>
    %jit3A = arith.constant 32 : i32
    %div3A = vector.broadcast %jit3A : i32 to vector<128x128xi32>
    %div3A_12 = arith.divsi %iota3A, %div3A : vector<128x128xi32>
    %sign3A = arith.constant 0 : i32
    %sign3A_13 = vector.broadcast %sign3A : i32 to vector<128x128xi32>
    %sign3A_14 = arith.cmpi sgt, %iota3A, %sign3A_13 : vector<128x128xi32>
    %sign3A_15 = arith.extui %sign3A_14 : vector<128x128xi1> to vector<128x128xi32>
    %sign3A_16 = arith.constant 0 : i32
    %sign3A_17 = vector.broadcast %sign3A_16 : i32 to vector<128x128xi32>
    %sign3A_18 = arith.cmpi slt, %iota3A, %sign3A_17 : vector<128x128xi32>
    %sign3A_19 = arith.extui %sign3A_18 : vector<128x128xi1> to vector<128x128xi32>
    %sign3A_20 = arith.subi %sign3A_15, %sign3A_19 : vector<128x128xi32>
    %sign3A_21 = arith.constant 0 : i32
    %sign3A_22 = arith.cmpi sgt, %jit3A, %sign3A_21 : i32
    %sign3A_23 = arith.extui %sign3A_22 : i1 to i32
    %sign3A_24 = arith.constant 0 : i32
    %sign3A_25 = arith.cmpi slt, %jit3A, %sign3A_24 : i32
    %sign3A_26 = arith.extui %sign3A_25 : i1 to i32
    %sign3A_27 = arith.subi %sign3A_23, %sign3A_26 : i32
    %ne3A = vector.broadcast %sign3A_27 : i32 to vector<128x128xi32>
    %ne3A_28 = arith.cmpi ne, %sign3A_20, %ne3A : vector<128x128xi32>
    %rem3A = vector.broadcast %jit3A : i32 to vector<128x128xi32>
    %rem3A_29 = arith.remsi %iota3A, %rem3A : vector<128x128xi32>
    %ne3A_30 = arith.constant 0 : i32
    %ne3A_31 = vector.broadcast %ne3A_30 : i32 to vector<128x128xi32>
    %ne3A_32 = arith.cmpi ne, %rem3A_29, %ne3A_31 : vector<128x128xi32>
    %and3A = arith.andi %ne3A_28, %ne3A_32 : vector<128x128xi1>
    %sub3A = arith.constant 1 : i32
    %sub3A_33 = vector.broadcast %sub3A : i32 to vector<128x128xi32>
    %sub3A_34 = arith.subi %div3A_12, %sub3A_33 : vector<128x128xi32>
    %select_n3A = arith.select %and3A, %sub3A_34, %div3A_12 : vector<128x128xi1>, vector<128x128xi32>
    %iota3A_35 = tpu.iota {dimensions = array<i32: 1>} : vector<128x128xi32>
    %jit3A_36 = arith.constant 32 : i32
    %div3A_37 = vector.broadcast %jit3A_36 : i32 to vector<128x128xi32>
    %div3A_38 = arith.divsi %iota3A_35, %div3A_37 : vector<128x128xi32>
    %sign3A_39 = arith.constant 0 : i32
    %sign3A_40 = vector.broadcast %sign3A_39 : i32 to vector<128x128xi32>
    %sign3A_41 = arith.cmpi sgt, %iota3A_35, %sign3A_40 : vector<128x128xi32>
    %sign3A_42 = arith.extui %sign3A_41 : vector<128x128xi1> to vector<128x128xi32>
    %sign3A_43 = arith.constant 0 : i32
    %sign3A_44 = vector.broadcast %sign3A_43 : i32 to vector<128x128xi32>
    %sign3A_45 = arith.cmpi slt, %iota3A_35, %sign3A_44 : vector<128x128xi32>
    %sign3A_46 = arith.extui %sign3A_45 : vector<128x128xi1> to vector<128x128xi32>
    %sign3A_47 = arith.subi %sign3A_42, %sign3A_46 : vector<128x128xi32>
    %sign3A_48 = arith.constant 0 : i32
    %sign3A_49 = arith.cmpi sgt, %jit3A_36, %sign3A_48 : i32
    %sign3A_50 = arith.extui %sign3A_49 : i1 to i32
    %sign3A_51 = arith.constant 0 : i32
    %sign3A_52 = arith.cmpi slt, %jit3A_36, %sign3A_51 : i32
    %sign3A_53 = arith.extui %sign3A_52 : i1 to i32
    %sign3A_54 = arith.subi %sign3A_50, %sign3A_53 : i32
    %ne3A_55 = vector.broadcast %sign3A_54 : i32 to vector<128x128xi32>
    %ne3A_56 = arith.cmpi ne, %sign3A_47, %ne3A_55 : vector<128x128xi32>
    %rem3A_57 = vector.broadcast %jit3A_36 : i32 to vector<128x128xi32>
    %rem3A_58 = arith.remsi %iota3A_35, %rem3A_57 : vector<128x128xi32>
    %ne3A_59 = arith.constant 0 : i32
    %ne3A_60 = vector.broadcast %ne3A_59 : i32 to vector<128x128xi32>
    %ne3A_61 = arith.cmpi ne, %rem3A_58, %ne3A_60 : vector<128x128xi32>
    %and3A_62 = arith.andi %ne3A_56, %ne3A_61 : vector<128x128xi1>
    %sub3A_63 = arith.constant 1 : i32
    %sub3A_64 = vector.broadcast %sub3A_63 : i32 to vector<128x128xi32>
    %sub3A_65 = arith.subi %div3A_38, %sub3A_64 : vector<128x128xi32>
    %select_n3A_66 = arith.select %and3A_62, %sub3A_65, %div3A_38 : vector<128x128xi1>, vector<128x128xi32>
    %eq3A = arith.cmpi eq, %select_n3A, %select_n3A_66 : vector<128x128xi32>
    %convert_element_type3A = arith.extui %eq3A : vector<128x128xi1> to vector<128x128xi32>
    %convert_element_type3A_67 = arith.sitofp %convert_element_type3A : vector<128x128xi32> to vector<128x128xf32>
    %reshape3A_68 = vector.shape_cast %mul3A_11 : vector<128x32x128xf32> to vector<4096x128xf32>
    %dot_general3A = arith.constant dense<0.000000e+00> : vector<4096x128xf32>
    %dot_general3A_69 = tpu.matmul %reshape3A_68, %convert_element_type3A_67, %dot_general3A {dimension_numbers = #tpu.dot_dimension_numbers<[1], [0], [0], [1], [0, 0, 1, 1], [], []>, precision = #tpu.contract_precision<fp32>, transpose_lhs_hint = false} : vector<4096x128xf32>, vector<128x128xf32>, vector<4096x128xf32> -> vector<4096x128xf32>
    %div3A_70 = arith.constant 5.65685415 : f32
    %div3A_71 = vector.broadcast %div3A_70 : f32 to vector<4096x128xf32>
    %div3A_72 = arith.divf %dot_general3A_69, %div3A_71 : vector<4096x128xf32>
    %reshape3A_73 = vector.shape_cast %div3A_72 : vector<4096x128xf32> to vector<128x32x128xf32>
    %reduce_max3A = arith.constant dense<0xFF800000> : vector<128x128xf32>
    %reduce_max3A_74 = vector.multi_reduction <maximumf>, %reshape3A_73, %reduce_max3A [1] : vector<128x32x128xf32> to vector<128x128xf32>
    %broadcast_in_dim3A_75 = vector.shape_cast %reduce_max3A_74 : vector<128x128xf32> to vector<128x1x128xf32>
    %sub3A_76 = vector.broadcast %broadcast_in_dim3A_75 : vector<128x1x128xf32> to vector<128x32x128xf32>
    %sub3A_77 = arith.subf %reshape3A_73, %sub3A_76 : vector<128x32x128xf32>
    %exp3A = math.exp %sub3A_77 : vector<128x32x128xf32>
    %reduce_sum3A = arith.constant dense<0.000000e+00> : vector<128x128xf32>
    %reduce_sum3A_78 = vector.multi_reduction <add>, %exp3A, %reduce_sum3A [1] : vector<128x32x128xf32> to vector<128x128xf32>
    %broadcast_in_dim3A_79 = vector.shape_cast %reduce_sum3A_78 : vector<128x128xf32> to vector<128x1x128xf32>
    %div3A_80 = vector.broadcast %broadcast_in_dim3A_79 : vector<128x1x128xf32> to vector<128x32x128xf32>
    %div3A_81 = arith.divf %exp3A, %div3A_80 : vector<128x32x128xf32>
    %mul3A_82 = arith.mulf %div3A_81, %reshape3A_5 : vector<128x32x128xf32>
    %reduce_sum3A_83 = arith.constant dense<0.000000e+00> : vector<128x128xf32>
    %reduce_sum3A_84 = vector.multi_reduction <add>, %mul3A_82, %reduce_sum3A_83 [1] : vector<128x32x128xf32> to vector<128x128xf32>
    %get3A_85 = arith.constant 0 : index
    %get3A_86 = arith.constant 0 : index
    %get3A_87 = arith.constant 0 : index
    %get3A_88 = vector.load %arg2[%get3A_85, %get3A_86, %get3A_87] : memref<1x128x128xf32, #tpu.memory_space<vmem>>, vector<1x128x128xf32>
    %get3A_89 = vector.shape_cast %get3A_88 : vector<1x128x128xf32> to vector<128x128xf32>
    %add3A = arith.addf %get3A_89, %reduce_sum3A_84 : vector<128x128xf32>
    %get3A_90 = arith.constant 0 : index
    %get3A_91 = arith.constant 0 : index
    %get3A_92 = vector.load %arg5[%get3A_90, %get3A_91] : memref<512x128xf32, #tpu.memory_space<vmem>>, vector<512x128xf32>
    %convert_element_type3A_93 = arith.truncf %add3A : vector<128x128xf32> to vector<128x128xbf16>
    %convert_element_type3A_94 = arith.extf %convert_element_type3A_93 : vector<128x128xbf16> to vector<128x128xf32>
    %convert_element_type3A_95 = arith.truncf %get3A_92 : vector<512x128xf32> to vector<512x128xbf16>
    %convert_element_type3A_96 = arith.extf %convert_element_type3A_95 : vector<512x128xbf16> to vector<512x128xf32>
    %dot_general3A_97 = arith.constant dense<0.000000e+00> : vector<128x512xf32>
    %dot_general3A_98 = tpu.matmul %convert_element_type3A_94, %convert_element_type3A_96, %dot_general3A_97 {dimension_numbers = #tpu.dot_dimension_numbers<[1], [1], [0], [0], [0, 0, 1, 0], [], []>, precision = #tpu.contract_precision<fp32>, transpose_lhs_hint = false} : vector<128x128xf32>, vector<512x128xf32>, vector<128x512xf32> -> vector<128x512xf32>
    %ge3A = arith.constant 0.000000e+00 : f32
    %ge3A_99 = vector.broadcast %ge3A : f32 to vector<128x512xf32>
    %ge3A_100 = arith.cmpf oge, %dot_general3A_98, %ge3A_99 : vector<128x512xf32>
    %mul3A_101 = arith.constant 2.000000e-01 : f32
    %mul3A_102 = vector.broadcast %mul3A_101 : f32 to vector<128x512xf32>
    %mul3A_103 = arith.mulf %mul3A_102, %dot_general3A_98 : vector<128x512xf32>
    %select_n3A_104 = arith.select %ge3A_100, %dot_general3A_98, %mul3A_103 : vector<128x512xi1>, vector<128x512xf32>
    %get3A_105 = arith.constant 0 : index
    %get3A_106 = arith.constant 0 : index
    %get3A_107 = vector.load %arg6[%get3A_105, %get3A_106] : memref<128x512xf32, #tpu.memory_space<vmem>>, vector<128x512xf32>
    %convert_element_type3A_108 = arith.truncf %select_n3A_104 : vector<128x512xf32> to vector<128x512xbf16>
    %convert_element_type3A_109 = arith.extf %convert_element_type3A_108 : vector<128x512xbf16> to vector<128x512xf32>
    %convert_element_type3A_110 = arith.truncf %get3A_107 : vector<128x512xf32> to vector<128x512xbf16>
    %convert_element_type3A_111 = arith.extf %convert_element_type3A_110 : vector<128x512xbf16> to vector<128x512xf32>
    %dot_general3A_112 = arith.constant dense<0.000000e+00> : vector<128x128xf32>
    %dot_general3A_113 = tpu.matmul %convert_element_type3A_109, %convert_element_type3A_111, %dot_general3A_112 {dimension_numbers = #tpu.dot_dimension_numbers<[1], [1], [0], [0], [0, 0, 1, 0], [], []>, precision = #tpu.contract_precision<fp32>, transpose_lhs_hint = false} : vector<128x512xf32>, vector<128x512xf32>, vector<128x128xf32> -> vector<128x128xf32>
    %add3A_114 = arith.addf %add3A, %dot_general3A_113 : vector<128x128xf32>
    %swap3A = arith.constant 0 : index
    %swap3A_115 = arith.constant 0 : index
    %swap3A_116 = arith.constant 0 : index
    %swap3A_117 = vector.load %arg7[%swap3A, %swap3A_115, %swap3A_116] : memref<1x128x128xf32, #tpu.memory_space<vmem>>, vector<1x128x128xf32>
    %swap3A_118 = vector.shape_cast %swap3A_117 : vector<1x128x128xf32> to vector<128x128xf32>
    %swap3A_119 = vector.shape_cast %add3A_114 : vector<128x128xf32> to vector<1x128x128xf32>
    tpu.vector_store %arg7[%swap3A, %swap3A_115, %swap3A_116], %swap3A_119 {strides = array<i32>} : memref<1x128x128xf32, #tpu.memory_space<vmem>>, vector<1x128x128xf32>,
    return
  }
  func.func @transform_0(%arg0: i32, %arg1: i32) -> (i32, i32, i32) {
    %c0_i32 = arith.constant 0 : i32
    %c0_i32_0 = arith.constant 0 : i32
    return %arg0, %arg1, %c0_i32 : i32, i32, i32
  }
  func.func @transform_1(%arg0: i32, %arg1: i32) -> (i32, i32, i32) {
    %c0_i32 = arith.constant 0 : i32
    %c0_i32_0 = arith.constant 0 : i32
    return %arg0, %arg1, %c0_i32 : i32, i32, i32
  }
  func.func @transform_2(%arg0: i32, %arg1: i32) -> (i32, i32, i32) {
    %c0_i32 = arith.constant 0 : i32
    %c0_i32_0 = arith.constant 0 : i32
    return %arg0, %arg1, %c0_i32 : i32, i32, i32
  }
  func.func @transform_3(%arg0: i32, %arg1: i32) -> (i32, i32) {
    %c0_i32 = arith.constant 0 : i32
    %c0_i32_0 = arith.constant 0 : i32
    %c0_i32_1 = arith.constant 0 : i32
    return %c0_i32, %c0_i32_0 : i32, i32
  }
  func.func @transform_4(%arg0: i32, %arg1: i32) -> (i32, i32) {
    %c0_i32 = arith.constant 0 : i32
    %c0_i32_0 = arith.constant 0 : i32
    %c0_i32_1 = arith.constant 0 : i32
    return %c0_i32, %c0_i32_0 : i32, i32
  }
  func.func @transform_5(%arg0: i32, %arg1: i32) -> (i32, i32, i32) {
    %c0_i32 = arith.constant 0 : i32
    %c0_i32_0 = arith.constant 0 : i32
    return %arg0, %arg1, %c0_i32 : i32, i32, i32
  }
}

module attributes {stable_mosaic.version = 14 : i64} {
  func.func @_proj_body(%arg0: i32, %arg1: i32, %arg2: memref<1x512x128xf32, #tpu.memory_space<vmem>>, %arg3: memref<256x128xf32, #tpu.memory_space<vmem>>, %arg4: memref<1x512x256xf32, #tpu.memory_space<vmem>>) attributes {dimension_semantics = [#tpu.dimension_semantics<arbitrary>, #tpu.dimension_semantics<arbitrary>], iteration_bounds = array<i64: 4, 4>, scalar_prefetch = 0 : i64, scratch_operands = 0 : i64, tpu.core_type = #tpu.core_type<tc>, window_params = [{transform_indices = @transform_0, window_bounds = array<i64: 1, 512, 128>}, {pipeline_mode = #tpu.pipeline_mode<synchronous>, transform_indices = @transform_1, window_bounds = array<i64: 256, 128>}, {transform_indices = @transform_2, window_bounds = array<i64: 1, 512, 256>}]} {
    %get3A = arith.constant 0 : index
    %get3A_0 = arith.constant 0 : index
    %get3A_1 = arith.constant 0 : index
    %get3A_2 = vector.load %arg2[%get3A, %get3A_0, %get3A_1] : memref<1x512x128xf32, #tpu.memory_space<vmem>>, vector<1x512x128xf32>
    %get3A_3 = vector.shape_cast %get3A_2 : vector<1x512x128xf32> to vector<512x128xf32>
    %get3A_4 = arith.constant 0 : index
    %get3A_5 = arith.constant 0 : index
    %get3A_6 = vector.load %arg3[%get3A_4, %get3A_5] : memref<256x128xf32, #tpu.memory_space<vmem>>, vector<256x128xf32>
    %convert_element_type3A = arith.truncf %get3A_3 : vector<512x128xf32> to vector<512x128xbf16>
    %convert_element_type3A_7 = arith.extf %convert_element_type3A : vector<512x128xbf16> to vector<512x128xf32>
    %convert_element_type3A_8 = arith.truncf %get3A_6 : vector<256x128xf32> to vector<256x128xbf16>
    %convert_element_type3A_9 = arith.extf %convert_element_type3A_8 : vector<256x128xbf16> to vector<256x128xf32>
    %dot_general3A = arith.constant dense<0.000000e+00> : vector<512x256xf32>
    %dot_general3A_10 = tpu.matmul %convert_element_type3A_7, %convert_element_type3A_9, %dot_general3A {dimension_numbers = #tpu.dot_dimension_numbers<[1], [1], [0], [0], [0, 0, 1, 0], [], []>, precision = #tpu.contract_precision<fp32>, transpose_lhs_hint = false} : vector<512x128xf32>, vector<256x128xf32>, vector<512x256xf32> -> vector<512x256xf32>
    %swap3A = arith.constant 0 : index
    %swap3A_11 = arith.constant 0 : index
    %swap3A_12 = arith.constant 0 : index
    %swap3A_13 = vector.load %arg4[%swap3A, %swap3A_11, %swap3A_12] : memref<1x512x256xf32, #tpu.memory_space<vmem>>, vector<1x512x256xf32>
    %swap3A_14 = vector.shape_cast %swap3A_13 : vector<1x512x256xf32> to vector<512x256xf32>
    %swap3A_15 = vector.shape_cast %dot_general3A_10 : vector<512x256xf32> to vector<1x512x256xf32>
    tpu.vector_store %arg4[%swap3A, %swap3A_11, %swap3A_12], %swap3A_15 {strides = array<i32>} : memref<1x512x256xf32, #tpu.memory_space<vmem>>, vector<1x512x256xf32>,
    return
  }
  func.func @transform_0(%arg0: i32, %arg1: i32) -> (i32, i32, i32) {
    %c0_i32 = arith.constant 0 : i32
    %c0_i32_0 = arith.constant 0 : i32
    return %arg0, %arg1, %c0_i32 : i32, i32, i32
  }
  func.func @transform_1(%arg0: i32, %arg1: i32) -> (i32, i32) {
    %c0_i32 = arith.constant 0 : i32
    %c0_i32_0 = arith.constant 0 : i32
    %c0_i32_1 = arith.constant 0 : i32
    return %c0_i32, %c0_i32_0 : i32, i32
  }
  func.func @transform_2(%arg0: i32, %arg1: i32) -> (i32, i32, i32) {
    %c0_i32 = arith.constant 0 : i32
    %c0_i32_0 = arith.constant 0 : i32
    return %arg0, %arg1, %c0_i32 : i32, i32, i32
  }
}

module attributes {stable_mosaic.version = 14 : i64} {
  func.func @_ds_scores_body(%arg0: i32, %arg1: i32, %arg2: memref<1x256x128xf32, #tpu.memory_space<vmem>>, %arg3: memref<1x2048x128xf32, #tpu.memory_space<vmem>>, %arg4: memref<1x8x2048xf32, #tpu.memory_space<vmem>>) attributes {dimension_semantics = [#tpu.dimension_semantics<arbitrary>, #tpu.dimension_semantics<arbitrary>], iteration_bounds = array<i64: 4, 8>, scalar_prefetch = 0 : i64, scratch_operands = 0 : i64, tpu.core_type = #tpu.core_type<tc>, window_params = [{transform_indices = @transform_0, window_bounds = array<i64: 1, 256, 128>}, {transform_indices = @transform_1, window_bounds = array<i64: 1, 2048, 128>}, {transform_indices = @transform_2, window_bounds = array<i64: 1, 8, 2048>}]} {
    %get3A = arith.constant 0 : index
    %get3A_0 = arith.constant 0 : index
    %get3A_1 = arith.constant 0 : index
    %get3A_2 = vector.load %arg2[%get3A, %get3A_0, %get3A_1] : memref<1x256x128xf32, #tpu.memory_space<vmem>>, vector<1x256x128xf32>
    %get3A_3 = vector.shape_cast %get3A_2 : vector<1x256x128xf32> to vector<256x128xf32>
    %get3A_4 = arith.constant 0 : index
    %get3A_5 = arith.constant 0 : index
    %get3A_6 = arith.constant 0 : index
    %get3A_7 = vector.load %arg3[%get3A_4, %get3A_5, %get3A_6] : memref<1x2048x128xf32, #tpu.memory_space<vmem>>, vector<1x2048x128xf32>
    %get3A_8 = vector.shape_cast %get3A_7 : vector<1x2048x128xf32> to vector<2048x128xf32>
    %convert_element_type3A = arith.truncf %get3A_3 : vector<256x128xf32> to vector<256x128xbf16>
    %convert_element_type3A_9 = arith.extf %convert_element_type3A : vector<256x128xbf16> to vector<256x128xf32>
    %convert_element_type3A_10 = arith.truncf %get3A_8 : vector<2048x128xf32> to vector<2048x128xbf16>
    %convert_element_type3A_11 = arith.extf %convert_element_type3A_10 : vector<2048x128xbf16> to vector<2048x128xf32>
    %dot_general3A = arith.constant dense<0.000000e+00> : vector<256x2048xf32>
    %dot_general3A_12 = tpu.matmul %convert_element_type3A_9, %convert_element_type3A_11, %dot_general3A {dimension_numbers = #tpu.dot_dimension_numbers<[1], [1], [0], [0], [0, 0, 1, 0], [], []>, precision = #tpu.contract_precision<fp32>, transpose_lhs_hint = false} : vector<256x128xf32>, vector<2048x128xf32>, vector<256x2048xf32> -> vector<256x2048xf32>
    %div3A = arith.constant 11.3137083 : f32
    %div3A_13 = vector.broadcast %div3A : f32 to vector<256x2048xf32>
    %div3A_14 = arith.divf %dot_general3A_12, %div3A_13 : vector<256x2048xf32>
    %reduce_max3A = arith.constant dense<0xFF800000> : vector<256xf32>
    %reduce_max3A_15 = vector.multi_reduction <maximumf>, %div3A_14, %reduce_max3A [1] : vector<256x2048xf32> to vector<256xf32>
    %broadcast_in_dim3A = vector.shape_cast %reduce_max3A_15 : vector<256xf32> to vector<256x1xf32>
    %sub3A = vector.broadcast %broadcast_in_dim3A : vector<256x1xf32> to vector<256x2048xf32>
    %sub3A_16 = arith.subf %div3A_14, %sub3A : vector<256x2048xf32>
    %exp3A = math.exp %sub3A_16 : vector<256x2048xf32>
    %reduce_sum3A = arith.constant dense<0.000000e+00> : vector<256xf32>
    %reduce_sum3A_17 = vector.multi_reduction <add>, %exp3A, %reduce_sum3A [1] : vector<256x2048xf32> to vector<256xf32>
    %broadcast_in_dim3A_18 = vector.shape_cast %reduce_sum3A_17 : vector<256xf32> to vector<256x1xf32>
    %div3A_19 = vector.broadcast %broadcast_in_dim3A_18 : vector<256x1xf32> to vector<256x2048xf32>
    %div3A_20 = arith.divf %exp3A, %div3A_19 : vector<256x2048xf32>
    %eq3A = arith.constant 0 : i32
    %eq3A_21 = arith.cmpi eq, %arg1, %eq3A : i32
    %convert_element_type3A_22 = arith.extui %eq3A_21 : i1 to i32
    %cond3A = arith.constant 0 : i32
    %cond3A_23 = arith.cmpi ne, %convert_element_type3A_22, %cond3A : i32
    scf.if %cond3A_23 {
      %broadcast_in_dim3A_437 = arith.constant 0.000000e+00 : f32
      %broadcast_in_dim3A_438 = vector.broadcast %broadcast_in_dim3A_437 : f32 to vector<8x2048xf32>
      %swap3A_439 = arith.constant 0 : index
      %swap3A_440 = arith.constant 0 : index
      %swap3A_441 = arith.constant 0 : index
      %swap3A_442 = vector.load %arg4[%swap3A_439, %swap3A_440, %swap3A_441] : memref<1x8x2048xf32, #tpu.memory_space<vmem>>, vector<1x8x2048xf32>
      %swap3A_443 = vector.shape_cast %swap3A_442 : vector<1x8x2048xf32> to vector<8x2048xf32>
      %swap3A_444 = vector.shape_cast %broadcast_in_dim3A_438 : vector<8x2048xf32> to vector<1x8x2048xf32>
      tpu.vector_store %arg4[%swap3A_439, %swap3A_440, %swap3A_441], %swap3A_444 {strides = array<i32>} : memref<1x8x2048xf32, #tpu.memory_space<vmem>>, vector<1x8x2048xf32>,
    } else {
    }
    %get3A_24 = arith.constant 0 : index
    %get3A_25 = arith.constant 0 : index
    %get3A_26 = arith.constant 0 : index
    %get3A_27 = vector.load %arg4[%get3A_24, %get3A_25, %get3A_26] : memref<1x8x2048xf32, #tpu.memory_space<vmem>>, vector<1x8x2048xf32>
    %get3A_28 = vector.shape_cast %get3A_27 : vector<1x8x2048xf32> to vector<8x2048xf32>
    %slice3A = vector.extract_strided_slice %div3A_20 {offsets = [0, 0], sizes = [8, 2048], strides = [1, 1]} : vector<256x2048xf32> to vector<8x2048xf32>
    %add3A = arith.addf %get3A_28, %slice3A : vector<8x2048xf32>
    %swap3A = arith.constant 0 : index
    %swap3A_29 = arith.constant 0 : index
    %swap3A_30 = arith.constant 0 : index
    %swap3A_31 = vector.load %arg4[%swap3A, %swap3A_29, %swap3A_30] : memref<1x8x2048xf32, #tpu.memory_space<vmem>>, vector<1x8x2048xf32>
    %swap3A_32 = vector.shape_cast %swap3A_31 : vector<1x8x2048xf32> to vector<8x2048xf32>
    %swap3A_33 = vector.shape_cast %add3A : vector<8x2048xf32> to vector<1x8x2048xf32>
    tpu.vector_store %arg4[%swap3A, %swap3A_29, %swap3A_30], %swap3A_33 {strides = array<i32>} : memref<1x8x2048xf32, #tpu.memory_space<vmem>>, vector<1x8x2048xf32>,
    %get3A_34 = arith.constant 0 : index
    %get3A_35 = arith.constant 0 : index
    %get3A_36 = arith.constant 0 : index
    %get3A_37 = vector.load %arg4[%get3A_34, %get3A_35, %get3A_36] : memref<1x8x2048xf32, #tpu.memory_space<vmem>>, vector<1x8x2048xf32>
    %get3A_38 = vector.shape_cast %get3A_37 : vector<1x8x2048xf32> to vector<8x2048xf32>
    %slice3A_39 = vector.extract_strided_slice %div3A_20 {offsets = [8, 0], sizes = [8, 2048], strides = [1, 1]} : vector<256x2048xf32> to vector<8x2048xf32>
    %add3A_40 = arith.addf %get3A_38, %slice3A_39 : vector<8x2048xf32>
    %swap3A_41 = arith.constant 0 : index
    %swap3A_42 = arith.constant 0 : index
    %swap3A_43 = arith.constant 0 : index
    %swap3A_44 = vector.load %arg4[%swap3A_41, %swap3A_42, %swap3A_43] : memref<1x8x2048xf32, #tpu.memory_space<vmem>>, vector<1x8x2048xf32>
    %swap3A_45 = vector.shape_cast %swap3A_44 : vector<1x8x2048xf32> to vector<8x2048xf32>
    %swap3A_46 = vector.shape_cast %add3A_40 : vector<8x2048xf32> to vector<1x8x2048xf32>
    tpu.vector_store %arg4[%swap3A_41, %swap3A_42, %swap3A_43], %swap3A_46 {strides = array<i32>} : memref<1x8x2048xf32, #tpu.memory_space<vmem>>, vector<1x8x2048xf32>,
    %get3A_47 = arith.constant 0 : index
    %get3A_48 = arith.constant 0 : index
    %get3A_49 = arith.constant 0 : index
    %get3A_50 = vector.load %arg4[%get3A_47, %get3A_48, %get3A_49] : memref<1x8x2048xf32, #tpu.memory_space<vmem>>, vector<1x8x2048xf32>
    %get3A_51 = vector.shape_cast %get3A_50 : vector<1x8x2048xf32> to vector<8x2048xf32>
    %slice3A_52 = vector.extract_strided_slice %div3A_20 {offsets = [16, 0], sizes = [8, 2048], strides = [1, 1]} : vector<256x2048xf32> to vector<8x2048xf32>
    %add3A_53 = arith.addf %get3A_51, %slice3A_52 : vector<8x2048xf32>
    %swap3A_54 = arith.constant 0 : index
    %swap3A_55 = arith.constant 0 : index
    %swap3A_56 = arith.constant 0 : index
    %swap3A_57 = vector.load %arg4[%swap3A_54, %swap3A_55, %swap3A_56] : memref<1x8x2048xf32, #tpu.memory_space<vmem>>, vector<1x8x2048xf32>
    %swap3A_58 = vector.shape_cast %swap3A_57 : vector<1x8x2048xf32> to vector<8x2048xf32>
    %swap3A_59 = vector.shape_cast %add3A_53 : vector<8x2048xf32> to vector<1x8x2048xf32>
    tpu.vector_store %arg4[%swap3A_54, %swap3A_55, %swap3A_56], %swap3A_59 {strides = array<i32>} : memref<1x8x2048xf32, #tpu.memory_space<vmem>>, vector<1x8x2048xf32>,
    %get3A_60 = arith.constant 0 : index
    %get3A_61 = arith.constant 0 : index
    %get3A_62 = arith.constant 0 : index
    %get3A_63 = vector.load %arg4[%get3A_60, %get3A_61, %get3A_62] : memref<1x8x2048xf32, #tpu.memory_space<vmem>>, vector<1x8x2048xf32>
    %get3A_64 = vector.shape_cast %get3A_63 : vector<1x8x2048xf32> to vector<8x2048xf32>
    %slice3A_65 = vector.extract_strided_slice %div3A_20 {offsets = [24, 0], sizes = [8, 2048], strides = [1, 1]} : vector<256x2048xf32> to vector<8x2048xf32>
    %add3A_66 = arith.addf %get3A_64, %slice3A_65 : vector<8x2048xf32>
    %swap3A_67 = arith.constant 0 : index
    %swap3A_68 = arith.constant 0 : index
    %swap3A_69 = arith.constant 0 : index
    %swap3A_70 = vector.load %arg4[%swap3A_67, %swap3A_68, %swap3A_69] : memref<1x8x2048xf32, #tpu.memory_space<vmem>>, vector<1x8x2048xf32>
    %swap3A_71 = vector.shape_cast %swap3A_70 : vector<1x8x2048xf32> to vector<8x2048xf32>
    %swap3A_72 = vector.shape_cast %add3A_66 : vector<8x2048xf32> to vector<1x8x2048xf32>
    tpu.vector_store %arg4[%swap3A_67, %swap3A_68, %swap3A_69], %swap3A_72 {strides = array<i32>} : memref<1x8x2048xf32, #tpu.memory_space<vmem>>, vector<1x8x2048xf32>,
    %get3A_73 = arith.constant 0 : index
    %get3A_74 = arith.constant 0 : index
    %get3A_75 = arith.constant 0 : index
    %get3A_76 = vector.load %arg4[%get3A_73, %get3A_74, %get3A_75] : memref<1x8x2048xf32, #tpu.memory_space<vmem>>, vector<1x8x2048xf32>
    %get3A_77 = vector.shape_cast %get3A_76 : vector<1x8x2048xf32> to vector<8x2048xf32>
    %slice3A_78 = vector.extract_strided_slice %div3A_20 {offsets = [32, 0], sizes = [8, 2048], strides = [1, 1]} : vector<256x2048xf32> to vector<8x2048xf32>
    %add3A_79 = arith.addf %get3A_77, %slice3A_78 : vector<8x2048xf32>
    %swap3A_80 = arith.constant 0 : index
    %swap3A_81 = arith.constant 0 : index
    %swap3A_82 = arith.constant 0 : index
    %swap3A_83 = vector.load %arg4[%swap3A_80, %swap3A_81, %swap3A_82] : memref<1x8x2048xf32, #tpu.memory_space<vmem>>, vector<1x8x2048xf32>
    %swap3A_84 = vector.shape_cast %swap3A_83 : vector<1x8x2048xf32> to vector<8x2048xf32>
    %swap3A_85 = vector.shape_cast %add3A_79 : vector<8x2048xf32> to vector<1x8x2048xf32>
    tpu.vector_store %arg4[%swap3A_80, %swap3A_81, %swap3A_82], %swap3A_85 {strides = array<i32>} : memref<1x8x2048xf32, #tpu.memory_space<vmem>>, vector<1x8x2048xf32>,
    %get3A_86 = arith.constant 0 : index
    %get3A_87 = arith.constant 0 : index
    %get3A_88 = arith.constant 0 : index
    %get3A_89 = vector.load %arg4[%get3A_86, %get3A_87, %get3A_88] : memref<1x8x2048xf32, #tpu.memory_space<vmem>>, vector<1x8x2048xf32>
    %get3A_90 = vector.shape_cast %get3A_89 : vector<1x8x2048xf32> to vector<8x2048xf32>
    %slice3A_91 = vector.extract_strided_slice %div3A_20 {offsets = [40, 0], sizes = [8, 2048], strides = [1, 1]} : vector<256x2048xf32> to vector<8x2048xf32>
    %add3A_92 = arith.addf %get3A_90, %slice3A_91 : vector<8x2048xf32>
    %swap3A_93 = arith.constant 0 : index
    %swap3A_94 = arith.constant 0 : index
    %swap3A_95 = arith.constant 0 : index
    %swap3A_96 = vector.load %arg4[%swap3A_93, %swap3A_94, %swap3A_95] : memref<1x8x2048xf32, #tpu.memory_space<vmem>>, vector<1x8x2048xf32>
    %swap3A_97 = vector.shape_cast %swap3A_96 : vector<1x8x2048xf32> to vector<8x2048xf32>
    %swap3A_98 = vector.shape_cast %add3A_92 : vector<8x2048xf32> to vector<1x8x2048xf32>
    tpu.vector_store %arg4[%swap3A_93, %swap3A_94, %swap3A_95], %swap3A_98 {strides = array<i32>} : memref<1x8x2048xf32, #tpu.memory_space<vmem>>, vector<1x8x2048xf32>,
    %get3A_99 = arith.constant 0 : index
    %get3A_100 = arith.constant 0 : index
    %get3A_101 = arith.constant 0 : index
    %get3A_102 = vector.load %arg4[%get3A_99, %get3A_100, %get3A_101] : memref<1x8x2048xf32, #tpu.memory_space<vmem>>, vector<1x8x2048xf32>
    %get3A_103 = vector.shape_cast %get3A_102 : vector<1x8x2048xf32> to vector<8x2048xf32>
    %slice3A_104 = vector.extract_strided_slice %div3A_20 {offsets = [48, 0], sizes = [8, 2048], strides = [1, 1]} : vector<256x2048xf32> to vector<8x2048xf32>
    %add3A_105 = arith.addf %get3A_103, %slice3A_104 : vector<8x2048xf32>
    %swap3A_106 = arith.constant 0 : index
    %swap3A_107 = arith.constant 0 : index
    %swap3A_108 = arith.constant 0 : index
    %swap3A_109 = vector.load %arg4[%swap3A_106, %swap3A_107, %swap3A_108] : memref<1x8x2048xf32, #tpu.memory_space<vmem>>, vector<1x8x2048xf32>
    %swap3A_110 = vector.shape_cast %swap3A_109 : vector<1x8x2048xf32> to vector<8x2048xf32>
    %swap3A_111 = vector.shape_cast %add3A_105 : vector<8x2048xf32> to vector<1x8x2048xf32>
    tpu.vector_store %arg4[%swap3A_106, %swap3A_107, %swap3A_108], %swap3A_111 {strides = array<i32>} : memref<1x8x2048xf32, #tpu.memory_space<vmem>>, vector<1x8x2048xf32>,
    %get3A_112 = arith.constant 0 : index
    %get3A_113 = arith.constant 0 : index
    %get3A_114 = arith.constant 0 : index
    %get3A_115 = vector.load %arg4[%get3A_112, %get3A_113, %get3A_114] : memref<1x8x2048xf32, #tpu.memory_space<vmem>>, vector<1x8x2048xf32>
    %get3A_116 = vector.shape_cast %get3A_115 : vector<1x8x2048xf32> to vector<8x2048xf32>
    %slice3A_117 = vector.extract_strided_slice %div3A_20 {offsets = [56, 0], sizes = [8, 2048], strides = [1, 1]} : vector<256x2048xf32> to vector<8x2048xf32>
    %add3A_118 = arith.addf %get3A_116, %slice3A_117 : vector<8x2048xf32>
    %swap3A_119 = arith.constant 0 : index
    %swap3A_120 = arith.constant 0 : index
    %swap3A_121 = arith.constant 0 : index
    %swap3A_122 = vector.load %arg4[%swap3A_119, %swap3A_120, %swap3A_121] : memref<1x8x2048xf32, #tpu.memory_space<vmem>>, vector<1x8x2048xf32>
    %swap3A_123 = vector.shape_cast %swap3A_122 : vector<1x8x2048xf32> to vector<8x2048xf32>
    %swap3A_124 = vector.shape_cast %add3A_118 : vector<8x2048xf32> to vector<1x8x2048xf32>
    tpu.vector_store %arg4[%swap3A_119, %swap3A_120, %swap3A_121], %swap3A_124 {strides = array<i32>} : memref<1x8x2048xf32, #tpu.memory_space<vmem>>, vector<1x8x2048xf32>,
    %get3A_125 = arith.constant 0 : index
    %get3A_126 = arith.constant 0 : index
    %get3A_127 = arith.constant 0 : index
    %get3A_128 = vector.load %arg4[%get3A_125, %get3A_126, %get3A_127] : memref<1x8x2048xf32, #tpu.memory_space<vmem>>, vector<1x8x2048xf32>
    %get3A_129 = vector.shape_cast %get3A_128 : vector<1x8x2048xf32> to vector<8x2048xf32>
    %slice3A_130 = vector.extract_strided_slice %div3A_20 {offsets = [64, 0], sizes = [8, 2048], strides = [1, 1]} : vector<256x2048xf32> to vector<8x2048xf32>
    %add3A_131 = arith.addf %get3A_129, %slice3A_130 : vector<8x2048xf32>
    %swap3A_132 = arith.constant 0 : index
    %swap3A_133 = arith.constant 0 : index
    %swap3A_134 = arith.constant 0 : index
    %swap3A_135 = vector.load %arg4[%swap3A_132, %swap3A_133, %swap3A_134] : memref<1x8x2048xf32, #tpu.memory_space<vmem>>, vector<1x8x2048xf32>
    %swap3A_136 = vector.shape_cast %swap3A_135 : vector<1x8x2048xf32> to vector<8x2048xf32>
    %swap3A_137 = vector.shape_cast %add3A_131 : vector<8x2048xf32> to vector<1x8x2048xf32>
    tpu.vector_store %arg4[%swap3A_132, %swap3A_133, %swap3A_134], %swap3A_137 {strides = array<i32>} : memref<1x8x2048xf32, #tpu.memory_space<vmem>>, vector<1x8x2048xf32>,
    %get3A_138 = arith.constant 0 : index
    %get3A_139 = arith.constant 0 : index
    %get3A_140 = arith.constant 0 : index
    %get3A_141 = vector.load %arg4[%get3A_138, %get3A_139, %get3A_140] : memref<1x8x2048xf32, #tpu.memory_space<vmem>>, vector<1x8x2048xf32>
    %get3A_142 = vector.shape_cast %get3A_141 : vector<1x8x2048xf32> to vector<8x2048xf32>
    %slice3A_143 = vector.extract_strided_slice %div3A_20 {offsets = [72, 0], sizes = [8, 2048], strides = [1, 1]} : vector<256x2048xf32> to vector<8x2048xf32>
    %add3A_144 = arith.addf %get3A_142, %slice3A_143 : vector<8x2048xf32>
    %swap3A_145 = arith.constant 0 : index
    %swap3A_146 = arith.constant 0 : index
    %swap3A_147 = arith.constant 0 : index
    %swap3A_148 = vector.load %arg4[%swap3A_145, %swap3A_146, %swap3A_147] : memref<1x8x2048xf32, #tpu.memory_space<vmem>>, vector<1x8x2048xf32>
    %swap3A_149 = vector.shape_cast %swap3A_148 : vector<1x8x2048xf32> to vector<8x2048xf32>
    %swap3A_150 = vector.shape_cast %add3A_144 : vector<8x2048xf32> to vector<1x8x2048xf32>
    tpu.vector_store %arg4[%swap3A_145, %swap3A_146, %swap3A_147], %swap3A_150 {strides = array<i32>} : memref<1x8x2048xf32, #tpu.memory_space<vmem>>, vector<1x8x2048xf32>,
    %get3A_151 = arith.constant 0 : index
    %get3A_152 = arith.constant 0 : index
    %get3A_153 = arith.constant 0 : index
    %get3A_154 = vector.load %arg4[%get3A_151, %get3A_152, %get3A_153] : memref<1x8x2048xf32, #tpu.memory_space<vmem>>, vector<1x8x2048xf32>
    %get3A_155 = vector.shape_cast %get3A_154 : vector<1x8x2048xf32> to vector<8x2048xf32>
    %slice3A_156 = vector.extract_strided_slice %div3A_20 {offsets = [80, 0], sizes = [8, 2048], strides = [1, 1]} : vector<256x2048xf32> to vector<8x2048xf32>
    %add3A_157 = arith.addf %get3A_155, %slice3A_156 : vector<8x2048xf32>
    %swap3A_158 = arith.constant 0 : index
    %swap3A_159 = arith.constant 0 : index
    %swap3A_160 = arith.constant 0 : index
    %swap3A_161 = vector.load %arg4[%swap3A_158, %swap3A_159, %swap3A_160] : memref<1x8x2048xf32, #tpu.memory_space<vmem>>, vector<1x8x2048xf32>
    %swap3A_162 = vector.shape_cast %swap3A_161 : vector<1x8x2048xf32> to vector<8x2048xf32>
    %swap3A_163 = vector.shape_cast %add3A_157 : vector<8x2048xf32> to vector<1x8x2048xf32>
    tpu.vector_store %arg4[%swap3A_158, %swap3A_159, %swap3A_160], %swap3A_163 {strides = array<i32>} : memref<1x8x2048xf32, #tpu.memory_space<vmem>>, vector<1x8x2048xf32>,
    %get3A_164 = arith.constant 0 : index
    %get3A_165 = arith.constant 0 : index
    %get3A_166 = arith.constant 0 : index
    %get3A_167 = vector.load %arg4[%get3A_164, %get3A_165, %get3A_166] : memref<1x8x2048xf32, #tpu.memory_space<vmem>>, vector<1x8x2048xf32>
    %get3A_168 = vector.shape_cast %get3A_167 : vector<1x8x2048xf32> to vector<8x2048xf32>
    %slice3A_169 = vector.extract_strided_slice %div3A_20 {offsets = [88, 0], sizes = [8, 2048], strides = [1, 1]} : vector<256x2048xf32> to vector<8x2048xf32>
    %add3A_170 = arith.addf %get3A_168, %slice3A_169 : vector<8x2048xf32>
    %swap3A_171 = arith.constant 0 : index
    %swap3A_172 = arith.constant 0 : index
    %swap3A_173 = arith.constant 0 : index
    %swap3A_174 = vector.load %arg4[%swap3A_171, %swap3A_172, %swap3A_173] : memref<1x8x2048xf32, #tpu.memory_space<vmem>>, vector<1x8x2048xf32>
    %swap3A_175 = vector.shape_cast %swap3A_174 : vector<1x8x2048xf32> to vector<8x2048xf32>
    %swap3A_176 = vector.shape_cast %add3A_170 : vector<8x2048xf32> to vector<1x8x2048xf32>
    tpu.vector_store %arg4[%swap3A_171, %swap3A_172, %swap3A_173], %swap3A_176 {strides = array<i32>} : memref<1x8x2048xf32, #tpu.memory_space<vmem>>, vector<1x8x2048xf32>,
    %get3A_177 = arith.constant 0 : index
    %get3A_178 = arith.constant 0 : index
    %get3A_179 = arith.constant 0 : index
    %get3A_180 = vector.load %arg4[%get3A_177, %get3A_178, %get3A_179] : memref<1x8x2048xf32, #tpu.memory_space<vmem>>, vector<1x8x2048xf32>
    %get3A_181 = vector.shape_cast %get3A_180 : vector<1x8x2048xf32> to vector<8x2048xf32>
    %slice3A_182 = vector.extract_strided_slice %div3A_20 {offsets = [96, 0], sizes = [8, 2048], strides = [1, 1]} : vector<256x2048xf32> to vector<8x2048xf32>
    %add3A_183 = arith.addf %get3A_181, %slice3A_182 : vector<8x2048xf32>
    %swap3A_184 = arith.constant 0 : index
    %swap3A_185 = arith.constant 0 : index
    %swap3A_186 = arith.constant 0 : index
    %swap3A_187 = vector.load %arg4[%swap3A_184, %swap3A_185, %swap3A_186] : memref<1x8x2048xf32, #tpu.memory_space<vmem>>, vector<1x8x2048xf32>
    %swap3A_188 = vector.shape_cast %swap3A_187 : vector<1x8x2048xf32> to vector<8x2048xf32>
    %swap3A_189 = vector.shape_cast %add3A_183 : vector<8x2048xf32> to vector<1x8x2048xf32>
    tpu.vector_store %arg4[%swap3A_184, %swap3A_185, %swap3A_186], %swap3A_189 {strides = array<i32>} : memref<1x8x2048xf32, #tpu.memory_space<vmem>>, vector<1x8x2048xf32>,
    %get3A_190 = arith.constant 0 : index
    %get3A_191 = arith.constant 0 : index
    %get3A_192 = arith.constant 0 : index
    %get3A_193 = vector.load %arg4[%get3A_190, %get3A_191, %get3A_192] : memref<1x8x2048xf32, #tpu.memory_space<vmem>>, vector<1x8x2048xf32>
    %get3A_194 = vector.shape_cast %get3A_193 : vector<1x8x2048xf32> to vector<8x2048xf32>
    %slice3A_195 = vector.extract_strided_slice %div3A_20 {offsets = [104, 0], sizes = [8, 2048], strides = [1, 1]} : vector<256x2048xf32> to vector<8x2048xf32>
    %add3A_196 = arith.addf %get3A_194, %slice3A_195 : vector<8x2048xf32>
    %swap3A_197 = arith.constant 0 : index
    %swap3A_198 = arith.constant 0 : index
    %swap3A_199 = arith.constant 0 : index
    %swap3A_200 = vector.load %arg4[%swap3A_197, %swap3A_198, %swap3A_199] : memref<1x8x2048xf32, #tpu.memory_space<vmem>>, vector<1x8x2048xf32>
    %swap3A_201 = vector.shape_cast %swap3A_200 : vector<1x8x2048xf32> to vector<8x2048xf32>
    %swap3A_202 = vector.shape_cast %add3A_196 : vector<8x2048xf32> to vector<1x8x2048xf32>
    tpu.vector_store %arg4[%swap3A_197, %swap3A_198, %swap3A_199], %swap3A_202 {strides = array<i32>} : memref<1x8x2048xf32, #tpu.memory_space<vmem>>, vector<1x8x2048xf32>,
    %get3A_203 = arith.constant 0 : index
    %get3A_204 = arith.constant 0 : index
    %get3A_205 = arith.constant 0 : index
    %get3A_206 = vector.load %arg4[%get3A_203, %get3A_204, %get3A_205] : memref<1x8x2048xf32, #tpu.memory_space<vmem>>, vector<1x8x2048xf32>
    %get3A_207 = vector.shape_cast %get3A_206 : vector<1x8x2048xf32> to vector<8x2048xf32>
    %slice3A_208 = vector.extract_strided_slice %div3A_20 {offsets = [112, 0], sizes = [8, 2048], strides = [1, 1]} : vector<256x2048xf32> to vector<8x2048xf32>
    %add3A_209 = arith.addf %get3A_207, %slice3A_208 : vector<8x2048xf32>
    %swap3A_210 = arith.constant 0 : index
    %swap3A_211 = arith.constant 0 : index
    %swap3A_212 = arith.constant 0 : index
    %swap3A_213 = vector.load %arg4[%swap3A_210, %swap3A_211, %swap3A_212] : memref<1x8x2048xf32, #tpu.memory_space<vmem>>, vector<1x8x2048xf32>
    %swap3A_214 = vector.shape_cast %swap3A_213 : vector<1x8x2048xf32> to vector<8x2048xf32>
    %swap3A_215 = vector.shape_cast %add3A_209 : vector<8x2048xf32> to vector<1x8x2048xf32>
    tpu.vector_store %arg4[%swap3A_210, %swap3A_211, %swap3A_212], %swap3A_215 {strides = array<i32>} : memref<1x8x2048xf32, #tpu.memory_space<vmem>>, vector<1x8x2048xf32>,
    %get3A_216 = arith.constant 0 : index
    %get3A_217 = arith.constant 0 : index
    %get3A_218 = arith.constant 0 : index
    %get3A_219 = vector.load %arg4[%get3A_216, %get3A_217, %get3A_218] : memref<1x8x2048xf32, #tpu.memory_space<vmem>>, vector<1x8x2048xf32>
    %get3A_220 = vector.shape_cast %get3A_219 : vector<1x8x2048xf32> to vector<8x2048xf32>
    %slice3A_221 = vector.extract_strided_slice %div3A_20 {offsets = [120, 0], sizes = [8, 2048], strides = [1, 1]} : vector<256x2048xf32> to vector<8x2048xf32>
    %add3A_222 = arith.addf %get3A_220, %slice3A_221 : vector<8x2048xf32>
    %swap3A_223 = arith.constant 0 : index
    %swap3A_224 = arith.constant 0 : index
    %swap3A_225 = arith.constant 0 : index
    %swap3A_226 = vector.load %arg4[%swap3A_223, %swap3A_224, %swap3A_225] : memref<1x8x2048xf32, #tpu.memory_space<vmem>>, vector<1x8x2048xf32>
    %swap3A_227 = vector.shape_cast %swap3A_226 : vector<1x8x2048xf32> to vector<8x2048xf32>
    %swap3A_228 = vector.shape_cast %add3A_222 : vector<8x2048xf32> to vector<1x8x2048xf32>
    tpu.vector_store %arg4[%swap3A_223, %swap3A_224, %swap3A_225], %swap3A_228 {strides = array<i32>} : memref<1x8x2048xf32, #tpu.memory_space<vmem>>, vector<1x8x2048xf32>,
    %get3A_229 = arith.constant 0 : index
    %get3A_230 = arith.constant 0 : index
    %get3A_231 = arith.constant 0 : index
    %get3A_232 = vector.load %arg4[%get3A_229, %get3A_230, %get3A_231] : memref<1x8x2048xf32, #tpu.memory_space<vmem>>, vector<1x8x2048xf32>
    %get3A_233 = vector.shape_cast %get3A_232 : vector<1x8x2048xf32> to vector<8x2048xf32>
    %slice3A_234 = vector.extract_strided_slice %div3A_20 {offsets = [128, 0], sizes = [8, 2048], strides = [1, 1]} : vector<256x2048xf32> to vector<8x2048xf32>
    %add3A_235 = arith.addf %get3A_233, %slice3A_234 : vector<8x2048xf32>
    %swap3A_236 = arith.constant 0 : index
    %swap3A_237 = arith.constant 0 : index
    %swap3A_238 = arith.constant 0 : index
    %swap3A_239 = vector.load %arg4[%swap3A_236, %swap3A_237, %swap3A_238] : memref<1x8x2048xf32, #tpu.memory_space<vmem>>, vector<1x8x2048xf32>
    %swap3A_240 = vector.shape_cast %swap3A_239 : vector<1x8x2048xf32> to vector<8x2048xf32>
    %swap3A_241 = vector.shape_cast %add3A_235 : vector<8x2048xf32> to vector<1x8x2048xf32>
    tpu.vector_store %arg4[%swap3A_236, %swap3A_237, %swap3A_238], %swap3A_241 {strides = array<i32>} : memref<1x8x2048xf32, #tpu.memory_space<vmem>>, vector<1x8x2048xf32>,
    %get3A_242 = arith.constant 0 : index
    %get3A_243 = arith.constant 0 : index
    %get3A_244 = arith.constant 0 : index
    %get3A_245 = vector.load %arg4[%get3A_242, %get3A_243, %get3A_244] : memref<1x8x2048xf32, #tpu.memory_space<vmem>>, vector<1x8x2048xf32>
    %get3A_246 = vector.shape_cast %get3A_245 : vector<1x8x2048xf32> to vector<8x2048xf32>
    %slice3A_247 = vector.extract_strided_slice %div3A_20 {offsets = [136, 0], sizes = [8, 2048], strides = [1, 1]} : vector<256x2048xf32> to vector<8x2048xf32>
    %add3A_248 = arith.addf %get3A_246, %slice3A_247 : vector<8x2048xf32>
    %swap3A_249 = arith.constant 0 : index
    %swap3A_250 = arith.constant 0 : index
    %swap3A_251 = arith.constant 0 : index
    %swap3A_252 = vector.load %arg4[%swap3A_249, %swap3A_250, %swap3A_251] : memref<1x8x2048xf32, #tpu.memory_space<vmem>>, vector<1x8x2048xf32>
    %swap3A_253 = vector.shape_cast %swap3A_252 : vector<1x8x2048xf32> to vector<8x2048xf32>
    %swap3A_254 = vector.shape_cast %add3A_248 : vector<8x2048xf32> to vector<1x8x2048xf32>
    tpu.vector_store %arg4[%swap3A_249, %swap3A_250, %swap3A_251], %swap3A_254 {strides = array<i32>} : memref<1x8x2048xf32, #tpu.memory_space<vmem>>, vector<1x8x2048xf32>,
    %get3A_255 = arith.constant 0 : index
    %get3A_256 = arith.constant 0 : index
    %get3A_257 = arith.constant 0 : index
    %get3A_258 = vector.load %arg4[%get3A_255, %get3A_256, %get3A_257] : memref<1x8x2048xf32, #tpu.memory_space<vmem>>, vector<1x8x2048xf32>
    %get3A_259 = vector.shape_cast %get3A_258 : vector<1x8x2048xf32> to vector<8x2048xf32>
    %slice3A_260 = vector.extract_strided_slice %div3A_20 {offsets = [144, 0], sizes = [8, 2048], strides = [1, 1]} : vector<256x2048xf32> to vector<8x2048xf32>
    %add3A_261 = arith.addf %get3A_259, %slice3A_260 : vector<8x2048xf32>
    %swap3A_262 = arith.constant 0 : index
    %swap3A_263 = arith.constant 0 : index
    %swap3A_264 = arith.constant 0 : index
    %swap3A_265 = vector.load %arg4[%swap3A_262, %swap3A_263, %swap3A_264] : memref<1x8x2048xf32, #tpu.memory_space<vmem>>, vector<1x8x2048xf32>
    %swap3A_266 = vector.shape_cast %swap3A_265 : vector<1x8x2048xf32> to vector<8x2048xf32>
    %swap3A_267 = vector.shape_cast %add3A_261 : vector<8x2048xf32> to vector<1x8x2048xf32>
    tpu.vector_store %arg4[%swap3A_262, %swap3A_263, %swap3A_264], %swap3A_267 {strides = array<i32>} : memref<1x8x2048xf32, #tpu.memory_space<vmem>>, vector<1x8x2048xf32>,
    %get3A_268 = arith.constant 0 : index
    %get3A_269 = arith.constant 0 : index
    %get3A_270 = arith.constant 0 : index
    %get3A_271 = vector.load %arg4[%get3A_268, %get3A_269, %get3A_270] : memref<1x8x2048xf32, #tpu.memory_space<vmem>>, vector<1x8x2048xf32>
    %get3A_272 = vector.shape_cast %get3A_271 : vector<1x8x2048xf32> to vector<8x2048xf32>
    %slice3A_273 = vector.extract_strided_slice %div3A_20 {offsets = [152, 0], sizes = [8, 2048], strides = [1, 1]} : vector<256x2048xf32> to vector<8x2048xf32>
    %add3A_274 = arith.addf %get3A_272, %slice3A_273 : vector<8x2048xf32>
    %swap3A_275 = arith.constant 0 : index
    %swap3A_276 = arith.constant 0 : index
    %swap3A_277 = arith.constant 0 : index
    %swap3A_278 = vector.load %arg4[%swap3A_275, %swap3A_276, %swap3A_277] : memref<1x8x2048xf32, #tpu.memory_space<vmem>>, vector<1x8x2048xf32>
    %swap3A_279 = vector.shape_cast %swap3A_278 : vector<1x8x2048xf32> to vector<8x2048xf32>
    %swap3A_280 = vector.shape_cast %add3A_274 : vector<8x2048xf32> to vector<1x8x2048xf32>
    tpu.vector_store %arg4[%swap3A_275, %swap3A_276, %swap3A_277], %swap3A_280 {strides = array<i32>} : memref<1x8x2048xf32, #tpu.memory_space<vmem>>, vector<1x8x2048xf32>,
    %get3A_281 = arith.constant 0 : index
    %get3A_282 = arith.constant 0 : index
    %get3A_283 = arith.constant 0 : index
    %get3A_284 = vector.load %arg4[%get3A_281, %get3A_282, %get3A_283] : memref<1x8x2048xf32, #tpu.memory_space<vmem>>, vector<1x8x2048xf32>
    %get3A_285 = vector.shape_cast %get3A_284 : vector<1x8x2048xf32> to vector<8x2048xf32>
    %slice3A_286 = vector.extract_strided_slice %div3A_20 {offsets = [160, 0], sizes = [8, 2048], strides = [1, 1]} : vector<256x2048xf32> to vector<8x2048xf32>
    %add3A_287 = arith.addf %get3A_285, %slice3A_286 : vector<8x2048xf32>
    %swap3A_288 = arith.constant 0 : index
    %swap3A_289 = arith.constant 0 : index
    %swap3A_290 = arith.constant 0 : index
    %swap3A_291 = vector.load %arg4[%swap3A_288, %swap3A_289, %swap3A_290] : memref<1x8x2048xf32, #tpu.memory_space<vmem>>, vector<1x8x2048xf32>
    %swap3A_292 = vector.shape_cast %swap3A_291 : vector<1x8x2048xf32> to vector<8x2048xf32>
    %swap3A_293 = vector.shape_cast %add3A_287 : vector<8x2048xf32> to vector<1x8x2048xf32>
    tpu.vector_store %arg4[%swap3A_288, %swap3A_289, %swap3A_290], %swap3A_293 {strides = array<i32>} : memref<1x8x2048xf32, #tpu.memory_space<vmem>>, vector<1x8x2048xf32>,
    %get3A_294 = arith.constant 0 : index
    %get3A_295 = arith.constant 0 : index
    %get3A_296 = arith.constant 0 : index
    %get3A_297 = vector.load %arg4[%get3A_294, %get3A_295, %get3A_296] : memref<1x8x2048xf32, #tpu.memory_space<vmem>>, vector<1x8x2048xf32>
    %get3A_298 = vector.shape_cast %get3A_297 : vector<1x8x2048xf32> to vector<8x2048xf32>
    %slice3A_299 = vector.extract_strided_slice %div3A_20 {offsets = [168, 0], sizes = [8, 2048], strides = [1, 1]} : vector<256x2048xf32> to vector<8x2048xf32>
    %add3A_300 = arith.addf %get3A_298, %slice3A_299 : vector<8x2048xf32>
    %swap3A_301 = arith.constant 0 : index
    %swap3A_302 = arith.constant 0 : index
    %swap3A_303 = arith.constant 0 : index
    %swap3A_304 = vector.load %arg4[%swap3A_301, %swap3A_302, %swap3A_303] : memref<1x8x2048xf32, #tpu.memory_space<vmem>>, vector<1x8x2048xf32>
    %swap3A_305 = vector.shape_cast %swap3A_304 : vector<1x8x2048xf32> to vector<8x2048xf32>
    %swap3A_306 = vector.shape_cast %add3A_300 : vector<8x2048xf32> to vector<1x8x2048xf32>
    tpu.vector_store %arg4[%swap3A_301, %swap3A_302, %swap3A_303], %swap3A_306 {strides = array<i32>} : memref<1x8x2048xf32, #tpu.memory_space<vmem>>, vector<1x8x2048xf32>,
    %get3A_307 = arith.constant 0 : index
    %get3A_308 = arith.constant 0 : index
    %get3A_309 = arith.constant 0 : index
    %get3A_310 = vector.load %arg4[%get3A_307, %get3A_308, %get3A_309] : memref<1x8x2048xf32, #tpu.memory_space<vmem>>, vector<1x8x2048xf32>
    %get3A_311 = vector.shape_cast %get3A_310 : vector<1x8x2048xf32> to vector<8x2048xf32>
    %slice3A_312 = vector.extract_strided_slice %div3A_20 {offsets = [176, 0], sizes = [8, 2048], strides = [1, 1]} : vector<256x2048xf32> to vector<8x2048xf32>
    %add3A_313 = arith.addf %get3A_311, %slice3A_312 : vector<8x2048xf32>
    %swap3A_314 = arith.constant 0 : index
    %swap3A_315 = arith.constant 0 : index
    %swap3A_316 = arith.constant 0 : index
    %swap3A_317 = vector.load %arg4[%swap3A_314, %swap3A_315, %swap3A_316] : memref<1x8x2048xf32, #tpu.memory_space<vmem>>, vector<1x8x2048xf32>
    %swap3A_318 = vector.shape_cast %swap3A_317 : vector<1x8x2048xf32> to vector<8x2048xf32>
    %swap3A_319 = vector.shape_cast %add3A_313 : vector<8x2048xf32> to vector<1x8x2048xf32>
    tpu.vector_store %arg4[%swap3A_314, %swap3A_315, %swap3A_316], %swap3A_319 {strides = array<i32>} : memref<1x8x2048xf32, #tpu.memory_space<vmem>>, vector<1x8x2048xf32>,
    %get3A_320 = arith.constant 0 : index
    %get3A_321 = arith.constant 0 : index
    %get3A_322 = arith.constant 0 : index
    %get3A_323 = vector.load %arg4[%get3A_320, %get3A_321, %get3A_322] : memref<1x8x2048xf32, #tpu.memory_space<vmem>>, vector<1x8x2048xf32>
    %get3A_324 = vector.shape_cast %get3A_323 : vector<1x8x2048xf32> to vector<8x2048xf32>
    %slice3A_325 = vector.extract_strided_slice %div3A_20 {offsets = [184, 0], sizes = [8, 2048], strides = [1, 1]} : vector<256x2048xf32> to vector<8x2048xf32>
    %add3A_326 = arith.addf %get3A_324, %slice3A_325 : vector<8x2048xf32>
    %swap3A_327 = arith.constant 0 : index
    %swap3A_328 = arith.constant 0 : index
    %swap3A_329 = arith.constant 0 : index
    %swap3A_330 = vector.load %arg4[%swap3A_327, %swap3A_328, %swap3A_329] : memref<1x8x2048xf32, #tpu.memory_space<vmem>>, vector<1x8x2048xf32>
    %swap3A_331 = vector.shape_cast %swap3A_330 : vector<1x8x2048xf32> to vector<8x2048xf32>
    %swap3A_332 = vector.shape_cast %add3A_326 : vector<8x2048xf32> to vector<1x8x2048xf32>
    tpu.vector_store %arg4[%swap3A_327, %swap3A_328, %swap3A_329], %swap3A_332 {strides = array<i32>} : memref<1x8x2048xf32, #tpu.memory_space<vmem>>, vector<1x8x2048xf32>,
    %get3A_333 = arith.constant 0 : index
    %get3A_334 = arith.constant 0 : index
    %get3A_335 = arith.constant 0 : index
    %get3A_336 = vector.load %arg4[%get3A_333, %get3A_334, %get3A_335] : memref<1x8x2048xf32, #tpu.memory_space<vmem>>, vector<1x8x2048xf32>
    %get3A_337 = vector.shape_cast %get3A_336 : vector<1x8x2048xf32> to vector<8x2048xf32>
    %slice3A_338 = vector.extract_strided_slice %div3A_20 {offsets = [192, 0], sizes = [8, 2048], strides = [1, 1]} : vector<256x2048xf32> to vector<8x2048xf32>
    %add3A_339 = arith.addf %get3A_337, %slice3A_338 : vector<8x2048xf32>
    %swap3A_340 = arith.constant 0 : index
    %swap3A_341 = arith.constant 0 : index
    %swap3A_342 = arith.constant 0 : index
    %swap3A_343 = vector.load %arg4[%swap3A_340, %swap3A_341, %swap3A_342] : memref<1x8x2048xf32, #tpu.memory_space<vmem>>, vector<1x8x2048xf32>
    %swap3A_344 = vector.shape_cast %swap3A_343 : vector<1x8x2048xf32> to vector<8x2048xf32>
    %swap3A_345 = vector.shape_cast %add3A_339 : vector<8x2048xf32> to vector<1x8x2048xf32>
    tpu.vector_store %arg4[%swap3A_340, %swap3A_341, %swap3A_342], %swap3A_345 {strides = array<i32>} : memref<1x8x2048xf32, #tpu.memory_space<vmem>>, vector<1x8x2048xf32>,
    %get3A_346 = arith.constant 0 : index
    %get3A_347 = arith.constant 0 : index
    %get3A_348 = arith.constant 0 : index
    %get3A_349 = vector.load %arg4[%get3A_346, %get3A_347, %get3A_348] : memref<1x8x2048xf32, #tpu.memory_space<vmem>>, vector<1x8x2048xf32>
    %get3A_350 = vector.shape_cast %get3A_349 : vector<1x8x2048xf32> to vector<8x2048xf32>
    %slice3A_351 = vector.extract_strided_slice %div3A_20 {offsets = [200, 0], sizes = [8, 2048], strides = [1, 1]} : vector<256x2048xf32> to vector<8x2048xf32>
    %add3A_352 = arith.addf %get3A_350, %slice3A_351 : vector<8x2048xf32>
    %swap3A_353 = arith.constant 0 : index
    %swap3A_354 = arith.constant 0 : index
    %swap3A_355 = arith.constant 0 : index
    %swap3A_356 = vector.load %arg4[%swap3A_353, %swap3A_354, %swap3A_355] : memref<1x8x2048xf32, #tpu.memory_space<vmem>>, vector<1x8x2048xf32>
    %swap3A_357 = vector.shape_cast %swap3A_356 : vector<1x8x2048xf32> to vector<8x2048xf32>
    %swap3A_358 = vector.shape_cast %add3A_352 : vector<8x2048xf32> to vector<1x8x2048xf32>
    tpu.vector_store %arg4[%swap3A_353, %swap3A_354, %swap3A_355], %swap3A_358 {strides = array<i32>} : memref<1x8x2048xf32, #tpu.memory_space<vmem>>, vector<1x8x2048xf32>,
    %get3A_359 = arith.constant 0 : index
    %get3A_360 = arith.constant 0 : index
    %get3A_361 = arith.constant 0 : index
    %get3A_362 = vector.load %arg4[%get3A_359, %get3A_360, %get3A_361] : memref<1x8x2048xf32, #tpu.memory_space<vmem>>, vector<1x8x2048xf32>
    %get3A_363 = vector.shape_cast %get3A_362 : vector<1x8x2048xf32> to vector<8x2048xf32>
    %slice3A_364 = vector.extract_strided_slice %div3A_20 {offsets = [208, 0], sizes = [8, 2048], strides = [1, 1]} : vector<256x2048xf32> to vector<8x2048xf32>
    %add3A_365 = arith.addf %get3A_363, %slice3A_364 : vector<8x2048xf32>
    %swap3A_366 = arith.constant 0 : index
    %swap3A_367 = arith.constant 0 : index
    %swap3A_368 = arith.constant 0 : index
    %swap3A_369 = vector.load %arg4[%swap3A_366, %swap3A_367, %swap3A_368] : memref<1x8x2048xf32, #tpu.memory_space<vmem>>, vector<1x8x2048xf32>
    %swap3A_370 = vector.shape_cast %swap3A_369 : vector<1x8x2048xf32> to vector<8x2048xf32>
    %swap3A_371 = vector.shape_cast %add3A_365 : vector<8x2048xf32> to vector<1x8x2048xf32>
    tpu.vector_store %arg4[%swap3A_366, %swap3A_367, %swap3A_368], %swap3A_371 {strides = array<i32>} : memref<1x8x2048xf32, #tpu.memory_space<vmem>>, vector<1x8x2048xf32>,
    %get3A_372 = arith.constant 0 : index
    %get3A_373 = arith.constant 0 : index
    %get3A_374 = arith.constant 0 : index
    %get3A_375 = vector.load %arg4[%get3A_372, %get3A_373, %get3A_374] : memref<1x8x2048xf32, #tpu.memory_space<vmem>>, vector<1x8x2048xf32>
    %get3A_376 = vector.shape_cast %get3A_375 : vector<1x8x2048xf32> to vector<8x2048xf32>
    %slice3A_377 = vector.extract_strided_slice %div3A_20 {offsets = [216, 0], sizes = [8, 2048], strides = [1, 1]} : vector<256x2048xf32> to vector<8x2048xf32>
    %add3A_378 = arith.addf %get3A_376, %slice3A_377 : vector<8x2048xf32>
    %swap3A_379 = arith.constant 0 : index
    %swap3A_380 = arith.constant 0 : index
    %swap3A_381 = arith.constant 0 : index
    %swap3A_382 = vector.load %arg4[%swap3A_379, %swap3A_380, %swap3A_381] : memref<1x8x2048xf32, #tpu.memory_space<vmem>>, vector<1x8x2048xf32>
    %swap3A_383 = vector.shape_cast %swap3A_382 : vector<1x8x2048xf32> to vector<8x2048xf32>
    %swap3A_384 = vector.shape_cast %add3A_378 : vector<8x2048xf32> to vector<1x8x2048xf32>
    tpu.vector_store %arg4[%swap3A_379, %swap3A_380, %swap3A_381], %swap3A_384 {strides = array<i32>} : memref<1x8x2048xf32, #tpu.memory_space<vmem>>, vector<1x8x2048xf32>,
    %get3A_385 = arith.constant 0 : index
    %get3A_386 = arith.constant 0 : index
    %get3A_387 = arith.constant 0 : index
    %get3A_388 = vector.load %arg4[%get3A_385, %get3A_386, %get3A_387] : memref<1x8x2048xf32, #tpu.memory_space<vmem>>, vector<1x8x2048xf32>
    %get3A_389 = vector.shape_cast %get3A_388 : vector<1x8x2048xf32> to vector<8x2048xf32>
    %slice3A_390 = vector.extract_strided_slice %div3A_20 {offsets = [224, 0], sizes = [8, 2048], strides = [1, 1]} : vector<256x2048xf32> to vector<8x2048xf32>
    %add3A_391 = arith.addf %get3A_389, %slice3A_390 : vector<8x2048xf32>
    %swap3A_392 = arith.constant 0 : index
    %swap3A_393 = arith.constant 0 : index
    %swap3A_394 = arith.constant 0 : index
    %swap3A_395 = vector.load %arg4[%swap3A_392, %swap3A_393, %swap3A_394] : memref<1x8x2048xf32, #tpu.memory_space<vmem>>, vector<1x8x2048xf32>
    %swap3A_396 = vector.shape_cast %swap3A_395 : vector<1x8x2048xf32> to vector<8x2048xf32>
    %swap3A_397 = vector.shape_cast %add3A_391 : vector<8x2048xf32> to vector<1x8x2048xf32>
    tpu.vector_store %arg4[%swap3A_392, %swap3A_393, %swap3A_394], %swap3A_397 {strides = array<i32>} : memref<1x8x2048xf32, #tpu.memory_space<vmem>>, vector<1x8x2048xf32>,
    %get3A_398 = arith.constant 0 : index
    %get3A_399 = arith.constant 0 : index
    %get3A_400 = arith.constant 0 : index
    %get3A_401 = vector.load %arg4[%get3A_398, %get3A_399, %get3A_400] : memref<1x8x2048xf32, #tpu.memory_space<vmem>>, vector<1x8x2048xf32>
    %get3A_402 = vector.shape_cast %get3A_401 : vector<1x8x2048xf32> to vector<8x2048xf32>
    %slice3A_403 = vector.extract_strided_slice %div3A_20 {offsets = [232, 0], sizes = [8, 2048], strides = [1, 1]} : vector<256x2048xf32> to vector<8x2048xf32>
    %add3A_404 = arith.addf %get3A_402, %slice3A_403 : vector<8x2048xf32>
    %swap3A_405 = arith.constant 0 : index
    %swap3A_406 = arith.constant 0 : index
    %swap3A_407 = arith.constant 0 : index
    %swap3A_408 = vector.load %arg4[%swap3A_405, %swap3A_406, %swap3A_407] : memref<1x8x2048xf32, #tpu.memory_space<vmem>>, vector<1x8x2048xf32>
    %swap3A_409 = vector.shape_cast %swap3A_408 : vector<1x8x2048xf32> to vector<8x2048xf32>
    %swap3A_410 = vector.shape_cast %add3A_404 : vector<8x2048xf32> to vector<1x8x2048xf32>
    tpu.vector_store %arg4[%swap3A_405, %swap3A_406, %swap3A_407], %swap3A_410 {strides = array<i32>} : memref<1x8x2048xf32, #tpu.memory_space<vmem>>, vector<1x8x2048xf32>,
    %get3A_411 = arith.constant 0 : index
    %get3A_412 = arith.constant 0 : index
    %get3A_413 = arith.constant 0 : index
    %get3A_414 = vector.load %arg4[%get3A_411, %get3A_412, %get3A_413] : memref<1x8x2048xf32, #tpu.memory_space<vmem>>, vector<1x8x2048xf32>
    %get3A_415 = vector.shape_cast %get3A_414 : vector<1x8x2048xf32> to vector<8x2048xf32>
    %slice3A_416 = vector.extract_strided_slice %div3A_20 {offsets = [240, 0], sizes = [8, 2048], strides = [1, 1]} : vector<256x2048xf32> to vector<8x2048xf32>
    %add3A_417 = arith.addf %get3A_415, %slice3A_416 : vector<8x2048xf32>
    %swap3A_418 = arith.constant 0 : index
    %swap3A_419 = arith.constant 0 : index
    %swap3A_420 = arith.constant 0 : index
    %swap3A_421 = vector.load %arg4[%swap3A_418, %swap3A_419, %swap3A_420] : memref<1x8x2048xf32, #tpu.memory_space<vmem>>, vector<1x8x2048xf32>
    %swap3A_422 = vector.shape_cast %swap3A_421 : vector<1x8x2048xf32> to vector<8x2048xf32>
    %swap3A_423 = vector.shape_cast %add3A_417 : vector<8x2048xf32> to vector<1x8x2048xf32>
    tpu.vector_store %arg4[%swap3A_418, %swap3A_419, %swap3A_420], %swap3A_423 {strides = array<i32>} : memref<1x8x2048xf32, #tpu.memory_space<vmem>>, vector<1x8x2048xf32>,
    %get3A_424 = arith.constant 0 : index
    %get3A_425 = arith.constant 0 : index
    %get3A_426 = arith.constant 0 : index
    %get3A_427 = vector.load %arg4[%get3A_424, %get3A_425, %get3A_426] : memref<1x8x2048xf32, #tpu.memory_space<vmem>>, vector<1x8x2048xf32>
    %get3A_428 = vector.shape_cast %get3A_427 : vector<1x8x2048xf32> to vector<8x2048xf32>
    %slice3A_429 = vector.extract_strided_slice %div3A_20 {offsets = [248, 0], sizes = [8, 2048], strides = [1, 1]} : vector<256x2048xf32> to vector<8x2048xf32>
    %add3A_430 = arith.addf %get3A_428, %slice3A_429 : vector<8x2048xf32>
    %swap3A_431 = arith.constant 0 : index
    %swap3A_432 = arith.constant 0 : index
    %swap3A_433 = arith.constant 0 : index
    %swap3A_434 = vector.load %arg4[%swap3A_431, %swap3A_432, %swap3A_433] : memref<1x8x2048xf32, #tpu.memory_space<vmem>>, vector<1x8x2048xf32>
    %swap3A_435 = vector.shape_cast %swap3A_434 : vector<1x8x2048xf32> to vector<8x2048xf32>
    %swap3A_436 = vector.shape_cast %add3A_430 : vector<8x2048xf32> to vector<1x8x2048xf32>
    tpu.vector_store %arg4[%swap3A_431, %swap3A_432, %swap3A_433], %swap3A_436 {strides = array<i32>} : memref<1x8x2048xf32, #tpu.memory_space<vmem>>, vector<1x8x2048xf32>,
    return
  }
  func.func @transform_0(%arg0: i32, %arg1: i32) -> (i32, i32, i32) {
    %c0_i32 = arith.constant 0 : i32
    %c0_i32_0 = arith.constant 0 : i32
    return %arg0, %arg1, %c0_i32 : i32, i32, i32
  }
  func.func @transform_1(%arg0: i32, %arg1: i32) -> (i32, i32, i32) {
    %c0_i32 = arith.constant 0 : i32
    %c0_i32_0 = arith.constant 0 : i32
    %c0_i32_1 = arith.constant 0 : i32
    return %arg0, %c0_i32, %c0_i32_0 : i32, i32, i32
  }
  func.func @transform_2(%arg0: i32, %arg1: i32) -> (i32, i32, i32) {
    %c0_i32 = arith.constant 0 : i32
    %c0_i32_0 = arith.constant 0 : i32
    %c0_i32_1 = arith.constant 0 : i32
    return %arg0, %c0_i32, %c0_i32_0 : i32, i32, i32
  }
}

module attributes {stable_mosaic.version = 14 : i64} {
  func.func @_ds_perm_body(%arg0: i32, %arg1: memref<1x8x16x128xf32, #tpu.memory_space<vmem>>, %arg2: memref<1x16x128xi32, #tpu.memory_space<vmem>>) attributes {dimension_semantics = [#tpu.dimension_semantics<arbitrary>], iteration_bounds = array<i64: 4>, scalar_prefetch = 0 : i64, scratch_operands = 0 : i64, tpu.core_type = #tpu.core_type<tc>, window_params = [{transform_indices = @transform_0, window_bounds = array<i64: 1, 8, 16, 128>}, {transform_indices = @transform_1, window_bounds = array<i64: 1, 16, 128>}]} {
    %get3A = arith.constant 0 : index
    %get3A_0 = arith.constant 0 : index
    %get3A_1 = arith.constant 0 : index
    %get3A_2 = arith.constant 0 : index
    %get3A_3 = vector.load %arg1[%get3A, %get3A_0, %get3A_1, %get3A_2] : memref<1x8x16x128xf32, #tpu.memory_space<vmem>>, vector<1x8x16x128xf32>
    %get3A_4 = vector.shape_cast %get3A_3 : vector<1x8x16x128xf32> to vector<8x16x128xf32>
    %slice3A = vector.extract_strided_slice %get3A_4 {offsets = [0, 0, 0], sizes = [4, 16, 128], strides = [1, 1, 1]} : vector<8x16x128xf32> to vector<4x16x128xf32>
    %slice3A_5 = vector.extract_strided_slice %get3A_4 {offsets = [4, 0, 0], sizes = [4, 16, 128], strides = [1, 1, 1]} : vector<8x16x128xf32> to vector<4x16x128xf32>
    %add3A = arith.addf %slice3A, %slice3A_5 : vector<4x16x128xf32>
    %slice3A_6 = vector.extract_strided_slice %add3A {offsets = [0, 0, 0], sizes = [2, 16, 128], strides = [1, 1, 1]} : vector<4x16x128xf32> to vector<2x16x128xf32>
    %slice3A_7 = vector.extract_strided_slice %add3A {offsets = [2, 0, 0], sizes = [2, 16, 128], strides = [1, 1, 1]} : vector<4x16x128xf32> to vector<2x16x128xf32>
    %add3A_8 = arith.addf %slice3A_6, %slice3A_7 : vector<2x16x128xf32>
    %slice3A_9 = vector.extract_strided_slice %add3A_8 {offsets = [0, 0, 0], sizes = [1, 16, 128], strides = [1, 1, 1]} : vector<2x16x128xf32> to vector<1x16x128xf32>
    %squeeze3A = vector.shape_cast %slice3A_9 : vector<1x16x128xf32> to vector<16x128xf32>
    %slice3A_10 = vector.extract_strided_slice %add3A_8 {offsets = [1, 0, 0], sizes = [1, 16, 128], strides = [1, 1, 1]} : vector<2x16x128xf32> to vector<1x16x128xf32>
    %squeeze3A_11 = vector.shape_cast %slice3A_10 : vector<1x16x128xf32> to vector<16x128xf32>
    %add3A_12 = arith.addf %squeeze3A, %squeeze3A_11 : vector<16x128xf32>
    %bitcast_convert_type3A = tpu.bitcast %add3A_12 : vector<16x128xf32> -> vector<16x128xi32>
    %scan3A = arith.constant 0 : i32
    %scan3A_13 = arith.constant 2139095040 : i32
    %scan3A_14 = arith.constant 0 : i32
    %scan3A_15 = arith.constant 31 : i32
    %scan3A_16 = arith.addi %scan3A_14, %scan3A_15 : i32
    %scan3A_17 = arith.constant 1 : i32
    %scan3A_18:2 = scf.for %scan3A_74 = %scan3A_14 to %scan3A_16 step %scan3A_17 iter_args(%scan3A_75 = %scan3A, %scan3A_76 = %scan3A_13) -> (i32, i32)  : i32 {
      %add3A_77 = arith.addi %scan3A_75, %scan3A_76 : i32
      %jit3A = arith.constant 2 : i32
      %div3A = arith.divsi %add3A_77, %jit3A : i32
      %sign3A = arith.constant 0 : i32
      %sign3A_78 = arith.cmpi sgt, %add3A_77, %sign3A : i32
      %sign3A_79 = arith.extui %sign3A_78 : i1 to i32
      %sign3A_80 = arith.constant 0 : i32
      %sign3A_81 = arith.cmpi slt, %add3A_77, %sign3A_80 : i32
      %sign3A_82 = arith.extui %sign3A_81 : i1 to i32
      %sign3A_83 = arith.subi %sign3A_79, %sign3A_82 : i32
      %sign3A_84 = arith.constant 0 : i32
      %sign3A_85 = arith.cmpi sgt, %jit3A, %sign3A_84 : i32
      %sign3A_86 = arith.extui %sign3A_85 : i1 to i32
      %sign3A_87 = arith.constant 0 : i32
      %sign3A_88 = arith.cmpi slt, %jit3A, %sign3A_87 : i32
      %sign3A_89 = arith.extui %sign3A_88 : i1 to i32
      %sign3A_90 = arith.subi %sign3A_86, %sign3A_89 : i32
      %ne3A = arith.cmpi ne, %sign3A_83, %sign3A_90 : i32
      %rem3A = arith.remsi %add3A_77, %jit3A : i32
      %ne3A_91 = arith.constant 0 : i32
      %ne3A_92 = arith.cmpi ne, %rem3A, %ne3A_91 : i32
      %and3A_93 = arith.andi %ne3A, %ne3A_92 : i1
      %sub3A_94 = arith.constant 1 : i32
      %sub3A_95 = arith.subi %div3A, %sub3A_94 : i32
      %select_n3A_96 = arith.select %and3A_93, %sub3A_95, %div3A : i32
      %ge3A = vector.broadcast %select_n3A_96 : i32 to vector<16x128xi32>
      %ge3A_97 = arith.cmpi sge, %bitcast_convert_type3A, %ge3A : vector<16x128xi32>
      %convert_element_type3A_98 = arith.extui %ge3A_97 : vector<16x128xi1> to vector<16x128xi32>
      %reduce_sum3A_99 = vector.shape_cast %convert_element_type3A_98 : vector<16x128xi32> to vector<1x16x128xi32>
      %reduce_sum3A_100 = arith.constant dense<0> : vector<1xi32>
      %reduce_sum3A_101 = vector.multi_reduction <add>, %reduce_sum3A_99, %reduce_sum3A_100 [1, 2] : vector<1x16x128xi32> to vector<1xi32>
      %reduce_sum3A_102 = vector.shape_cast %reduce_sum3A_101 : vector<1xi32> to vector<1x1x1xi32>
      %reduce_sum3A_103 = vector.extract %reduce_sum3A_102[0, 0, 0] : i32 from vector<1x1x1xi32>
      %ge3A_104 = arith.constant 1024 : i32
      %ge3A_105 = arith.cmpi sge, %reduce_sum3A_103, %ge3A_104 : i32
      %select_n3A_106 = arith.select %ge3A_105, %select_n3A_96, %scan3A_75 : i32
      %select_n3A_107 = arith.select %ge3A_105, %scan3A_76, %select_n3A_96 : i32
      scf.yield %select_n3A_106, %select_n3A_107 : i32, i32
    }
    %gt3A = vector.broadcast %scan3A_18#0 : i32 to vector<16x128xi32>
    %gt3A_19 = arith.cmpi sgt, %bitcast_convert_type3A, %gt3A : vector<16x128xi32>
    %eq3A = vector.broadcast %scan3A_18#0 : i32 to vector<16x128xi32>
    %eq3A_20 = arith.cmpi eq, %bitcast_convert_type3A, %eq3A : vector<16x128xi32>
    %convert_element_type3A = arith.extui %gt3A_19 : vector<16x128xi1> to vector<16x128xi32>
    %reduce_sum3A = vector.shape_cast %convert_element_type3A : vector<16x128xi32> to vector<1x16x128xi32>
    %reduce_sum3A_21 = arith.constant dense<0> : vector<1xi32>
    %reduce_sum3A_22 = vector.multi_reduction <add>, %reduce_sum3A, %reduce_sum3A_21 [1, 2] : vector<1x16x128xi32> to vector<1xi32>
    %reduce_sum3A_23 = vector.shape_cast %reduce_sum3A_22 : vector<1xi32> to vector<1x1x1xi32>
    %reduce_sum3A_24 = vector.extract %reduce_sum3A_23[0, 0, 0] : i32 from vector<1x1x1xi32>
    %sub3A = arith.constant 1024 : i32
    %sub3A_25 = arith.subi %sub3A, %reduce_sum3A_24 : i32
    %iota3A = tpu.iota {dimensions = array<i32: 0>} : vector<128x128xi32>
    %iota3A_26 = tpu.iota {dimensions = array<i32: 1>} : vector<128x128xi32>
    %le3A = arith.cmpi sle, %iota3A, %iota3A_26 : vector<128x128xi32>
    %convert_element_type3A_27 = arith.extui %le3A : vector<128x128xi1> to vector<128x128xi32>
    %convert_element_type3A_28 = arith.sitofp %convert_element_type3A_27 : vector<128x128xi32> to vector<128x128xf32>
    %iota3A_29 = tpu.iota {dimensions = array<i32: 1>} : vector<16x16xi32>
    %iota3A_30 = tpu.iota {dimensions = array<i32: 0>} : vector<16x16xi32>
    %lt3A = arith.cmpi slt, %iota3A_29, %iota3A_30 : vector<16x16xi32>
    %convert_element_type3A_31 = arith.extui %lt3A : vector<16x16xi1> to vector<16x16xi32>
    %convert_element_type3A_32 = arith.sitofp %convert_element_type3A_31 : vector<16x16xi32> to vector<16x16xf32>
    %convert_element_type3A_33 = arith.extui %eq3A_20 : vector<16x128xi1> to vector<16x128xi32>
    %convert_element_type3A_34 = arith.sitofp %convert_element_type3A_33 : vector<16x128xi32> to vector<16x128xf32>
    %dot_general3A = arith.constant dense<0.000000e+00> : vector<16x128xf32>
    %dot_general3A_35 = tpu.matmul %convert_element_type3A_34, %convert_element_type3A_28, %dot_general3A {dimension_numbers = #tpu.dot_dimension_numbers<[1], [0], [0], [1], [0, 0, 1, 1], [], []>, precision = #tpu.contract_precision<fp32>, transpose_lhs_hint = false} : vector<16x128xf32>, vector<128x128xf32>, vector<16x128xf32> -> vector<16x128xf32>
    %reduce_sum3A_36 = arith.constant dense<0.000000e+00> : vector<16xf32>
    %reduce_sum3A_37 = vector.multi_reduction <add>, %convert_element_type3A_34, %reduce_sum3A_36 [1] : vector<16x128xf32> to vector<16xf32>
    %broadcast_in_dim3A = vector.shape_cast %reduce_sum3A_37 : vector<16xf32> to vector<16x1xf32>
    %dot_general3A_38 = arith.constant dense<0.000000e+00> : vector<16x1xf32>
    %dot_general3A_39 = tpu.matmul %convert_element_type3A_32, %broadcast_in_dim3A, %dot_general3A_38 {dimension_numbers = #tpu.dot_dimension_numbers<[1], [0], [0], [1], [0, 0, 1, 1], [], []>, precision = #tpu.contract_precision<fp32>, transpose_lhs_hint = false} : vector<16x16xf32>, vector<16x1xf32>, vector<16x1xf32> -> vector<16x1xf32>
    %add3A_40 = vector.broadcast %dot_general3A_39 : vector<16x1xf32> to vector<16x128xf32>
    %add3A_41 = arith.addf %dot_general3A_35, %add3A_40 : vector<16x128xf32>
    %convert_element_type3A_42 = arith.fptosi %add3A_41 : vector<16x128xf32> to vector<16x128xi32>
    %le3A_43 = vector.broadcast %sub3A_25 : i32 to vector<16x128xi32>
    %le3A_44 = arith.cmpi sle, %convert_element_type3A_42, %le3A_43 : vector<16x128xi32>
    %and3A = arith.andi %eq3A_20, %le3A_44 : vector<16x128xi1>
    %or3A = arith.ori %gt3A_19, %and3A : vector<16x128xi1>
    %convert_element_type3A_45 = arith.extui %or3A : vector<16x128xi1> to vector<16x128xi32>
    %convert_element_type3A_46 = arith.sitofp %convert_element_type3A_45 : vector<16x128xi32> to vector<16x128xf32>
    %dot_general3A_47 = arith.constant dense<0.000000e+00> : vector<16x128xf32>
    %dot_general3A_48 = tpu.matmul %convert_element_type3A_46, %convert_element_type3A_28, %dot_general3A_47 {dimension_numbers = #tpu.dot_dimension_numbers<[1], [0], [0], [1], [0, 0, 1, 1], [], []>, precision = #tpu.contract_precision<fp32>, transpose_lhs_hint = false} : vector<16x128xf32>, vector<128x128xf32>, vector<16x128xf32> -> vector<16x128xf32>
    %reduce_sum3A_49 = arith.constant dense<0.000000e+00> : vector<16xf32>
    %reduce_sum3A_50 = vector.multi_reduction <add>, %convert_element_type3A_46, %reduce_sum3A_49 [1] : vector<16x128xf32> to vector<16xf32>
    %broadcast_in_dim3A_51 = vector.shape_cast %reduce_sum3A_50 : vector<16xf32> to vector<16x1xf32>
    %dot_general3A_52 = arith.constant dense<0.000000e+00> : vector<16x1xf32>
    %dot_general3A_53 = tpu.matmul %convert_element_type3A_32, %broadcast_in_dim3A_51, %dot_general3A_52 {dimension_numbers = #tpu.dot_dimension_numbers<[1], [0], [0], [1], [0, 0, 1, 1], [], []>, precision = #tpu.contract_precision<fp32>, transpose_lhs_hint = false} : vector<16x16xf32>, vector<16x1xf32>, vector<16x1xf32> -> vector<16x1xf32>
    %add3A_54 = vector.broadcast %dot_general3A_53 : vector<16x1xf32> to vector<16x128xf32>
    %add3A_55 = arith.addf %dot_general3A_48, %add3A_54 : vector<16x128xf32>
    %convert_element_type3A_56 = arith.fptosi %add3A_55 : vector<16x128xf32> to vector<16x128xi32>
    %iota3A_57 = tpu.iota {dimensions = array<i32: 0>} : vector<16x128xi32>
    %mul3A = arith.constant 128 : i32
    %mul3A_58 = vector.broadcast %mul3A : i32 to vector<16x128xi32>
    %mul3A_59 = arith.muli %iota3A_57, %mul3A_58 : vector<16x128xi32>
    %iota3A_60 = tpu.iota {dimensions = array<i32: 1>} : vector<16x128xi32>
    %add3A_61 = arith.addi %mul3A_59, %iota3A_60 : vector<16x128xi32>
    %sub3A_62 = arith.constant 1 : i32
    %sub3A_63 = vector.broadcast %sub3A_62 : i32 to vector<16x128xi32>
    %sub3A_64 = arith.subi %convert_element_type3A_56, %sub3A_63 : vector<16x128xi32>
    %add3A_65 = arith.constant 1024 : i32
    %add3A_66 = vector.broadcast %add3A_65 : i32 to vector<16x128xi32>
    %add3A_67 = arith.addi %add3A_66, %add3A_61 : vector<16x128xi32>
    %sub3A_68 = arith.subi %add3A_67, %convert_element_type3A_56 : vector<16x128xi32>
    %select_n3A = arith.select %or3A, %sub3A_64, %sub3A_68 : vector<16x128xi1>, vector<16x128xi32>
    %swap3A = arith.constant 0 : index
    %swap3A_69 = arith.constant 0 : index
    %swap3A_70 = arith.constant 0 : index
    %swap3A_71 = vector.load %arg2[%swap3A, %swap3A_69, %swap3A_70] : memref<1x16x128xi32, #tpu.memory_space<vmem>>, vector<1x16x128xi32>
    %swap3A_72 = vector.shape_cast %swap3A_71 : vector<1x16x128xi32> to vector<16x128xi32>
    %swap3A_73 = vector.shape_cast %select_n3A : vector<16x128xi32> to vector<1x16x128xi32>
    tpu.vector_store %arg2[%swap3A, %swap3A_69, %swap3A_70], %swap3A_73 {strides = array<i32>} : memref<1x16x128xi32, #tpu.memory_space<vmem>>, vector<1x16x128xi32>,
    return
  }
  func.func @transform_0(%arg0: i32) -> (i32, i32, i32, i32) {
    %c0_i32 = arith.constant 0 : i32
    %c0_i32_0 = arith.constant 0 : i32
    %c0_i32_1 = arith.constant 0 : i32
    %c0_i32_2 = arith.constant 0 : i32
    return %arg0, %c0_i32, %c0_i32_0, %c0_i32_1 : i32, i32, i32, i32
  }
  func.func @transform_1(%arg0: i32) -> (i32, i32, i32) {
    %c0_i32 = arith.constant 0 : i32
    %c0_i32_0 = arith.constant 0 : i32
    %c0_i32_1 = arith.constant 0 : i32
    return %arg0, %c0_i32, %c0_i32_0 : i32, i32, i32
  }
}

module attributes {stable_mosaic.version = 14 : i64} {
  func.func @_knn_body(%arg0: i32, %arg1: i32, %arg2: memref<1x1024x128xf32, #tpu.memory_space<vmem>>, %arg3: memref<1x256x128xf32, #tpu.memory_space<vmem>>, %arg4: memref<1x256x32xi32, #tpu.memory_space<vmem>>, %arg5: memref<256x1024xf32, #tpu.memory_space<vmem>>) attributes {dimension_semantics = [#tpu.dimension_semantics<arbitrary>, #tpu.dimension_semantics<arbitrary>], iteration_bounds = array<i64: 4, 4>, scalar_prefetch = 0 : i64, scratch_operands = 1 : i64, tpu.core_type = #tpu.core_type<tc>, window_params = [{transform_indices = @transform_0, window_bounds = array<i64: 1, 1024, 128>}, {transform_indices = @transform_1, window_bounds = array<i64: 1, 256, 128>}, {transform_indices = @transform_2, window_bounds = array<i64: 1, 256, 32>}]} {
    %get3A = arith.constant 0 : index
    %get3A_0 = arith.constant 0 : index
    %get3A_1 = arith.constant 0 : index
    %get3A_2 = vector.load %arg2[%get3A, %get3A_0, %get3A_1] : memref<1x1024x128xf32, #tpu.memory_space<vmem>>, vector<1x1024x128xf32>
    %get3A_3 = vector.shape_cast %get3A_2 : vector<1x1024x128xf32> to vector<1024x128xf32>
    %get3A_4 = arith.constant 0 : index
    %get3A_5 = arith.constant 0 : index
    %get3A_6 = arith.constant 0 : index
    %get3A_7 = vector.load %arg3[%get3A_4, %get3A_5, %get3A_6] : memref<1x256x128xf32, #tpu.memory_space<vmem>>, vector<1x256x128xf32>
    %get3A_8 = vector.shape_cast %get3A_7 : vector<1x256x128xf32> to vector<256x128xf32>
    %mul3A = arith.mulf %get3A_3, %get3A_3 : vector<1024x128xf32>
    %broadcast_in_dim3A = arith.constant 1.000000e+00 : f32
    %broadcast_in_dim3A_9 = vector.broadcast %broadcast_in_dim3A : f32 to vector<1x128xf32>
    %dot_general3A = arith.constant dense<0.000000e+00> : vector<1x1024xf32>
    %dot_general3A_10 = tpu.matmul %broadcast_in_dim3A_9, %mul3A, %dot_general3A {dimension_numbers = #tpu.dot_dimension_numbers<[1], [1], [0], [0], [0, 0, 1, 0], [], []>, precision = #tpu.contract_precision<fp32>, transpose_lhs_hint = false} : vector<1x128xf32>, vector<1024x128xf32>, vector<1x1024xf32> -> vector<1x1024xf32>
    %mul3A_11 = arith.mulf %get3A_8, %get3A_8 : vector<256x128xf32>
    %reduce_sum3A = arith.constant dense<0.000000e+00> : vector<256xf32>
    %reduce_sum3A_12 = vector.multi_reduction <add>, %mul3A_11, %reduce_sum3A [1] : vector<256x128xf32> to vector<256xf32>
    %broadcast_in_dim3A_13 = vector.shape_cast %reduce_sum3A_12 : vector<256xf32> to vector<256x1xf32>
    %add3A = vector.broadcast %broadcast_in_dim3A_13 : vector<256x1xf32> to vector<256x1024xf32>
    %add3A_14 = vector.broadcast %dot_general3A_10 : vector<1x1024xf32> to vector<256x1024xf32>
    %add3A_15 = arith.addf %add3A, %add3A_14 : vector<256x1024xf32>
    %convert_element_type3A = arith.truncf %get3A_8 : vector<256x128xf32> to vector<256x128xbf16>
    %convert_element_type3A_16 = arith.extf %convert_element_type3A : vector<256x128xbf16> to vector<256x128xf32>
    %convert_element_type3A_17 = arith.truncf %get3A_3 : vector<1024x128xf32> to vector<1024x128xbf16>
    %convert_element_type3A_18 = arith.extf %convert_element_type3A_17 : vector<1024x128xbf16> to vector<1024x128xf32>
    %dot_general3A_19 = arith.constant dense<0.000000e+00> : vector<256x1024xf32>
    %dot_general3A_20 = tpu.matmul %convert_element_type3A_16, %convert_element_type3A_18, %dot_general3A_19 {dimension_numbers = #tpu.dot_dimension_numbers<[1], [1], [0], [0], [0, 0, 1, 0], [], []>, precision = #tpu.contract_precision<fp32>, transpose_lhs_hint = false} : vector<256x128xf32>, vector<1024x128xf32>, vector<256x1024xf32> -> vector<256x1024xf32>
    %mul3A_21 = arith.constant 2.000000e+00 : f32
    %mul3A_22 = vector.broadcast %mul3A_21 : f32 to vector<256x1024xf32>
    %mul3A_23 = arith.mulf %mul3A_22, %dot_general3A_20 : vector<256x1024xf32>
    %sub3A = arith.subf %add3A_15, %mul3A_23 : vector<256x1024xf32>
    %swap3A = arith.constant 0 : index
    %swap3A_24 = arith.constant 0 : index
    %swap3A_25 = vector.load %arg5[%swap3A, %swap3A_24] : memref<256x1024xf32, #tpu.memory_space<vmem>>, vector<256x1024xf32>
    tpu.vector_store %arg5[%swap3A, %swap3A_24], %sub3A {strides = array<i32>} : memref<256x1024xf32, #tpu.memory_space<vmem>>, vector<256x1024xf32>,
    %iota3A = tpu.iota {dimensions = array<i32: 1>} : vector<256x1024xi32>
    %iota3A_26 = tpu.iota {dimensions = array<i32: 1>} : vector<256x32xi32>
    %broadcast_in_dim3A_27 = arith.constant 0 : i32
    %broadcast_in_dim3A_28 = vector.broadcast %broadcast_in_dim3A_27 : i32 to vector<256x32xi32>
    %scan3A = arith.constant 0 : i32
    %scan3A_29 = arith.constant 32 : i32
    %scan3A_30 = arith.addi %scan3A, %scan3A_29 : i32
    %scan3A_31 = arith.constant 1 : i32
    %scan3A_32 = scf.for %scan3A_40 = %scan3A to %scan3A_30 step %scan3A_31 iter_args(%scan3A_41 = %broadcast_in_dim3A_28) -> (vector<256x32xi32>)  : i32 {
      %get3A_42 = arith.constant 0 : index
      %get3A_43 = arith.constant 0 : index
      %get3A_44 = vector.load %arg5[%get3A_42, %get3A_43] : memref<256x1024xf32, #tpu.memory_space<vmem>>, vector<256x1024xf32>
      %reduce_min3A = arith.constant dense<0x7F800000> : vector<256xf32>
      %reduce_min3A_45 = vector.multi_reduction <minimumf>, %get3A_44, %reduce_min3A [1] : vector<256x1024xf32> to vector<256xf32>
      %broadcast_in_dim3A_46 = vector.shape_cast %reduce_min3A_45 : vector<256xf32> to vector<256x1xf32>
      %eq3A = vector.broadcast %broadcast_in_dim3A_46 : vector<256x1xf32> to vector<256x1024xf32>
      %eq3A_47 = arith.cmpf oeq, %get3A_44, %eq3A : vector<256x1024xf32>
      %jit3A = arith.constant 1024 : i32
      %broadcast_in_dim3A_48 = vector.broadcast %jit3A : i32 to vector<256x1024xi32>
      %select_n3A = arith.select %eq3A_47, %iota3A, %broadcast_in_dim3A_48 : vector<256x1024xi1>, vector<256x1024xi32>
      %reduce_min3A_49 = arith.constant dense<2147483647> : vector<256xi32>
      %reduce_min3A_50 = vector.multi_reduction <minsi>, %select_n3A, %reduce_min3A_49 [1] : vector<256x1024xi32> to vector<256xi32>
      %broadcast_in_dim3A_51 = vector.shape_cast %reduce_min3A_50 : vector<256xi32> to vector<256x1xi32>
      %eq3A_52 = vector.broadcast %broadcast_in_dim3A_51 : vector<256x1xi32> to vector<256x1024xi32>
      %eq3A_53 = arith.cmpi eq, %iota3A, %eq3A_52 : vector<256x1024xi32>
      %jit3A_54 = arith.constant 0x7F800000 : f32
      %broadcast_in_dim3A_55 = vector.broadcast %jit3A_54 : f32 to vector<256x1024xf32>
      %select_n3A_56 = arith.select %eq3A_53, %broadcast_in_dim3A_55, %get3A_44 : vector<256x1024xi1>, vector<256x1024xf32>
      %swap3A_57 = arith.constant 0 : index
      %swap3A_58 = arith.constant 0 : index
      %swap3A_59 = vector.load %arg5[%swap3A_57, %swap3A_58] : memref<256x1024xf32, #tpu.memory_space<vmem>>, vector<256x1024xf32>
      tpu.vector_store %arg5[%swap3A_57, %swap3A_58], %select_n3A_56 {strides = array<i32>} : memref<256x1024xf32, #tpu.memory_space<vmem>>, vector<256x1024xf32>,
      %eq3A_60 = vector.broadcast %scan3A_40 : i32 to vector<256x32xi32>
      %eq3A_61 = arith.cmpi eq, %iota3A_26, %eq3A_60 : vector<256x32xi32>
      %broadcast_in_dim3A_62 = vector.shape_cast %broadcast_in_dim3A_51 : vector<256x1xi32> to vector<256x1xi32>
      %broadcast_in_dim3A_63 = vector.broadcast %broadcast_in_dim3A_62 : vector<256x1xi32> to vector<256x32xi32>
      %select_n3A_64 = arith.select %eq3A_61, %broadcast_in_dim3A_63, %scan3A_41 : vector<256x32xi1>, vector<256x32xi32>
      scf.yield %select_n3A_64 : vector<256x32xi32>
    }
    %scan3A_33 = arith.constant 32 : i32
    %swap3A_34 = arith.constant 0 : index
    %swap3A_35 = arith.constant 0 : index
    %swap3A_36 = arith.constant 0 : index
    %swap3A_37 = vector.load %arg4[%swap3A_34, %swap3A_35, %swap3A_36] : memref<1x256x32xi32, #tpu.memory_space<vmem>>, vector<1x256x32xi32>
    %swap3A_38 = vector.shape_cast %swap3A_37 : vector<1x256x32xi32> to vector<256x32xi32>
    %swap3A_39 = vector.shape_cast %scan3A_32 : vector<256x32xi32> to vector<1x256x32xi32>
    tpu.vector_store %arg4[%swap3A_34, %swap3A_35, %swap3A_36], %swap3A_39 {strides = array<i32>} : memref<1x256x32xi32, #tpu.memory_space<vmem>>, vector<1x256x32xi32>,
    return
  }
  func.func @transform_0(%arg0: i32, %arg1: i32) -> (i32, i32, i32) {
    %c0_i32 = arith.constant 0 : i32
    %c0_i32_0 = arith.constant 0 : i32
    %c0_i32_1 = arith.constant 0 : i32
    return %arg0, %c0_i32, %c0_i32_0 : i32, i32, i32
  }
  func.func @transform_1(%arg0: i32, %arg1: i32) -> (i32, i32, i32) {
    %c0_i32 = arith.constant 0 : i32
    %c0_i32_0 = arith.constant 0 : i32
    return %arg0, %arg1, %c0_i32 : i32, i32, i32
  }
  func.func @transform_2(%arg0: i32, %arg1: i32) -> (i32, i32, i32) {
    %c0_i32 = arith.constant 0 : i32
    %c0_i32_0 = arith.constant 0 : i32
    return %arg0, %arg1, %c0_i32 : i32, i32, i32
  }
}

module attributes {stable_mosaic.version = 14 : i64} {
  func.func @_proj_body(%arg0: i32, %arg1: i32, %arg2: memref<1x512x128xf32, #tpu.memory_space<vmem>>, %arg3: memref<384x128xf32, #tpu.memory_space<vmem>>, %arg4: memref<1x512x384xf32, #tpu.memory_space<vmem>>) attributes {dimension_semantics = [#tpu.dimension_semantics<arbitrary>, #tpu.dimension_semantics<arbitrary>], iteration_bounds = array<i64: 4, 2>, scalar_prefetch = 0 : i64, scratch_operands = 0 : i64, tpu.core_type = #tpu.core_type<tc>, window_params = [{transform_indices = @transform_0, window_bounds = array<i64: 1, 512, 128>}, {pipeline_mode = #tpu.pipeline_mode<synchronous>, transform_indices = @transform_1, window_bounds = array<i64: 384, 128>}, {transform_indices = @transform_2, window_bounds = array<i64: 1, 512, 384>}]} {
    %get3A = arith.constant 0 : index
    %get3A_0 = arith.constant 0 : index
    %get3A_1 = arith.constant 0 : index
    %get3A_2 = vector.load %arg2[%get3A, %get3A_0, %get3A_1] : memref<1x512x128xf32, #tpu.memory_space<vmem>>, vector<1x512x128xf32>
    %get3A_3 = vector.shape_cast %get3A_2 : vector<1x512x128xf32> to vector<512x128xf32>
    %get3A_4 = arith.constant 0 : index
    %get3A_5 = arith.constant 0 : index
    %get3A_6 = vector.load %arg3[%get3A_4, %get3A_5] : memref<384x128xf32, #tpu.memory_space<vmem>>, vector<384x128xf32>
    %convert_element_type3A = arith.truncf %get3A_3 : vector<512x128xf32> to vector<512x128xbf16>
    %convert_element_type3A_7 = arith.extf %convert_element_type3A : vector<512x128xbf16> to vector<512x128xf32>
    %convert_element_type3A_8 = arith.truncf %get3A_6 : vector<384x128xf32> to vector<384x128xbf16>
    %convert_element_type3A_9 = arith.extf %convert_element_type3A_8 : vector<384x128xbf16> to vector<384x128xf32>
    %dot_general3A = arith.constant dense<0.000000e+00> : vector<512x384xf32>
    %dot_general3A_10 = tpu.matmul %convert_element_type3A_7, %convert_element_type3A_9, %dot_general3A {dimension_numbers = #tpu.dot_dimension_numbers<[1], [1], [0], [0], [0, 0, 1, 0], [], []>, precision = #tpu.contract_precision<fp32>, transpose_lhs_hint = false} : vector<512x128xf32>, vector<384x128xf32>, vector<512x384xf32> -> vector<512x384xf32>
    %swap3A = arith.constant 0 : index
    %swap3A_11 = arith.constant 0 : index
    %swap3A_12 = arith.constant 0 : index
    %swap3A_13 = vector.load %arg4[%swap3A, %swap3A_11, %swap3A_12] : memref<1x512x384xf32, #tpu.memory_space<vmem>>, vector<1x512x384xf32>
    %swap3A_14 = vector.shape_cast %swap3A_13 : vector<1x512x384xf32> to vector<512x384xf32>
    %swap3A_15 = vector.shape_cast %dot_general3A_10 : vector<512x384xf32> to vector<1x512x384xf32>
    tpu.vector_store %arg4[%swap3A, %swap3A_11, %swap3A_12], %swap3A_15 {strides = array<i32>} : memref<1x512x384xf32, #tpu.memory_space<vmem>>, vector<1x512x384xf32>,
    return
  }
  func.func @transform_0(%arg0: i32, %arg1: i32) -> (i32, i32, i32) {
    %c0_i32 = arith.constant 0 : i32
    %c0_i32_0 = arith.constant 0 : i32
    return %arg0, %arg1, %c0_i32 : i32, i32, i32
  }
  func.func @transform_1(%arg0: i32, %arg1: i32) -> (i32, i32) {
    %c0_i32 = arith.constant 0 : i32
    %c0_i32_0 = arith.constant 0 : i32
    %c0_i32_1 = arith.constant 0 : i32
    return %c0_i32, %c0_i32_0 : i32, i32
  }
  func.func @transform_2(%arg0: i32, %arg1: i32) -> (i32, i32, i32) {
    %c0_i32 = arith.constant 0 : i32
    %c0_i32_0 = arith.constant 0 : i32
    return %arg0, %arg1, %c0_i32 : i32, i32, i32
  }
}

module attributes {stable_mosaic.version = 14 : i64} {
  func.func @_attn_post_body(%arg0: i32, %arg1: i32, %arg2: memref<1x128x128xf32, #tpu.memory_space<vmem>>, %arg3: memref<1x128x128xf32, #tpu.memory_space<vmem>>, %arg4: memref<1x4096x256xf32, #tpu.memory_space<vmem>>, %arg5: memref<512x128xf32, #tpu.memory_space<vmem>>, %arg6: memref<128x512xf32, #tpu.memory_space<vmem>>, %arg7: memref<1x128x128xf32, #tpu.memory_space<vmem>>) attributes {dimension_semantics = [#tpu.dimension_semantics<arbitrary>, #tpu.dimension_semantics<arbitrary>], iteration_bounds = array<i64: 4, 8>, scalar_prefetch = 0 : i64, scratch_operands = 0 : i64, tpu.core_type = #tpu.core_type<tc>, window_params = [{transform_indices = @transform_0, window_bounds = array<i64: 1, 128, 128>}, {transform_indices = @transform_1, window_bounds = array<i64: 1, 128, 128>}, {transform_indices = @transform_2, window_bounds = array<i64: 1, 4096, 256>}, {pipeline_mode = #tpu.pipeline_mode<synchronous>, transform_indices = @transform_3, window_bounds = array<i64: 512, 128>}, {pipeline_mode = #tpu.pipeline_mode<synchronous>, transform_indices = @transform_4, window_bounds = array<i64: 128, 512>}, {transform_indices = @transform_5, window_bounds = array<i64: 1, 128, 128>}]} {
    %get3A = arith.constant 0 : index
    %get3A_0 = arith.constant 0 : index
    %get3A_1 = arith.constant 0 : index
    %get3A_2 = vector.load %arg4[%get3A, %get3A_0, %get3A_1] : memref<1x4096x256xf32, #tpu.memory_space<vmem>>, vector<1x4096x256xf32>
    %get3A_3 = vector.shape_cast %get3A_2 : vector<1x4096x256xf32> to vector<4096x256xf32>
    %slice3A = vector.extract_strided_slice %get3A_3 {offsets = [0, 0], sizes = [4096, 128], strides = [1, 1]} : vector<4096x256xf32> to vector<4096x128xf32>
    %reshape3A = vector.shape_cast %slice3A : vector<4096x128xf32> to vector<128x32x128xf32>
    %slice3A_4 = vector.extract_strided_slice %get3A_3 {offsets = [0, 128], sizes = [4096, 128], strides = [1, 1]} : vector<4096x256xf32> to vector<4096x128xf32>
    %reshape3A_5 = vector.shape_cast %slice3A_4 : vector<4096x128xf32> to vector<128x32x128xf32>
    %get3A_6 = arith.constant 0 : index
    %get3A_7 = arith.constant 0 : index
    %get3A_8 = arith.constant 0 : index
    %get3A_9 = vector.load %arg3[%get3A_6, %get3A_7, %get3A_8] : memref<1x128x128xf32, #tpu.memory_space<vmem>>, vector<1x128x128xf32>
    %get3A_10 = vector.shape_cast %get3A_9 : vector<1x128x128xf32> to vector<128x128xf32>
    %broadcast_in_dim3A = vector.shape_cast %get3A_10 : vector<128x128xf32> to vector<128x1x128xf32>
    %mul3A = vector.broadcast %broadcast_in_dim3A : vector<128x1x128xf32> to vector<128x32x128xf32>
    %mul3A_11 = arith.mulf %mul3A, %reshape3A : vector<128x32x128xf32>
    %iota3A = tpu.iota {dimensions = array<i32: 0>} : vector<128x128xi32>
    %jit3A = arith.constant 32 : i32
    %div3A = vector.broadcast %jit3A : i32 to vector<128x128xi32>
    %div3A_12 = arith.divsi %iota3A, %div3A : vector<128x128xi32>
    %sign3A = arith.constant 0 : i32
    %sign3A_13 = vector.broadcast %sign3A : i32 to vector<128x128xi32>
    %sign3A_14 = arith.cmpi sgt, %iota3A, %sign3A_13 : vector<128x128xi32>
    %sign3A_15 = arith.extui %sign3A_14 : vector<128x128xi1> to vector<128x128xi32>
    %sign3A_16 = arith.constant 0 : i32
    %sign3A_17 = vector.broadcast %sign3A_16 : i32 to vector<128x128xi32>
    %sign3A_18 = arith.cmpi slt, %iota3A, %sign3A_17 : vector<128x128xi32>
    %sign3A_19 = arith.extui %sign3A_18 : vector<128x128xi1> to vector<128x128xi32>
    %sign3A_20 = arith.subi %sign3A_15, %sign3A_19 : vector<128x128xi32>
    %sign3A_21 = arith.constant 0 : i32
    %sign3A_22 = arith.cmpi sgt, %jit3A, %sign3A_21 : i32
    %sign3A_23 = arith.extui %sign3A_22 : i1 to i32
    %sign3A_24 = arith.constant 0 : i32
    %sign3A_25 = arith.cmpi slt, %jit3A, %sign3A_24 : i32
    %sign3A_26 = arith.extui %sign3A_25 : i1 to i32
    %sign3A_27 = arith.subi %sign3A_23, %sign3A_26 : i32
    %ne3A = vector.broadcast %sign3A_27 : i32 to vector<128x128xi32>
    %ne3A_28 = arith.cmpi ne, %sign3A_20, %ne3A : vector<128x128xi32>
    %rem3A = vector.broadcast %jit3A : i32 to vector<128x128xi32>
    %rem3A_29 = arith.remsi %iota3A, %rem3A : vector<128x128xi32>
    %ne3A_30 = arith.constant 0 : i32
    %ne3A_31 = vector.broadcast %ne3A_30 : i32 to vector<128x128xi32>
    %ne3A_32 = arith.cmpi ne, %rem3A_29, %ne3A_31 : vector<128x128xi32>
    %and3A = arith.andi %ne3A_28, %ne3A_32 : vector<128x128xi1>
    %sub3A = arith.constant 1 : i32
    %sub3A_33 = vector.broadcast %sub3A : i32 to vector<128x128xi32>
    %sub3A_34 = arith.subi %div3A_12, %sub3A_33 : vector<128x128xi32>
    %select_n3A = arith.select %and3A, %sub3A_34, %div3A_12 : vector<128x128xi1>, vector<128x128xi32>
    %iota3A_35 = tpu.iota {dimensions = array<i32: 1>} : vector<128x128xi32>
    %jit3A_36 = arith.constant 32 : i32
    %div3A_37 = vector.broadcast %jit3A_36 : i32 to vector<128x128xi32>
    %div3A_38 = arith.divsi %iota3A_35, %div3A_37 : vector<128x128xi32>
    %sign3A_39 = arith.constant 0 : i32
    %sign3A_40 = vector.broadcast %sign3A_39 : i32 to vector<128x128xi32>
    %sign3A_41 = arith.cmpi sgt, %iota3A_35, %sign3A_40 : vector<128x128xi32>
    %sign3A_42 = arith.extui %sign3A_41 : vector<128x128xi1> to vector<128x128xi32>
    %sign3A_43 = arith.constant 0 : i32
    %sign3A_44 = vector.broadcast %sign3A_43 : i32 to vector<128x128xi32>
    %sign3A_45 = arith.cmpi slt, %iota3A_35, %sign3A_44 : vector<128x128xi32>
    %sign3A_46 = arith.extui %sign3A_45 : vector<128x128xi1> to vector<128x128xi32>
    %sign3A_47 = arith.subi %sign3A_42, %sign3A_46 : vector<128x128xi32>
    %sign3A_48 = arith.constant 0 : i32
    %sign3A_49 = arith.cmpi sgt, %jit3A_36, %sign3A_48 : i32
    %sign3A_50 = arith.extui %sign3A_49 : i1 to i32
    %sign3A_51 = arith.constant 0 : i32
    %sign3A_52 = arith.cmpi slt, %jit3A_36, %sign3A_51 : i32
    %sign3A_53 = arith.extui %sign3A_52 : i1 to i32
    %sign3A_54 = arith.subi %sign3A_50, %sign3A_53 : i32
    %ne3A_55 = vector.broadcast %sign3A_54 : i32 to vector<128x128xi32>
    %ne3A_56 = arith.cmpi ne, %sign3A_47, %ne3A_55 : vector<128x128xi32>
    %rem3A_57 = vector.broadcast %jit3A_36 : i32 to vector<128x128xi32>
    %rem3A_58 = arith.remsi %iota3A_35, %rem3A_57 : vector<128x128xi32>
    %ne3A_59 = arith.constant 0 : i32
    %ne3A_60 = vector.broadcast %ne3A_59 : i32 to vector<128x128xi32>
    %ne3A_61 = arith.cmpi ne, %rem3A_58, %ne3A_60 : vector<128x128xi32>
    %and3A_62 = arith.andi %ne3A_56, %ne3A_61 : vector<128x128xi1>
    %sub3A_63 = arith.constant 1 : i32
    %sub3A_64 = vector.broadcast %sub3A_63 : i32 to vector<128x128xi32>
    %sub3A_65 = arith.subi %div3A_38, %sub3A_64 : vector<128x128xi32>
    %select_n3A_66 = arith.select %and3A_62, %sub3A_65, %div3A_38 : vector<128x128xi1>, vector<128x128xi32>
    %eq3A = arith.cmpi eq, %select_n3A, %select_n3A_66 : vector<128x128xi32>
    %convert_element_type3A = arith.extui %eq3A : vector<128x128xi1> to vector<128x128xi32>
    %convert_element_type3A_67 = arith.sitofp %convert_element_type3A : vector<128x128xi32> to vector<128x128xf32>
    %reshape3A_68 = vector.shape_cast %mul3A_11 : vector<128x32x128xf32> to vector<4096x128xf32>
    %dot_general3A = arith.constant dense<0.000000e+00> : vector<4096x128xf32>
    %dot_general3A_69 = tpu.matmul %reshape3A_68, %convert_element_type3A_67, %dot_general3A {dimension_numbers = #tpu.dot_dimension_numbers<[1], [0], [0], [1], [0, 0, 1, 1], [], []>, precision = #tpu.contract_precision<fp32>, transpose_lhs_hint = false} : vector<4096x128xf32>, vector<128x128xf32>, vector<4096x128xf32> -> vector<4096x128xf32>
    %div3A_70 = arith.constant 5.65685415 : f32
    %div3A_71 = vector.broadcast %div3A_70 : f32 to vector<4096x128xf32>
    %div3A_72 = arith.divf %dot_general3A_69, %div3A_71 : vector<4096x128xf32>
    %reshape3A_73 = vector.shape_cast %div3A_72 : vector<4096x128xf32> to vector<128x32x128xf32>
    %reduce_max3A = arith.constant dense<0xFF800000> : vector<128x128xf32>
    %reduce_max3A_74 = vector.multi_reduction <maximumf>, %reshape3A_73, %reduce_max3A [1] : vector<128x32x128xf32> to vector<128x128xf32>
    %broadcast_in_dim3A_75 = vector.shape_cast %reduce_max3A_74 : vector<128x128xf32> to vector<128x1x128xf32>
    %sub3A_76 = vector.broadcast %broadcast_in_dim3A_75 : vector<128x1x128xf32> to vector<128x32x128xf32>
    %sub3A_77 = arith.subf %reshape3A_73, %sub3A_76 : vector<128x32x128xf32>
    %exp3A = math.exp %sub3A_77 : vector<128x32x128xf32>
    %reduce_sum3A = arith.constant dense<0.000000e+00> : vector<128x128xf32>
    %reduce_sum3A_78 = vector.multi_reduction <add>, %exp3A, %reduce_sum3A [1] : vector<128x32x128xf32> to vector<128x128xf32>
    %broadcast_in_dim3A_79 = vector.shape_cast %reduce_sum3A_78 : vector<128x128xf32> to vector<128x1x128xf32>
    %div3A_80 = vector.broadcast %broadcast_in_dim3A_79 : vector<128x1x128xf32> to vector<128x32x128xf32>
    %div3A_81 = arith.divf %exp3A, %div3A_80 : vector<128x32x128xf32>
    %mul3A_82 = arith.mulf %div3A_81, %reshape3A_5 : vector<128x32x128xf32>
    %reduce_sum3A_83 = arith.constant dense<0.000000e+00> : vector<128x128xf32>
    %reduce_sum3A_84 = vector.multi_reduction <add>, %mul3A_82, %reduce_sum3A_83 [1] : vector<128x32x128xf32> to vector<128x128xf32>
    %get3A_85 = arith.constant 0 : index
    %get3A_86 = arith.constant 0 : index
    %get3A_87 = arith.constant 0 : index
    %get3A_88 = vector.load %arg2[%get3A_85, %get3A_86, %get3A_87] : memref<1x128x128xf32, #tpu.memory_space<vmem>>, vector<1x128x128xf32>
    %get3A_89 = vector.shape_cast %get3A_88 : vector<1x128x128xf32> to vector<128x128xf32>
    %add3A = arith.addf %get3A_89, %reduce_sum3A_84 : vector<128x128xf32>
    %get3A_90 = arith.constant 0 : index
    %get3A_91 = arith.constant 0 : index
    %get3A_92 = vector.load %arg5[%get3A_90, %get3A_91] : memref<512x128xf32, #tpu.memory_space<vmem>>, vector<512x128xf32>
    %convert_element_type3A_93 = arith.truncf %add3A : vector<128x128xf32> to vector<128x128xbf16>
    %convert_element_type3A_94 = arith.extf %convert_element_type3A_93 : vector<128x128xbf16> to vector<128x128xf32>
    %convert_element_type3A_95 = arith.truncf %get3A_92 : vector<512x128xf32> to vector<512x128xbf16>
    %convert_element_type3A_96 = arith.extf %convert_element_type3A_95 : vector<512x128xbf16> to vector<512x128xf32>
    %dot_general3A_97 = arith.constant dense<0.000000e+00> : vector<128x512xf32>
    %dot_general3A_98 = tpu.matmul %convert_element_type3A_94, %convert_element_type3A_96, %dot_general3A_97 {dimension_numbers = #tpu.dot_dimension_numbers<[1], [1], [0], [0], [0, 0, 1, 0], [], []>, precision = #tpu.contract_precision<fp32>, transpose_lhs_hint = false} : vector<128x128xf32>, vector<512x128xf32>, vector<128x512xf32> -> vector<128x512xf32>
    %ge3A = arith.constant 0.000000e+00 : f32
    %ge3A_99 = vector.broadcast %ge3A : f32 to vector<128x512xf32>
    %ge3A_100 = arith.cmpf oge, %dot_general3A_98, %ge3A_99 : vector<128x512xf32>
    %mul3A_101 = arith.constant 2.000000e-01 : f32
    %mul3A_102 = vector.broadcast %mul3A_101 : f32 to vector<128x512xf32>
    %mul3A_103 = arith.mulf %mul3A_102, %dot_general3A_98 : vector<128x512xf32>
    %select_n3A_104 = arith.select %ge3A_100, %dot_general3A_98, %mul3A_103 : vector<128x512xi1>, vector<128x512xf32>
    %get3A_105 = arith.constant 0 : index
    %get3A_106 = arith.constant 0 : index
    %get3A_107 = vector.load %arg6[%get3A_105, %get3A_106] : memref<128x512xf32, #tpu.memory_space<vmem>>, vector<128x512xf32>
    %convert_element_type3A_108 = arith.truncf %select_n3A_104 : vector<128x512xf32> to vector<128x512xbf16>
    %convert_element_type3A_109 = arith.extf %convert_element_type3A_108 : vector<128x512xbf16> to vector<128x512xf32>
    %convert_element_type3A_110 = arith.truncf %get3A_107 : vector<128x512xf32> to vector<128x512xbf16>
    %convert_element_type3A_111 = arith.extf %convert_element_type3A_110 : vector<128x512xbf16> to vector<128x512xf32>
    %dot_general3A_112 = arith.constant dense<0.000000e+00> : vector<128x128xf32>
    %dot_general3A_113 = tpu.matmul %convert_element_type3A_109, %convert_element_type3A_111, %dot_general3A_112 {dimension_numbers = #tpu.dot_dimension_numbers<[1], [1], [0], [0], [0, 0, 1, 0], [], []>, precision = #tpu.contract_precision<fp32>, transpose_lhs_hint = false} : vector<128x512xf32>, vector<128x512xf32>, vector<128x128xf32> -> vector<128x128xf32>
    %add3A_114 = arith.addf %add3A, %dot_general3A_113 : vector<128x128xf32>
    %swap3A = arith.constant 0 : index
    %swap3A_115 = arith.constant 0 : index
    %swap3A_116 = arith.constant 0 : index
    %swap3A_117 = vector.load %arg7[%swap3A, %swap3A_115, %swap3A_116] : memref<1x128x128xf32, #tpu.memory_space<vmem>>, vector<1x128x128xf32>
    %swap3A_118 = vector.shape_cast %swap3A_117 : vector<1x128x128xf32> to vector<128x128xf32>
    %swap3A_119 = vector.shape_cast %add3A_114 : vector<128x128xf32> to vector<1x128x128xf32>
    tpu.vector_store %arg7[%swap3A, %swap3A_115, %swap3A_116], %swap3A_119 {strides = array<i32>} : memref<1x128x128xf32, #tpu.memory_space<vmem>>, vector<1x128x128xf32>,
    return
  }
  func.func @transform_0(%arg0: i32, %arg1: i32) -> (i32, i32, i32) {
    %c0_i32 = arith.constant 0 : i32
    %c0_i32_0 = arith.constant 0 : i32
    return %arg0, %arg1, %c0_i32 : i32, i32, i32
  }
  func.func @transform_1(%arg0: i32, %arg1: i32) -> (i32, i32, i32) {
    %c0_i32 = arith.constant 0 : i32
    %c0_i32_0 = arith.constant 0 : i32
    return %arg0, %arg1, %c0_i32 : i32, i32, i32
  }
  func.func @transform_2(%arg0: i32, %arg1: i32) -> (i32, i32, i32) {
    %c0_i32 = arith.constant 0 : i32
    %c0_i32_0 = arith.constant 0 : i32
    return %arg0, %arg1, %c0_i32 : i32, i32, i32
  }
  func.func @transform_3(%arg0: i32, %arg1: i32) -> (i32, i32) {
    %c0_i32 = arith.constant 0 : i32
    %c0_i32_0 = arith.constant 0 : i32
    %c0_i32_1 = arith.constant 0 : i32
    return %c0_i32, %c0_i32_0 : i32, i32
  }
  func.func @transform_4(%arg0: i32, %arg1: i32) -> (i32, i32) {
    %c0_i32 = arith.constant 0 : i32
    %c0_i32_0 = arith.constant 0 : i32
    %c0_i32_1 = arith.constant 0 : i32
    return %c0_i32, %c0_i32_0 : i32, i32
  }
  func.func @transform_5(%arg0: i32, %arg1: i32) -> (i32, i32, i32) {
    %c0_i32 = arith.constant 0 : i32
    %c0_i32_0 = arith.constant 0 : i32
    return %arg0, %arg1, %c0_i32 : i32, i32, i32
  }
}

module attributes {stable_mosaic.version = 14 : i64} {
  func.func @_proj_body(%arg0: i32, %arg1: i32, %arg2: memref<1x512x128xf32, #tpu.memory_space<vmem>>, %arg3: memref<256x128xf32, #tpu.memory_space<vmem>>, %arg4: memref<1x512x256xf32, #tpu.memory_space<vmem>>) attributes {dimension_semantics = [#tpu.dimension_semantics<arbitrary>, #tpu.dimension_semantics<arbitrary>], iteration_bounds = array<i64: 4, 2>, scalar_prefetch = 0 : i64, scratch_operands = 0 : i64, tpu.core_type = #tpu.core_type<tc>, window_params = [{transform_indices = @transform_0, window_bounds = array<i64: 1, 512, 128>}, {pipeline_mode = #tpu.pipeline_mode<synchronous>, transform_indices = @transform_1, window_bounds = array<i64: 256, 128>}, {transform_indices = @transform_2, window_bounds = array<i64: 1, 512, 256>}]} {
    %get3A = arith.constant 0 : index
    %get3A_0 = arith.constant 0 : index
    %get3A_1 = arith.constant 0 : index
    %get3A_2 = vector.load %arg2[%get3A, %get3A_0, %get3A_1] : memref<1x512x128xf32, #tpu.memory_space<vmem>>, vector<1x512x128xf32>
    %get3A_3 = vector.shape_cast %get3A_2 : vector<1x512x128xf32> to vector<512x128xf32>
    %get3A_4 = arith.constant 0 : index
    %get3A_5 = arith.constant 0 : index
    %get3A_6 = vector.load %arg3[%get3A_4, %get3A_5] : memref<256x128xf32, #tpu.memory_space<vmem>>, vector<256x128xf32>
    %convert_element_type3A = arith.truncf %get3A_3 : vector<512x128xf32> to vector<512x128xbf16>
    %convert_element_type3A_7 = arith.extf %convert_element_type3A : vector<512x128xbf16> to vector<512x128xf32>
    %convert_element_type3A_8 = arith.truncf %get3A_6 : vector<256x128xf32> to vector<256x128xbf16>
    %convert_element_type3A_9 = arith.extf %convert_element_type3A_8 : vector<256x128xbf16> to vector<256x128xf32>
    %dot_general3A = arith.constant dense<0.000000e+00> : vector<512x256xf32>
    %dot_general3A_10 = tpu.matmul %convert_element_type3A_7, %convert_element_type3A_9, %dot_general3A {dimension_numbers = #tpu.dot_dimension_numbers<[1], [1], [0], [0], [0, 0, 1, 0], [], []>, precision = #tpu.contract_precision<fp32>, transpose_lhs_hint = false} : vector<512x128xf32>, vector<256x128xf32>, vector<512x256xf32> -> vector<512x256xf32>
    %swap3A = arith.constant 0 : index
    %swap3A_11 = arith.constant 0 : index
    %swap3A_12 = arith.constant 0 : index
    %swap3A_13 = vector.load %arg4[%swap3A, %swap3A_11, %swap3A_12] : memref<1x512x256xf32, #tpu.memory_space<vmem>>, vector<1x512x256xf32>
    %swap3A_14 = vector.shape_cast %swap3A_13 : vector<1x512x256xf32> to vector<512x256xf32>
    %swap3A_15 = vector.shape_cast %dot_general3A_10 : vector<512x256xf32> to vector<1x512x256xf32>
    tpu.vector_store %arg4[%swap3A, %swap3A_11, %swap3A_12], %swap3A_15 {strides = array<i32>} : memref<1x512x256xf32, #tpu.memory_space<vmem>>, vector<1x512x256xf32>,
    return
  }
  func.func @transform_0(%arg0: i32, %arg1: i32) -> (i32, i32, i32) {
    %c0_i32 = arith.constant 0 : i32
    %c0_i32_0 = arith.constant 0 : i32
    return %arg0, %arg1, %c0_i32 : i32, i32, i32
  }
  func.func @transform_1(%arg0: i32, %arg1: i32) -> (i32, i32) {
    %c0_i32 = arith.constant 0 : i32
    %c0_i32_0 = arith.constant 0 : i32
    %c0_i32_1 = arith.constant 0 : i32
    return %c0_i32, %c0_i32_0 : i32, i32
  }
  func.func @transform_2(%arg0: i32, %arg1: i32) -> (i32, i32, i32) {
    %c0_i32 = arith.constant 0 : i32
    %c0_i32_0 = arith.constant 0 : i32
    return %arg0, %arg1, %c0_i32 : i32, i32, i32
  }
}

module attributes {stable_mosaic.version = 14 : i64} {
  func.func @_ds_scores_body(%arg0: i32, %arg1: i32, %arg2: memref<1x256x128xf32, #tpu.memory_space<vmem>>, %arg3: memref<1x1024x128xf32, #tpu.memory_space<vmem>>, %arg4: memref<1x8x1024xf32, #tpu.memory_space<vmem>>) attributes {dimension_semantics = [#tpu.dimension_semantics<arbitrary>, #tpu.dimension_semantics<arbitrary>], iteration_bounds = array<i64: 4, 4>, scalar_prefetch = 0 : i64, scratch_operands = 0 : i64, tpu.core_type = #tpu.core_type<tc>, window_params = [{transform_indices = @transform_0, window_bounds = array<i64: 1, 256, 128>}, {transform_indices = @transform_1, window_bounds = array<i64: 1, 1024, 128>}, {transform_indices = @transform_2, window_bounds = array<i64: 1, 8, 1024>}]} {
    %get3A = arith.constant 0 : index
    %get3A_0 = arith.constant 0 : index
    %get3A_1 = arith.constant 0 : index
    %get3A_2 = vector.load %arg2[%get3A, %get3A_0, %get3A_1] : memref<1x256x128xf32, #tpu.memory_space<vmem>>, vector<1x256x128xf32>
    %get3A_3 = vector.shape_cast %get3A_2 : vector<1x256x128xf32> to vector<256x128xf32>
    %get3A_4 = arith.constant 0 : index
    %get3A_5 = arith.constant 0 : index
    %get3A_6 = arith.constant 0 : index
    %get3A_7 = vector.load %arg3[%get3A_4, %get3A_5, %get3A_6] : memref<1x1024x128xf32, #tpu.memory_space<vmem>>, vector<1x1024x128xf32>
    %get3A_8 = vector.shape_cast %get3A_7 : vector<1x1024x128xf32> to vector<1024x128xf32>
    %convert_element_type3A = arith.truncf %get3A_3 : vector<256x128xf32> to vector<256x128xbf16>
    %convert_element_type3A_9 = arith.extf %convert_element_type3A : vector<256x128xbf16> to vector<256x128xf32>
    %convert_element_type3A_10 = arith.truncf %get3A_8 : vector<1024x128xf32> to vector<1024x128xbf16>
    %convert_element_type3A_11 = arith.extf %convert_element_type3A_10 : vector<1024x128xbf16> to vector<1024x128xf32>
    %dot_general3A = arith.constant dense<0.000000e+00> : vector<256x1024xf32>
    %dot_general3A_12 = tpu.matmul %convert_element_type3A_9, %convert_element_type3A_11, %dot_general3A {dimension_numbers = #tpu.dot_dimension_numbers<[1], [1], [0], [0], [0, 0, 1, 0], [], []>, precision = #tpu.contract_precision<fp32>, transpose_lhs_hint = false} : vector<256x128xf32>, vector<1024x128xf32>, vector<256x1024xf32> -> vector<256x1024xf32>
    %div3A = arith.constant 11.3137083 : f32
    %div3A_13 = vector.broadcast %div3A : f32 to vector<256x1024xf32>
    %div3A_14 = arith.divf %dot_general3A_12, %div3A_13 : vector<256x1024xf32>
    %reduce_max3A = arith.constant dense<0xFF800000> : vector<256xf32>
    %reduce_max3A_15 = vector.multi_reduction <maximumf>, %div3A_14, %reduce_max3A [1] : vector<256x1024xf32> to vector<256xf32>
    %broadcast_in_dim3A = vector.shape_cast %reduce_max3A_15 : vector<256xf32> to vector<256x1xf32>
    %sub3A = vector.broadcast %broadcast_in_dim3A : vector<256x1xf32> to vector<256x1024xf32>
    %sub3A_16 = arith.subf %div3A_14, %sub3A : vector<256x1024xf32>
    %exp3A = math.exp %sub3A_16 : vector<256x1024xf32>
    %reduce_sum3A = arith.constant dense<0.000000e+00> : vector<256xf32>
    %reduce_sum3A_17 = vector.multi_reduction <add>, %exp3A, %reduce_sum3A [1] : vector<256x1024xf32> to vector<256xf32>
    %broadcast_in_dim3A_18 = vector.shape_cast %reduce_sum3A_17 : vector<256xf32> to vector<256x1xf32>
    %div3A_19 = vector.broadcast %broadcast_in_dim3A_18 : vector<256x1xf32> to vector<256x1024xf32>
    %div3A_20 = arith.divf %exp3A, %div3A_19 : vector<256x1024xf32>
    %eq3A = arith.constant 0 : i32
    %eq3A_21 = arith.cmpi eq, %arg1, %eq3A : i32
    %convert_element_type3A_22 = arith.extui %eq3A_21 : i1 to i32
    %cond3A = arith.constant 0 : i32
    %cond3A_23 = arith.cmpi ne, %convert_element_type3A_22, %cond3A : i32
    scf.if %cond3A_23 {
      %broadcast_in_dim3A_437 = arith.constant 0.000000e+00 : f32
      %broadcast_in_dim3A_438 = vector.broadcast %broadcast_in_dim3A_437 : f32 to vector<8x1024xf32>
      %swap3A_439 = arith.constant 0 : index
      %swap3A_440 = arith.constant 0 : index
      %swap3A_441 = arith.constant 0 : index
      %swap3A_442 = vector.load %arg4[%swap3A_439, %swap3A_440, %swap3A_441] : memref<1x8x1024xf32, #tpu.memory_space<vmem>>, vector<1x8x1024xf32>
      %swap3A_443 = vector.shape_cast %swap3A_442 : vector<1x8x1024xf32> to vector<8x1024xf32>
      %swap3A_444 = vector.shape_cast %broadcast_in_dim3A_438 : vector<8x1024xf32> to vector<1x8x1024xf32>
      tpu.vector_store %arg4[%swap3A_439, %swap3A_440, %swap3A_441], %swap3A_444 {strides = array<i32>} : memref<1x8x1024xf32, #tpu.memory_space<vmem>>, vector<1x8x1024xf32>,
    } else {
    }
    %get3A_24 = arith.constant 0 : index
    %get3A_25 = arith.constant 0 : index
    %get3A_26 = arith.constant 0 : index
    %get3A_27 = vector.load %arg4[%get3A_24, %get3A_25, %get3A_26] : memref<1x8x1024xf32, #tpu.memory_space<vmem>>, vector<1x8x1024xf32>
    %get3A_28 = vector.shape_cast %get3A_27 : vector<1x8x1024xf32> to vector<8x1024xf32>
    %slice3A = vector.extract_strided_slice %div3A_20 {offsets = [0, 0], sizes = [8, 1024], strides = [1, 1]} : vector<256x1024xf32> to vector<8x1024xf32>
    %add3A = arith.addf %get3A_28, %slice3A : vector<8x1024xf32>
    %swap3A = arith.constant 0 : index
    %swap3A_29 = arith.constant 0 : index
    %swap3A_30 = arith.constant 0 : index
    %swap3A_31 = vector.load %arg4[%swap3A, %swap3A_29, %swap3A_30] : memref<1x8x1024xf32, #tpu.memory_space<vmem>>, vector<1x8x1024xf32>
    %swap3A_32 = vector.shape_cast %swap3A_31 : vector<1x8x1024xf32> to vector<8x1024xf32>
    %swap3A_33 = vector.shape_cast %add3A : vector<8x1024xf32> to vector<1x8x1024xf32>
    tpu.vector_store %arg4[%swap3A, %swap3A_29, %swap3A_30], %swap3A_33 {strides = array<i32>} : memref<1x8x1024xf32, #tpu.memory_space<vmem>>, vector<1x8x1024xf32>,
    %get3A_34 = arith.constant 0 : index
    %get3A_35 = arith.constant 0 : index
    %get3A_36 = arith.constant 0 : index
    %get3A_37 = vector.load %arg4[%get3A_34, %get3A_35, %get3A_36] : memref<1x8x1024xf32, #tpu.memory_space<vmem>>, vector<1x8x1024xf32>
    %get3A_38 = vector.shape_cast %get3A_37 : vector<1x8x1024xf32> to vector<8x1024xf32>
    %slice3A_39 = vector.extract_strided_slice %div3A_20 {offsets = [8, 0], sizes = [8, 1024], strides = [1, 1]} : vector<256x1024xf32> to vector<8x1024xf32>
    %add3A_40 = arith.addf %get3A_38, %slice3A_39 : vector<8x1024xf32>
    %swap3A_41 = arith.constant 0 : index
    %swap3A_42 = arith.constant 0 : index
    %swap3A_43 = arith.constant 0 : index
    %swap3A_44 = vector.load %arg4[%swap3A_41, %swap3A_42, %swap3A_43] : memref<1x8x1024xf32, #tpu.memory_space<vmem>>, vector<1x8x1024xf32>
    %swap3A_45 = vector.shape_cast %swap3A_44 : vector<1x8x1024xf32> to vector<8x1024xf32>
    %swap3A_46 = vector.shape_cast %add3A_40 : vector<8x1024xf32> to vector<1x8x1024xf32>
    tpu.vector_store %arg4[%swap3A_41, %swap3A_42, %swap3A_43], %swap3A_46 {strides = array<i32>} : memref<1x8x1024xf32, #tpu.memory_space<vmem>>, vector<1x8x1024xf32>,
    %get3A_47 = arith.constant 0 : index
    %get3A_48 = arith.constant 0 : index
    %get3A_49 = arith.constant 0 : index
    %get3A_50 = vector.load %arg4[%get3A_47, %get3A_48, %get3A_49] : memref<1x8x1024xf32, #tpu.memory_space<vmem>>, vector<1x8x1024xf32>
    %get3A_51 = vector.shape_cast %get3A_50 : vector<1x8x1024xf32> to vector<8x1024xf32>
    %slice3A_52 = vector.extract_strided_slice %div3A_20 {offsets = [16, 0], sizes = [8, 1024], strides = [1, 1]} : vector<256x1024xf32> to vector<8x1024xf32>
    %add3A_53 = arith.addf %get3A_51, %slice3A_52 : vector<8x1024xf32>
    %swap3A_54 = arith.constant 0 : index
    %swap3A_55 = arith.constant 0 : index
    %swap3A_56 = arith.constant 0 : index
    %swap3A_57 = vector.load %arg4[%swap3A_54, %swap3A_55, %swap3A_56] : memref<1x8x1024xf32, #tpu.memory_space<vmem>>, vector<1x8x1024xf32>
    %swap3A_58 = vector.shape_cast %swap3A_57 : vector<1x8x1024xf32> to vector<8x1024xf32>
    %swap3A_59 = vector.shape_cast %add3A_53 : vector<8x1024xf32> to vector<1x8x1024xf32>
    tpu.vector_store %arg4[%swap3A_54, %swap3A_55, %swap3A_56], %swap3A_59 {strides = array<i32>} : memref<1x8x1024xf32, #tpu.memory_space<vmem>>, vector<1x8x1024xf32>,
    %get3A_60 = arith.constant 0 : index
    %get3A_61 = arith.constant 0 : index
    %get3A_62 = arith.constant 0 : index
    %get3A_63 = vector.load %arg4[%get3A_60, %get3A_61, %get3A_62] : memref<1x8x1024xf32, #tpu.memory_space<vmem>>, vector<1x8x1024xf32>
    %get3A_64 = vector.shape_cast %get3A_63 : vector<1x8x1024xf32> to vector<8x1024xf32>
    %slice3A_65 = vector.extract_strided_slice %div3A_20 {offsets = [24, 0], sizes = [8, 1024], strides = [1, 1]} : vector<256x1024xf32> to vector<8x1024xf32>
    %add3A_66 = arith.addf %get3A_64, %slice3A_65 : vector<8x1024xf32>
    %swap3A_67 = arith.constant 0 : index
    %swap3A_68 = arith.constant 0 : index
    %swap3A_69 = arith.constant 0 : index
    %swap3A_70 = vector.load %arg4[%swap3A_67, %swap3A_68, %swap3A_69] : memref<1x8x1024xf32, #tpu.memory_space<vmem>>, vector<1x8x1024xf32>
    %swap3A_71 = vector.shape_cast %swap3A_70 : vector<1x8x1024xf32> to vector<8x1024xf32>
    %swap3A_72 = vector.shape_cast %add3A_66 : vector<8x1024xf32> to vector<1x8x1024xf32>
    tpu.vector_store %arg4[%swap3A_67, %swap3A_68, %swap3A_69], %swap3A_72 {strides = array<i32>} : memref<1x8x1024xf32, #tpu.memory_space<vmem>>, vector<1x8x1024xf32>,
    %get3A_73 = arith.constant 0 : index
    %get3A_74 = arith.constant 0 : index
    %get3A_75 = arith.constant 0 : index
    %get3A_76 = vector.load %arg4[%get3A_73, %get3A_74, %get3A_75] : memref<1x8x1024xf32, #tpu.memory_space<vmem>>, vector<1x8x1024xf32>
    %get3A_77 = vector.shape_cast %get3A_76 : vector<1x8x1024xf32> to vector<8x1024xf32>
    %slice3A_78 = vector.extract_strided_slice %div3A_20 {offsets = [32, 0], sizes = [8, 1024], strides = [1, 1]} : vector<256x1024xf32> to vector<8x1024xf32>
    %add3A_79 = arith.addf %get3A_77, %slice3A_78 : vector<8x1024xf32>
    %swap3A_80 = arith.constant 0 : index
    %swap3A_81 = arith.constant 0 : index
    %swap3A_82 = arith.constant 0 : index
    %swap3A_83 = vector.load %arg4[%swap3A_80, %swap3A_81, %swap3A_82] : memref<1x8x1024xf32, #tpu.memory_space<vmem>>, vector<1x8x1024xf32>
    %swap3A_84 = vector.shape_cast %swap3A_83 : vector<1x8x1024xf32> to vector<8x1024xf32>
    %swap3A_85 = vector.shape_cast %add3A_79 : vector<8x1024xf32> to vector<1x8x1024xf32>
    tpu.vector_store %arg4[%swap3A_80, %swap3A_81, %swap3A_82], %swap3A_85 {strides = array<i32>} : memref<1x8x1024xf32, #tpu.memory_space<vmem>>, vector<1x8x1024xf32>,
    %get3A_86 = arith.constant 0 : index
    %get3A_87 = arith.constant 0 : index
    %get3A_88 = arith.constant 0 : index
    %get3A_89 = vector.load %arg4[%get3A_86, %get3A_87, %get3A_88] : memref<1x8x1024xf32, #tpu.memory_space<vmem>>, vector<1x8x1024xf32>
    %get3A_90 = vector.shape_cast %get3A_89 : vector<1x8x1024xf32> to vector<8x1024xf32>
    %slice3A_91 = vector.extract_strided_slice %div3A_20 {offsets = [40, 0], sizes = [8, 1024], strides = [1, 1]} : vector<256x1024xf32> to vector<8x1024xf32>
    %add3A_92 = arith.addf %get3A_90, %slice3A_91 : vector<8x1024xf32>
    %swap3A_93 = arith.constant 0 : index
    %swap3A_94 = arith.constant 0 : index
    %swap3A_95 = arith.constant 0 : index
    %swap3A_96 = vector.load %arg4[%swap3A_93, %swap3A_94, %swap3A_95] : memref<1x8x1024xf32, #tpu.memory_space<vmem>>, vector<1x8x1024xf32>
    %swap3A_97 = vector.shape_cast %swap3A_96 : vector<1x8x1024xf32> to vector<8x1024xf32>
    %swap3A_98 = vector.shape_cast %add3A_92 : vector<8x1024xf32> to vector<1x8x1024xf32>
    tpu.vector_store %arg4[%swap3A_93, %swap3A_94, %swap3A_95], %swap3A_98 {strides = array<i32>} : memref<1x8x1024xf32, #tpu.memory_space<vmem>>, vector<1x8x1024xf32>,
    %get3A_99 = arith.constant 0 : index
    %get3A_100 = arith.constant 0 : index
    %get3A_101 = arith.constant 0 : index
    %get3A_102 = vector.load %arg4[%get3A_99, %get3A_100, %get3A_101] : memref<1x8x1024xf32, #tpu.memory_space<vmem>>, vector<1x8x1024xf32>
    %get3A_103 = vector.shape_cast %get3A_102 : vector<1x8x1024xf32> to vector<8x1024xf32>
    %slice3A_104 = vector.extract_strided_slice %div3A_20 {offsets = [48, 0], sizes = [8, 1024], strides = [1, 1]} : vector<256x1024xf32> to vector<8x1024xf32>
    %add3A_105 = arith.addf %get3A_103, %slice3A_104 : vector<8x1024xf32>
    %swap3A_106 = arith.constant 0 : index
    %swap3A_107 = arith.constant 0 : index
    %swap3A_108 = arith.constant 0 : index
    %swap3A_109 = vector.load %arg4[%swap3A_106, %swap3A_107, %swap3A_108] : memref<1x8x1024xf32, #tpu.memory_space<vmem>>, vector<1x8x1024xf32>
    %swap3A_110 = vector.shape_cast %swap3A_109 : vector<1x8x1024xf32> to vector<8x1024xf32>
    %swap3A_111 = vector.shape_cast %add3A_105 : vector<8x1024xf32> to vector<1x8x1024xf32>
    tpu.vector_store %arg4[%swap3A_106, %swap3A_107, %swap3A_108], %swap3A_111 {strides = array<i32>} : memref<1x8x1024xf32, #tpu.memory_space<vmem>>, vector<1x8x1024xf32>,
    %get3A_112 = arith.constant 0 : index
    %get3A_113 = arith.constant 0 : index
    %get3A_114 = arith.constant 0 : index
    %get3A_115 = vector.load %arg4[%get3A_112, %get3A_113, %get3A_114] : memref<1x8x1024xf32, #tpu.memory_space<vmem>>, vector<1x8x1024xf32>
    %get3A_116 = vector.shape_cast %get3A_115 : vector<1x8x1024xf32> to vector<8x1024xf32>
    %slice3A_117 = vector.extract_strided_slice %div3A_20 {offsets = [56, 0], sizes = [8, 1024], strides = [1, 1]} : vector<256x1024xf32> to vector<8x1024xf32>
    %add3A_118 = arith.addf %get3A_116, %slice3A_117 : vector<8x1024xf32>
    %swap3A_119 = arith.constant 0 : index
    %swap3A_120 = arith.constant 0 : index
    %swap3A_121 = arith.constant 0 : index
    %swap3A_122 = vector.load %arg4[%swap3A_119, %swap3A_120, %swap3A_121] : memref<1x8x1024xf32, #tpu.memory_space<vmem>>, vector<1x8x1024xf32>
    %swap3A_123 = vector.shape_cast %swap3A_122 : vector<1x8x1024xf32> to vector<8x1024xf32>
    %swap3A_124 = vector.shape_cast %add3A_118 : vector<8x1024xf32> to vector<1x8x1024xf32>
    tpu.vector_store %arg4[%swap3A_119, %swap3A_120, %swap3A_121], %swap3A_124 {strides = array<i32>} : memref<1x8x1024xf32, #tpu.memory_space<vmem>>, vector<1x8x1024xf32>,
    %get3A_125 = arith.constant 0 : index
    %get3A_126 = arith.constant 0 : index
    %get3A_127 = arith.constant 0 : index
    %get3A_128 = vector.load %arg4[%get3A_125, %get3A_126, %get3A_127] : memref<1x8x1024xf32, #tpu.memory_space<vmem>>, vector<1x8x1024xf32>
    %get3A_129 = vector.shape_cast %get3A_128 : vector<1x8x1024xf32> to vector<8x1024xf32>
    %slice3A_130 = vector.extract_strided_slice %div3A_20 {offsets = [64, 0], sizes = [8, 1024], strides = [1, 1]} : vector<256x1024xf32> to vector<8x1024xf32>
    %add3A_131 = arith.addf %get3A_129, %slice3A_130 : vector<8x1024xf32>
    %swap3A_132 = arith.constant 0 : index
    %swap3A_133 = arith.constant 0 : index
    %swap3A_134 = arith.constant 0 : index
    %swap3A_135 = vector.load %arg4[%swap3A_132, %swap3A_133, %swap3A_134] : memref<1x8x1024xf32, #tpu.memory_space<vmem>>, vector<1x8x1024xf32>
    %swap3A_136 = vector.shape_cast %swap3A_135 : vector<1x8x1024xf32> to vector<8x1024xf32>
    %swap3A_137 = vector.shape_cast %add3A_131 : vector<8x1024xf32> to vector<1x8x1024xf32>
    tpu.vector_store %arg4[%swap3A_132, %swap3A_133, %swap3A_134], %swap3A_137 {strides = array<i32>} : memref<1x8x1024xf32, #tpu.memory_space<vmem>>, vector<1x8x1024xf32>,
    %get3A_138 = arith.constant 0 : index
    %get3A_139 = arith.constant 0 : index
    %get3A_140 = arith.constant 0 : index
    %get3A_141 = vector.load %arg4[%get3A_138, %get3A_139, %get3A_140] : memref<1x8x1024xf32, #tpu.memory_space<vmem>>, vector<1x8x1024xf32>
    %get3A_142 = vector.shape_cast %get3A_141 : vector<1x8x1024xf32> to vector<8x1024xf32>
    %slice3A_143 = vector.extract_strided_slice %div3A_20 {offsets = [72, 0], sizes = [8, 1024], strides = [1, 1]} : vector<256x1024xf32> to vector<8x1024xf32>
    %add3A_144 = arith.addf %get3A_142, %slice3A_143 : vector<8x1024xf32>
    %swap3A_145 = arith.constant 0 : index
    %swap3A_146 = arith.constant 0 : index
    %swap3A_147 = arith.constant 0 : index
    %swap3A_148 = vector.load %arg4[%swap3A_145, %swap3A_146, %swap3A_147] : memref<1x8x1024xf32, #tpu.memory_space<vmem>>, vector<1x8x1024xf32>
    %swap3A_149 = vector.shape_cast %swap3A_148 : vector<1x8x1024xf32> to vector<8x1024xf32>
    %swap3A_150 = vector.shape_cast %add3A_144 : vector<8x1024xf32> to vector<1x8x1024xf32>
    tpu.vector_store %arg4[%swap3A_145, %swap3A_146, %swap3A_147], %swap3A_150 {strides = array<i32>} : memref<1x8x1024xf32, #tpu.memory_space<vmem>>, vector<1x8x1024xf32>,
    %get3A_151 = arith.constant 0 : index
    %get3A_152 = arith.constant 0 : index
    %get3A_153 = arith.constant 0 : index
    %get3A_154 = vector.load %arg4[%get3A_151, %get3A_152, %get3A_153] : memref<1x8x1024xf32, #tpu.memory_space<vmem>>, vector<1x8x1024xf32>
    %get3A_155 = vector.shape_cast %get3A_154 : vector<1x8x1024xf32> to vector<8x1024xf32>
    %slice3A_156 = vector.extract_strided_slice %div3A_20 {offsets = [80, 0], sizes = [8, 1024], strides = [1, 1]} : vector<256x1024xf32> to vector<8x1024xf32>
    %add3A_157 = arith.addf %get3A_155, %slice3A_156 : vector<8x1024xf32>
    %swap3A_158 = arith.constant 0 : index
    %swap3A_159 = arith.constant 0 : index
    %swap3A_160 = arith.constant 0 : index
    %swap3A_161 = vector.load %arg4[%swap3A_158, %swap3A_159, %swap3A_160] : memref<1x8x1024xf32, #tpu.memory_space<vmem>>, vector<1x8x1024xf32>
    %swap3A_162 = vector.shape_cast %swap3A_161 : vector<1x8x1024xf32> to vector<8x1024xf32>
    %swap3A_163 = vector.shape_cast %add3A_157 : vector<8x1024xf32> to vector<1x8x1024xf32>
    tpu.vector_store %arg4[%swap3A_158, %swap3A_159, %swap3A_160], %swap3A_163 {strides = array<i32>} : memref<1x8x1024xf32, #tpu.memory_space<vmem>>, vector<1x8x1024xf32>,
    %get3A_164 = arith.constant 0 : index
    %get3A_165 = arith.constant 0 : index
    %get3A_166 = arith.constant 0 : index
    %get3A_167 = vector.load %arg4[%get3A_164, %get3A_165, %get3A_166] : memref<1x8x1024xf32, #tpu.memory_space<vmem>>, vector<1x8x1024xf32>
    %get3A_168 = vector.shape_cast %get3A_167 : vector<1x8x1024xf32> to vector<8x1024xf32>
    %slice3A_169 = vector.extract_strided_slice %div3A_20 {offsets = [88, 0], sizes = [8, 1024], strides = [1, 1]} : vector<256x1024xf32> to vector<8x1024xf32>
    %add3A_170 = arith.addf %get3A_168, %slice3A_169 : vector<8x1024xf32>
    %swap3A_171 = arith.constant 0 : index
    %swap3A_172 = arith.constant 0 : index
    %swap3A_173 = arith.constant 0 : index
    %swap3A_174 = vector.load %arg4[%swap3A_171, %swap3A_172, %swap3A_173] : memref<1x8x1024xf32, #tpu.memory_space<vmem>>, vector<1x8x1024xf32>
    %swap3A_175 = vector.shape_cast %swap3A_174 : vector<1x8x1024xf32> to vector<8x1024xf32>
    %swap3A_176 = vector.shape_cast %add3A_170 : vector<8x1024xf32> to vector<1x8x1024xf32>
    tpu.vector_store %arg4[%swap3A_171, %swap3A_172, %swap3A_173], %swap3A_176 {strides = array<i32>} : memref<1x8x1024xf32, #tpu.memory_space<vmem>>, vector<1x8x1024xf32>,
    %get3A_177 = arith.constant 0 : index
    %get3A_178 = arith.constant 0 : index
    %get3A_179 = arith.constant 0 : index
    %get3A_180 = vector.load %arg4[%get3A_177, %get3A_178, %get3A_179] : memref<1x8x1024xf32, #tpu.memory_space<vmem>>, vector<1x8x1024xf32>
    %get3A_181 = vector.shape_cast %get3A_180 : vector<1x8x1024xf32> to vector<8x1024xf32>
    %slice3A_182 = vector.extract_strided_slice %div3A_20 {offsets = [96, 0], sizes = [8, 1024], strides = [1, 1]} : vector<256x1024xf32> to vector<8x1024xf32>
    %add3A_183 = arith.addf %get3A_181, %slice3A_182 : vector<8x1024xf32>
    %swap3A_184 = arith.constant 0 : index
    %swap3A_185 = arith.constant 0 : index
    %swap3A_186 = arith.constant 0 : index
    %swap3A_187 = vector.load %arg4[%swap3A_184, %swap3A_185, %swap3A_186] : memref<1x8x1024xf32, #tpu.memory_space<vmem>>, vector<1x8x1024xf32>
    %swap3A_188 = vector.shape_cast %swap3A_187 : vector<1x8x1024xf32> to vector<8x1024xf32>
    %swap3A_189 = vector.shape_cast %add3A_183 : vector<8x1024xf32> to vector<1x8x1024xf32>
    tpu.vector_store %arg4[%swap3A_184, %swap3A_185, %swap3A_186], %swap3A_189 {strides = array<i32>} : memref<1x8x1024xf32, #tpu.memory_space<vmem>>, vector<1x8x1024xf32>,
    %get3A_190 = arith.constant 0 : index
    %get3A_191 = arith.constant 0 : index
    %get3A_192 = arith.constant 0 : index
    %get3A_193 = vector.load %arg4[%get3A_190, %get3A_191, %get3A_192] : memref<1x8x1024xf32, #tpu.memory_space<vmem>>, vector<1x8x1024xf32>
    %get3A_194 = vector.shape_cast %get3A_193 : vector<1x8x1024xf32> to vector<8x1024xf32>
    %slice3A_195 = vector.extract_strided_slice %div3A_20 {offsets = [104, 0], sizes = [8, 1024], strides = [1, 1]} : vector<256x1024xf32> to vector<8x1024xf32>
    %add3A_196 = arith.addf %get3A_194, %slice3A_195 : vector<8x1024xf32>
    %swap3A_197 = arith.constant 0 : index
    %swap3A_198 = arith.constant 0 : index
    %swap3A_199 = arith.constant 0 : index
    %swap3A_200 = vector.load %arg4[%swap3A_197, %swap3A_198, %swap3A_199] : memref<1x8x1024xf32, #tpu.memory_space<vmem>>, vector<1x8x1024xf32>
    %swap3A_201 = vector.shape_cast %swap3A_200 : vector<1x8x1024xf32> to vector<8x1024xf32>
    %swap3A_202 = vector.shape_cast %add3A_196 : vector<8x1024xf32> to vector<1x8x1024xf32>
    tpu.vector_store %arg4[%swap3A_197, %swap3A_198, %swap3A_199], %swap3A_202 {strides = array<i32>} : memref<1x8x1024xf32, #tpu.memory_space<vmem>>, vector<1x8x1024xf32>,
    %get3A_203 = arith.constant 0 : index
    %get3A_204 = arith.constant 0 : index
    %get3A_205 = arith.constant 0 : index
    %get3A_206 = vector.load %arg4[%get3A_203, %get3A_204, %get3A_205] : memref<1x8x1024xf32, #tpu.memory_space<vmem>>, vector<1x8x1024xf32>
    %get3A_207 = vector.shape_cast %get3A_206 : vector<1x8x1024xf32> to vector<8x1024xf32>
    %slice3A_208 = vector.extract_strided_slice %div3A_20 {offsets = [112, 0], sizes = [8, 1024], strides = [1, 1]} : vector<256x1024xf32> to vector<8x1024xf32>
    %add3A_209 = arith.addf %get3A_207, %slice3A_208 : vector<8x1024xf32>
    %swap3A_210 = arith.constant 0 : index
    %swap3A_211 = arith.constant 0 : index
    %swap3A_212 = arith.constant 0 : index
    %swap3A_213 = vector.load %arg4[%swap3A_210, %swap3A_211, %swap3A_212] : memref<1x8x1024xf32, #tpu.memory_space<vmem>>, vector<1x8x1024xf32>
    %swap3A_214 = vector.shape_cast %swap3A_213 : vector<1x8x1024xf32> to vector<8x1024xf32>
    %swap3A_215 = vector.shape_cast %add3A_209 : vector<8x1024xf32> to vector<1x8x1024xf32>
    tpu.vector_store %arg4[%swap3A_210, %swap3A_211, %swap3A_212], %swap3A_215 {strides = array<i32>} : memref<1x8x1024xf32, #tpu.memory_space<vmem>>, vector<1x8x1024xf32>,
    %get3A_216 = arith.constant 0 : index
    %get3A_217 = arith.constant 0 : index
    %get3A_218 = arith.constant 0 : index
    %get3A_219 = vector.load %arg4[%get3A_216, %get3A_217, %get3A_218] : memref<1x8x1024xf32, #tpu.memory_space<vmem>>, vector<1x8x1024xf32>
    %get3A_220 = vector.shape_cast %get3A_219 : vector<1x8x1024xf32> to vector<8x1024xf32>
    %slice3A_221 = vector.extract_strided_slice %div3A_20 {offsets = [120, 0], sizes = [8, 1024], strides = [1, 1]} : vector<256x1024xf32> to vector<8x1024xf32>
    %add3A_222 = arith.addf %get3A_220, %slice3A_221 : vector<8x1024xf32>
    %swap3A_223 = arith.constant 0 : index
    %swap3A_224 = arith.constant 0 : index
    %swap3A_225 = arith.constant 0 : index
    %swap3A_226 = vector.load %arg4[%swap3A_223, %swap3A_224, %swap3A_225] : memref<1x8x1024xf32, #tpu.memory_space<vmem>>, vector<1x8x1024xf32>
    %swap3A_227 = vector.shape_cast %swap3A_226 : vector<1x8x1024xf32> to vector<8x1024xf32>
    %swap3A_228 = vector.shape_cast %add3A_222 : vector<8x1024xf32> to vector<1x8x1024xf32>
    tpu.vector_store %arg4[%swap3A_223, %swap3A_224, %swap3A_225], %swap3A_228 {strides = array<i32>} : memref<1x8x1024xf32, #tpu.memory_space<vmem>>, vector<1x8x1024xf32>,
    %get3A_229 = arith.constant 0 : index
    %get3A_230 = arith.constant 0 : index
    %get3A_231 = arith.constant 0 : index
    %get3A_232 = vector.load %arg4[%get3A_229, %get3A_230, %get3A_231] : memref<1x8x1024xf32, #tpu.memory_space<vmem>>, vector<1x8x1024xf32>
    %get3A_233 = vector.shape_cast %get3A_232 : vector<1x8x1024xf32> to vector<8x1024xf32>
    %slice3A_234 = vector.extract_strided_slice %div3A_20 {offsets = [128, 0], sizes = [8, 1024], strides = [1, 1]} : vector<256x1024xf32> to vector<8x1024xf32>
    %add3A_235 = arith.addf %get3A_233, %slice3A_234 : vector<8x1024xf32>
    %swap3A_236 = arith.constant 0 : index
    %swap3A_237 = arith.constant 0 : index
    %swap3A_238 = arith.constant 0 : index
    %swap3A_239 = vector.load %arg4[%swap3A_236, %swap3A_237, %swap3A_238] : memref<1x8x1024xf32, #tpu.memory_space<vmem>>, vector<1x8x1024xf32>
    %swap3A_240 = vector.shape_cast %swap3A_239 : vector<1x8x1024xf32> to vector<8x1024xf32>
    %swap3A_241 = vector.shape_cast %add3A_235 : vector<8x1024xf32> to vector<1x8x1024xf32>
    tpu.vector_store %arg4[%swap3A_236, %swap3A_237, %swap3A_238], %swap3A_241 {strides = array<i32>} : memref<1x8x1024xf32, #tpu.memory_space<vmem>>, vector<1x8x1024xf32>,
    %get3A_242 = arith.constant 0 : index
    %get3A_243 = arith.constant 0 : index
    %get3A_244 = arith.constant 0 : index
    %get3A_245 = vector.load %arg4[%get3A_242, %get3A_243, %get3A_244] : memref<1x8x1024xf32, #tpu.memory_space<vmem>>, vector<1x8x1024xf32>
    %get3A_246 = vector.shape_cast %get3A_245 : vector<1x8x1024xf32> to vector<8x1024xf32>
    %slice3A_247 = vector.extract_strided_slice %div3A_20 {offsets = [136, 0], sizes = [8, 1024], strides = [1, 1]} : vector<256x1024xf32> to vector<8x1024xf32>
    %add3A_248 = arith.addf %get3A_246, %slice3A_247 : vector<8x1024xf32>
    %swap3A_249 = arith.constant 0 : index
    %swap3A_250 = arith.constant 0 : index
    %swap3A_251 = arith.constant 0 : index
    %swap3A_252 = vector.load %arg4[%swap3A_249, %swap3A_250, %swap3A_251] : memref<1x8x1024xf32, #tpu.memory_space<vmem>>, vector<1x8x1024xf32>
    %swap3A_253 = vector.shape_cast %swap3A_252 : vector<1x8x1024xf32> to vector<8x1024xf32>
    %swap3A_254 = vector.shape_cast %add3A_248 : vector<8x1024xf32> to vector<1x8x1024xf32>
    tpu.vector_store %arg4[%swap3A_249, %swap3A_250, %swap3A_251], %swap3A_254 {strides = array<i32>} : memref<1x8x1024xf32, #tpu.memory_space<vmem>>, vector<1x8x1024xf32>,
    %get3A_255 = arith.constant 0 : index
    %get3A_256 = arith.constant 0 : index
    %get3A_257 = arith.constant 0 : index
    %get3A_258 = vector.load %arg4[%get3A_255, %get3A_256, %get3A_257] : memref<1x8x1024xf32, #tpu.memory_space<vmem>>, vector<1x8x1024xf32>
    %get3A_259 = vector.shape_cast %get3A_258 : vector<1x8x1024xf32> to vector<8x1024xf32>
    %slice3A_260 = vector.extract_strided_slice %div3A_20 {offsets = [144, 0], sizes = [8, 1024], strides = [1, 1]} : vector<256x1024xf32> to vector<8x1024xf32>
    %add3A_261 = arith.addf %get3A_259, %slice3A_260 : vector<8x1024xf32>
    %swap3A_262 = arith.constant 0 : index
    %swap3A_263 = arith.constant 0 : index
    %swap3A_264 = arith.constant 0 : index
    %swap3A_265 = vector.load %arg4[%swap3A_262, %swap3A_263, %swap3A_264] : memref<1x8x1024xf32, #tpu.memory_space<vmem>>, vector<1x8x1024xf32>
    %swap3A_266 = vector.shape_cast %swap3A_265 : vector<1x8x1024xf32> to vector<8x1024xf32>
    %swap3A_267 = vector.shape_cast %add3A_261 : vector<8x1024xf32> to vector<1x8x1024xf32>
    tpu.vector_store %arg4[%swap3A_262, %swap3A_263, %swap3A_264], %swap3A_267 {strides = array<i32>} : memref<1x8x1024xf32, #tpu.memory_space<vmem>>, vector<1x8x1024xf32>,
    %get3A_268 = arith.constant 0 : index
    %get3A_269 = arith.constant 0 : index
    %get3A_270 = arith.constant 0 : index
    %get3A_271 = vector.load %arg4[%get3A_268, %get3A_269, %get3A_270] : memref<1x8x1024xf32, #tpu.memory_space<vmem>>, vector<1x8x1024xf32>
    %get3A_272 = vector.shape_cast %get3A_271 : vector<1x8x1024xf32> to vector<8x1024xf32>
    %slice3A_273 = vector.extract_strided_slice %div3A_20 {offsets = [152, 0], sizes = [8, 1024], strides = [1, 1]} : vector<256x1024xf32> to vector<8x1024xf32>
    %add3A_274 = arith.addf %get3A_272, %slice3A_273 : vector<8x1024xf32>
    %swap3A_275 = arith.constant 0 : index
    %swap3A_276 = arith.constant 0 : index
    %swap3A_277 = arith.constant 0 : index
    %swap3A_278 = vector.load %arg4[%swap3A_275, %swap3A_276, %swap3A_277] : memref<1x8x1024xf32, #tpu.memory_space<vmem>>, vector<1x8x1024xf32>
    %swap3A_279 = vector.shape_cast %swap3A_278 : vector<1x8x1024xf32> to vector<8x1024xf32>
    %swap3A_280 = vector.shape_cast %add3A_274 : vector<8x1024xf32> to vector<1x8x1024xf32>
    tpu.vector_store %arg4[%swap3A_275, %swap3A_276, %swap3A_277], %swap3A_280 {strides = array<i32>} : memref<1x8x1024xf32, #tpu.memory_space<vmem>>, vector<1x8x1024xf32>,
    %get3A_281 = arith.constant 0 : index
    %get3A_282 = arith.constant 0 : index
    %get3A_283 = arith.constant 0 : index
    %get3A_284 = vector.load %arg4[%get3A_281, %get3A_282, %get3A_283] : memref<1x8x1024xf32, #tpu.memory_space<vmem>>, vector<1x8x1024xf32>
    %get3A_285 = vector.shape_cast %get3A_284 : vector<1x8x1024xf32> to vector<8x1024xf32>
    %slice3A_286 = vector.extract_strided_slice %div3A_20 {offsets = [160, 0], sizes = [8, 1024], strides = [1, 1]} : vector<256x1024xf32> to vector<8x1024xf32>
    %add3A_287 = arith.addf %get3A_285, %slice3A_286 : vector<8x1024xf32>
    %swap3A_288 = arith.constant 0 : index
    %swap3A_289 = arith.constant 0 : index
    %swap3A_290 = arith.constant 0 : index
    %swap3A_291 = vector.load %arg4[%swap3A_288, %swap3A_289, %swap3A_290] : memref<1x8x1024xf32, #tpu.memory_space<vmem>>, vector<1x8x1024xf32>
    %swap3A_292 = vector.shape_cast %swap3A_291 : vector<1x8x1024xf32> to vector<8x1024xf32>
    %swap3A_293 = vector.shape_cast %add3A_287 : vector<8x1024xf32> to vector<1x8x1024xf32>
    tpu.vector_store %arg4[%swap3A_288, %swap3A_289, %swap3A_290], %swap3A_293 {strides = array<i32>} : memref<1x8x1024xf32, #tpu.memory_space<vmem>>, vector<1x8x1024xf32>,
    %get3A_294 = arith.constant 0 : index
    %get3A_295 = arith.constant 0 : index
    %get3A_296 = arith.constant 0 : index
    %get3A_297 = vector.load %arg4[%get3A_294, %get3A_295, %get3A_296] : memref<1x8x1024xf32, #tpu.memory_space<vmem>>, vector<1x8x1024xf32>
    %get3A_298 = vector.shape_cast %get3A_297 : vector<1x8x1024xf32> to vector<8x1024xf32>
    %slice3A_299 = vector.extract_strided_slice %div3A_20 {offsets = [168, 0], sizes = [8, 1024], strides = [1, 1]} : vector<256x1024xf32> to vector<8x1024xf32>
    %add3A_300 = arith.addf %get3A_298, %slice3A_299 : vector<8x1024xf32>
    %swap3A_301 = arith.constant 0 : index
    %swap3A_302 = arith.constant 0 : index
    %swap3A_303 = arith.constant 0 : index
    %swap3A_304 = vector.load %arg4[%swap3A_301, %swap3A_302, %swap3A_303] : memref<1x8x1024xf32, #tpu.memory_space<vmem>>, vector<1x8x1024xf32>
    %swap3A_305 = vector.shape_cast %swap3A_304 : vector<1x8x1024xf32> to vector<8x1024xf32>
    %swap3A_306 = vector.shape_cast %add3A_300 : vector<8x1024xf32> to vector<1x8x1024xf32>
    tpu.vector_store %arg4[%swap3A_301, %swap3A_302, %swap3A_303], %swap3A_306 {strides = array<i32>} : memref<1x8x1024xf32, #tpu.memory_space<vmem>>, vector<1x8x1024xf32>,
    %get3A_307 = arith.constant 0 : index
    %get3A_308 = arith.constant 0 : index
    %get3A_309 = arith.constant 0 : index
    %get3A_310 = vector.load %arg4[%get3A_307, %get3A_308, %get3A_309] : memref<1x8x1024xf32, #tpu.memory_space<vmem>>, vector<1x8x1024xf32>
    %get3A_311 = vector.shape_cast %get3A_310 : vector<1x8x1024xf32> to vector<8x1024xf32>
    %slice3A_312 = vector.extract_strided_slice %div3A_20 {offsets = [176, 0], sizes = [8, 1024], strides = [1, 1]} : vector<256x1024xf32> to vector<8x1024xf32>
    %add3A_313 = arith.addf %get3A_311, %slice3A_312 : vector<8x1024xf32>
    %swap3A_314 = arith.constant 0 : index
    %swap3A_315 = arith.constant 0 : index
    %swap3A_316 = arith.constant 0 : index
    %swap3A_317 = vector.load %arg4[%swap3A_314, %swap3A_315, %swap3A_316] : memref<1x8x1024xf32, #tpu.memory_space<vmem>>, vector<1x8x1024xf32>
    %swap3A_318 = vector.shape_cast %swap3A_317 : vector<1x8x1024xf32> to vector<8x1024xf32>
    %swap3A_319 = vector.shape_cast %add3A_313 : vector<8x1024xf32> to vector<1x8x1024xf32>
    tpu.vector_store %arg4[%swap3A_314, %swap3A_315, %swap3A_316], %swap3A_319 {strides = array<i32>} : memref<1x8x1024xf32, #tpu.memory_space<vmem>>, vector<1x8x1024xf32>,
    %get3A_320 = arith.constant 0 : index
    %get3A_321 = arith.constant 0 : index
    %get3A_322 = arith.constant 0 : index
    %get3A_323 = vector.load %arg4[%get3A_320, %get3A_321, %get3A_322] : memref<1x8x1024xf32, #tpu.memory_space<vmem>>, vector<1x8x1024xf32>
    %get3A_324 = vector.shape_cast %get3A_323 : vector<1x8x1024xf32> to vector<8x1024xf32>
    %slice3A_325 = vector.extract_strided_slice %div3A_20 {offsets = [184, 0], sizes = [8, 1024], strides = [1, 1]} : vector<256x1024xf32> to vector<8x1024xf32>
    %add3A_326 = arith.addf %get3A_324, %slice3A_325 : vector<8x1024xf32>
    %swap3A_327 = arith.constant 0 : index
    %swap3A_328 = arith.constant 0 : index
    %swap3A_329 = arith.constant 0 : index
    %swap3A_330 = vector.load %arg4[%swap3A_327, %swap3A_328, %swap3A_329] : memref<1x8x1024xf32, #tpu.memory_space<vmem>>, vector<1x8x1024xf32>
    %swap3A_331 = vector.shape_cast %swap3A_330 : vector<1x8x1024xf32> to vector<8x1024xf32>
    %swap3A_332 = vector.shape_cast %add3A_326 : vector<8x1024xf32> to vector<1x8x1024xf32>
    tpu.vector_store %arg4[%swap3A_327, %swap3A_328, %swap3A_329], %swap3A_332 {strides = array<i32>} : memref<1x8x1024xf32, #tpu.memory_space<vmem>>, vector<1x8x1024xf32>,
    %get3A_333 = arith.constant 0 : index
    %get3A_334 = arith.constant 0 : index
    %get3A_335 = arith.constant 0 : index
    %get3A_336 = vector.load %arg4[%get3A_333, %get3A_334, %get3A_335] : memref<1x8x1024xf32, #tpu.memory_space<vmem>>, vector<1x8x1024xf32>
    %get3A_337 = vector.shape_cast %get3A_336 : vector<1x8x1024xf32> to vector<8x1024xf32>
    %slice3A_338 = vector.extract_strided_slice %div3A_20 {offsets = [192, 0], sizes = [8, 1024], strides = [1, 1]} : vector<256x1024xf32> to vector<8x1024xf32>
    %add3A_339 = arith.addf %get3A_337, %slice3A_338 : vector<8x1024xf32>
    %swap3A_340 = arith.constant 0 : index
    %swap3A_341 = arith.constant 0 : index
    %swap3A_342 = arith.constant 0 : index
    %swap3A_343 = vector.load %arg4[%swap3A_340, %swap3A_341, %swap3A_342] : memref<1x8x1024xf32, #tpu.memory_space<vmem>>, vector<1x8x1024xf32>
    %swap3A_344 = vector.shape_cast %swap3A_343 : vector<1x8x1024xf32> to vector<8x1024xf32>
    %swap3A_345 = vector.shape_cast %add3A_339 : vector<8x1024xf32> to vector<1x8x1024xf32>
    tpu.vector_store %arg4[%swap3A_340, %swap3A_341, %swap3A_342], %swap3A_345 {strides = array<i32>} : memref<1x8x1024xf32, #tpu.memory_space<vmem>>, vector<1x8x1024xf32>,
    %get3A_346 = arith.constant 0 : index
    %get3A_347 = arith.constant 0 : index
    %get3A_348 = arith.constant 0 : index
    %get3A_349 = vector.load %arg4[%get3A_346, %get3A_347, %get3A_348] : memref<1x8x1024xf32, #tpu.memory_space<vmem>>, vector<1x8x1024xf32>
    %get3A_350 = vector.shape_cast %get3A_349 : vector<1x8x1024xf32> to vector<8x1024xf32>
    %slice3A_351 = vector.extract_strided_slice %div3A_20 {offsets = [200, 0], sizes = [8, 1024], strides = [1, 1]} : vector<256x1024xf32> to vector<8x1024xf32>
    %add3A_352 = arith.addf %get3A_350, %slice3A_351 : vector<8x1024xf32>
    %swap3A_353 = arith.constant 0 : index
    %swap3A_354 = arith.constant 0 : index
    %swap3A_355 = arith.constant 0 : index
    %swap3A_356 = vector.load %arg4[%swap3A_353, %swap3A_354, %swap3A_355] : memref<1x8x1024xf32, #tpu.memory_space<vmem>>, vector<1x8x1024xf32>
    %swap3A_357 = vector.shape_cast %swap3A_356 : vector<1x8x1024xf32> to vector<8x1024xf32>
    %swap3A_358 = vector.shape_cast %add3A_352 : vector<8x1024xf32> to vector<1x8x1024xf32>
    tpu.vector_store %arg4[%swap3A_353, %swap3A_354, %swap3A_355], %swap3A_358 {strides = array<i32>} : memref<1x8x1024xf32, #tpu.memory_space<vmem>>, vector<1x8x1024xf32>,
    %get3A_359 = arith.constant 0 : index
    %get3A_360 = arith.constant 0 : index
    %get3A_361 = arith.constant 0 : index
    %get3A_362 = vector.load %arg4[%get3A_359, %get3A_360, %get3A_361] : memref<1x8x1024xf32, #tpu.memory_space<vmem>>, vector<1x8x1024xf32>
    %get3A_363 = vector.shape_cast %get3A_362 : vector<1x8x1024xf32> to vector<8x1024xf32>
    %slice3A_364 = vector.extract_strided_slice %div3A_20 {offsets = [208, 0], sizes = [8, 1024], strides = [1, 1]} : vector<256x1024xf32> to vector<8x1024xf32>
    %add3A_365 = arith.addf %get3A_363, %slice3A_364 : vector<8x1024xf32>
    %swap3A_366 = arith.constant 0 : index
    %swap3A_367 = arith.constant 0 : index
    %swap3A_368 = arith.constant 0 : index
    %swap3A_369 = vector.load %arg4[%swap3A_366, %swap3A_367, %swap3A_368] : memref<1x8x1024xf32, #tpu.memory_space<vmem>>, vector<1x8x1024xf32>
    %swap3A_370 = vector.shape_cast %swap3A_369 : vector<1x8x1024xf32> to vector<8x1024xf32>
    %swap3A_371 = vector.shape_cast %add3A_365 : vector<8x1024xf32> to vector<1x8x1024xf32>
    tpu.vector_store %arg4[%swap3A_366, %swap3A_367, %swap3A_368], %swap3A_371 {strides = array<i32>} : memref<1x8x1024xf32, #tpu.memory_space<vmem>>, vector<1x8x1024xf32>,
    %get3A_372 = arith.constant 0 : index
    %get3A_373 = arith.constant 0 : index
    %get3A_374 = arith.constant 0 : index
    %get3A_375 = vector.load %arg4[%get3A_372, %get3A_373, %get3A_374] : memref<1x8x1024xf32, #tpu.memory_space<vmem>>, vector<1x8x1024xf32>
    %get3A_376 = vector.shape_cast %get3A_375 : vector<1x8x1024xf32> to vector<8x1024xf32>
    %slice3A_377 = vector.extract_strided_slice %div3A_20 {offsets = [216, 0], sizes = [8, 1024], strides = [1, 1]} : vector<256x1024xf32> to vector<8x1024xf32>
    %add3A_378 = arith.addf %get3A_376, %slice3A_377 : vector<8x1024xf32>
    %swap3A_379 = arith.constant 0 : index
    %swap3A_380 = arith.constant 0 : index
    %swap3A_381 = arith.constant 0 : index
    %swap3A_382 = vector.load %arg4[%swap3A_379, %swap3A_380, %swap3A_381] : memref<1x8x1024xf32, #tpu.memory_space<vmem>>, vector<1x8x1024xf32>
    %swap3A_383 = vector.shape_cast %swap3A_382 : vector<1x8x1024xf32> to vector<8x1024xf32>
    %swap3A_384 = vector.shape_cast %add3A_378 : vector<8x1024xf32> to vector<1x8x1024xf32>
    tpu.vector_store %arg4[%swap3A_379, %swap3A_380, %swap3A_381], %swap3A_384 {strides = array<i32>} : memref<1x8x1024xf32, #tpu.memory_space<vmem>>, vector<1x8x1024xf32>,
    %get3A_385 = arith.constant 0 : index
    %get3A_386 = arith.constant 0 : index
    %get3A_387 = arith.constant 0 : index
    %get3A_388 = vector.load %arg4[%get3A_385, %get3A_386, %get3A_387] : memref<1x8x1024xf32, #tpu.memory_space<vmem>>, vector<1x8x1024xf32>
    %get3A_389 = vector.shape_cast %get3A_388 : vector<1x8x1024xf32> to vector<8x1024xf32>
    %slice3A_390 = vector.extract_strided_slice %div3A_20 {offsets = [224, 0], sizes = [8, 1024], strides = [1, 1]} : vector<256x1024xf32> to vector<8x1024xf32>
    %add3A_391 = arith.addf %get3A_389, %slice3A_390 : vector<8x1024xf32>
    %swap3A_392 = arith.constant 0 : index
    %swap3A_393 = arith.constant 0 : index
    %swap3A_394 = arith.constant 0 : index
    %swap3A_395 = vector.load %arg4[%swap3A_392, %swap3A_393, %swap3A_394] : memref<1x8x1024xf32, #tpu.memory_space<vmem>>, vector<1x8x1024xf32>
    %swap3A_396 = vector.shape_cast %swap3A_395 : vector<1x8x1024xf32> to vector<8x1024xf32>
    %swap3A_397 = vector.shape_cast %add3A_391 : vector<8x1024xf32> to vector<1x8x1024xf32>
    tpu.vector_store %arg4[%swap3A_392, %swap3A_393, %swap3A_394], %swap3A_397 {strides = array<i32>} : memref<1x8x1024xf32, #tpu.memory_space<vmem>>, vector<1x8x1024xf32>,
    %get3A_398 = arith.constant 0 : index
    %get3A_399 = arith.constant 0 : index
    %get3A_400 = arith.constant 0 : index
    %get3A_401 = vector.load %arg4[%get3A_398, %get3A_399, %get3A_400] : memref<1x8x1024xf32, #tpu.memory_space<vmem>>, vector<1x8x1024xf32>
    %get3A_402 = vector.shape_cast %get3A_401 : vector<1x8x1024xf32> to vector<8x1024xf32>
    %slice3A_403 = vector.extract_strided_slice %div3A_20 {offsets = [232, 0], sizes = [8, 1024], strides = [1, 1]} : vector<256x1024xf32> to vector<8x1024xf32>
    %add3A_404 = arith.addf %get3A_402, %slice3A_403 : vector<8x1024xf32>
    %swap3A_405 = arith.constant 0 : index
    %swap3A_406 = arith.constant 0 : index
    %swap3A_407 = arith.constant 0 : index
    %swap3A_408 = vector.load %arg4[%swap3A_405, %swap3A_406, %swap3A_407] : memref<1x8x1024xf32, #tpu.memory_space<vmem>>, vector<1x8x1024xf32>
    %swap3A_409 = vector.shape_cast %swap3A_408 : vector<1x8x1024xf32> to vector<8x1024xf32>
    %swap3A_410 = vector.shape_cast %add3A_404 : vector<8x1024xf32> to vector<1x8x1024xf32>
    tpu.vector_store %arg4[%swap3A_405, %swap3A_406, %swap3A_407], %swap3A_410 {strides = array<i32>} : memref<1x8x1024xf32, #tpu.memory_space<vmem>>, vector<1x8x1024xf32>,
    %get3A_411 = arith.constant 0 : index
    %get3A_412 = arith.constant 0 : index
    %get3A_413 = arith.constant 0 : index
    %get3A_414 = vector.load %arg4[%get3A_411, %get3A_412, %get3A_413] : memref<1x8x1024xf32, #tpu.memory_space<vmem>>, vector<1x8x1024xf32>
    %get3A_415 = vector.shape_cast %get3A_414 : vector<1x8x1024xf32> to vector<8x1024xf32>
    %slice3A_416 = vector.extract_strided_slice %div3A_20 {offsets = [240, 0], sizes = [8, 1024], strides = [1, 1]} : vector<256x1024xf32> to vector<8x1024xf32>
    %add3A_417 = arith.addf %get3A_415, %slice3A_416 : vector<8x1024xf32>
    %swap3A_418 = arith.constant 0 : index
    %swap3A_419 = arith.constant 0 : index
    %swap3A_420 = arith.constant 0 : index
    %swap3A_421 = vector.load %arg4[%swap3A_418, %swap3A_419, %swap3A_420] : memref<1x8x1024xf32, #tpu.memory_space<vmem>>, vector<1x8x1024xf32>
    %swap3A_422 = vector.shape_cast %swap3A_421 : vector<1x8x1024xf32> to vector<8x1024xf32>
    %swap3A_423 = vector.shape_cast %add3A_417 : vector<8x1024xf32> to vector<1x8x1024xf32>
    tpu.vector_store %arg4[%swap3A_418, %swap3A_419, %swap3A_420], %swap3A_423 {strides = array<i32>} : memref<1x8x1024xf32, #tpu.memory_space<vmem>>, vector<1x8x1024xf32>,
    %get3A_424 = arith.constant 0 : index
    %get3A_425 = arith.constant 0 : index
    %get3A_426 = arith.constant 0 : index
    %get3A_427 = vector.load %arg4[%get3A_424, %get3A_425, %get3A_426] : memref<1x8x1024xf32, #tpu.memory_space<vmem>>, vector<1x8x1024xf32>
    %get3A_428 = vector.shape_cast %get3A_427 : vector<1x8x1024xf32> to vector<8x1024xf32>
    %slice3A_429 = vector.extract_strided_slice %div3A_20 {offsets = [248, 0], sizes = [8, 1024], strides = [1, 1]} : vector<256x1024xf32> to vector<8x1024xf32>
    %add3A_430 = arith.addf %get3A_428, %slice3A_429 : vector<8x1024xf32>
    %swap3A_431 = arith.constant 0 : index
    %swap3A_432 = arith.constant 0 : index
    %swap3A_433 = arith.constant 0 : index
    %swap3A_434 = vector.load %arg4[%swap3A_431, %swap3A_432, %swap3A_433] : memref<1x8x1024xf32, #tpu.memory_space<vmem>>, vector<1x8x1024xf32>
    %swap3A_435 = vector.shape_cast %swap3A_434 : vector<1x8x1024xf32> to vector<8x1024xf32>
    %swap3A_436 = vector.shape_cast %add3A_430 : vector<8x1024xf32> to vector<1x8x1024xf32>
    tpu.vector_store %arg4[%swap3A_431, %swap3A_432, %swap3A_433], %swap3A_436 {strides = array<i32>} : memref<1x8x1024xf32, #tpu.memory_space<vmem>>, vector<1x8x1024xf32>,
    return
  }
  func.func @transform_0(%arg0: i32, %arg1: i32) -> (i32, i32, i32) {
    %c0_i32 = arith.constant 0 : i32
    %c0_i32_0 = arith.constant 0 : i32
    return %arg0, %arg1, %c0_i32 : i32, i32, i32
  }
  func.func @transform_1(%arg0: i32, %arg1: i32) -> (i32, i32, i32) {
    %c0_i32 = arith.constant 0 : i32
    %c0_i32_0 = arith.constant 0 : i32
    %c0_i32_1 = arith.constant 0 : i32
    return %arg0, %c0_i32, %c0_i32_0 : i32, i32, i32
  }
  func.func @transform_2(%arg0: i32, %arg1: i32) -> (i32, i32, i32) {
    %c0_i32 = arith.constant 0 : i32
    %c0_i32_0 = arith.constant 0 : i32
    %c0_i32_1 = arith.constant 0 : i32
    return %arg0, %c0_i32, %c0_i32_0 : i32, i32, i32
  }
}

module attributes {stable_mosaic.version = 14 : i64} {
  func.func @_ds_perm_body(%arg0: i32, %arg1: memref<1x8x8x128xf32, #tpu.memory_space<vmem>>, %arg2: memref<1x8x128xi32, #tpu.memory_space<vmem>>) attributes {dimension_semantics = [#tpu.dimension_semantics<arbitrary>], iteration_bounds = array<i64: 4>, scalar_prefetch = 0 : i64, scratch_operands = 0 : i64, tpu.core_type = #tpu.core_type<tc>, window_params = [{transform_indices = @transform_0, window_bounds = array<i64: 1, 8, 8, 128>}, {transform_indices = @transform_1, window_bounds = array<i64: 1, 8, 128>}]} {
    %get3A = arith.constant 0 : index
    %get3A_0 = arith.constant 0 : index
    %get3A_1 = arith.constant 0 : index
    %get3A_2 = arith.constant 0 : index
    %get3A_3 = vector.load %arg1[%get3A, %get3A_0, %get3A_1, %get3A_2] : memref<1x8x8x128xf32, #tpu.memory_space<vmem>>, vector<1x8x8x128xf32>
    %get3A_4 = vector.shape_cast %get3A_3 : vector<1x8x8x128xf32> to vector<8x8x128xf32>
    %slice3A = vector.extract_strided_slice %get3A_4 {offsets = [0, 0, 0], sizes = [4, 8, 128], strides = [1, 1, 1]} : vector<8x8x128xf32> to vector<4x8x128xf32>
    %slice3A_5 = vector.extract_strided_slice %get3A_4 {offsets = [4, 0, 0], sizes = [4, 8, 128], strides = [1, 1, 1]} : vector<8x8x128xf32> to vector<4x8x128xf32>
    %add3A = arith.addf %slice3A, %slice3A_5 : vector<4x8x128xf32>
    %slice3A_6 = vector.extract_strided_slice %add3A {offsets = [0, 0, 0], sizes = [2, 8, 128], strides = [1, 1, 1]} : vector<4x8x128xf32> to vector<2x8x128xf32>
    %slice3A_7 = vector.extract_strided_slice %add3A {offsets = [2, 0, 0], sizes = [2, 8, 128], strides = [1, 1, 1]} : vector<4x8x128xf32> to vector<2x8x128xf32>
    %add3A_8 = arith.addf %slice3A_6, %slice3A_7 : vector<2x8x128xf32>
    %slice3A_9 = vector.extract_strided_slice %add3A_8 {offsets = [0, 0, 0], sizes = [1, 8, 128], strides = [1, 1, 1]} : vector<2x8x128xf32> to vector<1x8x128xf32>
    %squeeze3A = vector.shape_cast %slice3A_9 : vector<1x8x128xf32> to vector<8x128xf32>
    %slice3A_10 = vector.extract_strided_slice %add3A_8 {offsets = [1, 0, 0], sizes = [1, 8, 128], strides = [1, 1, 1]} : vector<2x8x128xf32> to vector<1x8x128xf32>
    %squeeze3A_11 = vector.shape_cast %slice3A_10 : vector<1x8x128xf32> to vector<8x128xf32>
    %add3A_12 = arith.addf %squeeze3A, %squeeze3A_11 : vector<8x128xf32>
    %bitcast_convert_type3A = tpu.bitcast %add3A_12 : vector<8x128xf32> -> vector<8x128xi32>
    %scan3A = arith.constant 0 : i32
    %scan3A_13 = arith.constant 2139095040 : i32
    %scan3A_14 = arith.constant 0 : i32
    %scan3A_15 = arith.constant 31 : i32
    %scan3A_16 = arith.addi %scan3A_14, %scan3A_15 : i32
    %scan3A_17 = arith.constant 1 : i32
    %scan3A_18:2 = scf.for %scan3A_74 = %scan3A_14 to %scan3A_16 step %scan3A_17 iter_args(%scan3A_75 = %scan3A, %scan3A_76 = %scan3A_13) -> (i32, i32)  : i32 {
      %add3A_77 = arith.addi %scan3A_75, %scan3A_76 : i32
      %jit3A = arith.constant 2 : i32
      %div3A = arith.divsi %add3A_77, %jit3A : i32
      %sign3A = arith.constant 0 : i32
      %sign3A_78 = arith.cmpi sgt, %add3A_77, %sign3A : i32
      %sign3A_79 = arith.extui %sign3A_78 : i1 to i32
      %sign3A_80 = arith.constant 0 : i32
      %sign3A_81 = arith.cmpi slt, %add3A_77, %sign3A_80 : i32
      %sign3A_82 = arith.extui %sign3A_81 : i1 to i32
      %sign3A_83 = arith.subi %sign3A_79, %sign3A_82 : i32
      %sign3A_84 = arith.constant 0 : i32
      %sign3A_85 = arith.cmpi sgt, %jit3A, %sign3A_84 : i32
      %sign3A_86 = arith.extui %sign3A_85 : i1 to i32
      %sign3A_87 = arith.constant 0 : i32
      %sign3A_88 = arith.cmpi slt, %jit3A, %sign3A_87 : i32
      %sign3A_89 = arith.extui %sign3A_88 : i1 to i32
      %sign3A_90 = arith.subi %sign3A_86, %sign3A_89 : i32
      %ne3A = arith.cmpi ne, %sign3A_83, %sign3A_90 : i32
      %rem3A = arith.remsi %add3A_77, %jit3A : i32
      %ne3A_91 = arith.constant 0 : i32
      %ne3A_92 = arith.cmpi ne, %rem3A, %ne3A_91 : i32
      %and3A_93 = arith.andi %ne3A, %ne3A_92 : i1
      %sub3A_94 = arith.constant 1 : i32
      %sub3A_95 = arith.subi %div3A, %sub3A_94 : i32
      %select_n3A_96 = arith.select %and3A_93, %sub3A_95, %div3A : i32
      %ge3A = vector.broadcast %select_n3A_96 : i32 to vector<8x128xi32>
      %ge3A_97 = arith.cmpi sge, %bitcast_convert_type3A, %ge3A : vector<8x128xi32>
      %convert_element_type3A_98 = arith.extui %ge3A_97 : vector<8x128xi1> to vector<8x128xi32>
      %reduce_sum3A_99 = vector.shape_cast %convert_element_type3A_98 : vector<8x128xi32> to vector<1x8x128xi32>
      %reduce_sum3A_100 = arith.constant dense<0> : vector<1xi32>
      %reduce_sum3A_101 = vector.multi_reduction <add>, %reduce_sum3A_99, %reduce_sum3A_100 [1, 2] : vector<1x8x128xi32> to vector<1xi32>
      %reduce_sum3A_102 = vector.shape_cast %reduce_sum3A_101 : vector<1xi32> to vector<1x1x1xi32>
      %reduce_sum3A_103 = vector.extract %reduce_sum3A_102[0, 0, 0] : i32 from vector<1x1x1xi32>
      %ge3A_104 = arith.constant 512 : i32
      %ge3A_105 = arith.cmpi sge, %reduce_sum3A_103, %ge3A_104 : i32
      %select_n3A_106 = arith.select %ge3A_105, %select_n3A_96, %scan3A_75 : i32
      %select_n3A_107 = arith.select %ge3A_105, %scan3A_76, %select_n3A_96 : i32
      scf.yield %select_n3A_106, %select_n3A_107 : i32, i32
    }
    %gt3A = vector.broadcast %scan3A_18#0 : i32 to vector<8x128xi32>
    %gt3A_19 = arith.cmpi sgt, %bitcast_convert_type3A, %gt3A : vector<8x128xi32>
    %eq3A = vector.broadcast %scan3A_18#0 : i32 to vector<8x128xi32>
    %eq3A_20 = arith.cmpi eq, %bitcast_convert_type3A, %eq3A : vector<8x128xi32>
    %convert_element_type3A = arith.extui %gt3A_19 : vector<8x128xi1> to vector<8x128xi32>
    %reduce_sum3A = vector.shape_cast %convert_element_type3A : vector<8x128xi32> to vector<1x8x128xi32>
    %reduce_sum3A_21 = arith.constant dense<0> : vector<1xi32>
    %reduce_sum3A_22 = vector.multi_reduction <add>, %reduce_sum3A, %reduce_sum3A_21 [1, 2] : vector<1x8x128xi32> to vector<1xi32>
    %reduce_sum3A_23 = vector.shape_cast %reduce_sum3A_22 : vector<1xi32> to vector<1x1x1xi32>
    %reduce_sum3A_24 = vector.extract %reduce_sum3A_23[0, 0, 0] : i32 from vector<1x1x1xi32>
    %sub3A = arith.constant 512 : i32
    %sub3A_25 = arith.subi %sub3A, %reduce_sum3A_24 : i32
    %iota3A = tpu.iota {dimensions = array<i32: 0>} : vector<128x128xi32>
    %iota3A_26 = tpu.iota {dimensions = array<i32: 1>} : vector<128x128xi32>
    %le3A = arith.cmpi sle, %iota3A, %iota3A_26 : vector<128x128xi32>
    %convert_element_type3A_27 = arith.extui %le3A : vector<128x128xi1> to vector<128x128xi32>
    %convert_element_type3A_28 = arith.sitofp %convert_element_type3A_27 : vector<128x128xi32> to vector<128x128xf32>
    %iota3A_29 = tpu.iota {dimensions = array<i32: 1>} : vector<8x8xi32>
    %iota3A_30 = tpu.iota {dimensions = array<i32: 0>} : vector<8x8xi32>
    %lt3A = arith.cmpi slt, %iota3A_29, %iota3A_30 : vector<8x8xi32>
    %convert_element_type3A_31 = arith.extui %lt3A : vector<8x8xi1> to vector<8x8xi32>
    %convert_element_type3A_32 = arith.sitofp %convert_element_type3A_31 : vector<8x8xi32> to vector<8x8xf32>
    %convert_element_type3A_33 = arith.extui %eq3A_20 : vector<8x128xi1> to vector<8x128xi32>
    %convert_element_type3A_34 = arith.sitofp %convert_element_type3A_33 : vector<8x128xi32> to vector<8x128xf32>
    %dot_general3A = arith.constant dense<0.000000e+00> : vector<8x128xf32>
    %dot_general3A_35 = tpu.matmul %convert_element_type3A_34, %convert_element_type3A_28, %dot_general3A {dimension_numbers = #tpu.dot_dimension_numbers<[1], [0], [0], [1], [0, 0, 1, 1], [], []>, precision = #tpu.contract_precision<fp32>, transpose_lhs_hint = false} : vector<8x128xf32>, vector<128x128xf32>, vector<8x128xf32> -> vector<8x128xf32>
    %reduce_sum3A_36 = arith.constant dense<0.000000e+00> : vector<8xf32>
    %reduce_sum3A_37 = vector.multi_reduction <add>, %convert_element_type3A_34, %reduce_sum3A_36 [1] : vector<8x128xf32> to vector<8xf32>
    %broadcast_in_dim3A = vector.shape_cast %reduce_sum3A_37 : vector<8xf32> to vector<8x1xf32>
    %dot_general3A_38 = arith.constant dense<0.000000e+00> : vector<8x1xf32>
    %dot_general3A_39 = tpu.matmul %convert_element_type3A_32, %broadcast_in_dim3A, %dot_general3A_38 {dimension_numbers = #tpu.dot_dimension_numbers<[1], [0], [0], [1], [0, 0, 1, 1], [], []>, precision = #tpu.contract_precision<fp32>, transpose_lhs_hint = false} : vector<8x8xf32>, vector<8x1xf32>, vector<8x1xf32> -> vector<8x1xf32>
    %add3A_40 = vector.broadcast %dot_general3A_39 : vector<8x1xf32> to vector<8x128xf32>
    %add3A_41 = arith.addf %dot_general3A_35, %add3A_40 : vector<8x128xf32>
    %convert_element_type3A_42 = arith.fptosi %add3A_41 : vector<8x128xf32> to vector<8x128xi32>
    %le3A_43 = vector.broadcast %sub3A_25 : i32 to vector<8x128xi32>
    %le3A_44 = arith.cmpi sle, %convert_element_type3A_42, %le3A_43 : vector<8x128xi32>
    %and3A = arith.andi %eq3A_20, %le3A_44 : vector<8x128xi1>
    %or3A = arith.ori %gt3A_19, %and3A : vector<8x128xi1>
    %convert_element_type3A_45 = arith.extui %or3A : vector<8x128xi1> to vector<8x128xi32>
    %convert_element_type3A_46 = arith.sitofp %convert_element_type3A_45 : vector<8x128xi32> to vector<8x128xf32>
    %dot_general3A_47 = arith.constant dense<0.000000e+00> : vector<8x128xf32>
    %dot_general3A_48 = tpu.matmul %convert_element_type3A_46, %convert_element_type3A_28, %dot_general3A_47 {dimension_numbers = #tpu.dot_dimension_numbers<[1], [0], [0], [1], [0, 0, 1, 1], [], []>, precision = #tpu.contract_precision<fp32>, transpose_lhs_hint = false} : vector<8x128xf32>, vector<128x128xf32>, vector<8x128xf32> -> vector<8x128xf32>
    %reduce_sum3A_49 = arith.constant dense<0.000000e+00> : vector<8xf32>
    %reduce_sum3A_50 = vector.multi_reduction <add>, %convert_element_type3A_46, %reduce_sum3A_49 [1] : vector<8x128xf32> to vector<8xf32>
    %broadcast_in_dim3A_51 = vector.shape_cast %reduce_sum3A_50 : vector<8xf32> to vector<8x1xf32>
    %dot_general3A_52 = arith.constant dense<0.000000e+00> : vector<8x1xf32>
    %dot_general3A_53 = tpu.matmul %convert_element_type3A_32, %broadcast_in_dim3A_51, %dot_general3A_52 {dimension_numbers = #tpu.dot_dimension_numbers<[1], [0], [0], [1], [0, 0, 1, 1], [], []>, precision = #tpu.contract_precision<fp32>, transpose_lhs_hint = false} : vector<8x8xf32>, vector<8x1xf32>, vector<8x1xf32> -> vector<8x1xf32>
    %add3A_54 = vector.broadcast %dot_general3A_53 : vector<8x1xf32> to vector<8x128xf32>
    %add3A_55 = arith.addf %dot_general3A_48, %add3A_54 : vector<8x128xf32>
    %convert_element_type3A_56 = arith.fptosi %add3A_55 : vector<8x128xf32> to vector<8x128xi32>
    %iota3A_57 = tpu.iota {dimensions = array<i32: 0>} : vector<8x128xi32>
    %mul3A = arith.constant 128 : i32
    %mul3A_58 = vector.broadcast %mul3A : i32 to vector<8x128xi32>
    %mul3A_59 = arith.muli %iota3A_57, %mul3A_58 : vector<8x128xi32>
    %iota3A_60 = tpu.iota {dimensions = array<i32: 1>} : vector<8x128xi32>
    %add3A_61 = arith.addi %mul3A_59, %iota3A_60 : vector<8x128xi32>
    %sub3A_62 = arith.constant 1 : i32
    %sub3A_63 = vector.broadcast %sub3A_62 : i32 to vector<8x128xi32>
    %sub3A_64 = arith.subi %convert_element_type3A_56, %sub3A_63 : vector<8x128xi32>
    %add3A_65 = arith.constant 512 : i32
    %add3A_66 = vector.broadcast %add3A_65 : i32 to vector<8x128xi32>
    %add3A_67 = arith.addi %add3A_66, %add3A_61 : vector<8x128xi32>
    %sub3A_68 = arith.subi %add3A_67, %convert_element_type3A_56 : vector<8x128xi32>
    %select_n3A = arith.select %or3A, %sub3A_64, %sub3A_68 : vector<8x128xi1>, vector<8x128xi32>
    %swap3A = arith.constant 0 : index
    %swap3A_69 = arith.constant 0 : index
    %swap3A_70 = arith.constant 0 : index
    %swap3A_71 = vector.load %arg2[%swap3A, %swap3A_69, %swap3A_70] : memref<1x8x128xi32, #tpu.memory_space<vmem>>, vector<1x8x128xi32>
    %swap3A_72 = vector.shape_cast %swap3A_71 : vector<1x8x128xi32> to vector<8x128xi32>
    %swap3A_73 = vector.shape_cast %select_n3A : vector<8x128xi32> to vector<1x8x128xi32>
    tpu.vector_store %arg2[%swap3A, %swap3A_69, %swap3A_70], %swap3A_73 {strides = array<i32>} : memref<1x8x128xi32, #tpu.memory_space<vmem>>, vector<1x8x128xi32>,
    return
  }
  func.func @transform_0(%arg0: i32) -> (i32, i32, i32, i32) {
    %c0_i32 = arith.constant 0 : i32
    %c0_i32_0 = arith.constant 0 : i32
    %c0_i32_1 = arith.constant 0 : i32
    %c0_i32_2 = arith.constant 0 : i32
    return %arg0, %c0_i32, %c0_i32_0, %c0_i32_1 : i32, i32, i32, i32
  }
  func.func @transform_1(%arg0: i32) -> (i32, i32, i32) {
    %c0_i32 = arith.constant 0 : i32
    %c0_i32_0 = arith.constant 0 : i32
    %c0_i32_1 = arith.constant 0 : i32
    return %arg0, %c0_i32, %c0_i32_0 : i32, i32, i32
  }
}

module attributes {stable_mosaic.version = 14 : i64} {
  func.func @_knn_body(%arg0: i32, %arg1: i32, %arg2: memref<1x512x128xf32, #tpu.memory_space<vmem>>, %arg3: memref<1x256x128xf32, #tpu.memory_space<vmem>>, %arg4: memref<1x256x32xi32, #tpu.memory_space<vmem>>, %arg5: memref<256x512xf32, #tpu.memory_space<vmem>>) attributes {dimension_semantics = [#tpu.dimension_semantics<arbitrary>, #tpu.dimension_semantics<arbitrary>], iteration_bounds = array<i64: 4, 2>, scalar_prefetch = 0 : i64, scratch_operands = 1 : i64, tpu.core_type = #tpu.core_type<tc>, window_params = [{transform_indices = @transform_0, window_bounds = array<i64: 1, 512, 128>}, {transform_indices = @transform_1, window_bounds = array<i64: 1, 256, 128>}, {transform_indices = @transform_2, window_bounds = array<i64: 1, 256, 32>}]} {
    %get3A = arith.constant 0 : index
    %get3A_0 = arith.constant 0 : index
    %get3A_1 = arith.constant 0 : index
    %get3A_2 = vector.load %arg2[%get3A, %get3A_0, %get3A_1] : memref<1x512x128xf32, #tpu.memory_space<vmem>>, vector<1x512x128xf32>
    %get3A_3 = vector.shape_cast %get3A_2 : vector<1x512x128xf32> to vector<512x128xf32>
    %get3A_4 = arith.constant 0 : index
    %get3A_5 = arith.constant 0 : index
    %get3A_6 = arith.constant 0 : index
    %get3A_7 = vector.load %arg3[%get3A_4, %get3A_5, %get3A_6] : memref<1x256x128xf32, #tpu.memory_space<vmem>>, vector<1x256x128xf32>
    %get3A_8 = vector.shape_cast %get3A_7 : vector<1x256x128xf32> to vector<256x128xf32>
    %mul3A = arith.mulf %get3A_3, %get3A_3 : vector<512x128xf32>
    %broadcast_in_dim3A = arith.constant 1.000000e+00 : f32
    %broadcast_in_dim3A_9 = vector.broadcast %broadcast_in_dim3A : f32 to vector<1x128xf32>
    %dot_general3A = arith.constant dense<0.000000e+00> : vector<1x512xf32>
    %dot_general3A_10 = tpu.matmul %broadcast_in_dim3A_9, %mul3A, %dot_general3A {dimension_numbers = #tpu.dot_dimension_numbers<[1], [1], [0], [0], [0, 0, 1, 0], [], []>, precision = #tpu.contract_precision<fp32>, transpose_lhs_hint = false} : vector<1x128xf32>, vector<512x128xf32>, vector<1x512xf32> -> vector<1x512xf32>
    %mul3A_11 = arith.mulf %get3A_8, %get3A_8 : vector<256x128xf32>
    %reduce_sum3A = arith.constant dense<0.000000e+00> : vector<256xf32>
    %reduce_sum3A_12 = vector.multi_reduction <add>, %mul3A_11, %reduce_sum3A [1] : vector<256x128xf32> to vector<256xf32>
    %broadcast_in_dim3A_13 = vector.shape_cast %reduce_sum3A_12 : vector<256xf32> to vector<256x1xf32>
    %add3A = vector.broadcast %broadcast_in_dim3A_13 : vector<256x1xf32> to vector<256x512xf32>
    %add3A_14 = vector.broadcast %dot_general3A_10 : vector<1x512xf32> to vector<256x512xf32>
    %add3A_15 = arith.addf %add3A, %add3A_14 : vector<256x512xf32>
    %convert_element_type3A = arith.truncf %get3A_8 : vector<256x128xf32> to vector<256x128xbf16>
    %convert_element_type3A_16 = arith.extf %convert_element_type3A : vector<256x128xbf16> to vector<256x128xf32>
    %convert_element_type3A_17 = arith.truncf %get3A_3 : vector<512x128xf32> to vector<512x128xbf16>
    %convert_element_type3A_18 = arith.extf %convert_element_type3A_17 : vector<512x128xbf16> to vector<512x128xf32>
    %dot_general3A_19 = arith.constant dense<0.000000e+00> : vector<256x512xf32>
    %dot_general3A_20 = tpu.matmul %convert_element_type3A_16, %convert_element_type3A_18, %dot_general3A_19 {dimension_numbers = #tpu.dot_dimension_numbers<[1], [1], [0], [0], [0, 0, 1, 0], [], []>, precision = #tpu.contract_precision<fp32>, transpose_lhs_hint = false} : vector<256x128xf32>, vector<512x128xf32>, vector<256x512xf32> -> vector<256x512xf32>
    %mul3A_21 = arith.constant 2.000000e+00 : f32
    %mul3A_22 = vector.broadcast %mul3A_21 : f32 to vector<256x512xf32>
    %mul3A_23 = arith.mulf %mul3A_22, %dot_general3A_20 : vector<256x512xf32>
    %sub3A = arith.subf %add3A_15, %mul3A_23 : vector<256x512xf32>
    %swap3A = arith.constant 0 : index
    %swap3A_24 = arith.constant 0 : index
    %swap3A_25 = vector.load %arg5[%swap3A, %swap3A_24] : memref<256x512xf32, #tpu.memory_space<vmem>>, vector<256x512xf32>
    tpu.vector_store %arg5[%swap3A, %swap3A_24], %sub3A {strides = array<i32>} : memref<256x512xf32, #tpu.memory_space<vmem>>, vector<256x512xf32>,
    %iota3A = tpu.iota {dimensions = array<i32: 1>} : vector<256x512xi32>
    %iota3A_26 = tpu.iota {dimensions = array<i32: 1>} : vector<256x32xi32>
    %broadcast_in_dim3A_27 = arith.constant 0 : i32
    %broadcast_in_dim3A_28 = vector.broadcast %broadcast_in_dim3A_27 : i32 to vector<256x32xi32>
    %scan3A = arith.constant 0 : i32
    %scan3A_29 = arith.constant 32 : i32
    %scan3A_30 = arith.addi %scan3A, %scan3A_29 : i32
    %scan3A_31 = arith.constant 1 : i32
    %scan3A_32 = scf.for %scan3A_40 = %scan3A to %scan3A_30 step %scan3A_31 iter_args(%scan3A_41 = %broadcast_in_dim3A_28) -> (vector<256x32xi32>)  : i32 {
      %get3A_42 = arith.constant 0 : index
      %get3A_43 = arith.constant 0 : index
      %get3A_44 = vector.load %arg5[%get3A_42, %get3A_43] : memref<256x512xf32, #tpu.memory_space<vmem>>, vector<256x512xf32>
      %reduce_min3A = arith.constant dense<0x7F800000> : vector<256xf32>
      %reduce_min3A_45 = vector.multi_reduction <minimumf>, %get3A_44, %reduce_min3A [1] : vector<256x512xf32> to vector<256xf32>
      %broadcast_in_dim3A_46 = vector.shape_cast %reduce_min3A_45 : vector<256xf32> to vector<256x1xf32>
      %eq3A = vector.broadcast %broadcast_in_dim3A_46 : vector<256x1xf32> to vector<256x512xf32>
      %eq3A_47 = arith.cmpf oeq, %get3A_44, %eq3A : vector<256x512xf32>
      %jit3A = arith.constant 512 : i32
      %broadcast_in_dim3A_48 = vector.broadcast %jit3A : i32 to vector<256x512xi32>
      %select_n3A = arith.select %eq3A_47, %iota3A, %broadcast_in_dim3A_48 : vector<256x512xi1>, vector<256x512xi32>
      %reduce_min3A_49 = arith.constant dense<2147483647> : vector<256xi32>
      %reduce_min3A_50 = vector.multi_reduction <minsi>, %select_n3A, %reduce_min3A_49 [1] : vector<256x512xi32> to vector<256xi32>
      %broadcast_in_dim3A_51 = vector.shape_cast %reduce_min3A_50 : vector<256xi32> to vector<256x1xi32>
      %eq3A_52 = vector.broadcast %broadcast_in_dim3A_51 : vector<256x1xi32> to vector<256x512xi32>
      %eq3A_53 = arith.cmpi eq, %iota3A, %eq3A_52 : vector<256x512xi32>
      %jit3A_54 = arith.constant 0x7F800000 : f32
      %broadcast_in_dim3A_55 = vector.broadcast %jit3A_54 : f32 to vector<256x512xf32>
      %select_n3A_56 = arith.select %eq3A_53, %broadcast_in_dim3A_55, %get3A_44 : vector<256x512xi1>, vector<256x512xf32>
      %swap3A_57 = arith.constant 0 : index
      %swap3A_58 = arith.constant 0 : index
      %swap3A_59 = vector.load %arg5[%swap3A_57, %swap3A_58] : memref<256x512xf32, #tpu.memory_space<vmem>>, vector<256x512xf32>
      tpu.vector_store %arg5[%swap3A_57, %swap3A_58], %select_n3A_56 {strides = array<i32>} : memref<256x512xf32, #tpu.memory_space<vmem>>, vector<256x512xf32>,
      %eq3A_60 = vector.broadcast %scan3A_40 : i32 to vector<256x32xi32>
      %eq3A_61 = arith.cmpi eq, %iota3A_26, %eq3A_60 : vector<256x32xi32>
      %broadcast_in_dim3A_62 = vector.shape_cast %broadcast_in_dim3A_51 : vector<256x1xi32> to vector<256x1xi32>
      %broadcast_in_dim3A_63 = vector.broadcast %broadcast_in_dim3A_62 : vector<256x1xi32> to vector<256x32xi32>
      %select_n3A_64 = arith.select %eq3A_61, %broadcast_in_dim3A_63, %scan3A_41 : vector<256x32xi1>, vector<256x32xi32>
      scf.yield %select_n3A_64 : vector<256x32xi32>
    }
    %scan3A_33 = arith.constant 32 : i32
    %swap3A_34 = arith.constant 0 : index
    %swap3A_35 = arith.constant 0 : index
    %swap3A_36 = arith.constant 0 : index
    %swap3A_37 = vector.load %arg4[%swap3A_34, %swap3A_35, %swap3A_36] : memref<1x256x32xi32, #tpu.memory_space<vmem>>, vector<1x256x32xi32>
    %swap3A_38 = vector.shape_cast %swap3A_37 : vector<1x256x32xi32> to vector<256x32xi32>
    %swap3A_39 = vector.shape_cast %scan3A_32 : vector<256x32xi32> to vector<1x256x32xi32>
    tpu.vector_store %arg4[%swap3A_34, %swap3A_35, %swap3A_36], %swap3A_39 {strides = array<i32>} : memref<1x256x32xi32, #tpu.memory_space<vmem>>, vector<1x256x32xi32>,
    return
  }
  func.func @transform_0(%arg0: i32, %arg1: i32) -> (i32, i32, i32) {
    %c0_i32 = arith.constant 0 : i32
    %c0_i32_0 = arith.constant 0 : i32
    %c0_i32_1 = arith.constant 0 : i32
    return %arg0, %c0_i32, %c0_i32_0 : i32, i32, i32
  }
  func.func @transform_1(%arg0: i32, %arg1: i32) -> (i32, i32, i32) {
    %c0_i32 = arith.constant 0 : i32
    %c0_i32_0 = arith.constant 0 : i32
    return %arg0, %arg1, %c0_i32 : i32, i32, i32
  }
  func.func @transform_2(%arg0: i32, %arg1: i32) -> (i32, i32, i32) {
    %c0_i32 = arith.constant 0 : i32
    %c0_i32_0 = arith.constant 0 : i32
    return %arg0, %arg1, %c0_i32 : i32, i32, i32
  }
}

module attributes {stable_mosaic.version = 14 : i64} {
  func.func @_proj_body(%arg0: i32, %arg1: i32, %arg2: memref<1x512x128xf32, #tpu.memory_space<vmem>>, %arg3: memref<384x128xf32, #tpu.memory_space<vmem>>, %arg4: memref<1x512x384xf32, #tpu.memory_space<vmem>>) attributes {dimension_semantics = [#tpu.dimension_semantics<arbitrary>, #tpu.dimension_semantics<arbitrary>], iteration_bounds = array<i64: 4, 1>, scalar_prefetch = 0 : i64, scratch_operands = 0 : i64, tpu.core_type = #tpu.core_type<tc>, window_params = [{transform_indices = @transform_0, window_bounds = array<i64: 1, 512, 128>}, {pipeline_mode = #tpu.pipeline_mode<synchronous>, transform_indices = @transform_1, window_bounds = array<i64: 384, 128>}, {transform_indices = @transform_2, window_bounds = array<i64: 1, 512, 384>}]} {
    %get3A = arith.constant 0 : index
    %get3A_0 = arith.constant 0 : index
    %get3A_1 = arith.constant 0 : index
    %get3A_2 = vector.load %arg2[%get3A, %get3A_0, %get3A_1] : memref<1x512x128xf32, #tpu.memory_space<vmem>>, vector<1x512x128xf32>
    %get3A_3 = vector.shape_cast %get3A_2 : vector<1x512x128xf32> to vector<512x128xf32>
    %get3A_4 = arith.constant 0 : index
    %get3A_5 = arith.constant 0 : index
    %get3A_6 = vector.load %arg3[%get3A_4, %get3A_5] : memref<384x128xf32, #tpu.memory_space<vmem>>, vector<384x128xf32>
    %convert_element_type3A = arith.truncf %get3A_3 : vector<512x128xf32> to vector<512x128xbf16>
    %convert_element_type3A_7 = arith.extf %convert_element_type3A : vector<512x128xbf16> to vector<512x128xf32>
    %convert_element_type3A_8 = arith.truncf %get3A_6 : vector<384x128xf32> to vector<384x128xbf16>
    %convert_element_type3A_9 = arith.extf %convert_element_type3A_8 : vector<384x128xbf16> to vector<384x128xf32>
    %dot_general3A = arith.constant dense<0.000000e+00> : vector<512x384xf32>
    %dot_general3A_10 = tpu.matmul %convert_element_type3A_7, %convert_element_type3A_9, %dot_general3A {dimension_numbers = #tpu.dot_dimension_numbers<[1], [1], [0], [0], [0, 0, 1, 0], [], []>, precision = #tpu.contract_precision<fp32>, transpose_lhs_hint = false} : vector<512x128xf32>, vector<384x128xf32>, vector<512x384xf32> -> vector<512x384xf32>
    %swap3A = arith.constant 0 : index
    %swap3A_11 = arith.constant 0 : index
    %swap3A_12 = arith.constant 0 : index
    %swap3A_13 = vector.load %arg4[%swap3A, %swap3A_11, %swap3A_12] : memref<1x512x384xf32, #tpu.memory_space<vmem>>, vector<1x512x384xf32>
    %swap3A_14 = vector.shape_cast %swap3A_13 : vector<1x512x384xf32> to vector<512x384xf32>
    %swap3A_15 = vector.shape_cast %dot_general3A_10 : vector<512x384xf32> to vector<1x512x384xf32>
    tpu.vector_store %arg4[%swap3A, %swap3A_11, %swap3A_12], %swap3A_15 {strides = array<i32>} : memref<1x512x384xf32, #tpu.memory_space<vmem>>, vector<1x512x384xf32>,
    return
  }
  func.func @transform_0(%arg0: i32, %arg1: i32) -> (i32, i32, i32) {
    %c0_i32 = arith.constant 0 : i32
    %c0_i32_0 = arith.constant 0 : i32
    return %arg0, %arg1, %c0_i32 : i32, i32, i32
  }
  func.func @transform_1(%arg0: i32, %arg1: i32) -> (i32, i32) {
    %c0_i32 = arith.constant 0 : i32
    %c0_i32_0 = arith.constant 0 : i32
    %c0_i32_1 = arith.constant 0 : i32
    return %c0_i32, %c0_i32_0 : i32, i32
  }
  func.func @transform_2(%arg0: i32, %arg1: i32) -> (i32, i32, i32) {
    %c0_i32 = arith.constant 0 : i32
    %c0_i32_0 = arith.constant 0 : i32
    return %arg0, %arg1, %c0_i32 : i32, i32, i32
  }
}

module attributes {stable_mosaic.version = 14 : i64} {
  func.func @_res_body(%arg0: i32, %arg1: memref<1x2048x128xf32, #tpu.memory_space<vmem>>, %arg2: memref<1024x128xf32, #tpu.memory_space<vmem>>, %arg3: memref<1x1x1024xf32, #tpu.memory_space<vmem>>) attributes {dimension_semantics = [#tpu.dimension_semantics<arbitrary>], iteration_bounds = array<i64: 4>, scalar_prefetch = 0 : i64, scratch_operands = 0 : i64, tpu.core_type = #tpu.core_type<tc>, window_params = [{transform_indices = @transform_0, window_bounds = array<i64: 1, 2048, 128>}, {pipeline_mode = #tpu.pipeline_mode<synchronous>, transform_indices = @transform_1, window_bounds = array<i64: 1024, 128>}, {transform_indices = @transform_2, window_bounds = array<i64: 1, 1, 1024>}]} {
    %get3A = arith.constant 0 : index
    %get3A_0 = arith.constant 0 : index
    %get3A_1 = arith.constant 0 : index
    %get3A_2 = vector.load %arg1[%get3A, %get3A_0, %get3A_1] : memref<1x2048x128xf32, #tpu.memory_space<vmem>>, vector<1x2048x128xf32>
    %get3A_3 = vector.shape_cast %get3A_2 : vector<1x2048x128xf32> to vector<2048x128xf32>
    %get3A_4 = arith.constant 0 : index
    %get3A_5 = arith.constant 0 : index
    %get3A_6 = vector.load %arg2[%get3A_4, %get3A_5] : memref<1024x128xf32, #tpu.memory_space<vmem>>, vector<1024x128xf32>
    %convert_element_type3A = arith.truncf %get3A_3 : vector<2048x128xf32> to vector<2048x128xbf16>
    %convert_element_type3A_7 = arith.extf %convert_element_type3A : vector<2048x128xbf16> to vector<2048x128xf32>
    %convert_element_type3A_8 = arith.truncf %get3A_6 : vector<1024x128xf32> to vector<1024x128xbf16>
    %convert_element_type3A_9 = arith.extf %convert_element_type3A_8 : vector<1024x128xbf16> to vector<1024x128xf32>
    %dot_general3A = arith.constant dense<0.000000e+00> : vector<2048x1024xf32>
    %dot_general3A_10 = tpu.matmul %convert_element_type3A_7, %convert_element_type3A_9, %dot_general3A {dimension_numbers = #tpu.dot_dimension_numbers<[1], [1], [0], [0], [0, 0, 1, 0], [], []>, precision = #tpu.contract_precision<fp32>, transpose_lhs_hint = false} : vector<2048x128xf32>, vector<1024x128xf32>, vector<2048x1024xf32> -> vector<2048x1024xf32>
    %reduce_max3A = arith.constant dense<0xFF800000> : vector<1024xf32>
    %reduce_max3A_11 = vector.multi_reduction <maximumf>, %dot_general3A_10, %reduce_max3A [0] : vector<2048x1024xf32> to vector<1024xf32>
    %broadcast_in_dim3A = vector.shape_cast %reduce_max3A_11 : vector<1024xf32> to vector<1x1024xf32>
    %swap3A = arith.constant 0 : index
    %swap3A_12 = arith.constant 0 : index
    %swap3A_13 = arith.constant 0 : index
    %swap3A_14 = vector.load %arg3[%swap3A, %swap3A_12, %swap3A_13] : memref<1x1x1024xf32, #tpu.memory_space<vmem>>, vector<1x1x1024xf32>
    %swap3A_15 = vector.shape_cast %swap3A_14 : vector<1x1x1024xf32> to vector<1x1024xf32>
    %swap3A_16 = vector.shape_cast %broadcast_in_dim3A : vector<1x1024xf32> to vector<1x1x1024xf32>
    tpu.vector_store %arg3[%swap3A, %swap3A_12, %swap3A_13], %swap3A_16 {strides = array<i32>} : memref<1x1x1024xf32, #tpu.memory_space<vmem>>, vector<1x1x1024xf32>,
    return
  }
  func.func @transform_0(%arg0: i32) -> (i32, i32, i32) {
    %c0_i32 = arith.constant 0 : i32
    %c0_i32_0 = arith.constant 0 : i32
    %c0_i32_1 = arith.constant 0 : i32
    return %arg0, %c0_i32, %c0_i32_0 : i32, i32, i32
  }
  func.func @transform_1(%arg0: i32) -> (i32, i32) {
    %c0_i32 = arith.constant 0 : i32
    %c0_i32_0 = arith.constant 0 : i32
    %c0_i32_1 = arith.constant 0 : i32
    return %c0_i32, %c0_i32_0 : i32, i32
  }
  func.func @transform_2(%arg0: i32) -> (i32, i32, i32) {
    %c0_i32 = arith.constant 0 : i32
    %c0_i32_0 = arith.constant 0 : i32
    %c0_i32_1 = arith.constant 0 : i32
    return %arg0, %c0_i32, %c0_i32_0 : i32, i32, i32
  }
}

module attributes {stable_mosaic.version = 14 : i64} {
  func.func @_res_body(%arg0: i32, %arg1: memref<1x1024x128xf32, #tpu.memory_space<vmem>>, %arg2: memref<1024x128xf32, #tpu.memory_space<vmem>>, %arg3: memref<1x1x1024xf32, #tpu.memory_space<vmem>>) attributes {dimension_semantics = [#tpu.dimension_semantics<arbitrary>], iteration_bounds = array<i64: 4>, scalar_prefetch = 0 : i64, scratch_operands = 0 : i64, tpu.core_type = #tpu.core_type<tc>, window_params = [{transform_indices = @transform_0, window_bounds = array<i64: 1, 1024, 128>}, {pipeline_mode = #tpu.pipeline_mode<synchronous>, transform_indices = @transform_1, window_bounds = array<i64: 1024, 128>}, {transform_indices = @transform_2, window_bounds = array<i64: 1, 1, 1024>}]} {
    %get3A = arith.constant 0 : index
    %get3A_0 = arith.constant 0 : index
    %get3A_1 = arith.constant 0 : index
    %get3A_2 = vector.load %arg1[%get3A, %get3A_0, %get3A_1] : memref<1x1024x128xf32, #tpu.memory_space<vmem>>, vector<1x1024x128xf32>
    %get3A_3 = vector.shape_cast %get3A_2 : vector<1x1024x128xf32> to vector<1024x128xf32>
    %get3A_4 = arith.constant 0 : index
    %get3A_5 = arith.constant 0 : index
    %get3A_6 = vector.load %arg2[%get3A_4, %get3A_5] : memref<1024x128xf32, #tpu.memory_space<vmem>>, vector<1024x128xf32>
    %convert_element_type3A = arith.truncf %get3A_3 : vector<1024x128xf32> to vector<1024x128xbf16>
    %convert_element_type3A_7 = arith.extf %convert_element_type3A : vector<1024x128xbf16> to vector<1024x128xf32>
    %convert_element_type3A_8 = arith.truncf %get3A_6 : vector<1024x128xf32> to vector<1024x128xbf16>
    %convert_element_type3A_9 = arith.extf %convert_element_type3A_8 : vector<1024x128xbf16> to vector<1024x128xf32>
    %dot_general3A = arith.constant dense<0.000000e+00> : vector<1024x1024xf32>
    %dot_general3A_10 = tpu.matmul %convert_element_type3A_7, %convert_element_type3A_9, %dot_general3A {dimension_numbers = #tpu.dot_dimension_numbers<[1], [1], [0], [0], [0, 0, 1, 0], [], []>, precision = #tpu.contract_precision<fp32>, transpose_lhs_hint = false} : vector<1024x128xf32>, vector<1024x128xf32>, vector<1024x1024xf32> -> vector<1024x1024xf32>
    %reduce_max3A = arith.constant dense<0xFF800000> : vector<1024xf32>
    %reduce_max3A_11 = vector.multi_reduction <maximumf>, %dot_general3A_10, %reduce_max3A [0] : vector<1024x1024xf32> to vector<1024xf32>
    %broadcast_in_dim3A = vector.shape_cast %reduce_max3A_11 : vector<1024xf32> to vector<1x1024xf32>
    %swap3A = arith.constant 0 : index
    %swap3A_12 = arith.constant 0 : index
    %swap3A_13 = arith.constant 0 : index
    %swap3A_14 = vector.load %arg3[%swap3A, %swap3A_12, %swap3A_13] : memref<1x1x1024xf32, #tpu.memory_space<vmem>>, vector<1x1x1024xf32>
    %swap3A_15 = vector.shape_cast %swap3A_14 : vector<1x1x1024xf32> to vector<1x1024xf32>
    %swap3A_16 = vector.shape_cast %broadcast_in_dim3A : vector<1x1024xf32> to vector<1x1x1024xf32>
    tpu.vector_store %arg3[%swap3A, %swap3A_12, %swap3A_13], %swap3A_16 {strides = array<i32>} : memref<1x1x1024xf32, #tpu.memory_space<vmem>>, vector<1x1x1024xf32>,
    return
  }
  func.func @transform_0(%arg0: i32) -> (i32, i32, i32) {
    %c0_i32 = arith.constant 0 : i32
    %c0_i32_0 = arith.constant 0 : i32
    %c0_i32_1 = arith.constant 0 : i32
    return %arg0, %c0_i32, %c0_i32_0 : i32, i32, i32
  }
  func.func @transform_1(%arg0: i32) -> (i32, i32) {
    %c0_i32 = arith.constant 0 : i32
    %c0_i32_0 = arith.constant 0 : i32
    %c0_i32_1 = arith.constant 0 : i32
    return %c0_i32, %c0_i32_0 : i32, i32
  }
  func.func @transform_2(%arg0: i32) -> (i32, i32, i32) {
    %c0_i32 = arith.constant 0 : i32
    %c0_i32_0 = arith.constant 0 : i32
    %c0_i32_1 = arith.constant 0 : i32
    return %arg0, %c0_i32, %c0_i32_0 : i32, i32, i32
  }
}

module attributes {stable_mosaic.version = 14 : i64} {
  func.func @_attn_post_body(%arg0: i32, %arg1: i32, %arg2: memref<1x128x128xf32, #tpu.memory_space<vmem>>, %arg3: memref<1x128x128xf32, #tpu.memory_space<vmem>>, %arg4: memref<1x4096x256xf32, #tpu.memory_space<vmem>>, %arg5: memref<512x128xf32, #tpu.memory_space<vmem>>, %arg6: memref<128x512xf32, #tpu.memory_space<vmem>>, %arg7: memref<1x128x128xf32, #tpu.memory_space<vmem>>) attributes {dimension_semantics = [#tpu.dimension_semantics<arbitrary>, #tpu.dimension_semantics<arbitrary>], iteration_bounds = array<i64: 4, 4>, scalar_prefetch = 0 : i64, scratch_operands = 0 : i64, tpu.core_type = #tpu.core_type<tc>, window_params = [{transform_indices = @transform_0, window_bounds = array<i64: 1, 128, 128>}, {transform_indices = @transform_1, window_bounds = array<i64: 1, 128, 128>}, {transform_indices = @transform_2, window_bounds = array<i64: 1, 4096, 256>}, {pipeline_mode = #tpu.pipeline_mode<synchronous>, transform_indices = @transform_3, window_bounds = array<i64: 512, 128>}, {pipeline_mode = #tpu.pipeline_mode<synchronous>, transform_indices = @transform_4, window_bounds = array<i64: 128, 512>}, {transform_indices = @transform_5, window_bounds = array<i64: 1, 128, 128>}]} {
    %get3A = arith.constant 0 : index
    %get3A_0 = arith.constant 0 : index
    %get3A_1 = arith.constant 0 : index
    %get3A_2 = vector.load %arg4[%get3A, %get3A_0, %get3A_1] : memref<1x4096x256xf32, #tpu.memory_space<vmem>>, vector<1x4096x256xf32>
    %get3A_3 = vector.shape_cast %get3A_2 : vector<1x4096x256xf32> to vector<4096x256xf32>
    %slice3A = vector.extract_strided_slice %get3A_3 {offsets = [0, 0], sizes = [4096, 128], strides = [1, 1]} : vector<4096x256xf32> to vector<4096x128xf32>
    %reshape3A = vector.shape_cast %slice3A : vector<4096x128xf32> to vector<128x32x128xf32>
    %slice3A_4 = vector.extract_strided_slice %get3A_3 {offsets = [0, 128], sizes = [4096, 128], strides = [1, 1]} : vector<4096x256xf32> to vector<4096x128xf32>
    %reshape3A_5 = vector.shape_cast %slice3A_4 : vector<4096x128xf32> to vector<128x32x128xf32>
    %get3A_6 = arith.constant 0 : index
    %get3A_7 = arith.constant 0 : index
    %get3A_8 = arith.constant 0 : index
    %get3A_9 = vector.load %arg3[%get3A_6, %get3A_7, %get3A_8] : memref<1x128x128xf32, #tpu.memory_space<vmem>>, vector<1x128x128xf32>
    %get3A_10 = vector.shape_cast %get3A_9 : vector<1x128x128xf32> to vector<128x128xf32>
    %broadcast_in_dim3A = vector.shape_cast %get3A_10 : vector<128x128xf32> to vector<128x1x128xf32>
    %mul3A = vector.broadcast %broadcast_in_dim3A : vector<128x1x128xf32> to vector<128x32x128xf32>
    %mul3A_11 = arith.mulf %mul3A, %reshape3A : vector<128x32x128xf32>
    %iota3A = tpu.iota {dimensions = array<i32: 0>} : vector<128x128xi32>
    %jit3A = arith.constant 32 : i32
    %div3A = vector.broadcast %jit3A : i32 to vector<128x128xi32>
    %div3A_12 = arith.divsi %iota3A, %div3A : vector<128x128xi32>
    %sign3A = arith.constant 0 : i32
    %sign3A_13 = vector.broadcast %sign3A : i32 to vector<128x128xi32>
    %sign3A_14 = arith.cmpi sgt, %iota3A, %sign3A_13 : vector<128x128xi32>
    %sign3A_15 = arith.extui %sign3A_14 : vector<128x128xi1> to vector<128x128xi32>
    %sign3A_16 = arith.constant 0 : i32
    %sign3A_17 = vector.broadcast %sign3A_16 : i32 to vector<128x128xi32>
    %sign3A_18 = arith.cmpi slt, %iota3A, %sign3A_17 : vector<128x128xi32>
    %sign3A_19 = arith.extui %sign3A_18 : vector<128x128xi1> to vector<128x128xi32>
    %sign3A_20 = arith.subi %sign3A_15, %sign3A_19 : vector<128x128xi32>
    %sign3A_21 = arith.constant 0 : i32
    %sign3A_22 = arith.cmpi sgt, %jit3A, %sign3A_21 : i32
    %sign3A_23 = arith.extui %sign3A_22 : i1 to i32
    %sign3A_24 = arith.constant 0 : i32
    %sign3A_25 = arith.cmpi slt, %jit3A, %sign3A_24 : i32
    %sign3A_26 = arith.extui %sign3A_25 : i1 to i32
    %sign3A_27 = arith.subi %sign3A_23, %sign3A_26 : i32
    %ne3A = vector.broadcast %sign3A_27 : i32 to vector<128x128xi32>
    %ne3A_28 = arith.cmpi ne, %sign3A_20, %ne3A : vector<128x128xi32>
    %rem3A = vector.broadcast %jit3A : i32 to vector<128x128xi32>
    %rem3A_29 = arith.remsi %iota3A, %rem3A : vector<128x128xi32>
    %ne3A_30 = arith.constant 0 : i32
    %ne3A_31 = vector.broadcast %ne3A_30 : i32 to vector<128x128xi32>
    %ne3A_32 = arith.cmpi ne, %rem3A_29, %ne3A_31 : vector<128x128xi32>
    %and3A = arith.andi %ne3A_28, %ne3A_32 : vector<128x128xi1>
    %sub3A = arith.constant 1 : i32
    %sub3A_33 = vector.broadcast %sub3A : i32 to vector<128x128xi32>
    %sub3A_34 = arith.subi %div3A_12, %sub3A_33 : vector<128x128xi32>
    %select_n3A = arith.select %and3A, %sub3A_34, %div3A_12 : vector<128x128xi1>, vector<128x128xi32>
    %iota3A_35 = tpu.iota {dimensions = array<i32: 1>} : vector<128x128xi32>
    %jit3A_36 = arith.constant 32 : i32
    %div3A_37 = vector.broadcast %jit3A_36 : i32 to vector<128x128xi32>
    %div3A_38 = arith.divsi %iota3A_35, %div3A_37 : vector<128x128xi32>
    %sign3A_39 = arith.constant 0 : i32
    %sign3A_40 = vector.broadcast %sign3A_39 : i32 to vector<128x128xi32>
    %sign3A_41 = arith.cmpi sgt, %iota3A_35, %sign3A_40 : vector<128x128xi32>
    %sign3A_42 = arith.extui %sign3A_41 : vector<128x128xi1> to vector<128x128xi32>
    %sign3A_43 = arith.constant 0 : i32
    %sign3A_44 = vector.broadcast %sign3A_43 : i32 to vector<128x128xi32>
    %sign3A_45 = arith.cmpi slt, %iota3A_35, %sign3A_44 : vector<128x128xi32>
    %sign3A_46 = arith.extui %sign3A_45 : vector<128x128xi1> to vector<128x128xi32>
    %sign3A_47 = arith.subi %sign3A_42, %sign3A_46 : vector<128x128xi32>
    %sign3A_48 = arith.constant 0 : i32
    %sign3A_49 = arith.cmpi sgt, %jit3A_36, %sign3A_48 : i32
    %sign3A_50 = arith.extui %sign3A_49 : i1 to i32
    %sign3A_51 = arith.constant 0 : i32
    %sign3A_52 = arith.cmpi slt, %jit3A_36, %sign3A_51 : i32
    %sign3A_53 = arith.extui %sign3A_52 : i1 to i32
    %sign3A_54 = arith.subi %sign3A_50, %sign3A_53 : i32
    %ne3A_55 = vector.broadcast %sign3A_54 : i32 to vector<128x128xi32>
    %ne3A_56 = arith.cmpi ne, %sign3A_47, %ne3A_55 : vector<128x128xi32>
    %rem3A_57 = vector.broadcast %jit3A_36 : i32 to vector<128x128xi32>
    %rem3A_58 = arith.remsi %iota3A_35, %rem3A_57 : vector<128x128xi32>
    %ne3A_59 = arith.constant 0 : i32
    %ne3A_60 = vector.broadcast %ne3A_59 : i32 to vector<128x128xi32>
    %ne3A_61 = arith.cmpi ne, %rem3A_58, %ne3A_60 : vector<128x128xi32>
    %and3A_62 = arith.andi %ne3A_56, %ne3A_61 : vector<128x128xi1>
    %sub3A_63 = arith.constant 1 : i32
    %sub3A_64 = vector.broadcast %sub3A_63 : i32 to vector<128x128xi32>
    %sub3A_65 = arith.subi %div3A_38, %sub3A_64 : vector<128x128xi32>
    %select_n3A_66 = arith.select %and3A_62, %sub3A_65, %div3A_38 : vector<128x128xi1>, vector<128x128xi32>
    %eq3A = arith.cmpi eq, %select_n3A, %select_n3A_66 : vector<128x128xi32>
    %convert_element_type3A = arith.extui %eq3A : vector<128x128xi1> to vector<128x128xi32>
    %convert_element_type3A_67 = arith.sitofp %convert_element_type3A : vector<128x128xi32> to vector<128x128xf32>
    %reshape3A_68 = vector.shape_cast %mul3A_11 : vector<128x32x128xf32> to vector<4096x128xf32>
    %dot_general3A = arith.constant dense<0.000000e+00> : vector<4096x128xf32>
    %dot_general3A_69 = tpu.matmul %reshape3A_68, %convert_element_type3A_67, %dot_general3A {dimension_numbers = #tpu.dot_dimension_numbers<[1], [0], [0], [1], [0, 0, 1, 1], [], []>, precision = #tpu.contract_precision<fp32>, transpose_lhs_hint = false} : vector<4096x128xf32>, vector<128x128xf32>, vector<4096x128xf32> -> vector<4096x128xf32>
    %div3A_70 = arith.constant 5.65685415 : f32
    %div3A_71 = vector.broadcast %div3A_70 : f32 to vector<4096x128xf32>
    %div3A_72 = arith.divf %dot_general3A_69, %div3A_71 : vector<4096x128xf32>
    %reshape3A_73 = vector.shape_cast %div3A_72 : vector<4096x128xf32> to vector<128x32x128xf32>
    %reduce_max3A = arith.constant dense<0xFF800000> : vector<128x128xf32>
    %reduce_max3A_74 = vector.multi_reduction <maximumf>, %reshape3A_73, %reduce_max3A [1] : vector<128x32x128xf32> to vector<128x128xf32>
    %broadcast_in_dim3A_75 = vector.shape_cast %reduce_max3A_74 : vector<128x128xf32> to vector<128x1x128xf32>
    %sub3A_76 = vector.broadcast %broadcast_in_dim3A_75 : vector<128x1x128xf32> to vector<128x32x128xf32>
    %sub3A_77 = arith.subf %reshape3A_73, %sub3A_76 : vector<128x32x128xf32>
    %exp3A = math.exp %sub3A_77 : vector<128x32x128xf32>
    %reduce_sum3A = arith.constant dense<0.000000e+00> : vector<128x128xf32>
    %reduce_sum3A_78 = vector.multi_reduction <add>, %exp3A, %reduce_sum3A [1] : vector<128x32x128xf32> to vector<128x128xf32>
    %broadcast_in_dim3A_79 = vector.shape_cast %reduce_sum3A_78 : vector<128x128xf32> to vector<128x1x128xf32>
    %div3A_80 = vector.broadcast %broadcast_in_dim3A_79 : vector<128x1x128xf32> to vector<128x32x128xf32>
    %div3A_81 = arith.divf %exp3A, %div3A_80 : vector<128x32x128xf32>
    %mul3A_82 = arith.mulf %div3A_81, %reshape3A_5 : vector<128x32x128xf32>
    %reduce_sum3A_83 = arith.constant dense<0.000000e+00> : vector<128x128xf32>
    %reduce_sum3A_84 = vector.multi_reduction <add>, %mul3A_82, %reduce_sum3A_83 [1] : vector<128x32x128xf32> to vector<128x128xf32>
    %get3A_85 = arith.constant 0 : index
    %get3A_86 = arith.constant 0 : index
    %get3A_87 = arith.constant 0 : index
    %get3A_88 = vector.load %arg2[%get3A_85, %get3A_86, %get3A_87] : memref<1x128x128xf32, #tpu.memory_space<vmem>>, vector<1x128x128xf32>
    %get3A_89 = vector.shape_cast %get3A_88 : vector<1x128x128xf32> to vector<128x128xf32>
    %add3A = arith.addf %get3A_89, %reduce_sum3A_84 : vector<128x128xf32>
    %get3A_90 = arith.constant 0 : index
    %get3A_91 = arith.constant 0 : index
    %get3A_92 = vector.load %arg5[%get3A_90, %get3A_91] : memref<512x128xf32, #tpu.memory_space<vmem>>, vector<512x128xf32>
    %convert_element_type3A_93 = arith.truncf %add3A : vector<128x128xf32> to vector<128x128xbf16>
    %convert_element_type3A_94 = arith.extf %convert_element_type3A_93 : vector<128x128xbf16> to vector<128x128xf32>
    %convert_element_type3A_95 = arith.truncf %get3A_92 : vector<512x128xf32> to vector<512x128xbf16>
    %convert_element_type3A_96 = arith.extf %convert_element_type3A_95 : vector<512x128xbf16> to vector<512x128xf32>
    %dot_general3A_97 = arith.constant dense<0.000000e+00> : vector<128x512xf32>
    %dot_general3A_98 = tpu.matmul %convert_element_type3A_94, %convert_element_type3A_96, %dot_general3A_97 {dimension_numbers = #tpu.dot_dimension_numbers<[1], [1], [0], [0], [0, 0, 1, 0], [], []>, precision = #tpu.contract_precision<fp32>, transpose_lhs_hint = false} : vector<128x128xf32>, vector<512x128xf32>, vector<128x512xf32> -> vector<128x512xf32>
    %ge3A = arith.constant 0.000000e+00 : f32
    %ge3A_99 = vector.broadcast %ge3A : f32 to vector<128x512xf32>
    %ge3A_100 = arith.cmpf oge, %dot_general3A_98, %ge3A_99 : vector<128x512xf32>
    %mul3A_101 = arith.constant 2.000000e-01 : f32
    %mul3A_102 = vector.broadcast %mul3A_101 : f32 to vector<128x512xf32>
    %mul3A_103 = arith.mulf %mul3A_102, %dot_general3A_98 : vector<128x512xf32>
    %select_n3A_104 = arith.select %ge3A_100, %dot_general3A_98, %mul3A_103 : vector<128x512xi1>, vector<128x512xf32>
    %get3A_105 = arith.constant 0 : index
    %get3A_106 = arith.constant 0 : index
    %get3A_107 = vector.load %arg6[%get3A_105, %get3A_106] : memref<128x512xf32, #tpu.memory_space<vmem>>, vector<128x512xf32>
    %convert_element_type3A_108 = arith.truncf %select_n3A_104 : vector<128x512xf32> to vector<128x512xbf16>
    %convert_element_type3A_109 = arith.extf %convert_element_type3A_108 : vector<128x512xbf16> to vector<128x512xf32>
    %convert_element_type3A_110 = arith.truncf %get3A_107 : vector<128x512xf32> to vector<128x512xbf16>
    %convert_element_type3A_111 = arith.extf %convert_element_type3A_110 : vector<128x512xbf16> to vector<128x512xf32>
    %dot_general3A_112 = arith.constant dense<0.000000e+00> : vector<128x128xf32>
    %dot_general3A_113 = tpu.matmul %convert_element_type3A_109, %convert_element_type3A_111, %dot_general3A_112 {dimension_numbers = #tpu.dot_dimension_numbers<[1], [1], [0], [0], [0, 0, 1, 0], [], []>, precision = #tpu.contract_precision<fp32>, transpose_lhs_hint = false} : vector<128x512xf32>, vector<128x512xf32>, vector<128x128xf32> -> vector<128x128xf32>
    %add3A_114 = arith.addf %add3A, %dot_general3A_113 : vector<128x128xf32>
    %swap3A = arith.constant 0 : index
    %swap3A_115 = arith.constant 0 : index
    %swap3A_116 = arith.constant 0 : index
    %swap3A_117 = vector.load %arg7[%swap3A, %swap3A_115, %swap3A_116] : memref<1x128x128xf32, #tpu.memory_space<vmem>>, vector<1x128x128xf32>
    %swap3A_118 = vector.shape_cast %swap3A_117 : vector<1x128x128xf32> to vector<128x128xf32>
    %swap3A_119 = vector.shape_cast %add3A_114 : vector<128x128xf32> to vector<1x128x128xf32>
    tpu.vector_store %arg7[%swap3A, %swap3A_115, %swap3A_116], %swap3A_119 {strides = array<i32>} : memref<1x128x128xf32, #tpu.memory_space<vmem>>, vector<1x128x128xf32>,
    return
  }
  func.func @transform_0(%arg0: i32, %arg1: i32) -> (i32, i32, i32) {
    %c0_i32 = arith.constant 0 : i32
    %c0_i32_0 = arith.constant 0 : i32
    return %arg0, %arg1, %c0_i32 : i32, i32, i32
  }
  func.func @transform_1(%arg0: i32, %arg1: i32) -> (i32, i32, i32) {
    %c0_i32 = arith.constant 0 : i32
    %c0_i32_0 = arith.constant 0 : i32
    return %arg0, %arg1, %c0_i32 : i32, i32, i32
  }
  func.func @transform_2(%arg0: i32, %arg1: i32) -> (i32, i32, i32) {
    %c0_i32 = arith.constant 0 : i32
    %c0_i32_0 = arith.constant 0 : i32
    return %arg0, %arg1, %c0_i32 : i32, i32, i32
  }
  func.func @transform_3(%arg0: i32, %arg1: i32) -> (i32, i32) {
    %c0_i32 = arith.constant 0 : i32
    %c0_i32_0 = arith.constant 0 : i32
    %c0_i32_1 = arith.constant 0 : i32
    return %c0_i32, %c0_i32_0 : i32, i32
  }
  func.func @transform_4(%arg0: i32, %arg1: i32) -> (i32, i32) {
    %c0_i32 = arith.constant 0 : i32
    %c0_i32_0 = arith.constant 0 : i32
    %c0_i32_1 = arith.constant 0 : i32
    return %c0_i32, %c0_i32_0 : i32, i32
  }
  func.func @transform_5(%arg0: i32, %arg1: i32) -> (i32, i32, i32) {
    %c0_i32 = arith.constant 0 : i32
    %c0_i32_0 = arith.constant 0 : i32
    return %arg0, %arg1, %c0_i32 : i32, i32, i32
  }
}

module attributes {stable_mosaic.version = 14 : i64} {
  func.func @_res_body(%arg0: i32, %arg1: memref<1x512x128xf32, #tpu.memory_space<vmem>>, %arg2: memref<1024x128xf32, #tpu.memory_space<vmem>>, %arg3: memref<1x1x1024xf32, #tpu.memory_space<vmem>>) attributes {dimension_semantics = [#tpu.dimension_semantics<arbitrary>], iteration_bounds = array<i64: 4>, scalar_prefetch = 0 : i64, scratch_operands = 0 : i64, tpu.core_type = #tpu.core_type<tc>, window_params = [{transform_indices = @transform_0, window_bounds = array<i64: 1, 512, 128>}, {pipeline_mode = #tpu.pipeline_mode<synchronous>, transform_indices = @transform_1, window_bounds = array<i64: 1024, 128>}, {transform_indices = @transform_2, window_bounds = array<i64: 1, 1, 1024>}]} {
    %get3A = arith.constant 0 : index
    %get3A_0 = arith.constant 0 : index
    %get3A_1 = arith.constant 0 : index
    %get3A_2 = vector.load %arg1[%get3A, %get3A_0, %get3A_1] : memref<1x512x128xf32, #tpu.memory_space<vmem>>, vector<1x512x128xf32>
    %get3A_3 = vector.shape_cast %get3A_2 : vector<1x512x128xf32> to vector<512x128xf32>
    %get3A_4 = arith.constant 0 : index
    %get3A_5 = arith.constant 0 : index
    %get3A_6 = vector.load %arg2[%get3A_4, %get3A_5] : memref<1024x128xf32, #tpu.memory_space<vmem>>, vector<1024x128xf32>
    %convert_element_type3A = arith.truncf %get3A_3 : vector<512x128xf32> to vector<512x128xbf16>
    %convert_element_type3A_7 = arith.extf %convert_element_type3A : vector<512x128xbf16> to vector<512x128xf32>
    %convert_element_type3A_8 = arith.truncf %get3A_6 : vector<1024x128xf32> to vector<1024x128xbf16>
    %convert_element_type3A_9 = arith.extf %convert_element_type3A_8 : vector<1024x128xbf16> to vector<1024x128xf32>
    %dot_general3A = arith.constant dense<0.000000e+00> : vector<512x1024xf32>
    %dot_general3A_10 = tpu.matmul %convert_element_type3A_7, %convert_element_type3A_9, %dot_general3A {dimension_numbers = #tpu.dot_dimension_numbers<[1], [1], [0], [0], [0, 0, 1, 0], [], []>, precision = #tpu.contract_precision<fp32>, transpose_lhs_hint = false} : vector<512x128xf32>, vector<1024x128xf32>, vector<512x1024xf32> -> vector<512x1024xf32>
    %reduce_max3A = arith.constant dense<0xFF800000> : vector<1024xf32>
    %reduce_max3A_11 = vector.multi_reduction <maximumf>, %dot_general3A_10, %reduce_max3A [0] : vector<512x1024xf32> to vector<1024xf32>
    %broadcast_in_dim3A = vector.shape_cast %reduce_max3A_11 : vector<1024xf32> to vector<1x1024xf32>
    %swap3A = arith.constant 0 : index
    %swap3A_12 = arith.constant 0 : index
    %swap3A_13 = arith.constant 0 : index
    %swap3A_14 = vector.load %arg3[%swap3A, %swap3A_12, %swap3A_13] : memref<1x1x1024xf32, #tpu.memory_space<vmem>>, vector<1x1x1024xf32>
    %swap3A_15 = vector.shape_cast %swap3A_14 : vector<1x1x1024xf32> to vector<1x1024xf32>
    %swap3A_16 = vector.shape_cast %broadcast_in_dim3A : vector<1x1024xf32> to vector<1x1x1024xf32>
    tpu.vector_store %arg3[%swap3A, %swap3A_12, %swap3A_13], %swap3A_16 {strides = array<i32>} : memref<1x1x1024xf32, #tpu.memory_space<vmem>>, vector<1x1x1024xf32>,
    return
  }
  func.func @transform_0(%arg0: i32) -> (i32, i32, i32) {
    %c0_i32 = arith.constant 0 : i32
    %c0_i32_0 = arith.constant 0 : i32
    %c0_i32_1 = arith.constant 0 : i32
    return %arg0, %c0_i32, %c0_i32_0 : i32, i32, i32
  }
  func.func @transform_1(%arg0: i32) -> (i32, i32) {
    %c0_i32 = arith.constant 0 : i32
    %c0_i32_0 = arith.constant 0 : i32
    %c0_i32_1 = arith.constant 0 : i32
    return %c0_i32, %c0_i32_0 : i32, i32
  }
  func.func @transform_2(%arg0: i32) -> (i32, i32, i32) {
    %c0_i32 = arith.constant 0 : i32
    %c0_i32_0 = arith.constant 0 : i32
    %c0_i32_1 = arith.constant 0 : i32
    return %arg0, %c0_i32, %c0_i32_0 : i32, i32, i32
  }
}

</mosaic_0001>

<sc_bundles>
// kernel: kernel.31.cloned.1.call-start
scs
__scs_entry_jumppad:
0x0: {  	(pc) =	sbr.rel $0x88, $3  }
0x1: {  	(tag) =	ssettag $0x0;
	lr =	simm.s32 $0x1  }
0x2: {  	[smem:$0x3F86] =	sst lr;
	_ =	strace $0xD0000000  }
0x3: {  	_ = 	snop  }
0x4: {  	_ = 	snop  }
0x5: {  	_ = 	snop  }
0x6: {  	_ = 	snop  }
0x7: {  	_ = 	snop  }
__scs_overlays_trampoline_lowered:
0x8: {  	[smem:$0x3F95] =	sst s0  }
0x9: {  	[smem:$0x3F96] =	sst s1  }
0xa: {  	[smem:$0x3F97] =	sst s2  }
0xb: {  	[smem:$0x3F98] =	sst s3  }
0xc: {  	[smem:$0x3F99] =	sst s4  }
0xd: {  	[smem:$0x3F9A] =	sst s5  }
0xe: {  	[smem:$0x3F9B] =	sst s6  }
0xf: {  	[smem:$0x3F9C] =	sst s7  }
0x10: {  	[smem:$0x3F9D] =	sst s8  }
0x11: {  	[smem:$0x3F9E] =	sst s9;
	s0 =	simm.s32 @!p0 $0x0  }
0x12: {  	s1 =	sld [smem:$0x3F84];
	s0 =	simm.s32 @p0 $0x1  }
0x13: {  	[smem:$0x3F9F] =	sst s0;
	s0 =	simm.s32 @!p1 $0x0  }
0x14: {  	s2 =	sld [smem:$0x3F83];
	s0 =	simm.s32 @p1 $0x1  }
0x15: {  	[smem:$0x3FA0] =	sst s0;
	s0 =	simm.s32 @!p2 $0x0  }
0x16: {  	s3 =	sld [smem:$0x3FDB];
	s0 =	simm.s32 @p2 $0x1  }
0x17: {  	s4 =	simm.s32 $0x1BF5;
	[smem:$0x3FA2] =	sst s0  }
0x18: {  	s0 =	sld [smem:$0x3F85];
	_ =	swait.ge [sflag:s4], $0x0  }
0x19: {  	s7 =	sld [smem:$0x3F86]  }
0x1a: {  	s8 =	sadd.s32 $0xFFFFE003, lr  }
0x1b: {  	s9 =	sadd.s32 $0xFFFFFEF7, lr;
	s5 =	simm.s32 $0xFFFFFFFF;
	p2 =	slt.u32 s8, $0xFFFFF086  }
0x1c: {  	p1 =	slt.u32 s9, $0xF7A;
	s5 =	simm.s32 @!p2 $0x0  }
0x1d: {  	s5 =	simm.s32 @p1 $0x1;
	p0 =	seq.s32 s7, s2  }
0x1e: {  	s7 =	smul.u32 @!p0 $0xF7A, s2;
	p2 =	seq.s32 @!p0 s5, $0x0  }
0x1f: {  	s9 =	smul.u32 $0xF7A, s1;
	s8 =	simm.s32 @!p0 $0x1BF5;
	p2 =	por !p2, p0  }
0x20: {  	[sflag:s8] =	ssyncset.s32 @!p0 $0xFFFFF086;
	s6 =	sadd.s32 @!p0 s3, s7;
	s7 =	simm.s32 @!p0 $0x108  }
0x21: {  	s3 =	sadd.s32 s3, s9;
	s6 =	sadd.s32 @!p0 $0x88, s6;
	s7 =	simm.s32 @p2 $0x1082  }
0x22: {  	[simem:s7], [sflag:s8] =	dma.local @!p0 [hbm:s6], $0xF7A  }
0x23: {  	s9 =	sor.u32 $0xD0000000, s2;
	s6 =	simm.s32 $0x108;
	_ =	swait.ge @!p0 [sflag:s8], $0x0  }
0x24: {  	s3 =	sadd.s32 $0x88, s3;
	s6 =	simm.s32 @!p1 $0x1082;
	[sflag:s4] =	ssyncset.s32 $0xFFFFF086  }
0x25: {  	[simem:s6], [sflag:s4] =	dma.local [hbm:s3], $0xF7A  }
0x26: {  	[smem:$0x3F86] =	sst s1;
	(tag) =	ssettag s2;
	_ =	strace s9  }
0x27: {  	s1 =	sld [smem:$0x3F96]  }
0x28: {  	s2 =	sld [smem:$0x3F97]  }
0x29: {  	s4 =	sld [smem:$0x3F99]  }
0x2a: {  	p0 =	seq.s32 s5, $0x0;
	s5 =	sld [smem:$0x3F9A]  }
0x2b: {  	s6 =	sld [smem:$0x3F9B]  }
0x2c: {  	s7 =	sld [smem:$0x3F9C]  }
0x2d: {  	s3 =	simm.s32 $0x108;
	s8 =	sld [smem:$0x3F9D]  }
0x2e: {  	s3 =	simm.s32 @!p0 $0x1082;
	s9 =	sld [smem:$0x3F9E]  }
0x2f: {  	lr =	sadd.s32 s0, s3;
	s0 =	sld [smem:$0x3F95]  }
0x30: {  	s3 =	sld [smem:$0x3F98]  }
0x31: {  	[smem:$0x3FA1] =	sst s10  }
0x32: {  	s10 =	sld [smem:$0x3F9F];
	_ =	sdelay $0x3  }
0x33: {  	p0 =	seq.s32 s10, $0x1;
	s10 =	sld [smem:$0x3FA1];
	_ =	sdelay $0x3  }
0x34: {  	[smem:$0x3FA1] =	sst s10  }
0x35: {  	s10 =	sld [smem:$0x3FA0];
	_ =	sdelay $0x3  }
0x36: {  	p1 =	seq.s32 s10, $0x1;
	s10 =	sld [smem:$0x3FA1];
	_ =	sdelay $0x3  }
0x37: {  	[smem:$0x3FA1] =	sst s10  }
0x38: {  	s10 =	sld [smem:$0x3FA2]  }
0x39: {  	_ = 	snop;
	(pc) =	sbr.ind lr, $3  }
0x3a: {  	_ = 	snop  }
0x3b: {  	_ = 	snop  }
0x3c: {  	p2 =	seq.s32 s10, $0x1;
	s10 =	sld [smem:$0x3FA1]  }
0x3d: {  	_ =	shalt  }
0x3e: {  	_ =	shalt  }
0x3f: {  	_ =	shalt  }
0x40: {  	_ =	shalt  }
0x41: {  	_ =	shalt  }
0x42: {  	_ =	shalt  }
0x43: {  	_ =	shalt  }
0x44: {  	_ =	shalt  }
0x45: {  	_ =	shalt  }
0x46: {  	_ =	shalt  }
0x47: {  	_ =	shalt  }
0x48: {  	_ =	shalt  }
0x49: {  	_ =	shalt  }
0x4a: {  	_ =	shalt  }
0x4b: {  	_ =	shalt  }
0x4c: {  	_ =	shalt  }
0x4d: {  	_ =	shalt  }
0x4e: {  	_ =	shalt  }
0x4f: {  	_ =	shalt  }
0x50: {  	_ =	shalt  }
0x51: {  	_ =	shalt  }
0x52: {  	_ =	shalt  }
0x53: {  	_ =	shalt  }
0x54: {  	_ =	shalt  }
0x55: {  	_ =	shalt  }
0x56: {  	_ =	shalt  }
0x57: {  	_ =	shalt  }
0x58: {  	_ =	shalt  }
0x59: {  	_ =	shalt  }
0x5a: {  	_ =	shalt  }
0x5b: {  	_ =	shalt  }
0x5c: {  	_ =	shalt  }
0x5d: {  	_ =	shalt  }
0x5e: {  	_ =	shalt  }
0x5f: {  	_ =	shalt  }
0x60: {  	_ =	shalt  }
0x61: {  	_ =	shalt  }
0x62: {  	_ =	shalt  }
0x63: {  	_ =	shalt  }
0x64: {  	_ =	shalt  }
0x65: {  	_ =	shalt  }
0x66: {  	_ =	shalt  }
0x67: {  	_ =	shalt  }
0x68: {  	_ =	shalt  }
0x69: {  	_ =	shalt  }
0x6a: {  	_ =	shalt  }
0x6b: {  	_ =	shalt  }
0x6c: {  	_ =	shalt  }
0x6d: {  	_ =	shalt  }
0x6e: {  	_ =	shalt  }
0x6f: {  	_ =	shalt  }
0x70: {  	_ =	shalt  }
0x71: {  	_ =	shalt  }
0x72: {  	_ =	shalt  }
0x73: {  	_ =	shalt  }
0x74: {  	_ =	shalt  }
0x75: {  	_ =	shalt  }
0x76: {  	_ =	shalt  }
0x77: {  	_ =	shalt  }
0x78: {  	_ =	shalt  }
0x79: {  	_ =	shalt  }
0x7a: {  	_ =	shalt  }
0x7b: {  	_ =	shalt  }
0x7c: {  	_ =	shalt  }
0x7d: {  	_ =	shalt  }
0x7e: {  	_ =	shalt  }
0x7f: {  	_ =	shalt  }
0x80: {  	_ =	shalt  }
0x81: {  	_ =	shalt  }
0x82: {  	_ =	shalt  }
0x83: {  	_ =	shalt  }
0x84: {  	_ =	shalt  }
0x85: {  	_ =	shalt  }
0x86: {  	_ =	shalt  }
0x87: {  	_ =	shalt  }
.Lfunc_end0:
.L_simem_size_0:
called_computation_lowered:
.L_overlay_start_0:
0x88: {  	s2 =	sld [smem:$0x3FD9]  }
0x89: {  	s3 =	sld [smem:$0x3FFE];
	_ =	sdelay $0x1  }
0x8a: {  	s1 =	srdreg.scid  }
0x8b: {  	s0 =	sand.u32 $0x1, s1  }
0x8c: {  	s16 =	sshll.u32 s0, $0xA;
	s2 =	sadd.s32 s3, s2  }
0x8d: {  	s2 =	sadd.s32 s2, s16  }
0x8e: {  	[smem:$0x3FAD] =	sst s2  }
0x8f: {  	_ = 	snop  }
0x90: {  	(tm) =	ssettm $0x1  }
0x91: {  	s17 =	sld [smem:$0x3FFB];
	_ =	sdelay $0x3  }
0x92: {  	_ =	strace s17  }
0x93: {  	s2 =	sld [smem:$0x3FFC];
	_ =	sdelay $0x3  }
0x94: {  	_ =	strace s2  }
0x95: {  	s2 =	sld [smem:$0x3FFD];
	_ =	sdelay $0x3  }
0x96: {  	_ =	strace s2  }
0x97: {  	_ =	strace $0x8FFFFFFF  }
0x98: {  	s18 =	sld [smem:$0x3FDB];
	_ =	sdelay $0x1  }
0x99: {  	s19 =	simm.s32 $_scs_section_size  }
0x9a: {  	s4 =	simm.s32 $_size__tile_overlayer_lowered;
	s5 =	simm.s32 $_tile_overlayer_lowered  }
0x9b: {  	s22 =	simm.s32 $0x1BFF;
	s21 =	sshll.u32 s5, $0x1;
	s2 =	sadd.s32 s19, s18  }
0x9c: {  	s6 =	simm.s32 $0x0;
	s20 =	sshll.u32 s4, $0x1;
	s4 =	sadd.s32 s21, s2  }
0x9d: {  	[timem:s6], [sflag:s22] =	dma.local [hbm:s4], s20  }
0x9e: {  	_ =	swait.ge [sflag:s22], s20  }
0x9f: {  	s3 =	ssub.s32 $0x0, s20;
	[sflag:s22] =	ssyncset.done $0x0  }
0xa0: {  	[sflag:s22] =	ssyncadd.s32 s3;
	_ =	sdelay $0x1  }
0xa1: {  	s23 =	simm.s32 $0x1B8B  }
0xa2: {  	_ =	swait.ge [sflag:s23], $0x1  }
0xa3: {  	[sflag:s23] =	ssyncset.done $0x0  }
0xa4: {  	s25 =	simm.s32 $0x1B8E;
	s24 =	sld [smem:$0x3FFE];
	[sflag:s23] =	ssyncadd.s32 $0xFFFFFFFF  }
0xa5: {  	s26 =	simm.s32 $execute0_lowered;
	[smem:$0x3FD2] =	sst s25  }
0xa6: {  	s4 =	sshll.u32 s26, $0x1;
	_ =	strace $0x80000046;
	[dreg:$0x1] =	wrdreg $0xFFFFFFFF  }
0xa7: {  	s28 =	simm.s32 $_size_execute0_lowered;
	s2 =	sadd.s32 s2, s4;
	[dreg:$0x0] =	wrdreg $0x0  }
0xa8: {  	s4 =	sshll.u32 s28, $0x1;
	[dreg:$0x2] =	wrdreg s2  }
0xa9: {  	[dreg:$0x3] =	wrdreg s4  }
0xaa: {  	[dreg:$0x4] =	wrdreg $0xC0  }
0xab: {  	_ =	task [dreg:s6], $0x5FFFF  }
0xac: {  	[dreg:$0x1] =	wrdreg $0xFFFFFFFF  }
0xad: {  	[dreg:$0x0] =	wrdreg $0x60  }
0xae: {  	[dreg:$0x2] =	wrdreg s24  }
0xaf: {  	[dreg:$0x3] =	wrdreg $0x9  }
0xb0: {  	_ =	task.clear_ibuf [dreg:s6], $0x4FFFF;
	_ =	strace $0x90000046  }
0xb1: {  	s29 =	simm.s32 $0x9;
	_ =	strace $0x80000048  }
0xb2: {  	_ =	swait.ge [sflag:s29], $0x1  }
0xb3: {  	[sflag:s29] =	ssyncadd.s32 $0xFFFFFFFF  }
0xb4: {  	_ =	strace $0x90000048  }
0xb5: {  	_ =	sfence  }
0xb6: {  	s30 =	sld [smem:$0x0];
	_ =	sdelay $0x2  }
0xb7: {  	s31 =	sshll.u32 s1, $0xD;
	s1 =	sshrl.u32 s1, $0x2  }
0xb8: {  	s3 =	sand.u32 $0x4000, s31;
	s1 =	sadd.s32 s1, s30  }
0xb9: {  	s0 =	sor.u32 s3, s0;
	s1 =	sshll.u32 s1, $0x11  }
0xba: {  	s0 =	sor.u32 s1, s0  }
0xbb: {  	s0 =	sadd.s32 $0x8F2B, s0  }
0xbc: {  	[sflag:s0] =	ssyncadd.remote.s32 $0x1  }
0xbd: {  	_ =	sfence.sel $0xFFFF  }
0xbe: {  	[dreg:$0x0] =	wrdreg $0xFFFFFFFF;
	(pc) =	sbr.abs _section_cstart, $3  }
0xbf: {  	[dreg:$0x1] =	wrdreg $0xFFFFFFFF  }
0xc0: {  	_ =	task.clear_ibuf [dreg:s6], $0x2FFFF;
	_ =	strace $0x9FFFFFFF  }
0xc1: {  	(tm) =	ssettm $0x7FFFFFFF  }
tec
execute0_lowered:
.L_overlay_start_1:
0x0: {  	(tag) =	ssettag $0x1  }
0x1: {  	s4 =	rddreg [dreg:$0x0]  }
0x2: {  	s0 =	rddreg [dreg:$0x1];
	s2 =	simm.s32 $0x0;
	s3 =	srdreg.scid  }
0x3: {  	s1 =	stileid.u32;
	s10 =	simm.s32 $0x0;
	[smem:$0x7FF] =	sst s2  }
0x4: {  	s5 =	sand.u32 $0x1, s3;
	s6 =	sshll.u32 s1, $0xE;
	s3 =	sadd.s32 $0x8C00, s4  }
0x5: {  	s8 =	sshll.u32 s1, $0x12;
	_ =	strace $0x80000047;
	s7 =	sshll.u32 s5, $0xD  }
0x6: {  	s31 =	ssub.s32 $0x2, s5;
	s8 =	sadd.s32 s8, s4;
	s5 =	sshll.u32 s5, $0x11  }
0x7: {  	s6 =	sor.u32 s7, s6;
	s9 =	sshrl.u32 s31, $0x1;
	s5 =	sadd.s32 s5, s8  }
0x8: {  	s8 =	simm.s32 $0x80;
	s6 =	sshrl.u32 s6, $0x3;
	s7 =	ssub.s32 s31, s9  }
0x9: {  	s5 =	sadd.s32 $0x30C00, s5;
	s9 =	simm.s32 $0x1;
	s6 =	sadd.s32 s6, s4  }
0xa: {  	s4 =	smax.u32 s7, $0x1;
	s7 =	simm.s32 $0x2;
	s6 =	sadd.s32 $0x28C00, s6  }
.LBB2_1:
0xb: {  	s11 =	sadd.s32 $0x0, s6  }
0xc: {  	[tilespmem:s2], [sflag:$0x2] =	stream.linear.gather [hbm4b:s11+s2], $0x80, $0x38;
	[tilespmem:$0x4080] =	vst v63  }
0xd: {  	_ =	swait.ge [sflag:s7], $0x80  }
0xe: {  	[sflag:s7] =	ssyncset.done $0x0  }
0xf: {  	[sflag:s7] =	ssyncadd.s32 $0xFFFFFF80  }
0x10: {  	[tilespmem:s8], [sflag:$0x1] =	stream.indirect.gather [hbm4b:s3+s8], $0x80, s2, s8, $0xb8;
	[tilespmem:$0x4080] =	vst v63  }
0x11: {  	_ =	swait.ge [sflag:s9], $0x4000  }
0x12: {  	[sflag:s9] =	ssyncset.done $0x0  }
0x13: {  	[sflag:s9] =	ssyncadd.s32 $0xFFFFC000  }
0x14: {  	[hbm4b:s5+s2] =	stream.linear.scatter [tilespmem:s8], [sflag:$0x2], $0x4000, $0x38;
	[tilespmem:$0x4080] =	vst v63  }
0x15: {  	s12 =	simm.s32 $0x10;
	_ =	swait.ge [sflag:s7], $0x4000  }
0x16: {  	s13 =	simm.s32 $0x20;
	s11 =	sadd.s32 $0x800, s5;
	[sflag:s7] =	ssyncset.done $0x0  }
.LBB2_2:
0x17: {  	s14 =	sadd.s32 s12, s6  }
0x18: {  	[sflag:s7] =	ssyncadd.s32 $0xFFFFC000;
	s12 =	smov.u32 s13;
	s15 =	sadd.s32 $0x10, s13  }
0x19: {  	[tilespmem:s2], [sflag:$0x2] =	stream.linear.gather [hbm4b:s14+s2], $0x80, $0x38;
	[tilespmem:$0x4080] =	vst v63  }
0x1a: {  	p0 =	sne.s32 s13, $0x3F0;
	_ =	swait.ge [sflag:s7], $0x80  }
0x1b: {  	[sflag:s7] =	ssyncset.done $0x0  }
0x1c: {  	[sflag:s7] =	ssyncadd.s32 $0xFFFFFF80  }
0x1d: {  	[tilespmem:s8], [sflag:$0x1] =	stream.indirect.gather [hbm4b:s3+s8], $0x80, s2, s8, $0xb8;
	[tilespmem:$0x4080] =	vst v63  }
0x1e: {  	_ =	swait.ge [sflag:s9], $0x4000  }
.Ltmp0:
0x1f: {  	[sflag:s9] =	ssyncset.done $0x0;
	(pc) =	sbr.rel @p0 .LBB2_2-.Ltmp0, $4  }
0x20: {  	[sflag:s9] =	ssyncadd.s32 $0xFFFFC000  }
0x21: {  	[hbm4b:s11+s2] =	stream.linear.scatter [tilespmem:s8], [sflag:$0x2], $0x4000, $0x38;
	[tilespmem:$0x4080] =	vst v63  }
0x22: {  	_ =	swait.ge [sflag:s7], $0x4000  }
0x23: {  	s13 =	smov.u32 s15;
	s11 =	sadd.s32 $0x800, s11;
	[sflag:s7] =	ssyncset.done $0x0  }
0x24: {  	s12 =	sadd.s32 s12, s6;
	[sflag:s7] =	ssyncadd.s32 $0xFFFFC000  }
0x25: {  	[tilespmem:s2], [sflag:$0x2] =	stream.linear.gather [hbm4b:s12+s2], $0x80, $0x38;
	[tilespmem:$0x4080] =	vst v63  }
0x26: {  	_ =	swait.ge [sflag:s7], $0x80  }
0x27: {  	[sflag:s7] =	ssyncset.done $0x0  }
0x28: {  	[sflag:s7] =	ssyncadd.s32 $0xFFFFFF80  }
0x29: {  	[tilespmem:s8], [sflag:$0x1] =	stream.indirect.gather [hbm4b:s3+s8], $0x80, s2, s8, $0xb8;
	[tilespmem:$0x4080] =	vst v63  }
0x2a: {  	s10 =	sadd.s32 $0x1, s10;
	_ =	swait.ge [sflag:s9], $0x4000  }
0x2b: {  	p0 =	sne.s32 s10, s4;
	[sflag:s9] =	ssyncset.done $0x0  }
.Ltmp1:
0x2c: {  	[sflag:s9] =	ssyncadd.s32 $0xFFFFC000;
	(pc) =	sbr.rel @p0 .LBB2_1-.Ltmp1, $4  }
0x2d: {  	[hbm4b:s11+s2] =	stream.linear.scatter [tilespmem:s8], [sflag:$0x2], $0x4000, $0x38;
	[tilespmem:$0x4080] =	vst v63  }
0x2e: {  	_ =	swait.ge [sflag:s7], $0x4000  }
0x2f: {  	[sflag:s7] =	ssyncset.done $0x0  }
0x30: {  	[sflag:s7] =	ssyncadd.s32 $0xFFFFC000  }
0x31: {  	_ =	sfence.sel $0x180000  }
0x32: {  	[bflag:$0x0] =	sbarrier.arrive $0xFFFF  }
0x33: {  	p0 =	sne.s32 s1, $0x0;
	_ =	strace $0x90000047  }
0x34: {  	s0 =	sadd.s32 @!p0 $0x100000, s0;
	[bflag:$0x2] =	sbarrier.arrive $0xFFFF  }
0x35: {  	[sflag:s0] =	ssyncadd.tile.s32 @!p0 $0x1;
	_ =	shalt  }
.Lfunc_end2:
_tile_overlayer_lowered:
.L_overlay_start_2:
0x36: {  	(tag) =	ssettag $0x2  }
0x37: {  	s0 =	rddreg [dreg:$0x0];
	s2 =	stileid.u32  }
0x38: {  	s1 =	rddreg [dreg:$0x1];
	p0 =	sne.s32 s2, $0x0  }
0x39: {  	s3 =	rddreg [dreg:$0x2];
	[bflag:$0x3] =	sbarrier.arrive $0xFFFF;
	s2 =	simm.s32 @!p0 $0x1C02  }
0x3a: {  	[timem:s3], [sflag:s2] =	dma.local @!p0 [hbm:s0], s1  }
0x3b: {  	s0 =	simm.s32 @!p0 $0x2  }
0x3c: {  	_ =	swait.ge @!p0 [sflag:s0], s1  }
0x3d: {  	s1 =	ssub.s32 @!p0 $0x0, s1;
	[sflag:s0] =	ssyncset.done @!p0 $0x0  }
0x3e: {  	[sflag:s0] =	ssyncadd.s32 @!p0 s1  }
0x3f: {  	[bflag:$0x3] =	sbarrier.arrive $0xFFFF  }
0x40: {  	_ =	shalt  }

// kernel: kernel.34.cloned.1.call-start
scs
__scs_entry_jumppad:
0x0: {  	(pc) =	sbr.rel $0x88, $3  }
0x1: {  	(tag) =	ssettag $0x0;
	lr =	simm.s32 $0x1  }
0x2: {  	[smem:$0x3F86] =	sst lr;
	_ =	strace $0xD0000000  }
0x3: {  	_ = 	snop  }
0x4: {  	_ = 	snop  }
0x5: {  	_ = 	snop  }
0x6: {  	_ = 	snop  }
0x7: {  	_ = 	snop  }
__scs_overlays_trampoline_lowered:
0x8: {  	[smem:$0x3F95] =	sst s0  }
0x9: {  	[smem:$0x3F96] =	sst s1  }
0xa: {  	[smem:$0x3F97] =	sst s2  }
0xb: {  	[smem:$0x3F98] =	sst s3  }
0xc: {  	[smem:$0x3F99] =	sst s4  }
0xd: {  	[smem:$0x3F9A] =	sst s5  }
0xe: {  	[smem:$0x3F9B] =	sst s6  }
0xf: {  	[smem:$0x3F9C] =	sst s7  }
0x10: {  	[smem:$0x3F9D] =	sst s8  }
0x11: {  	[smem:$0x3F9E] =	sst s9;
	s0 =	simm.s32 @!p0 $0x0  }
0x12: {  	s1 =	sld [smem:$0x3F84];
	s0 =	simm.s32 @p0 $0x1  }
0x13: {  	[smem:$0x3F9F] =	sst s0;
	s0 =	simm.s32 @!p1 $0x0  }
0x14: {  	s2 =	sld [smem:$0x3F83];
	s0 =	simm.s32 @p1 $0x1  }
0x15: {  	[smem:$0x3FA0] =	sst s0;
	s0 =	simm.s32 @!p2 $0x0  }
0x16: {  	s3 =	sld [smem:$0x3FDB];
	s0 =	simm.s32 @p2 $0x1  }
0x17: {  	s4 =	simm.s32 $0x1BF5;
	[smem:$0x3FA2] =	sst s0  }
0x18: {  	s0 =	sld [smem:$0x3F85];
	_ =	swait.ge [sflag:s4], $0x0  }
0x19: {  	s7 =	sld [smem:$0x3F86]  }
0x1a: {  	s8 =	sadd.s32 $0xFFFFE003, lr  }
0x1b: {  	s9 =	sadd.s32 $0xFFFFFEF7, lr;
	s5 =	simm.s32 $0xFFFFFFFF;
	p2 =	slt.u32 s8, $0xFFFFF086  }
0x1c: {  	p1 =	slt.u32 s9, $0xF7A;
	s5 =	simm.s32 @!p2 $0x0  }
0x1d: {  	s5 =	simm.s32 @p1 $0x1;
	p0 =	seq.s32 s7, s2  }
0x1e: {  	s7 =	smul.u32 @!p0 $0xF7A, s2;
	p2 =	seq.s32 @!p0 s5, $0x0  }
0x1f: {  	s9 =	smul.u32 $0xF7A, s1;
	s8 =	simm.s32 @!p0 $0x1BF5;
	p2 =	por !p2, p0  }
0x20: {  	[sflag:s8] =	ssyncset.s32 @!p0 $0xFFFFF086;
	s6 =	sadd.s32 @!p0 s3, s7;
	s7 =	simm.s32 @!p0 $0x108  }
0x21: {  	s3 =	sadd.s32 s3, s9;
	s6 =	sadd.s32 @!p0 $0x88, s6;
	s7 =	simm.s32 @p2 $0x1082  }
0x22: {  	[simem:s7], [sflag:s8] =	dma.local @!p0 [hbm:s6], $0xF7A  }
0x23: {  	s9 =	sor.u32 $0xD0000000, s2;
	s6 =	simm.s32 $0x108;
	_ =	swait.ge @!p0 [sflag:s8], $0x0  }
0x24: {  	s3 =	sadd.s32 $0x88, s3;
	s6 =	simm.s32 @!p1 $0x1082;
	[sflag:s4] =	ssyncset.s32 $0xFFFFF086  }
0x25: {  	[simem:s6], [sflag:s4] =	dma.local [hbm:s3], $0xF7A  }
0x26: {  	[smem:$0x3F86] =	sst s1;
	(tag) =	ssettag s2;
	_ =	strace s9  }
0x27: {  	s1 =	sld [smem:$0x3F96]  }
0x28: {  	s2 =	sld [smem:$0x3F97]  }
0x29: {  	s4 =	sld [smem:$0x3F99]  }
0x2a: {  	p0 =	seq.s32 s5, $0x0;
	s5 =	sld [smem:$0x3F9A]  }
0x2b: {  	s6 =	sld [smem:$0x3F9B]  }
0x2c: {  	s7 =	sld [smem:$0x3F9C]  }
0x2d: {  	s3 =	simm.s32 $0x108;
	s8 =	sld [smem:$0x3F9D]  }
0x2e: {  	s3 =	simm.s32 @!p0 $0x1082;
	s9 =	sld [smem:$0x3F9E]  }
0x2f: {  	lr =	sadd.s32 s0, s3;
	s0 =	sld [smem:$0x3F95]  }
0x30: {  	s3 =	sld [smem:$0x3F98]  }
0x31: {  	[smem:$0x3FA1] =	sst s10  }
0x32: {  	s10 =	sld [smem:$0x3F9F];
	_ =	sdelay $0x3  }
0x33: {  	p0 =	seq.s32 s10, $0x1;
	s10 =	sld [smem:$0x3FA1];
	_ =	sdelay $0x3  }
0x34: {  	[smem:$0x3FA1] =	sst s10  }
0x35: {  	s10 =	sld [smem:$0x3FA0];
	_ =	sdelay $0x3  }
0x36: {  	p1 =	seq.s32 s10, $0x1;
	s10 =	sld [smem:$0x3FA1];
	_ =	sdelay $0x3  }
0x37: {  	[smem:$0x3FA1] =	sst s10  }
0x38: {  	s10 =	sld [smem:$0x3FA2]  }
0x39: {  	_ = 	snop;
	(pc) =	sbr.ind lr, $3  }
0x3a: {  	_ = 	snop  }
0x3b: {  	_ = 	snop  }
0x3c: {  	p2 =	seq.s32 s10, $0x1;
	s10 =	sld [smem:$0x3FA1]  }
0x3d: {  	_ =	shalt  }
0x3e: {  	_ =	shalt  }
0x3f: {  	_ =	shalt  }
0x40: {  	_ =	shalt  }
0x41: {  	_ =	shalt  }
0x42: {  	_ =	shalt  }
0x43: {  	_ =	shalt  }
0x44: {  	_ =	shalt  }
0x45: {  	_ =	shalt  }
0x46: {  	_ =	shalt  }
0x47: {  	_ =	shalt  }
0x48: {  	_ =	shalt  }
0x49: {  	_ =	shalt  }
0x4a: {  	_ =	shalt  }
0x4b: {  	_ =	shalt  }
0x4c: {  	_ =	shalt  }
0x4d: {  	_ =	shalt  }
0x4e: {  	_ =	shalt  }
0x4f: {  	_ =	shalt  }
0x50: {  	_ =	shalt  }
0x51: {  	_ =	shalt  }
0x52: {  	_ =	shalt  }
0x53: {  	_ =	shalt  }
0x54: {  	_ =	shalt  }
0x55: {  	_ =	shalt  }
0x56: {  	_ =	shalt  }
0x57: {  	_ =	shalt  }
0x58: {  	_ =	shalt  }
0x59: {  	_ =	shalt  }
0x5a: {  	_ =	shalt  }
0x5b: {  	_ =	shalt  }
0x5c: {  	_ =	shalt  }
0x5d: {  	_ =	shalt  }
0x5e: {  	_ =	shalt  }
0x5f: {  	_ =	shalt  }
0x60: {  	_ =	shalt  }
0x61: {  	_ =	shalt  }
0x62: {  	_ =	shalt  }
0x63: {  	_ =	shalt  }
0x64: {  	_ =	shalt  }
0x65: {  	_ =	shalt  }
0x66: {  	_ =	shalt  }
0x67: {  	_ =	shalt  }
0x68: {  	_ =	shalt  }
0x69: {  	_ =	shalt  }
0x6a: {  	_ =	shalt  }
0x6b: {  	_ =	shalt  }
0x6c: {  	_ =	shalt  }
0x6d: {  	_ =	shalt  }
0x6e: {  	_ =	shalt  }
0x6f: {  	_ =	shalt  }
0x70: {  	_ =	shalt  }
0x71: {  	_ =	shalt  }
0x72: {  	_ =	shalt  }
0x73: {  	_ =	shalt  }
0x74: {  	_ =	shalt  }
0x75: {  	_ =	shalt  }
0x76: {  	_ =	shalt  }
0x77: {  	_ =	shalt  }
0x78: {  	_ =	shalt  }
0x79: {  	_ =	shalt  }
0x7a: {  	_ =	shalt  }
0x7b: {  	_ =	shalt  }
0x7c: {  	_ =	shalt  }
0x7d: {  	_ =	shalt  }
0x7e: {  	_ =	shalt  }
0x7f: {  	_ =	shalt  }
0x80: {  	_ =	shalt  }
0x81: {  	_ =	shalt  }
0x82: {  	_ =	shalt  }
0x83: {  	_ =	shalt  }
0x84: {  	_ =	shalt  }
0x85: {  	_ =	shalt  }
0x86: {  	_ =	shalt  }
0x87: {  	_ =	shalt  }
.Lfunc_end0:
.L_simem_size_0:
called_computation.1_lowered:
.L_overlay_start_0:
0x88: {  	s2 =	sld [smem:$0x3FD9]  }
0x89: {  	s3 =	sld [smem:$0x3FFE];
	_ =	sdelay $0x1  }
0x8a: {  	s1 =	srdreg.scid  }
0x8b: {  	s0 =	sand.u32 $0x1, s1  }
0x8c: {  	s16 =	sshll.u32 s0, $0xA;
	s2 =	sadd.s32 s3, s2  }
0x8d: {  	s2 =	sadd.s32 s2, s16  }
0x8e: {  	[smem:$0x3FAD] =	sst s2  }
0x8f: {  	_ = 	snop  }
0x90: {  	(tm) =	ssettm $0x1  }
0x91: {  	s17 =	sld [smem:$0x3FFB];
	_ =	sdelay $0x3  }
0x92: {  	_ =	strace s17  }
0x93: {  	s2 =	sld [smem:$0x3FFC];
	_ =	sdelay $0x3  }
0x94: {  	_ =	strace s2  }
0x95: {  	s2 =	sld [smem:$0x3FFD];
	_ =	sdelay $0x3  }
0x96: {  	_ =	strace s2  }
0x97: {  	_ =	strace $0x8FFFFFFF  }
0x98: {  	s18 =	sld [smem:$0x3FDB];
	_ =	sdelay $0x1  }
0x99: {  	s19 =	simm.s32 $_scs_section_size  }
0x9a: {  	s4 =	simm.s32 $_size__tile_overlayer_lowered;
	s5 =	simm.s32 $_tile_overlayer_lowered  }
0x9b: {  	s22 =	simm.s32 $0x1BFF;
	s21 =	sshll.u32 s5, $0x1;
	s2 =	sadd.s32 s19, s18  }
0x9c: {  	s6 =	simm.s32 $0x0;
	s20 =	sshll.u32 s4, $0x1;
	s4 =	sadd.s32 s21, s2  }
0x9d: {  	[timem:s6], [sflag:s22] =	dma.local [hbm:s4], s20  }
0x9e: {  	_ =	swait.ge [sflag:s22], s20  }
0x9f: {  	s3 =	ssub.s32 $0x0, s20;
	[sflag:s22] =	ssyncset.done $0x0  }
0xa0: {  	[sflag:s22] =	ssyncadd.s32 s3;
	_ =	sdelay $0x1  }
0xa1: {  	s23 =	simm.s32 $0x1B8B  }
0xa2: {  	_ =	swait.ge [sflag:s23], $0x1  }
0xa3: {  	[sflag:s23] =	ssyncset.done $0x0  }
0xa4: {  	s25 =	simm.s32 $0x1B8E;
	s24 =	sld [smem:$0x3FFE];
	[sflag:s23] =	ssyncadd.s32 $0xFFFFFFFF  }
0xa5: {  	s26 =	simm.s32 $execute0_lowered;
	[smem:$0x3FD2] =	sst s25  }
0xa6: {  	s4 =	sshll.u32 s26, $0x1;
	_ =	strace $0x80000049;
	[dreg:$0x1] =	wrdreg $0xFFFFFFFF  }
0xa7: {  	s28 =	simm.s32 $_size_execute0_lowered;
	s2 =	sadd.s32 s2, s4;
	[dreg:$0x0] =	wrdreg $0x0  }
0xa8: {  	s4 =	sshll.u32 s28, $0x1;
	[dreg:$0x2] =	wrdreg s2  }
0xa9: {  	[dreg:$0x3] =	wrdreg s4  }
0xaa: {  	[dreg:$0x4] =	wrdreg $0xC0  }
0xab: {  	_ =	task [dreg:s6], $0x5FFFF  }
0xac: {  	[dreg:$0x1] =	wrdreg $0xFFFFFFFF  }
0xad: {  	[dreg:$0x0] =	wrdreg $0x60  }
0xae: {  	[dreg:$0x2] =	wrdreg s24  }
0xaf: {  	[dreg:$0x3] =	wrdreg $0x9  }
0xb0: {  	_ =	task.clear_ibuf [dreg:s6], $0x4FFFF;
	_ =	strace $0x90000049  }
0xb1: {  	s29 =	simm.s32 $0x9;
	_ =	strace $0x8000004B  }
0xb2: {  	_ =	swait.ge [sflag:s29], $0x1  }
0xb3: {  	[sflag:s29] =	ssyncadd.s32 $0xFFFFFFFF  }
0xb4: {  	_ =	strace $0x9000004B  }
0xb5: {  	_ =	sfence  }
0xb6: {  	s30 =	sld [smem:$0x0];
	_ =	sdelay $0x2  }
0xb7: {  	s31 =	sshll.u32 s1, $0xD;
	s1 =	sshrl.u32 s1, $0x2  }
0xb8: {  	s3 =	sand.u32 $0x4000, s31;
	s1 =	sadd.s32 s1, s30  }
0xb9: {  	s0 =	sor.u32 s3, s0;
	s1 =	sshll.u32 s1, $0x11  }
0xba: {  	s0 =	sor.u32 s1, s0  }
0xbb: {  	s0 =	sadd.s32 $0x8F2B, s0  }
0xbc: {  	[sflag:s0] =	ssyncadd.remote.s32 $0x1  }
0xbd: {  	_ =	sfence.sel $0xFFFF  }
0xbe: {  	[dreg:$0x0] =	wrdreg $0xFFFFFFFF;
	(pc) =	sbr.abs _section_cstart, $3  }
0xbf: {  	[dreg:$0x1] =	wrdreg $0xFFFFFFFF  }
0xc0: {  	_ =	task.clear_ibuf [dreg:s6], $0x2FFFF;
	_ =	strace $0x9FFFFFFF  }
0xc1: {  	(tm) =	ssettm $0x7FFFFFFF  }
tec
execute0_lowered:
.L_overlay_start_1:
0x0: {  	(tag) =	ssettag $0x1  }
0x1: {  	s4 =	rddreg [dreg:$0x0]  }
0x2: {  	s0 =	rddreg [dreg:$0x1];
	s2 =	simm.s32 $0x0;
	s3 =	srdreg.scid  }
0x3: {  	s1 =	stileid.u32;
	s10 =	simm.s32 $0x0;
	[smem:$0x7FF] =	sst s2  }
0x4: {  	s5 =	sand.u32 $0x1, s3;
	s6 =	sshll.u32 s1, $0xE;
	s3 =	sadd.s32 $0x28C00, s4  }
0x5: {  	s8 =	sshll.u32 s1, $0x12;
	_ =	strace $0x8000004A;
	s7 =	sshll.u32 s5, $0xD  }
0x6: {  	s31 =	ssub.s32 $0x2, s5;
	s8 =	sadd.s32 s8, s4;
	s5 =	sshll.u32 s5, $0x11  }
0x7: {  	s6 =	sor.u32 s7, s6;
	s9 =	sshrl.u32 s31, $0x1;
	s5 =	sadd.s32 s5, s8  }
0x8: {  	s8 =	simm.s32 $0x80;
	s6 =	sshrl.u32 s6, $0x3;
	s7 =	ssub.s32 s31, s9  }
0x9: {  	s5 =	sadd.s32 $0x50C00, s5;
	s9 =	simm.s32 $0x1;
	s6 =	sadd.s32 s6, s4  }
0xa: {  	s4 =	smax.u32 s7, $0x1;
	s7 =	simm.s32 $0x2;
	s6 =	sadd.s32 $0x48C00, s6  }
.LBB2_1:
0xb: {  	s11 =	sadd.s32 $0x0, s6  }
0xc: {  	[tilespmem:s2], [sflag:$0x2] =	stream.linear.gather [hbm4b:s11+s2], $0x80, $0x38;
	[tilespmem:$0x4080] =	vst v63  }
0xd: {  	_ =	swait.ge [sflag:s7], $0x80  }
0xe: {  	[sflag:s7] =	ssyncset.done $0x0  }
0xf: {  	[sflag:s7] =	ssyncadd.s32 $0xFFFFFF80  }
0x10: {  	[tilespmem:s8], [sflag:$0x1] =	stream.indirect.gather [hbm4b:s3+s8], $0x80, s2, s8, $0xb8;
	[tilespmem:$0x4080] =	vst v63  }
0x11: {  	_ =	swait.ge [sflag:s9], $0x4000  }
0x12: {  	[sflag:s9] =	ssyncset.done $0x0  }
0x13: {  	[sflag:s9] =	ssyncadd.s32 $0xFFFFC000  }
0x14: {  	[hbm4b:s5+s2] =	stream.linear.scatter [tilespmem:s8], [sflag:$0x2], $0x4000, $0x38;
	[tilespmem:$0x4080] =	vst v63  }
0x15: {  	s12 =	simm.s32 $0x10;
	_ =	swait.ge [sflag:s7], $0x4000  }
0x16: {  	s13 =	simm.s32 $0x20;
	s11 =	sadd.s32 $0x800, s5;
	[sflag:s7] =	ssyncset.done $0x0  }
.LBB2_2:
0x17: {  	s14 =	sadd.s32 s12, s6  }
0x18: {  	[sflag:s7] =	ssyncadd.s32 $0xFFFFC000;
	s12 =	smov.u32 s13;
	s15 =	sadd.s32 $0x10, s13  }
0x19: {  	[tilespmem:s2], [sflag:$0x2] =	stream.linear.gather [hbm4b:s14+s2], $0x80, $0x38;
	[tilespmem:$0x4080] =	vst v63  }
0x1a: {  	p0 =	sne.s32 s13, $0x3F0;
	_ =	swait.ge [sflag:s7], $0x80  }
0x1b: {  	[sflag:s7] =	ssyncset.done $0x0  }
0x1c: {  	[sflag:s7] =	ssyncadd.s32 $0xFFFFFF80  }
0x1d: {  	[tilespmem:s8], [sflag:$0x1] =	stream.indirect.gather [hbm4b:s3+s8], $0x80, s2, s8, $0xb8;
	[tilespmem:$0x4080] =	vst v63  }
0x1e: {  	_ =	swait.ge [sflag:s9], $0x4000  }
.Ltmp0:
0x1f: {  	[sflag:s9] =	ssyncset.done $0x0;
	(pc) =	sbr.rel @p0 .LBB2_2-.Ltmp0, $4  }
0x20: {  	[sflag:s9] =	ssyncadd.s32 $0xFFFFC000  }
0x21: {  	[hbm4b:s11+s2] =	stream.linear.scatter [tilespmem:s8], [sflag:$0x2], $0x4000, $0x38;
	[tilespmem:$0x4080] =	vst v63  }
0x22: {  	_ =	swait.ge [sflag:s7], $0x4000  }
0x23: {  	s13 =	smov.u32 s15;
	s11 =	sadd.s32 $0x800, s11;
	[sflag:s7] =	ssyncset.done $0x0  }
0x24: {  	s12 =	sadd.s32 s12, s6;
	[sflag:s7] =	ssyncadd.s32 $0xFFFFC000  }
0x25: {  	[tilespmem:s2], [sflag:$0x2] =	stream.linear.gather [hbm4b:s12+s2], $0x80, $0x38;
	[tilespmem:$0x4080] =	vst v63  }
0x26: {  	_ =	swait.ge [sflag:s7], $0x80  }
0x27: {  	[sflag:s7] =	ssyncset.done $0x0  }
0x28: {  	[sflag:s7] =	ssyncadd.s32 $0xFFFFFF80  }
0x29: {  	[tilespmem:s8], [sflag:$0x1] =	stream.indirect.gather [hbm4b:s3+s8], $0x80, s2, s8, $0xb8;
	[tilespmem:$0x4080] =	vst v63  }
0x2a: {  	s10 =	sadd.s32 $0x1, s10;
	_ =	swait.ge [sflag:s9], $0x4000  }
0x2b: {  	p0 =	sne.s32 s10, s4;
	[sflag:s9] =	ssyncset.done $0x0  }
.Ltmp1:
0x2c: {  	[sflag:s9] =	ssyncadd.s32 $0xFFFFC000;
	(pc) =	sbr.rel @p0 .LBB2_1-.Ltmp1, $4  }
0x2d: {  	[hbm4b:s11+s2] =	stream.linear.scatter [tilespmem:s8], [sflag:$0x2], $0x4000, $0x38;
	[tilespmem:$0x4080] =	vst v63  }
0x2e: {  	_ =	swait.ge [sflag:s7], $0x4000  }
0x2f: {  	[sflag:s7] =	ssyncset.done $0x0  }
0x30: {  	[sflag:s7] =	ssyncadd.s32 $0xFFFFC000  }
0x31: {  	_ =	sfence.sel $0x180000  }
0x32: {  	[bflag:$0x0] =	sbarrier.arrive $0xFFFF  }
0x33: {  	p0 =	sne.s32 s1, $0x0;
	_ =	strace $0x9000004A  }
0x34: {  	s0 =	sadd.s32 @!p0 $0x100000, s0;
	[bflag:$0x2] =	sbarrier.arrive $0xFFFF  }
0x35: {  	[sflag:s0] =	ssyncadd.tile.s32 @!p0 $0x1;
	_ =	shalt  }
.Lfunc_end2:
_tile_overlayer_lowered:
.L_overlay_start_2:
0x36: {  	(tag) =	ssettag $0x2  }
0x37: {  	s0 =	rddreg [dreg:$0x0];
	s2 =	stileid.u32  }
0x38: {  	s1 =	rddreg [dreg:$0x1];
	p0 =	sne.s32 s2, $0x0  }
0x39: {  	s3 =	rddreg [dreg:$0x2];
	[bflag:$0x3] =	sbarrier.arrive $0xFFFF;
	s2 =	simm.s32 @!p0 $0x1C02  }
0x3a: {  	[timem:s3], [sflag:s2] =	dma.local @!p0 [hbm:s0], s1  }
0x3b: {  	s0 =	simm.s32 @!p0 $0x2  }
0x3c: {  	_ =	swait.ge @!p0 [sflag:s0], s1  }
0x3d: {  	s1 =	ssub.s32 @!p0 $0x0, s1;
	[sflag:s0] =	ssyncset.done @!p0 $0x0  }
0x3e: {  	[sflag:s0] =	ssyncadd.s32 @!p0 s1  }
0x3f: {  	[bflag:$0x3] =	sbarrier.arrive $0xFFFF  }
0x40: {  	_ =	shalt  }

// kernel: kernel.37.cloned.1.call-start
scs
__scs_entry_jumppad:
0x0: {  	(pc) =	sbr.rel $0x88, $3  }
0x1: {  	(tag) =	ssettag $0x0;
	lr =	simm.s32 $0x1  }
0x2: {  	[smem:$0x3F86] =	sst lr;
	_ =	strace $0xD0000000  }
0x3: {  	_ = 	snop  }
0x4: {  	_ = 	snop  }
0x5: {  	_ = 	snop  }
0x6: {  	_ = 	snop  }
0x7: {  	_ = 	snop  }
__scs_overlays_trampoline_lowered:
0x8: {  	[smem:$0x3F95] =	sst s0  }
0x9: {  	[smem:$0x3F96] =	sst s1  }
0xa: {  	[smem:$0x3F97] =	sst s2  }
0xb: {  	[smem:$0x3F98] =	sst s3  }
0xc: {  	[smem:$0x3F99] =	sst s4  }
0xd: {  	[smem:$0x3F9A] =	sst s5  }
0xe: {  	[smem:$0x3F9B] =	sst s6  }
0xf: {  	[smem:$0x3F9C] =	sst s7  }
0x10: {  	[smem:$0x3F9D] =	sst s8  }
0x11: {  	[smem:$0x3F9E] =	sst s9;
	s0 =	simm.s32 @!p0 $0x0  }
0x12: {  	s1 =	sld [smem:$0x3F84];
	s0 =	simm.s32 @p0 $0x1  }
0x13: {  	[smem:$0x3F9F] =	sst s0;
	s0 =	simm.s32 @!p1 $0x0  }
0x14: {  	s2 =	sld [smem:$0x3F83];
	s0 =	simm.s32 @p1 $0x1  }
0x15: {  	[smem:$0x3FA0] =	sst s0;
	s0 =	simm.s32 @!p2 $0x0  }
0x16: {  	s3 =	sld [smem:$0x3FDB];
	s0 =	simm.s32 @p2 $0x1  }
0x17: {  	s4 =	simm.s32 $0x1BF5;
	[smem:$0x3FA2] =	sst s0  }
0x18: {  	s0 =	sld [smem:$0x3F85];
	_ =	swait.ge [sflag:s4], $0x0  }
0x19: {  	s7 =	sld [smem:$0x3F86]  }
0x1a: {  	s8 =	sadd.s32 $0xFFFFE003, lr  }
0x1b: {  	s9 =	sadd.s32 $0xFFFFFEF7, lr;
	s5 =	simm.s32 $0xFFFFFFFF;
	p2 =	slt.u32 s8, $0xFFFFF086  }
0x1c: {  	p1 =	slt.u32 s9, $0xF7A;
	s5 =	simm.s32 @!p2 $0x0  }
0x1d: {  	s5 =	simm.s32 @p1 $0x1;
	p0 =	seq.s32 s7, s2  }
0x1e: {  	s7 =	smul.u32 @!p0 $0xF7A, s2;
	p2 =	seq.s32 @!p0 s5, $0x0  }
0x1f: {  	s9 =	smul.u32 $0xF7A, s1;
	s8 =	simm.s32 @!p0 $0x1BF5;
	p2 =	por !p2, p0  }
0x20: {  	[sflag:s8] =	ssyncset.s32 @!p0 $0xFFFFF086;
	s6 =	sadd.s32 @!p0 s3, s7;
	s7 =	simm.s32 @!p0 $0x108  }
0x21: {  	s3 =	sadd.s32 s3, s9;
	s6 =	sadd.s32 @!p0 $0x88, s6;
	s7 =	simm.s32 @p2 $0x1082  }
0x22: {  	[simem:s7], [sflag:s8] =	dma.local @!p0 [hbm:s6], $0xF7A  }
0x23: {  	s9 =	sor.u32 $0xD0000000, s2;
	s6 =	simm.s32 $0x108;
	_ =	swait.ge @!p0 [sflag:s8], $0x0  }
0x24: {  	s3 =	sadd.s32 $0x88, s3;
	s6 =	simm.s32 @!p1 $0x1082;
	[sflag:s4] =	ssyncset.s32 $0xFFFFF086  }
0x25: {  	[simem:s6], [sflag:s4] =	dma.local [hbm:s3], $0xF7A  }
0x26: {  	[smem:$0x3F86] =	sst s1;
	(tag) =	ssettag s2;
	_ =	strace s9  }
0x27: {  	s1 =	sld [smem:$0x3F96]  }
0x28: {  	s2 =	sld [smem:$0x3F97]  }
0x29: {  	s4 =	sld [smem:$0x3F99]  }
0x2a: {  	p0 =	seq.s32 s5, $0x0;
	s5 =	sld [smem:$0x3F9A]  }
0x2b: {  	s6 =	sld [smem:$0x3F9B]  }
0x2c: {  	s7 =	sld [smem:$0x3F9C]  }
0x2d: {  	s3 =	simm.s32 $0x108;
	s8 =	sld [smem:$0x3F9D]  }
0x2e: {  	s3 =	simm.s32 @!p0 $0x1082;
	s9 =	sld [smem:$0x3F9E]  }
0x2f: {  	lr =	sadd.s32 s0, s3;
	s0 =	sld [smem:$0x3F95]  }
0x30: {  	s3 =	sld [smem:$0x3F98]  }
0x31: {  	[smem:$0x3FA1] =	sst s10  }
0x32: {  	s10 =	sld [smem:$0x3F9F];
	_ =	sdelay $0x3  }
0x33: {  	p0 =	seq.s32 s10, $0x1;
	s10 =	sld [smem:$0x3FA1];
	_ =	sdelay $0x3  }
0x34: {  	[smem:$0x3FA1] =	sst s10  }
0x35: {  	s10 =	sld [smem:$0x3FA0];
	_ =	sdelay $0x3  }
0x36: {  	p1 =	seq.s32 s10, $0x1;
	s10 =	sld [smem:$0x3FA1];
	_ =	sdelay $0x3  }
0x37: {  	[smem:$0x3FA1] =	sst s10  }
0x38: {  	s10 =	sld [smem:$0x3FA2]  }
0x39: {  	_ = 	snop;
	(pc) =	sbr.ind lr, $3  }
0x3a: {  	_ = 	snop  }
0x3b: {  	_ = 	snop  }
0x3c: {  	p2 =	seq.s32 s10, $0x1;
	s10 =	sld [smem:$0x3FA1]  }
0x3d: {  	_ =	shalt  }
0x3e: {  	_ =	shalt  }
0x3f: {  	_ =	shalt  }
0x40: {  	_ =	shalt  }
0x41: {  	_ =	shalt  }
0x42: {  	_ =	shalt  }
0x43: {  	_ =	shalt  }
0x44: {  	_ =	shalt  }
0x45: {  	_ =	shalt  }
0x46: {  	_ =	shalt  }
0x47: {  	_ =	shalt  }
0x48: {  	_ =	shalt  }
0x49: {  	_ =	shalt  }
0x4a: {  	_ =	shalt  }
0x4b: {  	_ =	shalt  }
0x4c: {  	_ =	shalt  }
0x4d: {  	_ =	shalt  }
0x4e: {  	_ =	shalt  }
0x4f: {  	_ =	shalt  }
0x50: {  	_ =	shalt  }
0x51: {  	_ =	shalt  }
0x52: {  	_ =	shalt  }
0x53: {  	_ =	shalt  }
0x54: {  	_ =	shalt  }
0x55: {  	_ =	shalt  }
0x56: {  	_ =	shalt  }
0x57: {  	_ =	shalt  }
0x58: {  	_ =	shalt  }
0x59: {  	_ =	shalt  }
0x5a: {  	_ =	shalt  }
0x5b: {  	_ =	shalt  }
0x5c: {  	_ =	shalt  }
0x5d: {  	_ =	shalt  }
0x5e: {  	_ =	shalt  }
0x5f: {  	_ =	shalt  }
0x60: {  	_ =	shalt  }
0x61: {  	_ =	shalt  }
0x62: {  	_ =	shalt  }
0x63: {  	_ =	shalt  }
0x64: {  	_ =	shalt  }
0x65: {  	_ =	shalt  }
0x66: {  	_ =	shalt  }
0x67: {  	_ =	shalt  }
0x68: {  	_ =	shalt  }
0x69: {  	_ =	shalt  }
0x6a: {  	_ =	shalt  }
0x6b: {  	_ =	shalt  }
0x6c: {  	_ =	shalt  }
0x6d: {  	_ =	shalt  }
0x6e: {  	_ =	shalt  }
0x6f: {  	_ =	shalt  }
0x70: {  	_ =	shalt  }
0x71: {  	_ =	shalt  }
0x72: {  	_ =	shalt  }
0x73: {  	_ =	shalt  }
0x74: {  	_ =	shalt  }
0x75: {  	_ =	shalt  }
0x76: {  	_ =	shalt  }
0x77: {  	_ =	shalt  }
0x78: {  	_ =	shalt  }
0x79: {  	_ =	shalt  }
0x7a: {  	_ =	shalt  }
0x7b: {  	_ =	shalt  }
0x7c: {  	_ =	shalt  }
0x7d: {  	_ =	shalt  }
0x7e: {  	_ =	shalt  }
0x7f: {  	_ =	shalt  }
0x80: {  	_ =	shalt  }
0x81: {  	_ =	shalt  }
0x82: {  	_ =	shalt  }
0x83: {  	_ =	shalt  }
0x84: {  	_ =	shalt  }
0x85: {  	_ =	shalt  }
0x86: {  	_ =	shalt  }
0x87: {  	_ =	shalt  }
.Lfunc_end0:
.L_simem_size_0:
called_computation.2_lowered:
.L_overlay_start_0:
0x88: {  	s2 =	sld [smem:$0x3FD9]  }
0x89: {  	s3 =	sld [smem:$0x3FFE];
	_ =	sdelay $0x1  }
0x8a: {  	s1 =	srdreg.scid  }
0x8b: {  	s0 =	sand.u32 $0x1, s1  }
0x8c: {  	s16 =	sshll.u32 s0, $0xA;
	s2 =	sadd.s32 s3, s2  }
0x8d: {  	s2 =	sadd.s32 s2, s16  }
0x8e: {  	[smem:$0x3FAD] =	sst s2  }
0x8f: {  	_ = 	snop  }
0x90: {  	(tm) =	ssettm $0x1  }
0x91: {  	s17 =	sld [smem:$0x3FFB];
	_ =	sdelay $0x3  }
0x92: {  	_ =	strace s17  }
0x93: {  	s2 =	sld [smem:$0x3FFC];
	_ =	sdelay $0x3  }
0x94: {  	_ =	strace s2  }
0x95: {  	s2 =	sld [smem:$0x3FFD];
	_ =	sdelay $0x3  }
0x96: {  	_ =	strace s2  }
0x97: {  	_ =	strace $0x8FFFFFFF  }
0x98: {  	s18 =	sld [smem:$0x3FDB];
	_ =	sdelay $0x1  }
0x99: {  	s19 =	simm.s32 $_scs_section_size  }
0x9a: {  	s4 =	simm.s32 $_size__tile_overlayer_lowered;
	s5 =	simm.s32 $_tile_overlayer_lowered  }
0x9b: {  	s22 =	simm.s32 $0x1BFF;
	s21 =	sshll.u32 s5, $0x1;
	s2 =	sadd.s32 s19, s18  }
0x9c: {  	s6 =	simm.s32 $0x0;
	s20 =	sshll.u32 s4, $0x1;
	s4 =	sadd.s32 s21, s2  }
0x9d: {  	[timem:s6], [sflag:s22] =	dma.local [hbm:s4], s20  }
0x9e: {  	_ =	swait.ge [sflag:s22], s20  }
0x9f: {  	s3 =	ssub.s32 $0x0, s20;
	[sflag:s22] =	ssyncset.done $0x0  }
0xa0: {  	[sflag:s22] =	ssyncadd.s32 s3;
	_ =	sdelay $0x1  }
0xa1: {  	s23 =	simm.s32 $0x1B8B  }
0xa2: {  	_ =	swait.ge [sflag:s23], $0x1  }
0xa3: {  	[sflag:s23] =	ssyncset.done $0x0  }
0xa4: {  	s25 =	simm.s32 $0x1B8E;
	s24 =	sld [smem:$0x3FFE];
	[sflag:s23] =	ssyncadd.s32 $0xFFFFFFFF  }
0xa5: {  	s26 =	simm.s32 $execute0_lowered;
	[smem:$0x3FD2] =	sst s25  }
0xa6: {  	s4 =	sshll.u32 s26, $0x1;
	_ =	strace $0x8000004C;
	[dreg:$0x1] =	wrdreg $0xFFFFFFFF  }
0xa7: {  	s28 =	simm.s32 $_size_execute0_lowered;
	s2 =	sadd.s32 s2, s4;
	[dreg:$0x0] =	wrdreg $0x0  }
0xa8: {  	s4 =	sshll.u32 s28, $0x1;
	[dreg:$0x2] =	wrdreg s2  }
0xa9: {  	[dreg:$0x3] =	wrdreg s4  }
0xaa: {  	[dreg:$0x4] =	wrdreg $0xC0  }
0xab: {  	_ =	task [dreg:s6], $0x5FFFF  }
0xac: {  	[dreg:$0x1] =	wrdreg $0xFFFFFFFF  }
0xad: {  	[dreg:$0x0] =	wrdreg $0x60  }
0xae: {  	[dreg:$0x2] =	wrdreg s24  }
0xaf: {  	[dreg:$0x3] =	wrdreg $0x9  }
0xb0: {  	_ =	task.clear_ibuf [dreg:s6], $0x4FFFF;
	_ =	strace $0x9000004C  }
0xb1: {  	s29 =	simm.s32 $0x9;
	_ =	strace $0x8000004E  }
0xb2: {  	_ =	swait.ge [sflag:s29], $0x1  }
0xb3: {  	[sflag:s29] =	ssyncadd.s32 $0xFFFFFFFF  }
0xb4: {  	_ =	strace $0x9000004E  }
0xb5: {  	_ =	sfence  }
0xb6: {  	s30 =	sld [smem:$0x0];
	_ =	sdelay $0x2  }
0xb7: {  	s31 =	sshll.u32 s1, $0xD;
	s1 =	sshrl.u32 s1, $0x2  }
0xb8: {  	s3 =	sand.u32 $0x4000, s31;
	s1 =	sadd.s32 s1, s30  }
0xb9: {  	s0 =	sor.u32 s3, s0;
	s1 =	sshll.u32 s1, $0x11  }
0xba: {  	s0 =	sor.u32 s1, s0  }
0xbb: {  	s0 =	sadd.s32 $0x8F2B, s0  }
0xbc: {  	[sflag:s0] =	ssyncadd.remote.s32 $0x1  }
0xbd: {  	_ =	sfence.sel $0xFFFF  }
0xbe: {  	[dreg:$0x0] =	wrdreg $0xFFFFFFFF;
	(pc) =	sbr.abs _section_cstart, $3  }
0xbf: {  	[dreg:$0x1] =	wrdreg $0xFFFFFFFF  }
0xc0: {  	_ =	task.clear_ibuf [dreg:s6], $0x2FFFF;
	_ =	strace $0x9FFFFFFF  }
0xc1: {  	(tm) =	ssettm $0x7FFFFFFF  }
tec
execute0_lowered:
.L_overlay_start_1:
0x0: {  	(tag) =	ssettag $0x1  }
0x1: {  	s4 =	rddreg [dreg:$0x0]  }
0x2: {  	s0 =	rddreg [dreg:$0x1];
	s2 =	simm.s32 $0x0;
	s3 =	srdreg.scid  }
0x3: {  	s1 =	stileid.u32;
	s10 =	simm.s32 $0x1080;
	s11 =	simm.s32 $0x1880  }
0x4: {  	s12 =	simm.s32 $0x2080;
	s13 =	simm.s32 $0x2880;
	s14 =	simm.s32 $0x3080  }
0x5: {  	s15 =	simm.s32 $0x3880;
	s16 =	simm.s32 $0x4080;
	s17 =	simm.s32 $0x4880  }
0x6: {  	s18 =	simm.s32 $0x5080;
	s19 =	simm.s32 $0x5880;
	s20 =	simm.s32 $0x6080  }
0x7: {  	s21 =	simm.s32 $0x6880;
	s22 =	simm.s32 $0x7080;
	s23 =	simm.s32 $0x7880  }
0x8: {  	s24 =	simm.s32 $0x1;
	s25 =	simm.s32 $0x0;
	[smem:$0x7FF] =	sst s2  }
0x9: {  	s5 =	sand.u32 $0x1, s3;
	s6 =	sshll.u32 s1, $0xE;
	s3 =	sadd.s32 $0x88C00, s4  }
0xa: {  	s8 =	sshll.u32 s1, $0x13;
	_ =	strace $0x8000004D;
	s7 =	sshll.u32 s5, $0xD  }
0xb: {  	s31 =	ssub.s32 $0x2, s5;
	s8 =	sadd.s32 s8, s4;
	s5 =	sshll.u32 s5, $0x12  }
0xc: {  	s6 =	sor.u32 s7, s6;
	s9 =	sshrl.u32 s31, $0x1;
	s5 =	sadd.s32 s5, s8  }
0xd: {  	v2 =	vlaneseq.u32;
	s8 =	simm.s32 $0x80;
	s6 =	sshrl.u32 s6, $0x3;
	s7 =	ssub.s32 s31, s9  }
0xe: {  	vm0 =	vmmov $0xffff;
	v1 =	vshrl.u32 v2, $0x3;
	s5 =	sadd.s32 $0xD0C00, s5;
	s9 =	simm.s32 $0x880;
	s6 =	sadd.s32 s6, s4  }
0xf: {  	v0 =	vand.u32 $0x7, v2;
	v2 =	vor.u32 $0x8, v2;
	v1 =	vmul.u32 $0x8, v1;
	s4 =	smax.u32 s7, $0x1;
	s7 =	simm.s32 $0x2;
	s6 =	sadd.s32 $0xC8C00, s6  }
.LBB2_1:
0x10: {  	s26 =	smov.u32 s5;
	s28 =	simm.s32 $0x0  }
.LBB2_2:
0x11: {  	s29 =	sadd.s32 s28, s6  }
0x12: {  	[tilespmem:s2], [sflag:$0x2] =	stream.linear.gather [hbm4b:s29+s2], $0x80, $0x38;
	[tilespmem:$0x8080] =	vst v63  }
0x13: {  	_ =	swait.ge [sflag:s7], $0x80  }
0x14: {  	[sflag:s7] =	ssyncset.done $0x0  }
0x15: {  	[sflag:s7] =	ssyncadd.s32 $0xFFFFFF80  }
0x16: {  	v3 =	vld [tilespmem:$0x0];
	_ =	sdelay $0x4  }
0x17: {  	v4 =	vshll.u32 v3, $0x1  }
0x18: {  	v3 =	vand.u32 $0x7, v3;
	v4 =	vand.u32 $0xFFFFFFF0, v4  }
0x19: {  	v3 =	vor.u32 v3, v4  }
0x1a: {  	v4 =	vperm.xlane v3, v0;
	_ =	sdelay $0x1  }
0x1b: {  	v3 =	vperm.xlane v3, v2;
	v4 =	vadd.s32 v1, v4;
	_ =	sdelay $0x1  }
0x1c: {  	v3 =	vadd.s32 v1, v3;
	_ =	sdelay $0x2  }
0x1d: {  	[tilespmem:s8], [sflag:$0x1] =	stream.indirect_vreg.gather [hbm4b:s3+s2], $0x80, v4, vm0, $0xb8;
	[tilespmem:$0x8080] =	vst v63  }
0x1e: {  	_ = 	snop  }
0x1f: {  	[tilespmem:s9], [sflag:$0x1] =	stream.indirect_vreg.gather [hbm4b:s3+s2], $0x80, v3, vm0, $0xb8;
	[tilespmem:$0x8080] =	vst v63  }
0x20: {  	v3 =	vld [tilespmem:$0x10];
	_ =	sdelay $0x4  }
0x21: {  	v57 =	vshll.u32 v3, $0x1  }
0x22: {  	v3 =	vand.u32 $0x7, v3;
	v4 =	vand.u32 $0xFFFFFFF0, v57  }
0x23: {  	v3 =	vor.u32 v3, v4  }
0x24: {  	v4 =	vperm.xlane v3, v0;
	_ =	sdelay $0x1  }
0x25: {  	v3 =	vperm.xlane v3, v2;
	v4 =	vadd.s32 v1, v4;
	_ =	sdelay $0x1  }
0x26: {  	v3 =	vadd.s32 v1, v3;
	_ =	sdelay $0x2  }
0x27: {  	[tilespmem:s10], [sflag:$0x1] =	stream.indirect_vreg.gather [hbm4b:s3+s2], $0x80, v4, vm0, $0xb8;
	[tilespmem:$0x8080] =	vst v63  }
0x28: {  	_ = 	snop  }
0x29: {  	[tilespmem:s11], [sflag:$0x1] =	stream.indirect_vreg.gather [hbm4b:s3+s2], $0x80, v3, vm0, $0xb8;
	[tilespmem:$0x8080] =	vst v63  }
0x2a: {  	v3 =	vld [tilespmem:$0x20];
	_ =	sdelay $0x4  }
0x2b: {  	v58 =	vshll.u32 v3, $0x1  }
0x2c: {  	v3 =	vand.u32 $0x7, v3;
	v4 =	vand.u32 $0xFFFFFFF0, v58  }
0x2d: {  	v3 =	vor.u32 v3, v4  }
0x2e: {  	v4 =	vperm.xlane v3, v0;
	_ =	sdelay $0x1  }
0x2f: {  	v3 =	vperm.xlane v3, v2;
	v4 =	vadd.s32 v1, v4;
	_ =	sdelay $0x1  }
0x30: {  	v3 =	vadd.s32 v1, v3;
	_ =	sdelay $0x2  }
0x31: {  	[tilespmem:s12], [sflag:$0x1] =	stream.indirect_vreg.gather [hbm4b:s3+s2], $0x80, v4, vm0, $0xb8;
	[tilespmem:$0x8080] =	vst v63  }
0x32: {  	_ = 	snop  }
0x33: {  	[tilespmem:s13], [sflag:$0x1] =	stream.indirect_vreg.gather [hbm4b:s3+s2], $0x80, v3, vm0, $0xb8;
	[tilespmem:$0x8080] =	vst v63  }
0x34: {  	v3 =	vld [tilespmem:$0x30];
	_ =	sdelay $0x4  }
0x35: {  	v59 =	vshll.u32 v3, $0x1  }
0x36: {  	v3 =	vand.u32 $0x7, v3;
	v4 =	vand.u32 $0xFFFFFFF0, v59  }
0x37: {  	v3 =	vor.u32 v3, v4  }
0x38: {  	v4 =	vperm.xlane v3, v0;
	_ =	sdelay $0x1  }
0x39: {  	v3 =	vperm.xlane v3, v2;
	v4 =	vadd.s32 v1, v4;
	_ =	sdelay $0x1  }
0x3a: {  	v3 =	vadd.s32 v1, v3;
	_ =	sdelay $0x2  }
0x3b: {  	[tilespmem:s14], [sflag:$0x1] =	stream.indirect_vreg.gather [hbm4b:s3+s2], $0x80, v4, vm0, $0xb8;
	[tilespmem:$0x8080] =	vst v63  }
0x3c: {  	_ = 	snop  }
0x3d: {  	[tilespmem:s15], [sflag:$0x1] =	stream.indirect_vreg.gather [hbm4b:s3+s2], $0x80, v3, vm0, $0xb8;
	[tilespmem:$0x8080] =	vst v63  }
0x3e: {  	v3 =	vld [tilespmem:$0x40];
	_ =	sdelay $0x4  }
0x3f: {  	v60 =	vshll.u32 v3, $0x1  }
0x40: {  	v3 =	vand.u32 $0x7, v3;
	v4 =	vand.u32 $0xFFFFFFF0, v60  }
0x41: {  	v3 =	vor.u32 v3, v4  }
0x42: {  	v4 =	vperm.xlane v3, v0;
	_ =	sdelay $0x1  }
0x43: {  	v3 =	vperm.xlane v3, v2;
	v4 =	vadd.s32 v1, v4;
	_ =	sdelay $0x1  }
0x44: {  	v3 =	vadd.s32 v1, v3;
	_ =	sdelay $0x2  }
0x45: {  	[tilespmem:s16], [sflag:$0x1] =	stream.indirect_vreg.gather [hbm4b:s3+s2], $0x80, v4, vm0, $0xb8;
	[tilespmem:$0x8080] =	vst v63  }
0x46: {  	_ = 	snop  }
0x47: {  	[tilespmem:s17], [sflag:$0x1] =	stream.indirect_vreg.gather [hbm4b:s3+s2], $0x80, v3, vm0, $0xb8;
	[tilespmem:$0x8080] =	vst v63  }
0x48: {  	v3 =	vld [tilespmem:$0x50];
	_ =	sdelay $0x4  }
0x49: {  	v61 =	vshll.u32 v3, $0x1  }
0x4a: {  	v3 =	vand.u32 $0x7, v3;
	v4 =	vand.u32 $0xFFFFFFF0, v61  }
0x4b: {  	v3 =	vor.u32 v3, v4  }
0x4c: {  	v4 =	vperm.xlane v3, v0;
	_ =	sdelay $0x1  }
0x4d: {  	v3 =	vperm.xlane v3, v2;
	v4 =	vadd.s32 v1, v4;
	_ =	sdelay $0x1  }
0x4e: {  	v3 =	vadd.s32 v1, v3;
	_ =	sdelay $0x2  }
0x4f: {  	[tilespmem:s18], [sflag:$0x1] =	stream.indirect_vreg.gather [hbm4b:s3+s2], $0x80, v4, vm0, $0xb8;
	[tilespmem:$0x8080] =	vst v63  }
0x50: {  	_ = 	snop  }
0x51: {  	[tilespmem:s19], [sflag:$0x1] =	stream.indirect_vreg.gather [hbm4b:s3+s2], $0x80, v3, vm0, $0xb8;
	[tilespmem:$0x8080] =	vst v63  }
0x52: {  	v3 =	vld [tilespmem:$0x60];
	_ =	sdelay $0x4  }
0x53: {  	v62 =	vshll.u32 v3, $0x1  }
0x54: {  	v3 =	vand.u32 $0x7, v3;
	v4 =	vand.u32 $0xFFFFFFF0, v62  }
0x55: {  	v3 =	vor.u32 v3, v4  }
0x56: {  	v4 =	vperm.xlane v3, v0;
	_ =	sdelay $0x1  }
0x57: {  	v3 =	vperm.xlane v3, v2;
	v4 =	vadd.s32 v1, v4;
	_ =	sdelay $0x1  }
0x58: {  	v3 =	vadd.s32 v1, v3;
	_ =	sdelay $0x2  }
0x59: {  	[tilespmem:s20], [sflag:$0x1] =	stream.indirect_vreg.gather [hbm4b:s3+s2], $0x80, v4, vm0, $0xb8;
	[tilespmem:$0x8080] =	vst v63  }
0x5a: {  	_ = 	snop  }
0x5b: {  	[tilespmem:s21], [sflag:$0x1] =	stream.indirect_vreg.gather [hbm4b:s3+s2], $0x80, v3, vm0, $0xb8;
	[tilespmem:$0x8080] =	vst v63  }
0x5c: {  	v3 =	vld [tilespmem:$0x70];
	_ =	sdelay $0x4  }
0x5d: {  	v63 =	vshll.u32 v3, $0x1  }
0x5e: {  	v3 =	vand.u32 $0x7, v3;
	v4 =	vand.u32 $0xFFFFFFF0, v63  }
0x5f: {  	v3 =	vor.u32 v3, v4  }
0x60: {  	v4 =	vperm.xlane v3, v0;
	_ =	sdelay $0x1  }
0x61: {  	v3 =	vperm.xlane v3, v2;
	v4 =	vadd.s32 v1, v4;
	_ =	sdelay $0x1  }
0x62: {  	v3 =	vadd.s32 v1, v3;
	_ =	sdelay $0x2  }
0x63: {  	[tilespmem:s22], [sflag:$0x1] =	stream.indirect_vreg.gather [hbm4b:s3+s2], $0x80, v4, vm0, $0xb8;
	[tilespmem:$0x8080] =	vst v63  }
0x64: {  	_ = 	snop  }
0x65: {  	[tilespmem:s23], [sflag:$0x1] =	stream.indirect_vreg.gather [hbm4b:s3+s2], $0x80, v3, vm0, $0xb8;
	[tilespmem:$0x8080] =	vst v63  }
0x66: {  	_ =	swait.ge [sflag:s24], $0x8000  }
0x67: {  	p0 =	sne.s32 s28, $0x3F0;
	[sflag:s24] =	ssyncset.done $0x0  }
.Ltmp0:
0x68: {  	[sflag:s24] =	ssyncadd.s32 $0xFFFF8000;
	(pc) =	sbr.rel @p0 .LBB2_2-.Ltmp0, $4  }
0x69: {  	[hbm4b:s26+s2] =	stream.linear.scatter [tilespmem:s8], [sflag:$0x2], $0x8000, $0x38;
	[tilespmem:$0x8080] =	vst v63  }
0x6a: {  	_ =	swait.ge [sflag:s7], $0x8000  }
0x6b: {  	[sflag:s7] =	ssyncset.done $0x0  }
0x6c: {  	s28 =	sadd.s32 $0x10, s28;
	s26 =	sadd.s32 $0x1000, s26;
	[sflag:s7] =	ssyncadd.s32 $0xFFFF8000  }
0x6d: {  	s25 =	sadd.s32 $0x1, s25  }
0x6e: {  	p0 =	sne.s32 s25, s4  }
.Ltmp1:
0x6f: {  	_ = 	snop;
	(pc) =	sbr.rel @p0 .LBB2_1-.Ltmp1, $1  }
0x70: {  	_ =	sdelay $0x3  }
0x71: {  	_ =	sfence.sel $0x180000  }
0x72: {  	[bflag:$0x0] =	sbarrier.arrive $0xFFFF  }
0x73: {  	p0 =	sne.s32 s1, $0x0;
	_ =	strace $0x9000004D  }
0x74: {  	s0 =	sadd.s32 @!p0 $0x100000, s0;
	[bflag:$0x2] =	sbarrier.arrive $0xFFFF  }
0x75: {  	[sflag:s0] =	ssyncadd.tile.s32 @!p0 $0x1;
	_ =	shalt  }
.Lfunc_end2:
_tile_overlayer_lowered:
.L_overlay_start_2:
0x76: {  	(tag) =	ssettag $0x2  }
0x77: {  	s0 =	rddreg [dreg:$0x0];
	s2 =	stileid.u32  }
0x78: {  	s1 =	rddreg [dreg:$0x1];
	p0 =	sne.s32 s2, $0x0  }
0x79: {  	s3 =	rddreg [dreg:$0x2];
	[bflag:$0x3] =	sbarrier.arrive $0xFFFF;
	s2 =	simm.s32 @!p0 $0x1C02  }
0x7a: {  	[timem:s3], [sflag:s2] =	dma.local @!p0 [hbm:s0], s1  }
0x7b: {  	s0 =	simm.s32 @!p0 $0x2  }
0x7c: {  	_ =	swait.ge @!p0 [sflag:s0], s1  }
0x7d: {  	s1 =	ssub.s32 @!p0 $0x0, s1;
	[sflag:s0] =	ssyncset.done @!p0 $0x0  }
0x7e: {  	[sflag:s0] =	ssyncadd.s32 @!p0 s1  }
0x7f: {  	[bflag:$0x3] =	sbarrier.arrive $0xFFFF  }
0x80: {  	_ =	shalt  }

// kernel: kernel.40.cloned.1.call-start
scs
__scs_entry_jumppad:
0x0: {  	(pc) =	sbr.rel $0x88, $3  }
0x1: {  	(tag) =	ssettag $0x0;
	lr =	simm.s32 $0x1  }
0x2: {  	[smem:$0x3F86] =	sst lr;
	_ =	strace $0xD0000000  }
0x3: {  	_ = 	snop  }
0x4: {  	_ = 	snop  }
0x5: {  	_ = 	snop  }
0x6: {  	_ = 	snop  }
0x7: {  	_ = 	snop  }
__scs_overlays_trampoline_lowered:
0x8: {  	[smem:$0x3F95] =	sst s0  }
0x9: {  	[smem:$0x3F96] =	sst s1  }
0xa: {  	[smem:$0x3F97] =	sst s2  }
0xb: {  	[smem:$0x3F98] =	sst s3  }
0xc: {  	[smem:$0x3F99] =	sst s4  }
0xd: {  	[smem:$0x3F9A] =	sst s5  }
0xe: {  	[smem:$0x3F9B] =	sst s6  }
0xf: {  	[smem:$0x3F9C] =	sst s7  }
0x10: {  	[smem:$0x3F9D] =	sst s8  }
0x11: {  	[smem:$0x3F9E] =	sst s9;
	s0 =	simm.s32 @!p0 $0x0  }
0x12: {  	s1 =	sld [smem:$0x3F84];
	s0 =	simm.s32 @p0 $0x1  }
0x13: {  	[smem:$0x3F9F] =	sst s0;
	s0 =	simm.s32 @!p1 $0x0  }
0x14: {  	s2 =	sld [smem:$0x3F83];
	s0 =	simm.s32 @p1 $0x1  }
0x15: {  	[smem:$0x3FA0] =	sst s0;
	s0 =	simm.s32 @!p2 $0x0  }
0x16: {  	s3 =	sld [smem:$0x3FDB];
	s0 =	simm.s32 @p2 $0x1  }
0x17: {  	s4 =	simm.s32 $0x1BF5;
	[smem:$0x3FA2] =	sst s0  }
0x18: {  	s0 =	sld [smem:$0x3F85];
	_ =	swait.ge [sflag:s4], $0x0  }
0x19: {  	s7 =	sld [smem:$0x3F86]  }
0x1a: {  	s8 =	sadd.s32 $0xFFFFE003, lr  }
0x1b: {  	s9 =	sadd.s32 $0xFFFFFEF7, lr;
	s5 =	simm.s32 $0xFFFFFFFF;
	p2 =	slt.u32 s8, $0xFFFFF086  }
0x1c: {  	p1 =	slt.u32 s9, $0xF7A;
	s5 =	simm.s32 @!p2 $0x0  }
0x1d: {  	s5 =	simm.s32 @p1 $0x1;
	p0 =	seq.s32 s7, s2  }
0x1e: {  	s7 =	smul.u32 @!p0 $0xF7A, s2;
	p2 =	seq.s32 @!p0 s5, $0x0  }
0x1f: {  	s9 =	smul.u32 $0xF7A, s1;
	s8 =	simm.s32 @!p0 $0x1BF5;
	p2 =	por !p2, p0  }
0x20: {  	[sflag:s8] =	ssyncset.s32 @!p0 $0xFFFFF086;
	s6 =	sadd.s32 @!p0 s3, s7;
	s7 =	simm.s32 @!p0 $0x108  }
0x21: {  	s3 =	sadd.s32 s3, s9;
	s6 =	sadd.s32 @!p0 $0x88, s6;
	s7 =	simm.s32 @p2 $0x1082  }
0x22: {  	[simem:s7], [sflag:s8] =	dma.local @!p0 [hbm:s6], $0xF7A  }
0x23: {  	s9 =	sor.u32 $0xD0000000, s2;
	s6 =	simm.s32 $0x108;
	_ =	swait.ge @!p0 [sflag:s8], $0x0  }
0x24: {  	s3 =	sadd.s32 $0x88, s3;
	s6 =	simm.s32 @!p1 $0x1082;
	[sflag:s4] =	ssyncset.s32 $0xFFFFF086  }
0x25: {  	[simem:s6], [sflag:s4] =	dma.local [hbm:s3], $0xF7A  }
0x26: {  	[smem:$0x3F86] =	sst s1;
	(tag) =	ssettag s2;
	_ =	strace s9  }
0x27: {  	s1 =	sld [smem:$0x3F96]  }
0x28: {  	s2 =	sld [smem:$0x3F97]  }
0x29: {  	s4 =	sld [smem:$0x3F99]  }
0x2a: {  	p0 =	seq.s32 s5, $0x0;
	s5 =	sld [smem:$0x3F9A]  }
0x2b: {  	s6 =	sld [smem:$0x3F9B]  }
0x2c: {  	s7 =	sld [smem:$0x3F9C]  }
0x2d: {  	s3 =	simm.s32 $0x108;
	s8 =	sld [smem:$0x3F9D]  }
0x2e: {  	s3 =	simm.s32 @!p0 $0x1082;
	s9 =	sld [smem:$0x3F9E]  }
0x2f: {  	lr =	sadd.s32 s0, s3;
	s0 =	sld [smem:$0x3F95]  }
0x30: {  	s3 =	sld [smem:$0x3F98]  }
0x31: {  	[smem:$0x3FA1] =	sst s10  }
0x32: {  	s10 =	sld [smem:$0x3F9F];
	_ =	sdelay $0x3  }
0x33: {  	p0 =	seq.s32 s10, $0x1;
	s10 =	sld [smem:$0x3FA1];
	_ =	sdelay $0x3  }
0x34: {  	[smem:$0x3FA1] =	sst s10  }
0x35: {  	s10 =	sld [smem:$0x3FA0];
	_ =	sdelay $0x3  }
0x36: {  	p1 =	seq.s32 s10, $0x1;
	s10 =	sld [smem:$0x3FA1];
	_ =	sdelay $0x3  }
0x37: {  	[smem:$0x3FA1] =	sst s10  }
0x38: {  	s10 =	sld [smem:$0x3FA2]  }
0x39: {  	_ = 	snop;
	(pc) =	sbr.ind lr, $3  }
0x3a: {  	_ = 	snop  }
0x3b: {  	_ = 	snop  }
0x3c: {  	p2 =	seq.s32 s10, $0x1;
	s10 =	sld [smem:$0x3FA1]  }
0x3d: {  	_ =	shalt  }
0x3e: {  	_ =	shalt  }
0x3f: {  	_ =	shalt  }
0x40: {  	_ =	shalt  }
0x41: {  	_ =	shalt  }
0x42: {  	_ =	shalt  }
0x43: {  	_ =	shalt  }
0x44: {  	_ =	shalt  }
0x45: {  	_ =	shalt  }
0x46: {  	_ =	shalt  }
0x47: {  	_ =	shalt  }
0x48: {  	_ =	shalt  }
0x49: {  	_ =	shalt  }
0x4a: {  	_ =	shalt  }
0x4b: {  	_ =	shalt  }
0x4c: {  	_ =	shalt  }
0x4d: {  	_ =	shalt  }
0x4e: {  	_ =	shalt  }
0x4f: {  	_ =	shalt  }
0x50: {  	_ =	shalt  }
0x51: {  	_ =	shalt  }
0x52: {  	_ =	shalt  }
0x53: {  	_ =	shalt  }
0x54: {  	_ =	shalt  }
0x55: {  	_ =	shalt  }
0x56: {  	_ =	shalt  }
0x57: {  	_ =	shalt  }
0x58: {  	_ =	shalt  }
0x59: {  	_ =	shalt  }
0x5a: {  	_ =	shalt  }
0x5b: {  	_ =	shalt  }
0x5c: {  	_ =	shalt  }
0x5d: {  	_ =	shalt  }
0x5e: {  	_ =	shalt  }
0x5f: {  	_ =	shalt  }
0x60: {  	_ =	shalt  }
0x61: {  	_ =	shalt  }
0x62: {  	_ =	shalt  }
0x63: {  	_ =	shalt  }
0x64: {  	_ =	shalt  }
0x65: {  	_ =	shalt  }
0x66: {  	_ =	shalt  }
0x67: {  	_ =	shalt  }
0x68: {  	_ =	shalt  }
0x69: {  	_ =	shalt  }
0x6a: {  	_ =	shalt  }
0x6b: {  	_ =	shalt  }
0x6c: {  	_ =	shalt  }
0x6d: {  	_ =	shalt  }
0x6e: {  	_ =	shalt  }
0x6f: {  	_ =	shalt  }
0x70: {  	_ =	shalt  }
0x71: {  	_ =	shalt  }
0x72: {  	_ =	shalt  }
0x73: {  	_ =	shalt  }
0x74: {  	_ =	shalt  }
0x75: {  	_ =	shalt  }
0x76: {  	_ =	shalt  }
0x77: {  	_ =	shalt  }
0x78: {  	_ =	shalt  }
0x79: {  	_ =	shalt  }
0x7a: {  	_ =	shalt  }
0x7b: {  	_ =	shalt  }
0x7c: {  	_ =	shalt  }
0x7d: {  	_ =	shalt  }
0x7e: {  	_ =	shalt  }
0x7f: {  	_ =	shalt  }
0x80: {  	_ =	shalt  }
0x81: {  	_ =	shalt  }
0x82: {  	_ =	shalt  }
0x83: {  	_ =	shalt  }
0x84: {  	_ =	shalt  }
0x85: {  	_ =	shalt  }
0x86: {  	_ =	shalt  }
0x87: {  	_ =	shalt  }
.Lfunc_end0:
.L_simem_size_0:
called_computation.3_lowered:
.L_overlay_start_0:
0x88: {  	s2 =	sld [smem:$0x3FD9]  }
0x89: {  	s3 =	sld [smem:$0x3FFE];
	_ =	sdelay $0x1  }
0x8a: {  	s1 =	srdreg.scid  }
0x8b: {  	s0 =	sand.u32 $0x1, s1  }
0x8c: {  	s14 =	sshll.u32 s0, $0xA;
	s2 =	sadd.s32 s3, s2  }
0x8d: {  	s2 =	sadd.s32 s2, s14  }
0x8e: {  	[smem:$0x3FAD] =	sst s2  }
0x8f: {  	_ = 	snop  }
0x90: {  	s2 =	sld [smem:$0x3FD0];
	_ =	sdelay $0x2  }
0x91: {  	s15 =	simm.s32 $0xA;
	s4 =	simm.s32 $0x10  }
0x92: {  	[smem:s4], [sflag:s15] =	dma.local [hbm:s2], $0x1  }
0x93: {  	_ =	swait.eq [sflag:s15], $0x1  }
0x94: {  	[sflag:s15] =	ssyncset.done $0x0  }
0x95: {  	[sflag:s15] =	ssyncadd.s32 $0xFFFFFFFF  }
0x96: {  	s16 =	sld [smem:$0x10];
	(tm) =	ssettm $0x1  }
0x97: {  	s17 =	sld [smem:$0x3FFB];
	_ =	sdelay $0x3  }
0x98: {  	_ =	strace s17  }
0x99: {  	s3 =	sld [smem:$0x3FFC];
	_ =	sdelay $0x3  }
0x9a: {  	_ =	strace s3  }
0x9b: {  	s3 =	sld [smem:$0x3FFD];
	_ =	sdelay $0x3  }
0x9c: {  	_ =	strace s3  }
0x9d: {  	_ =	strace $0x8FFFFFFF  }
0x9e: {  	s18 =	sld [smem:$0x3FDB];
	_ =	sdelay $0x1  }
0x9f: {  	s19 =	simm.s32 $_scs_section_size  }
0xa0: {  	s5 =	simm.s32 $_size__tile_overlayer_lowered;
	s6 =	simm.s32 $_tile_overlayer_lowered  }
0xa1: {  	s22 =	simm.s32 $0x1BFF;
	s21 =	sshll.u32 s6, $0x1;
	s3 =	sadd.s32 s19, s18  }
0xa2: {  	s7 =	simm.s32 $0x0;
	s20 =	sshll.u32 s5, $0x1;
	s5 =	sadd.s32 s21, s3  }
0xa3: {  	[timem:s7], [sflag:s22] =	dma.local [hbm:s5], s20  }
0xa4: {  	_ =	swait.ge [sflag:s22], s20  }
0xa5: {  	s4 =	ssub.s32 $0x0, s20;
	[sflag:s22] =	ssyncset.done $0x0  }
0xa6: {  	[sflag:s22] =	ssyncadd.s32 s4;
	_ =	sdelay $0x1  }
0xa7: {  	s23 =	simm.s32 $0x1B8B  }
0xa8: {  	_ =	swait.ge [sflag:s23], $0x1  }
0xa9: {  	[sflag:s23] =	ssyncset.done $0x0  }
0xaa: {  	s25 =	simm.s32 $0x1B8E;
	s24 =	sld [smem:$0x3FFE];
	[sflag:s23] =	ssyncadd.s32 $0xFFFFFFFF  }
0xab: {  	s26 =	simm.s32 $execute0_lowered;
	[smem:$0x3FD2] =	sst s25  }
0xac: {  	s5 =	sshll.u32 s26, $0x1;
	_ =	strace $0x8000004F;
	[dreg:$0x1] =	wrdreg $0xFFFFFFFF  }
0xad: {  	s28 =	simm.s32 $_size_execute0_lowered;
	s3 =	sadd.s32 s3, s5;
	[dreg:$0x0] =	wrdreg $0x0  }
0xae: {  	s5 =	sshll.u32 s28, $0x1;
	[dreg:$0x2] =	wrdreg s3  }
0xaf: {  	[dreg:$0x3] =	wrdreg s5  }
0xb0: {  	[dreg:$0x4] =	wrdreg $0xC0  }
0xb1: {  	_ =	task [dreg:s7], $0x5FFFF  }
0xb2: {  	[dreg:$0x1] =	wrdreg $0xFFFFFFFF  }
0xb3: {  	[dreg:$0x0] =	wrdreg $0x60  }
0xb4: {  	[dreg:$0x2] =	wrdreg s24  }
0xb5: {  	[dreg:$0x3] =	wrdreg s16  }
0xb6: {  	[dreg:$0x4] =	wrdreg $0x9  }
0xb7: {  	_ =	task.clear_ibuf [dreg:s7], $0x5FFFF;
	_ =	strace $0x9000004F  }
0xb8: {  	s29 =	simm.s32 $0x9;
	_ =	strace $0x80000051  }
0xb9: {  	_ =	swait.ge [sflag:s29], $0x1  }
0xba: {  	[sflag:s29] =	ssyncadd.s32 $0xFFFFFFFF  }
0xbb: {  	_ =	strace $0x90000051  }
0xbc: {  	_ =	sfence  }
0xbd: {  	s30 =	sld [smem:$0x0];
	_ =	sdelay $0x2  }
0xbe: {  	s31 =	sshll.u32 s1, $0xD;
	s1 =	sshrl.u32 s1, $0x2  }
0xbf: {  	s3 =	sand.u32 $0x4000, s31;
	s1 =	sadd.s32 s1, s30  }
0xc0: {  	s0 =	sor.u32 s3, s0;
	s1 =	sshll.u32 s1, $0x11  }
0xc1: {  	s0 =	sor.u32 s1, s0  }
0xc2: {  	s0 =	sadd.s32 $0x8F2B, s0  }
0xc3: {  	[sflag:s0] =	ssyncadd.remote.s32 $0x1  }
0xc4: {  	_ =	sfence.sel $0xFFFF  }
0xc5: {  	[dreg:$0x0] =	wrdreg $0xFFFFFFFF;
	(pc) =	sbr.abs _section_cstart, $3  }
0xc6: {  	[dreg:$0x1] =	wrdreg $0xFFFFFFFF  }
0xc7: {  	_ =	task.clear_ibuf [dreg:s7], $0x2FFFF;
	_ =	strace $0x9FFFFFFF  }
0xc8: {  	(tm) =	ssettm $0x7FFFFFFF  }
0xc9: {  	_ =	shalt  }
tec
execute0_lowered:
.L_overlay_start_1:
0x0: {  	(tag) =	ssettag $0x1  }
0x1: {  	s1 =	srdreg.scid  }
0x2: {  	s7 =	rddreg [dreg:$0x0];
	s0 =	stileid.u32;
	s10 =	sand.u32 $0x1, s1  }
0x3: {  	s9 =	rddreg [dreg:$0x1];
	s3 =	sshll.u32 s0, $0x9;
	s4 =	sshll.u32 s10, $0x8  }
0x4: {  	s2 =	simm.s32 $0x0;
	s1 =	rddreg [dreg:$0x2];
	s11 =	sor.u32 s4, s3  }
0x5: {  	[smem:$0x7FF] =	sst s2;
	s3 =	sshrl.u32 s11, $0x3  }
0x6: {  	_ =	strace $0x80000050;
	s4 =	simm.s32 $0x2;
	s3 =	sadd.s32 s9, s3  }
0x7: {  	[tilespmem:s2], [sflag:$0x2] =	stream.linear.gather [hbm4b:s3+s2], $0x80, $0x38;
	[tilespmem:$0x4080] =	vst v63  }
0x8: {  	_ =	swait.ge [sflag:s4], $0x80  }
0x9: {  	s12 =	sadd.s32 $0x8C00, s7;
	s5 =	sshll.u32 s11, $0x4;
	[sflag:s4] =	ssyncset.done $0x0  }
0xa: {  	s6 =	simm.s32 $0x80;
	s5 =	sadd.s32 s12, s5;
	[sflag:s4] =	ssyncadd.s32 $0xFFFFFF80  }
0xb: {  	[tilespmem:s6], [sflag:$0x2] =	stream.linear.gather [hbm4b:s5+s2], $0x4000, $0x38;
	[tilespmem:$0x4080] =	vst v63  }
0xc: {  	_ =	swait.ge [sflag:s4], $0x4000  }
0xd: {  	[sflag:s4] =	ssyncset.done $0x0  }
0xe: {  	s8 =	sadd.s32 $0x28C00, s7;
	s7 =	simm.s32 $0x1;
	[sflag:s4] =	ssyncadd.s32 $0xFFFFC000  }
0xf: {  	[hbm4b:s8+s6] =	stream.indirect.scatter [tilespmem:s6], [sflag:$0x1], $0x80, s2, s6, $0xb8;
	[tilespmem:$0x4080] =	vst v63  }
0x10: {  	s11 =	sor.u32 $0x80, s11;
	_ =	swait.ge [sflag:s7], $0x4000  }
0x11: {  	s13 =	sshrl.u32 s11, $0x3;
	[sflag:s7] =	ssyncset.done $0x0  }
0x12: {  	s30 =	ssub.s32 $0x2, s10;
	s9 =	sadd.s32 s9, s13;
	[sflag:s7] =	ssyncadd.s32 $0xFFFFC000  }
0x13: {  	[tilespmem:s2], [sflag:$0x2] =	stream.linear.gather [hbm4b:s9+s2], $0x80, $0x38;
	[tilespmem:$0x4080] =	vst v63  }
0x14: {  	s31 =	sshrl.u32 s30, $0x1;
	s11 =	sshll.u32 s11, $0x4;
	_ =	swait.ge [sflag:s4], $0x80  }
0x15: {  	s10 =	sadd.s32 s12, s11;
	s11 =	ssub.s32 s30, s31;
	[sflag:s4] =	ssyncset.done $0x0  }
0x16: {  	s11 =	smax.u32 s11, $0x1;
	[sflag:s4] =	ssyncadd.s32 $0xFFFFFF80  }
0x17: {  	[tilespmem:s6], [sflag:$0x2] =	stream.linear.gather [hbm4b:s10+s2], $0x4000, $0x38;
	[tilespmem:$0x4080] =	vst v63  }
0x18: {  	p0 =	sne.s32 s11, $0x1;
	_ =	swait.ge [sflag:s4], $0x4000  }
.Ltmp0:
0x19: {  	[sflag:s4] =	ssyncset.done $0x0;
	(pc) =	sbr.rel @!p0 .LBB2_2-.Ltmp0, $4  }
0x1a: {  	[sflag:s4] =	ssyncadd.s32 $0xFFFFC000  }
0x1b: {  	[hbm4b:s8+s6] =	stream.indirect.scatter [tilespmem:s6], [sflag:$0x1], $0x80, s2, s6, $0xb8;
	[tilespmem:$0x4080] =	vst v63  }
0x1c: {  	_ =	swait.ge [sflag:s7], $0x4000  }
0x1d: {  	s11 =	sadd.s32 $0xFFFFFFFF, s11;
	[sflag:s7] =	ssyncset.done $0x0  }
.LBB2_1:
0x1e: {  	p0 =	sne.s32 s11, $0x1;
	s11 =	sadd.s32 $0xFFFFFFFF, s11;
	[sflag:s7] =	ssyncadd.s32 $0xFFFFC000  }
0x1f: {  	[tilespmem:s2], [sflag:$0x2] =	stream.linear.gather [hbm4b:s3+s2], $0x80, $0x38;
	[tilespmem:$0x4080] =	vst v63  }
0x20: {  	_ =	swait.ge [sflag:s4], $0x80  }
0x21: {  	[sflag:s4] =	ssyncset.done $0x0  }
0x22: {  	[sflag:s4] =	ssyncadd.s32 $0xFFFFFF80  }
0x23: {  	[tilespmem:s6], [sflag:$0x2] =	stream.linear.gather [hbm4b:s5+s2], $0x4000, $0x38;
	[tilespmem:$0x4080] =	vst v63  }
0x24: {  	_ =	swait.ge [sflag:s4], $0x4000  }
0x25: {  	[sflag:s4] =	ssyncset.done $0x0  }
0x26: {  	[sflag:s4] =	ssyncadd.s32 $0xFFFFC000  }
0x27: {  	[hbm4b:s8+s6] =	stream.indirect.scatter [tilespmem:s6], [sflag:$0x1], $0x80, s2, s6, $0xb8;
	[tilespmem:$0x4080] =	vst v63  }
0x28: {  	_ =	swait.ge [sflag:s7], $0x4000  }
0x29: {  	[sflag:s7] =	ssyncset.done $0x0  }
0x2a: {  	[sflag:s7] =	ssyncadd.s32 $0xFFFFC000  }
0x2b: {  	[tilespmem:s2], [sflag:$0x2] =	stream.linear.gather [hbm4b:s9+s2], $0x80, $0x38;
	[tilespmem:$0x4080] =	vst v63  }
0x2c: {  	_ =	swait.ge [sflag:s4], $0x80  }
0x2d: {  	[sflag:s4] =	ssyncset.done $0x0  }
0x2e: {  	[sflag:s4] =	ssyncadd.s32 $0xFFFFFF80  }
0x2f: {  	[tilespmem:s6], [sflag:$0x2] =	stream.linear.gather [hbm4b:s10+s2], $0x4000, $0x38;
	[tilespmem:$0x4080] =	vst v63  }
0x30: {  	_ =	swait.ge [sflag:s4], $0x4000  }
.Ltmp1:
0x31: {  	[sflag:s4] =	ssyncset.done $0x0;
	(pc) =	sbr.rel @p0 .LBB2_1-.Ltmp1, $4  }
0x32: {  	[sflag:s4] =	ssyncadd.s32 $0xFFFFC000  }
0x33: {  	[hbm4b:s8+s6] =	stream.indirect.scatter [tilespmem:s6], [sflag:$0x1], $0x80, s2, s6, $0xb8;
	[tilespmem:$0x4080] =	vst v63  }
0x34: {  	_ =	swait.ge [sflag:s7], $0x4000  }
0x35: {  	[sflag:s7] =	ssyncset.done $0x0  }
.LBB2_2:
0x36: {  	[sflag:s7] =	ssyncadd.s32 $0xFFFFC000  }
0x37: {  	_ =	sfence.sel $0x180000  }
0x38: {  	[bflag:$0x0] =	sbarrier.arrive $0xFFFF  }
0x39: {  	p0 =	sne.s32 s0, $0x0;
	_ =	strace $0x90000050  }
0x3a: {  	s0 =	sadd.s32 @!p0 $0x100000, s1;
	[bflag:$0x2] =	sbarrier.arrive $0xFFFF  }
0x3b: {  	[sflag:s0] =	ssyncadd.tile.s32 @!p0 $0x1;
	_ =	shalt  }
.Lfunc_end2:
_tile_overlayer_lowered:
.L_overlay_start_2:
0x3c: {  	(tag) =	ssettag $0x2  }
0x3d: {  	s0 =	rddreg [dreg:$0x0];
	s2 =	stileid.u32  }
0x3e: {  	s1 =	rddreg [dreg:$0x1];
	p0 =	sne.s32 s2, $0x0  }
0x3f: {  	s3 =	rddreg [dreg:$0x2];
	[bflag:$0x3] =	sbarrier.arrive $0xFFFF;
	s2 =	simm.s32 @!p0 $0x1C02  }
0x40: {  	[timem:s3], [sflag:s2] =	dma.local @!p0 [hbm:s0], s1  }
0x41: {  	s0 =	simm.s32 @!p0 $0x2  }
0x42: {  	_ =	swait.ge @!p0 [sflag:s0], s1  }
0x43: {  	s1 =	ssub.s32 @!p0 $0x0, s1;
	[sflag:s0] =	ssyncset.done @!p0 $0x0  }
0x44: {  	[sflag:s0] =	ssyncadd.s32 @!p0 s1  }
0x45: {  	[bflag:$0x3] =	sbarrier.arrive $0xFFFF  }
0x46: {  	_ =	shalt  }

// kernel: kernel.43.cloned.1.call-start
scs
__scs_entry_jumppad:
0x0: {  	(pc) =	sbr.rel $0x88, $3  }
0x1: {  	(tag) =	ssettag $0x0;
	lr =	simm.s32 $0x1  }
0x2: {  	[smem:$0x3F86] =	sst lr;
	_ =	strace $0xD0000000  }
0x3: {  	_ = 	snop  }
0x4: {  	_ = 	snop  }
0x5: {  	_ = 	snop  }
0x6: {  	_ = 	snop  }
0x7: {  	_ = 	snop  }
__scs_overlays_trampoline_lowered:
0x8: {  	[smem:$0x3F95] =	sst s0  }
0x9: {  	[smem:$0x3F96] =	sst s1  }
0xa: {  	[smem:$0x3F97] =	sst s2  }
0xb: {  	[smem:$0x3F98] =	sst s3  }
0xc: {  	[smem:$0x3F99] =	sst s4  }
0xd: {  	[smem:$0x3F9A] =	sst s5  }
0xe: {  	[smem:$0x3F9B] =	sst s6  }
0xf: {  	[smem:$0x3F9C] =	sst s7  }
0x10: {  	[smem:$0x3F9D] =	sst s8  }
0x11: {  	[smem:$0x3F9E] =	sst s9;
	s0 =	simm.s32 @!p0 $0x0  }
0x12: {  	s1 =	sld [smem:$0x3F84];
	s0 =	simm.s32 @p0 $0x1  }
0x13: {  	[smem:$0x3F9F] =	sst s0;
	s0 =	simm.s32 @!p1 $0x0  }
0x14: {  	s2 =	sld [smem:$0x3F83];
	s0 =	simm.s32 @p1 $0x1  }
0x15: {  	[smem:$0x3FA0] =	sst s0;
	s0 =	simm.s32 @!p2 $0x0  }
0x16: {  	s3 =	sld [smem:$0x3FDB];
	s0 =	simm.s32 @p2 $0x1  }
0x17: {  	s4 =	simm.s32 $0x1BF5;
	[smem:$0x3FA2] =	sst s0  }
0x18: {  	s0 =	sld [smem:$0x3F85];
	_ =	swait.ge [sflag:s4], $0x0  }
0x19: {  	s7 =	sld [smem:$0x3F86]  }
0x1a: {  	s8 =	sadd.s32 $0xFFFFE003, lr  }
0x1b: {  	s9 =	sadd.s32 $0xFFFFFEF7, lr;
	s5 =	simm.s32 $0xFFFFFFFF;
	p2 =	slt.u32 s8, $0xFFFFF086  }
0x1c: {  	p1 =	slt.u32 s9, $0xF7A;
	s5 =	simm.s32 @!p2 $0x0  }
0x1d: {  	s5 =	simm.s32 @p1 $0x1;
	p0 =	seq.s32 s7, s2  }
0x1e: {  	s7 =	smul.u32 @!p0 $0xF7A, s2;
	p2 =	seq.s32 @!p0 s5, $0x0  }
0x1f: {  	s9 =	smul.u32 $0xF7A, s1;
	s8 =	simm.s32 @!p0 $0x1BF5;
	p2 =	por !p2, p0  }
0x20: {  	[sflag:s8] =	ssyncset.s32 @!p0 $0xFFFFF086;
	s6 =	sadd.s32 @!p0 s3, s7;
	s7 =	simm.s32 @!p0 $0x108  }
0x21: {  	s3 =	sadd.s32 s3, s9;
	s6 =	sadd.s32 @!p0 $0x88, s6;
	s7 =	simm.s32 @p2 $0x1082  }
0x22: {  	[simem:s7], [sflag:s8] =	dma.local @!p0 [hbm:s6], $0xF7A  }
0x23: {  	s9 =	sor.u32 $0xD0000000, s2;
	s6 =	simm.s32 $0x108;
	_ =	swait.ge @!p0 [sflag:s8], $0x0  }
0x24: {  	s3 =	sadd.s32 $0x88, s3;
	s6 =	simm.s32 @!p1 $0x1082;
	[sflag:s4] =	ssyncset.s32 $0xFFFFF086  }
0x25: {  	[simem:s6], [sflag:s4] =	dma.local [hbm:s3], $0xF7A  }
0x26: {  	[smem:$0x3F86] =	sst s1;
	(tag) =	ssettag s2;
	_ =	strace s9  }
0x27: {  	s1 =	sld [smem:$0x3F96]  }
0x28: {  	s2 =	sld [smem:$0x3F97]  }
0x29: {  	s4 =	sld [smem:$0x3F99]  }
0x2a: {  	p0 =	seq.s32 s5, $0x0;
	s5 =	sld [smem:$0x3F9A]  }
0x2b: {  	s6 =	sld [smem:$0x3F9B]  }
0x2c: {  	s7 =	sld [smem:$0x3F9C]  }
0x2d: {  	s3 =	simm.s32 $0x108;
	s8 =	sld [smem:$0x3F9D]  }
0x2e: {  	s3 =	simm.s32 @!p0 $0x1082;
	s9 =	sld [smem:$0x3F9E]  }
0x2f: {  	lr =	sadd.s32 s0, s3;
	s0 =	sld [smem:$0x3F95]  }
0x30: {  	s3 =	sld [smem:$0x3F98]  }
0x31: {  	[smem:$0x3FA1] =	sst s10  }
0x32: {  	s10 =	sld [smem:$0x3F9F];
	_ =	sdelay $0x3  }
0x33: {  	p0 =	seq.s32 s10, $0x1;
	s10 =	sld [smem:$0x3FA1];
	_ =	sdelay $0x3  }
0x34: {  	[smem:$0x3FA1] =	sst s10  }
0x35: {  	s10 =	sld [smem:$0x3FA0];
	_ =	sdelay $0x3  }
0x36: {  	p1 =	seq.s32 s10, $0x1;
	s10 =	sld [smem:$0x3FA1];
	_ =	sdelay $0x3  }
0x37: {  	[smem:$0x3FA1] =	sst s10  }
0x38: {  	s10 =	sld [smem:$0x3FA2]  }
0x39: {  	_ = 	snop;
	(pc) =	sbr.ind lr, $3  }
0x3a: {  	_ = 	snop  }
0x3b: {  	_ = 	snop  }
0x3c: {  	p2 =	seq.s32 s10, $0x1;
	s10 =	sld [smem:$0x3FA1]  }
0x3d: {  	_ =	shalt  }
0x3e: {  	_ =	shalt  }
0x3f: {  	_ =	shalt  }
0x40: {  	_ =	shalt  }
0x41: {  	_ =	shalt  }
0x42: {  	_ =	shalt  }
0x43: {  	_ =	shalt  }
0x44: {  	_ =	shalt  }
0x45: {  	_ =	shalt  }
0x46: {  	_ =	shalt  }
0x47: {  	_ =	shalt  }
0x48: {  	_ =	shalt  }
0x49: {  	_ =	shalt  }
0x4a: {  	_ =	shalt  }
0x4b: {  	_ =	shalt  }
0x4c: {  	_ =	shalt  }
0x4d: {  	_ =	shalt  }
0x4e: {  	_ =	shalt  }
0x4f: {  	_ =	shalt  }
0x50: {  	_ =	shalt  }
0x51: {  	_ =	shalt  }
0x52: {  	_ =	shalt  }
0x53: {  	_ =	shalt  }
0x54: {  	_ =	shalt  }
0x55: {  	_ =	shalt  }
0x56: {  	_ =	shalt  }
0x57: {  	_ =	shalt  }
0x58: {  	_ =	shalt  }
0x59: {  	_ =	shalt  }
0x5a: {  	_ =	shalt  }
0x5b: {  	_ =	shalt  }
0x5c: {  	_ =	shalt  }
0x5d: {  	_ =	shalt  }
0x5e: {  	_ =	shalt  }
0x5f: {  	_ =	shalt  }
0x60: {  	_ =	shalt  }
0x61: {  	_ =	shalt  }
0x62: {  	_ =	shalt  }
0x63: {  	_ =	shalt  }
0x64: {  	_ =	shalt  }
0x65: {  	_ =	shalt  }
0x66: {  	_ =	shalt  }
0x67: {  	_ =	shalt  }
0x68: {  	_ =	shalt  }
0x69: {  	_ =	shalt  }
0x6a: {  	_ =	shalt  }
0x6b: {  	_ =	shalt  }
0x6c: {  	_ =	shalt  }
0x6d: {  	_ =	shalt  }
0x6e: {  	_ =	shalt  }
0x6f: {  	_ =	shalt  }
0x70: {  	_ =	shalt  }
0x71: {  	_ =	shalt  }
0x72: {  	_ =	shalt  }
0x73: {  	_ =	shalt  }
0x74: {  	_ =	shalt  }
0x75: {  	_ =	shalt  }
0x76: {  	_ =	shalt  }
0x77: {  	_ =	shalt  }
0x78: {  	_ =	shalt  }
0x79: {  	_ =	shalt  }
0x7a: {  	_ =	shalt  }
0x7b: {  	_ =	shalt  }
0x7c: {  	_ =	shalt  }
0x7d: {  	_ =	shalt  }
0x7e: {  	_ =	shalt  }
0x7f: {  	_ =	shalt  }
0x80: {  	_ =	shalt  }
0x81: {  	_ =	shalt  }
0x82: {  	_ =	shalt  }
0x83: {  	_ =	shalt  }
0x84: {  	_ =	shalt  }
0x85: {  	_ =	shalt  }
0x86: {  	_ =	shalt  }
0x87: {  	_ =	shalt  }
.Lfunc_end0:
.L_simem_size_0:
called_computation.4_lowered:
.L_overlay_start_0:
0x88: {  	s2 =	sld [smem:$0x3FD9]  }
0x89: {  	s3 =	sld [smem:$0x3FFE];
	_ =	sdelay $0x1  }
0x8a: {  	s1 =	srdreg.scid  }
0x8b: {  	s0 =	sand.u32 $0x1, s1  }
0x8c: {  	s16 =	sshll.u32 s0, $0xA;
	s2 =	sadd.s32 s3, s2  }
0x8d: {  	s2 =	sadd.s32 s2, s16  }
0x8e: {  	[smem:$0x3FAD] =	sst s2  }
0x8f: {  	_ = 	snop  }
0x90: {  	(tm) =	ssettm $0x1  }
0x91: {  	s17 =	sld [smem:$0x3FFB];
	_ =	sdelay $0x3  }
0x92: {  	_ =	strace s17  }
0x93: {  	s2 =	sld [smem:$0x3FFC];
	_ =	sdelay $0x3  }
0x94: {  	_ =	strace s2  }
0x95: {  	s2 =	sld [smem:$0x3FFD];
	_ =	sdelay $0x3  }
0x96: {  	_ =	strace s2  }
0x97: {  	_ =	strace $0x8FFFFFFF  }
0x98: {  	s18 =	sld [smem:$0x3FDB];
	_ =	sdelay $0x1  }
0x99: {  	s19 =	simm.s32 $_scs_section_size  }
0x9a: {  	s4 =	simm.s32 $_size__tile_overlayer_lowered;
	s5 =	simm.s32 $_tile_overlayer_lowered  }
0x9b: {  	s22 =	simm.s32 $0x1BFF;
	s21 =	sshll.u32 s5, $0x1;
	s2 =	sadd.s32 s19, s18  }
0x9c: {  	s6 =	simm.s32 $0x0;
	s20 =	sshll.u32 s4, $0x1;
	s4 =	sadd.s32 s21, s2  }
0x9d: {  	[timem:s6], [sflag:s22] =	dma.local [hbm:s4], s20  }
0x9e: {  	_ =	swait.ge [sflag:s22], s20  }
0x9f: {  	s3 =	ssub.s32 $0x0, s20;
	[sflag:s22] =	ssyncset.done $0x0  }
0xa0: {  	[sflag:s22] =	ssyncadd.s32 s3;
	_ =	sdelay $0x1  }
0xa1: {  	s23 =	simm.s32 $0x1B8B  }
0xa2: {  	_ =	swait.ge [sflag:s23], $0x1  }
0xa3: {  	[sflag:s23] =	ssyncset.done $0x0  }
0xa4: {  	s25 =	simm.s32 $0x1B8E;
	s24 =	sld [smem:$0x3FFE];
	[sflag:s23] =	ssyncadd.s32 $0xFFFFFFFF  }
0xa5: {  	s26 =	simm.s32 $execute0_lowered;
	[smem:$0x3FD2] =	sst s25  }
0xa6: {  	s4 =	sshll.u32 s26, $0x1;
	_ =	strace $0x80000052;
	[dreg:$0x1] =	wrdreg $0xFFFFFFFF  }
0xa7: {  	s28 =	simm.s32 $_size_execute0_lowered;
	s2 =	sadd.s32 s2, s4;
	[dreg:$0x0] =	wrdreg $0x0  }
0xa8: {  	s4 =	sshll.u32 s28, $0x1;
	[dreg:$0x2] =	wrdreg s2  }
0xa9: {  	[dreg:$0x3] =	wrdreg s4  }
0xaa: {  	[dreg:$0x4] =	wrdreg $0xC0  }
0xab: {  	_ =	task [dreg:s6], $0x5FFFF  }
0xac: {  	[dreg:$0x1] =	wrdreg $0xFFFFFFFF  }
0xad: {  	[dreg:$0x0] =	wrdreg $0x60  }
0xae: {  	[dreg:$0x2] =	wrdreg s24  }
0xaf: {  	[dreg:$0x3] =	wrdreg $0x9  }
0xb0: {  	_ =	task.clear_ibuf [dreg:s6], $0x4FFFF;
	_ =	strace $0x90000052  }
0xb1: {  	s29 =	simm.s32 $0x9;
	_ =	strace $0x80000054  }
0xb2: {  	_ =	swait.ge [sflag:s29], $0x1  }
0xb3: {  	[sflag:s29] =	ssyncadd.s32 $0xFFFFFFFF  }
0xb4: {  	_ =	strace $0x90000054  }
0xb5: {  	_ =	sfence  }
0xb6: {  	s30 =	sld [smem:$0x0];
	_ =	sdelay $0x2  }
0xb7: {  	s31 =	sshll.u32 s1, $0xD;
	s1 =	sshrl.u32 s1, $0x2  }
0xb8: {  	s3 =	sand.u32 $0x4000, s31;
	s1 =	sadd.s32 s1, s30  }
0xb9: {  	s0 =	sor.u32 s3, s0;
	s1 =	sshll.u32 s1, $0x11  }
0xba: {  	s0 =	sor.u32 s1, s0  }
0xbb: {  	s0 =	sadd.s32 $0x8F2B, s0  }
0xbc: {  	[sflag:s0] =	ssyncadd.remote.s32 $0x1  }
0xbd: {  	_ =	sfence.sel $0xFFFF  }
0xbe: {  	[dreg:$0x0] =	wrdreg $0xFFFFFFFF;
	(pc) =	sbr.abs _section_cstart, $3  }
0xbf: {  	[dreg:$0x1] =	wrdreg $0xFFFFFFFF  }
0xc0: {  	_ =	task.clear_ibuf [dreg:s6], $0x2FFFF;
	_ =	strace $0x9FFFFFFF  }
0xc1: {  	(tm) =	ssettm $0x7FFFFFFF  }
tec
execute0_lowered:
.L_overlay_start_1:
0x0: {  	(tag) =	ssettag $0x1  }
0x1: {  	s4 =	rddreg [dreg:$0x0]  }
0x2: {  	s0 =	rddreg [dreg:$0x1];
	s2 =	simm.s32 $0x0;
	s3 =	srdreg.scid  }
0x3: {  	s1 =	stileid.u32;
	s10 =	simm.s32 $0x1080;
	s11 =	simm.s32 $0x1880  }
0x4: {  	s12 =	simm.s32 $0x2080;
	s13 =	simm.s32 $0x2880;
	s14 =	simm.s32 $0x3080  }
0x5: {  	s15 =	simm.s32 $0x3880;
	s16 =	simm.s32 $0x4080;
	s17 =	simm.s32 $0x4880  }
0x6: {  	s18 =	simm.s32 $0x5080;
	s19 =	simm.s32 $0x5880;
	s20 =	simm.s32 $0x6080  }
0x7: {  	s21 =	simm.s32 $0x6880;
	s22 =	simm.s32 $0x7080;
	s23 =	simm.s32 $0x7880  }
0x8: {  	s24 =	simm.s32 $0x1;
	s25 =	simm.s32 $0x0;
	[smem:$0x7FF] =	sst s2  }
0x9: {  	s5 =	sand.u32 $0x1, s3;
	s6 =	sshll.u32 s1, $0xD;
	s3 =	sadd.s32 $0x68C00, s4  }
0xa: {  	s8 =	sshll.u32 s1, $0x12;
	_ =	strace $0x80000053;
	s7 =	sshll.u32 s5, $0xC  }
0xb: {  	s31 =	ssub.s32 $0x2, s5;
	s8 =	sadd.s32 s8, s4;
	s5 =	sshll.u32 s5, $0x11  }
0xc: {  	s6 =	sor.u32 s7, s6;
	s9 =	sshrl.u32 s31, $0x1;
	s5 =	sadd.s32 s5, s8  }
0xd: {  	v2 =	vlaneseq.u32;
	s8 =	simm.s32 $0x80;
	s6 =	sshrl.u32 s6, $0x3;
	s7 =	ssub.s32 s31, s9  }
0xe: {  	vm0 =	vmmov $0xffff;
	v1 =	vshrl.u32 v2, $0x3;
	s5 =	sadd.s32 $0x8CC00, s5;
	s9 =	simm.s32 $0x880;
	s6 =	sadd.s32 s6, s4  }
0xf: {  	v0 =	vand.u32 $0x7, v2;
	v2 =	vor.u32 $0x8, v2;
	v1 =	vmul.u32 $0x8, v1;
	s4 =	smax.u32 s7, $0x1;
	s7 =	simm.s32 $0x2;
	s6 =	sadd.s32 $0x88C00, s6  }
.LBB2_1:
0x10: {  	s26 =	smov.u32 s5;
	s28 =	simm.s32 $0x0  }
.LBB2_2:
0x11: {  	s29 =	sadd.s32 s28, s6  }
0x12: {  	[tilespmem:s2], [sflag:$0x2] =	stream.linear.gather [hbm4b:s29+s2], $0x80, $0x38;
	[tilespmem:$0x8080] =	vst v63  }
0x13: {  	_ =	swait.ge [sflag:s7], $0x80  }
0x14: {  	[sflag:s7] =	ssyncset.done $0x0  }
0x15: {  	[sflag:s7] =	ssyncadd.s32 $0xFFFFFF80  }
0x16: {  	v3 =	vld [tilespmem:$0x0];
	_ =	sdelay $0x4  }
0x17: {  	v4 =	vshll.u32 v3, $0x1  }
0x18: {  	v3 =	vand.u32 $0x7, v3;
	v4 =	vand.u32 $0xFFFFFFF0, v4  }
0x19: {  	v3 =	vor.u32 v3, v4  }
0x1a: {  	v4 =	vperm.xlane v3, v0;
	_ =	sdelay $0x1  }
0x1b: {  	v3 =	vperm.xlane v3, v2;
	v4 =	vadd.s32 v1, v4;
	_ =	sdelay $0x1  }
0x1c: {  	v3 =	vadd.s32 v1, v3;
	_ =	sdelay $0x2  }
0x1d: {  	[tilespmem:s8], [sflag:$0x1] =	stream.indirect_vreg.gather [hbm4b:s3+s2], $0x80, v4, vm0, $0xb8;
	[tilespmem:$0x8080] =	vst v63  }
0x1e: {  	_ = 	snop  }
0x1f: {  	[tilespmem:s9], [sflag:$0x1] =	stream.indirect_vreg.gather [hbm4b:s3+s2], $0x80, v3, vm0, $0xb8;
	[tilespmem:$0x8080] =	vst v63  }
0x20: {  	v3 =	vld [tilespmem:$0x10];
	_ =	sdelay $0x4  }
0x21: {  	v57 =	vshll.u32 v3, $0x1  }
0x22: {  	v3 =	vand.u32 $0x7, v3;
	v4 =	vand.u32 $0xFFFFFFF0, v57  }
0x23: {  	v3 =	vor.u32 v3, v4  }
0x24: {  	v4 =	vperm.xlane v3, v0;
	_ =	sdelay $0x1  }
0x25: {  	v3 =	vperm.xlane v3, v2;
	v4 =	vadd.s32 v1, v4;
	_ =	sdelay $0x1  }
0x26: {  	v3 =	vadd.s32 v1, v3;
	_ =	sdelay $0x2  }
0x27: {  	[tilespmem:s10], [sflag:$0x1] =	stream.indirect_vreg.gather [hbm4b:s3+s2], $0x80, v4, vm0, $0xb8;
	[tilespmem:$0x8080] =	vst v63  }
0x28: {  	_ = 	snop  }
0x29: {  	[tilespmem:s11], [sflag:$0x1] =	stream.indirect_vreg.gather [hbm4b:s3+s2], $0x80, v3, vm0, $0xb8;
	[tilespmem:$0x8080] =	vst v63  }
0x2a: {  	v3 =	vld [tilespmem:$0x20];
	_ =	sdelay $0x4  }
0x2b: {  	v58 =	vshll.u32 v3, $0x1  }
0x2c: {  	v3 =	vand.u32 $0x7, v3;
	v4 =	vand.u32 $0xFFFFFFF0, v58  }
0x2d: {  	v3 =	vor.u32 v3, v4  }
0x2e: {  	v4 =	vperm.xlane v3, v0;
	_ =	sdelay $0x1  }
0x2f: {  	v3 =	vperm.xlane v3, v2;
	v4 =	vadd.s32 v1, v4;
	_ =	sdelay $0x1  }
0x30: {  	v3 =	vadd.s32 v1, v3;
	_ =	sdelay $0x2  }
0x31: {  	[tilespmem:s12], [sflag:$0x1] =	stream.indirect_vreg.gather [hbm4b:s3+s2], $0x80, v4, vm0, $0xb8;
	[tilespmem:$0x8080] =	vst v63  }
0x32: {  	_ = 	snop  }
0x33: {  	[tilespmem:s13], [sflag:$0x1] =	stream.indirect_vreg.gather [hbm4b:s3+s2], $0x80, v3, vm0, $0xb8;
	[tilespmem:$0x8080] =	vst v63  }
0x34: {  	v3 =	vld [tilespmem:$0x30];
	_ =	sdelay $0x4  }
0x35: {  	v59 =	vshll.u32 v3, $0x1  }
0x36: {  	v3 =	vand.u32 $0x7, v3;
	v4 =	vand.u32 $0xFFFFFFF0, v59  }
0x37: {  	v3 =	vor.u32 v3, v4  }
0x38: {  	v4 =	vperm.xlane v3, v0;
	_ =	sdelay $0x1  }
0x39: {  	v3 =	vperm.xlane v3, v2;
	v4 =	vadd.s32 v1, v4;
	_ =	sdelay $0x1  }
0x3a: {  	v3 =	vadd.s32 v1, v3;
	_ =	sdelay $0x2  }
0x3b: {  	[tilespmem:s14], [sflag:$0x1] =	stream.indirect_vreg.gather [hbm4b:s3+s2], $0x80, v4, vm0, $0xb8;
	[tilespmem:$0x8080] =	vst v63  }
0x3c: {  	_ = 	snop  }
0x3d: {  	[tilespmem:s15], [sflag:$0x1] =	stream.indirect_vreg.gather [hbm4b:s3+s2], $0x80, v3, vm0, $0xb8;
	[tilespmem:$0x8080] =	vst v63  }
0x3e: {  	v3 =	vld [tilespmem:$0x40];
	_ =	sdelay $0x4  }
0x3f: {  	v60 =	vshll.u32 v3, $0x1  }
0x40: {  	v3 =	vand.u32 $0x7, v3;
	v4 =	vand.u32 $0xFFFFFFF0, v60  }
0x41: {  	v3 =	vor.u32 v3, v4  }
0x42: {  	v4 =	vperm.xlane v3, v0;
	_ =	sdelay $0x1  }
0x43: {  	v3 =	vperm.xlane v3, v2;
	v4 =	vadd.s32 v1, v4;
	_ =	sdelay $0x1  }
0x44: {  	v3 =	vadd.s32 v1, v3;
	_ =	sdelay $0x2  }
0x45: {  	[tilespmem:s16], [sflag:$0x1] =	stream.indirect_vreg.gather [hbm4b:s3+s2], $0x80, v4, vm0, $0xb8;
	[tilespmem:$0x8080] =	vst v63  }
0x46: {  	_ = 	snop  }
0x47: {  	[tilespmem:s17], [sflag:$0x1] =	stream.indirect_vreg.gather [hbm4b:s3+s2], $0x80, v3, vm0, $0xb8;
	[tilespmem:$0x8080] =	vst v63  }
0x48: {  	v3 =	vld [tilespmem:$0x50];
	_ =	sdelay $0x4  }
0x49: {  	v61 =	vshll.u32 v3, $0x1  }
0x4a: {  	v3 =	vand.u32 $0x7, v3;
	v4 =	vand.u32 $0xFFFFFFF0, v61  }
0x4b: {  	v3 =	vor.u32 v3, v4  }
0x4c: {  	v4 =	vperm.xlane v3, v0;
	_ =	sdelay $0x1  }
0x4d: {  	v3 =	vperm.xlane v3, v2;
	v4 =	vadd.s32 v1, v4;
	_ =	sdelay $0x1  }
0x4e: {  	v3 =	vadd.s32 v1, v3;
	_ =	sdelay $0x2  }
0x4f: {  	[tilespmem:s18], [sflag:$0x1] =	stream.indirect_vreg.gather [hbm4b:s3+s2], $0x80, v4, vm0, $0xb8;
	[tilespmem:$0x8080] =	vst v63  }
0x50: {  	_ = 	snop  }
0x51: {  	[tilespmem:s19], [sflag:$0x1] =	stream.indirect_vreg.gather [hbm4b:s3+s2], $0x80, v3, vm0, $0xb8;
	[tilespmem:$0x8080] =	vst v63  }
0x52: {  	v3 =	vld [tilespmem:$0x60];
	_ =	sdelay $0x4  }
0x53: {  	v62 =	vshll.u32 v3, $0x1  }
0x54: {  	v3 =	vand.u32 $0x7, v3;
	v4 =	vand.u32 $0xFFFFFFF0, v62  }
0x55: {  	v3 =	vor.u32 v3, v4  }
0x56: {  	v4 =	vperm.xlane v3, v0;
	_ =	sdelay $0x1  }
0x57: {  	v3 =	vperm.xlane v3, v2;
	v4 =	vadd.s32 v1, v4;
	_ =	sdelay $0x1  }
0x58: {  	v3 =	vadd.s32 v1, v3;
	_ =	sdelay $0x2  }
0x59: {  	[tilespmem:s20], [sflag:$0x1] =	stream.indirect_vreg.gather [hbm4b:s3+s2], $0x80, v4, vm0, $0xb8;
	[tilespmem:$0x8080] =	vst v63  }
0x5a: {  	_ = 	snop  }
0x5b: {  	[tilespmem:s21], [sflag:$0x1] =	stream.indirect_vreg.gather [hbm4b:s3+s2], $0x80, v3, vm0, $0xb8;
	[tilespmem:$0x8080] =	vst v63  }
0x5c: {  	v3 =	vld [tilespmem:$0x70];
	_ =	sdelay $0x4  }
0x5d: {  	v63 =	vshll.u32 v3, $0x1  }
0x5e: {  	v3 =	vand.u32 $0x7, v3;
	v4 =	vand.u32 $0xFFFFFFF0, v63  }
0x5f: {  	v3 =	vor.u32 v3, v4  }
0x60: {  	v4 =	vperm.xlane v3, v0;
	_ =	sdelay $0x1  }
0x61: {  	v3 =	vperm.xlane v3, v2;
	v4 =	vadd.s32 v1, v4;
	_ =	sdelay $0x1  }
0x62: {  	v3 =	vadd.s32 v1, v3;
	_ =	sdelay $0x2  }
0x63: {  	[tilespmem:s22], [sflag:$0x1] =	stream.indirect_vreg.gather [hbm4b:s3+s2], $0x80, v4, vm0, $0xb8;
	[tilespmem:$0x8080] =	vst v63  }
0x64: {  	_ = 	snop  }
0x65: {  	[tilespmem:s23], [sflag:$0x1] =	stream.indirect_vreg.gather [hbm4b:s3+s2], $0x80, v3, vm0, $0xb8;
	[tilespmem:$0x8080] =	vst v63  }
0x66: {  	_ =	swait.ge [sflag:s24], $0x8000  }
0x67: {  	p0 =	sne.s32 s28, $0x1F0;
	[sflag:s24] =	ssyncset.done $0x0  }
.Ltmp0:
0x68: {  	[sflag:s24] =	ssyncadd.s32 $0xFFFF8000;
	(pc) =	sbr.rel @p0 .LBB2_2-.Ltmp0, $4  }
0x69: {  	[hbm4b:s26+s2] =	stream.linear.scatter [tilespmem:s8], [sflag:$0x2], $0x8000, $0x38;
	[tilespmem:$0x8080] =	vst v63  }
0x6a: {  	_ =	swait.ge [sflag:s7], $0x8000  }
0x6b: {  	[sflag:s7] =	ssyncset.done $0x0  }
0x6c: {  	s28 =	sadd.s32 $0x10, s28;
	s26 =	sadd.s32 $0x1000, s26;
	[sflag:s7] =	ssyncadd.s32 $0xFFFF8000  }
0x6d: {  	s25 =	sadd.s32 $0x1, s25  }
0x6e: {  	p0 =	sne.s32 s25, s4  }
.Ltmp1:
0x6f: {  	_ = 	snop;
	(pc) =	sbr.rel @p0 .LBB2_1-.Ltmp1, $1  }
0x70: {  	_ =	sdelay $0x3  }
0x71: {  	_ =	sfence.sel $0x180000  }
0x72: {  	[bflag:$0x0] =	sbarrier.arrive $0xFFFF  }
0x73: {  	p0 =	sne.s32 s1, $0x0;
	_ =	strace $0x90000053  }
0x74: {  	s0 =	sadd.s32 @!p0 $0x100000, s0;
	[bflag:$0x2] =	sbarrier.arrive $0xFFFF  }
0x75: {  	[sflag:s0] =	ssyncadd.tile.s32 @!p0 $0x1;
	_ =	shalt  }
.Lfunc_end2:
_tile_overlayer_lowered:
.L_overlay_start_2:
0x76: {  	(tag) =	ssettag $0x2  }
0x77: {  	s0 =	rddreg [dreg:$0x0];
	s2 =	stileid.u32  }
0x78: {  	s1 =	rddreg [dreg:$0x1];
	p0 =	sne.s32 s2, $0x0  }
0x79: {  	s3 =	rddreg [dreg:$0x2];
	[bflag:$0x3] =	sbarrier.arrive $0xFFFF;
	s2 =	simm.s32 @!p0 $0x1C02  }
0x7a: {  	[timem:s3], [sflag:s2] =	dma.local @!p0 [hbm:s0], s1  }
0x7b: {  	s0 =	simm.s32 @!p0 $0x2  }
0x7c: {  	_ =	swait.ge @!p0 [sflag:s0], s1  }
0x7d: {  	s1 =	ssub.s32 @!p0 $0x0, s1;
	[sflag:s0] =	ssyncset.done @!p0 $0x0  }
0x7e: {  	[sflag:s0] =	ssyncadd.s32 @!p0 s1  }
0x7f: {  	[bflag:$0x3] =	sbarrier.arrive $0xFFFF  }
0x80: {  	_ =	shalt  }

// kernel: kernel.46.cloned.1.call-start
scs
__scs_entry_jumppad:
0x0: {  	(pc) =	sbr.rel $0x88, $3  }
0x1: {  	(tag) =	ssettag $0x0;
	lr =	simm.s32 $0x1  }
0x2: {  	[smem:$0x3F86] =	sst lr;
	_ =	strace $0xD0000000  }
0x3: {  	_ = 	snop  }
0x4: {  	_ = 	snop  }
0x5: {  	_ = 	snop  }
0x6: {  	_ = 	snop  }
0x7: {  	_ = 	snop  }
__scs_overlays_trampoline_lowered:
0x8: {  	[smem:$0x3F95] =	sst s0  }
0x9: {  	[smem:$0x3F96] =	sst s1  }
0xa: {  	[smem:$0x3F97] =	sst s2  }
0xb: {  	[smem:$0x3F98] =	sst s3  }
0xc: {  	[smem:$0x3F99] =	sst s4  }
0xd: {  	[smem:$0x3F9A] =	sst s5  }
0xe: {  	[smem:$0x3F9B] =	sst s6  }
0xf: {  	[smem:$0x3F9C] =	sst s7  }
0x10: {  	[smem:$0x3F9D] =	sst s8  }
0x11: {  	[smem:$0x3F9E] =	sst s9;
	s0 =	simm.s32 @!p0 $0x0  }
0x12: {  	s1 =	sld [smem:$0x3F84];
	s0 =	simm.s32 @p0 $0x1  }
0x13: {  	[smem:$0x3F9F] =	sst s0;
	s0 =	simm.s32 @!p1 $0x0  }
0x14: {  	s2 =	sld [smem:$0x3F83];
	s0 =	simm.s32 @p1 $0x1  }
0x15: {  	[smem:$0x3FA0] =	sst s0;
	s0 =	simm.s32 @!p2 $0x0  }
0x16: {  	s3 =	sld [smem:$0x3FDB];
	s0 =	simm.s32 @p2 $0x1  }
0x17: {  	s4 =	simm.s32 $0x1BF5;
	[smem:$0x3FA2] =	sst s0  }
0x18: {  	s0 =	sld [smem:$0x3F85];
	_ =	swait.ge [sflag:s4], $0x0  }
0x19: {  	s7 =	sld [smem:$0x3F86]  }
0x1a: {  	s8 =	sadd.s32 $0xFFFFE003, lr  }
0x1b: {  	s9 =	sadd.s32 $0xFFFFFEF7, lr;
	s5 =	simm.s32 $0xFFFFFFFF;
	p2 =	slt.u32 s8, $0xFFFFF086  }
0x1c: {  	p1 =	slt.u32 s9, $0xF7A;
	s5 =	simm.s32 @!p2 $0x0  }
0x1d: {  	s5 =	simm.s32 @p1 $0x1;
	p0 =	seq.s32 s7, s2  }
0x1e: {  	s7 =	smul.u32 @!p0 $0xF7A, s2;
	p2 =	seq.s32 @!p0 s5, $0x0  }
0x1f: {  	s9 =	smul.u32 $0xF7A, s1;
	s8 =	simm.s32 @!p0 $0x1BF5;
	p2 =	por !p2, p0  }
0x20: {  	[sflag:s8] =	ssyncset.s32 @!p0 $0xFFFFF086;
	s6 =	sadd.s32 @!p0 s3, s7;
	s7 =	simm.s32 @!p0 $0x108  }
0x21: {  	s3 =	sadd.s32 s3, s9;
	s6 =	sadd.s32 @!p0 $0x88, s6;
	s7 =	simm.s32 @p2 $0x1082  }
0x22: {  	[simem:s7], [sflag:s8] =	dma.local @!p0 [hbm:s6], $0xF7A  }
0x23: {  	s9 =	sor.u32 $0xD0000000, s2;
	s6 =	simm.s32 $0x108;
	_ =	swait.ge @!p0 [sflag:s8], $0x0  }
0x24: {  	s3 =	sadd.s32 $0x88, s3;
	s6 =	simm.s32 @!p1 $0x1082;
	[sflag:s4] =	ssyncset.s32 $0xFFFFF086  }
0x25: {  	[simem:s6], [sflag:s4] =	dma.local [hbm:s3], $0xF7A  }
0x26: {  	[smem:$0x3F86] =	sst s1;
	(tag) =	ssettag s2;
	_ =	strace s9  }
0x27: {  	s1 =	sld [smem:$0x3F96]  }
0x28: {  	s2 =	sld [smem:$0x3F97]  }
0x29: {  	s4 =	sld [smem:$0x3F99]  }
0x2a: {  	p0 =	seq.s32 s5, $0x0;
	s5 =	sld [smem:$0x3F9A]  }
0x2b: {  	s6 =	sld [smem:$0x3F9B]  }
0x2c: {  	s7 =	sld [smem:$0x3F9C]  }
0x2d: {  	s3 =	simm.s32 $0x108;
	s8 =	sld [smem:$0x3F9D]  }
0x2e: {  	s3 =	simm.s32 @!p0 $0x1082;
	s9 =	sld [smem:$0x3F9E]  }
0x2f: {  	lr =	sadd.s32 s0, s3;
	s0 =	sld [smem:$0x3F95]  }
0x30: {  	s3 =	sld [smem:$0x3F98]  }
0x31: {  	[smem:$0x3FA1] =	sst s10  }
0x32: {  	s10 =	sld [smem:$0x3F9F];
	_ =	sdelay $0x3  }
0x33: {  	p0 =	seq.s32 s10, $0x1;
	s10 =	sld [smem:$0x3FA1];
	_ =	sdelay $0x3  }
0x34: {  	[smem:$0x3FA1] =	sst s10  }
0x35: {  	s10 =	sld [smem:$0x3FA0];
	_ =	sdelay $0x3  }
0x36: {  	p1 =	seq.s32 s10, $0x1;
	s10 =	sld [smem:$0x3FA1];
	_ =	sdelay $0x3  }
0x37: {  	[smem:$0x3FA1] =	sst s10  }
0x38: {  	s10 =	sld [smem:$0x3FA2]  }
0x39: {  	_ = 	snop;
	(pc) =	sbr.ind lr, $3  }
0x3a: {  	_ = 	snop  }
0x3b: {  	_ = 	snop  }
0x3c: {  	p2 =	seq.s32 s10, $0x1;
	s10 =	sld [smem:$0x3FA1]  }
0x3d: {  	_ =	shalt  }
0x3e: {  	_ =	shalt  }
0x3f: {  	_ =	shalt  }
0x40: {  	_ =	shalt  }
0x41: {  	_ =	shalt  }
0x42: {  	_ =	shalt  }
0x43: {  	_ =	shalt  }
0x44: {  	_ =	shalt  }
0x45: {  	_ =	shalt  }
0x46: {  	_ =	shalt  }
0x47: {  	_ =	shalt  }
0x48: {  	_ =	shalt  }
0x49: {  	_ =	shalt  }
0x4a: {  	_ =	shalt  }
0x4b: {  	_ =	shalt  }
0x4c: {  	_ =	shalt  }
0x4d: {  	_ =	shalt  }
0x4e: {  	_ =	shalt  }
0x4f: {  	_ =	shalt  }
0x50: {  	_ =	shalt  }
0x51: {  	_ =	shalt  }
0x52: {  	_ =	shalt  }
0x53: {  	_ =	shalt  }
0x54: {  	_ =	shalt  }
0x55: {  	_ =	shalt  }
0x56: {  	_ =	shalt  }
0x57: {  	_ =	shalt  }
0x58: {  	_ =	shalt  }
0x59: {  	_ =	shalt  }
0x5a: {  	_ =	shalt  }
0x5b: {  	_ =	shalt  }
0x5c: {  	_ =	shalt  }
0x5d: {  	_ =	shalt  }
0x5e: {  	_ =	shalt  }
0x5f: {  	_ =	shalt  }
0x60: {  	_ =	shalt  }
0x61: {  	_ =	shalt  }
0x62: {  	_ =	shalt  }
0x63: {  	_ =	shalt  }
0x64: {  	_ =	shalt  }
0x65: {  	_ =	shalt  }
0x66: {  	_ =	shalt  }
0x67: {  	_ =	shalt  }
0x68: {  	_ =	shalt  }
0x69: {  	_ =	shalt  }
0x6a: {  	_ =	shalt  }
0x6b: {  	_ =	shalt  }
0x6c: {  	_ =	shalt  }
0x6d: {  	_ =	shalt  }
0x6e: {  	_ =	shalt  }
0x6f: {  	_ =	shalt  }
0x70: {  	_ =	shalt  }
0x71: {  	_ =	shalt  }
0x72: {  	_ =	shalt  }
0x73: {  	_ =	shalt  }
0x74: {  	_ =	shalt  }
0x75: {  	_ =	shalt  }
0x76: {  	_ =	shalt  }
0x77: {  	_ =	shalt  }
0x78: {  	_ =	shalt  }
0x79: {  	_ =	shalt  }
0x7a: {  	_ =	shalt  }
0x7b: {  	_ =	shalt  }
0x7c: {  	_ =	shalt  }
0x7d: {  	_ =	shalt  }
0x7e: {  	_ =	shalt  }
0x7f: {  	_ =	shalt  }
0x80: {  	_ =	shalt  }
0x81: {  	_ =	shalt  }
0x82: {  	_ =	shalt  }
0x83: {  	_ =	shalt  }
0x84: {  	_ =	shalt  }
0x85: {  	_ =	shalt  }
0x86: {  	_ =	shalt  }
0x87: {  	_ =	shalt  }
.Lfunc_end0:
.L_simem_size_0:
called_computation.5_lowered:
.L_overlay_start_0:
0x88: {  	s2 =	sld [smem:$0x3FD9]  }
0x89: {  	s3 =	sld [smem:$0x3FFE];
	_ =	sdelay $0x1  }
0x8a: {  	s1 =	srdreg.scid  }
0x8b: {  	s0 =	sand.u32 $0x1, s1  }
0x8c: {  	s14 =	sshll.u32 s0, $0xA;
	s2 =	sadd.s32 s3, s2  }
0x8d: {  	s2 =	sadd.s32 s2, s14  }
0x8e: {  	[smem:$0x3FAD] =	sst s2  }
0x8f: {  	_ = 	snop  }
0x90: {  	s2 =	sld [smem:$0x3FD0];
	_ =	sdelay $0x2  }
0x91: {  	s15 =	simm.s32 $0xA;
	s4 =	simm.s32 $0x10  }
0x92: {  	[smem:s4], [sflag:s15] =	dma.local [hbm:s2], $0x1  }
0x93: {  	_ =	swait.eq [sflag:s15], $0x1  }
0x94: {  	[sflag:s15] =	ssyncset.done $0x0  }
0x95: {  	[sflag:s15] =	ssyncadd.s32 $0xFFFFFFFF  }
0x96: {  	s16 =	sld [smem:$0x13];
	(tm) =	ssettm $0x1  }
0x97: {  	s17 =	sld [smem:$0x3FFB];
	_ =	sdelay $0x3  }
0x98: {  	_ =	strace s17  }
0x99: {  	s3 =	sld [smem:$0x3FFC];
	_ =	sdelay $0x3  }
0x9a: {  	_ =	strace s3  }
0x9b: {  	s3 =	sld [smem:$0x3FFD];
	_ =	sdelay $0x3  }
0x9c: {  	_ =	strace s3  }
0x9d: {  	_ =	strace $0x8FFFFFFF  }
0x9e: {  	s18 =	sld [smem:$0x3FDB];
	_ =	sdelay $0x1  }
0x9f: {  	s19 =	simm.s32 $_scs_section_size  }
0xa0: {  	s5 =	simm.s32 $_size__tile_overlayer_lowered;
	s6 =	simm.s32 $_tile_overlayer_lowered  }
0xa1: {  	s22 =	simm.s32 $0x1BFF;
	s21 =	sshll.u32 s6, $0x1;
	s3 =	sadd.s32 s19, s18  }
0xa2: {  	s7 =	simm.s32 $0x0;
	s20 =	sshll.u32 s5, $0x1;
	s5 =	sadd.s32 s21, s3  }
0xa3: {  	[timem:s7], [sflag:s22] =	dma.local [hbm:s5], s20  }
0xa4: {  	_ =	swait.ge [sflag:s22], s20  }
0xa5: {  	s4 =	ssub.s32 $0x0, s20;
	[sflag:s22] =	ssyncset.done $0x0  }
0xa6: {  	[sflag:s22] =	ssyncadd.s32 s4;
	_ =	sdelay $0x1  }
0xa7: {  	s23 =	simm.s32 $0x1B8B  }
0xa8: {  	_ =	swait.ge [sflag:s23], $0x1  }
0xa9: {  	[sflag:s23] =	ssyncset.done $0x0  }
0xaa: {  	s25 =	simm.s32 $0x1B8E;
	s24 =	sld [smem:$0x3FFE];
	[sflag:s23] =	ssyncadd.s32 $0xFFFFFFFF  }
0xab: {  	s26 =	simm.s32 $execute0_lowered;
	[smem:$0x3FD2] =	sst s25  }
0xac: {  	s5 =	sshll.u32 s26, $0x1;
	_ =	strace $0x80000055;
	[dreg:$0x1] =	wrdreg $0xFFFFFFFF  }
0xad: {  	s28 =	simm.s32 $_size_execute0_lowered;
	s3 =	sadd.s32 s3, s5;
	[dreg:$0x0] =	wrdreg $0x0  }
0xae: {  	s5 =	sshll.u32 s28, $0x1;
	[dreg:$0x2] =	wrdreg s3  }
0xaf: {  	[dreg:$0x3] =	wrdreg s5  }
0xb0: {  	[dreg:$0x4] =	wrdreg $0xC0  }
0xb1: {  	_ =	task [dreg:s7], $0x5FFFF  }
0xb2: {  	[dreg:$0x1] =	wrdreg $0xFFFFFFFF  }
0xb3: {  	[dreg:$0x0] =	wrdreg $0x60  }
0xb4: {  	[dreg:$0x2] =	wrdreg s24  }
0xb5: {  	[dreg:$0x3] =	wrdreg s16  }
0xb6: {  	[dreg:$0x4] =	wrdreg $0x9  }
0xb7: {  	_ =	task.clear_ibuf [dreg:s7], $0x5FFFF;
	_ =	strace $0x90000055  }
0xb8: {  	s29 =	simm.s32 $0x9;
	_ =	strace $0x80000057  }
0xb9: {  	_ =	swait.ge [sflag:s29], $0x1  }
0xba: {  	[sflag:s29] =	ssyncadd.s32 $0xFFFFFFFF  }
0xbb: {  	_ =	strace $0x90000057  }
0xbc: {  	_ =	sfence  }
0xbd: {  	s30 =	sld [smem:$0x0];
	_ =	sdelay $0x2  }
0xbe: {  	s31 =	sshll.u32 s1, $0xD;
	s1 =	sshrl.u32 s1, $0x2  }
0xbf: {  	s3 =	sand.u32 $0x4000, s31;
	s1 =	sadd.s32 s1, s30  }
0xc0: {  	s0 =	sor.u32 s3, s0;
	s1 =	sshll.u32 s1, $0x11  }
0xc1: {  	s0 =	sor.u32 s1, s0  }
0xc2: {  	s0 =	sadd.s32 $0x8F2B, s0  }
0xc3: {  	[sflag:s0] =	ssyncadd.remote.s32 $0x1  }
0xc4: {  	_ =	sfence.sel $0xFFFF  }
0xc5: {  	[dreg:$0x0] =	wrdreg $0xFFFFFFFF;
	(pc) =	sbr.abs _section_cstart, $3  }
0xc6: {  	[dreg:$0x1] =	wrdreg $0xFFFFFFFF  }
0xc7: {  	_ =	task.clear_ibuf [dreg:s7], $0x2FFFF;
	_ =	strace $0x9FFFFFFF  }
0xc8: {  	(tm) =	ssettm $0x7FFFFFFF  }
0xc9: {  	_ =	shalt  }
tec
execute0_lowered:
.L_overlay_start_1:
0x0: {  	(tag) =	ssettag $0x1  }
0x1: {  	s1 =	srdreg.scid  }
0x2: {  	s7 =	rddreg [dreg:$0x0];
	s0 =	stileid.u32  }
0x3: {  	s3 =	rddreg [dreg:$0x1];
	s2 =	simm.s32 $0x0;
	s5 =	sand.u32 $0x1, s1  }
0x4: {  	s4 =	sshll.u32 s0, $0x8;
	s1 =	rddreg [dreg:$0x2];
	s6 =	sshll.u32 s5, $0x7  }
0x5: {  	[smem:$0x7FF] =	sst s2;
	s6 =	sor.u32 s6, s4  }
0x6: {  	_ =	strace $0x80000056;
	s8 =	ssub.s32 $0x2, s5;
	s4 =	sshrl.u32 s6, $0x3  }
0x7: {  	s9 =	sshrl.u32 s8, $0x1;
	s3 =	sadd.s32 s3, s4;
	s4 =	simm.s32 $0x2  }
0x8: {  	[tilespmem:s2], [sflag:$0x2] =	stream.linear.gather [hbm4b:s3+s2], $0x80, $0x38;
	[tilespmem:$0x4080] =	vst v63  }
0x9: {  	s6 =	sshll.u32 s6, $0x4;
	s8 =	ssub.s32 s8, s9;
	_ =	swait.ge [sflag:s4], $0x80  }
0xa: {  	s6 =	sadd.s32 s6, s7;
	s9 =	smax.u32 s8, $0x1;
	[sflag:s4] =	ssyncset.done $0x0  }
0xb: {  	s5 =	sadd.s32 $0x28C00, s6;
	s6 =	simm.s32 $0x80;
	[sflag:s4] =	ssyncadd.s32 $0xFFFFFF80  }
0xc: {  	[tilespmem:s6], [sflag:$0x2] =	stream.linear.gather [hbm4b:s5+s2], $0x4000, $0x38;
	[tilespmem:$0x4080] =	vst v63  }
0xd: {  	p0 =	sne.s32 s9, $0x1;
	_ =	swait.ge [sflag:s4], $0x4000  }
.Ltmp0:
0xe: {  	[sflag:s4] =	ssyncset.done $0x0;
	(pc) =	sbr.rel @!p0 .LBB2_2-.Ltmp0, $4  }
0xf: {  	s7 =	sadd.s32 $0x38C00, s7;
	s8 =	simm.s32 $0x1;
	[sflag:s4] =	ssyncadd.s32 $0xFFFFC000  }
0x10: {  	[hbm4b:s7+s6] =	stream.indirect.scatter [tilespmem:s6], [sflag:$0x1], $0x80, s2, s6, $0xb8;
	[tilespmem:$0x4080] =	vst v63  }
0x11: {  	_ =	swait.ge [sflag:s8], $0x4000  }
0x12: {  	s9 =	sadd.s32 $0xFFFFFFFF, s9;
	[sflag:s8] =	ssyncset.done $0x0  }
.LBB2_1:
0x13: {  	p0 =	sne.s32 s9, $0x1;
	s9 =	sadd.s32 $0xFFFFFFFF, s9;
	[sflag:s8] =	ssyncadd.s32 $0xFFFFC000  }
0x14: {  	[tilespmem:s2], [sflag:$0x2] =	stream.linear.gather [hbm4b:s3+s2], $0x80, $0x38;
	[tilespmem:$0x4080] =	vst v63  }
0x15: {  	_ =	swait.ge [sflag:s4], $0x80  }
0x16: {  	[sflag:s4] =	ssyncset.done $0x0  }
0x17: {  	[sflag:s4] =	ssyncadd.s32 $0xFFFFFF80  }
0x18: {  	[tilespmem:s6], [sflag:$0x2] =	stream.linear.gather [hbm4b:s5+s2], $0x4000, $0x38;
	[tilespmem:$0x4080] =	vst v63  }
0x19: {  	_ =	swait.ge [sflag:s4], $0x4000  }
.Ltmp1:
0x1a: {  	[sflag:s4] =	ssyncset.done $0x0;
	(pc) =	sbr.rel @p0 .LBB2_1-.Ltmp1, $4  }
0x1b: {  	[sflag:s4] =	ssyncadd.s32 $0xFFFFC000  }
0x1c: {  	[hbm4b:s7+s6] =	stream.indirect.scatter [tilespmem:s6], [sflag:$0x1], $0x80, s2, s6, $0xb8;
	[tilespmem:$0x4080] =	vst v63  }
0x1d: {  	_ =	swait.ge [sflag:s8], $0x4000  }
0x1e: {  	[sflag:s8] =	ssyncset.done $0x0  }
.LBB2_2:
0x1f: {  	[sflag:s8] =	ssyncadd.s32 $0xFFFFC000  }
0x20: {  	_ =	sfence.sel $0x180000  }
0x21: {  	[bflag:$0x0] =	sbarrier.arrive $0xFFFF  }
0x22: {  	p0 =	sne.s32 s0, $0x0;
	_ =	strace $0x90000056  }
0x23: {  	s0 =	sadd.s32 @!p0 $0x100000, s1;
	[bflag:$0x2] =	sbarrier.arrive $0xFFFF  }
0x24: {  	[sflag:s0] =	ssyncadd.tile.s32 @!p0 $0x1;
	_ =	shalt  }
.Lfunc_end2:
_tile_overlayer_lowered:
.L_overlay_start_2:
0x25: {  	(tag) =	ssettag $0x2  }
0x26: {  	s0 =	rddreg [dreg:$0x0];
	s2 =	stileid.u32  }
0x27: {  	s1 =	rddreg [dreg:$0x1];
	p0 =	sne.s32 s2, $0x0  }
0x28: {  	s3 =	rddreg [dreg:$0x2];
	[bflag:$0x3] =	sbarrier.arrive $0xFFFF;
	s2 =	simm.s32 @!p0 $0x1C02  }
0x29: {  	[timem:s3], [sflag:s2] =	dma.local @!p0 [hbm:s0], s1  }
0x2a: {  	s0 =	simm.s32 @!p0 $0x2  }
0x2b: {  	_ =	swait.ge @!p0 [sflag:s0], s1  }
0x2c: {  	s1 =	ssub.s32 @!p0 $0x0, s1;
	[sflag:s0] =	ssyncset.done @!p0 $0x0  }
0x2d: {  	[sflag:s0] =	ssyncadd.s32 @!p0 s1  }
0x2e: {  	[bflag:$0x3] =	sbarrier.arrive $0xFFFF  }
0x2f: {  	_ =	shalt  }

// kernel: kernel.49.cloned.1.call-start
scs
__scs_entry_jumppad:
0x0: {  	(pc) =	sbr.rel $0x88, $3  }
0x1: {  	(tag) =	ssettag $0x0;
	lr =	simm.s32 $0x1  }
0x2: {  	[smem:$0x3F86] =	sst lr;
	_ =	strace $0xD0000000  }
0x3: {  	_ = 	snop  }
0x4: {  	_ = 	snop  }
0x5: {  	_ = 	snop  }
0x6: {  	_ = 	snop  }
0x7: {  	_ = 	snop  }
__scs_overlays_trampoline_lowered:
0x8: {  	[smem:$0x3F95] =	sst s0  }
0x9: {  	[smem:$0x3F96] =	sst s1  }
0xa: {  	[smem:$0x3F97] =	sst s2  }
0xb: {  	[smem:$0x3F98] =	sst s3  }
0xc: {  	[smem:$0x3F99] =	sst s4  }
0xd: {  	[smem:$0x3F9A] =	sst s5  }
0xe: {  	[smem:$0x3F9B] =	sst s6  }
0xf: {  	[smem:$0x3F9C] =	sst s7  }
0x10: {  	[smem:$0x3F9D] =	sst s8  }
0x11: {  	[smem:$0x3F9E] =	sst s9;
	s0 =	simm.s32 @!p0 $0x0  }
0x12: {  	s1 =	sld [smem:$0x3F84];
	s0 =	simm.s32 @p0 $0x1  }
0x13: {  	[smem:$0x3F9F] =	sst s0;
	s0 =	simm.s32 @!p1 $0x0  }
0x14: {  	s2 =	sld [smem:$0x3F83];
	s0 =	simm.s32 @p1 $0x1  }
0x15: {  	[smem:$0x3FA0] =	sst s0;
	s0 =	simm.s32 @!p2 $0x0  }
0x16: {  	s3 =	sld [smem:$0x3FDB];
	s0 =	simm.s32 @p2 $0x1  }
0x17: {  	s4 =	simm.s32 $0x1BF5;
	[smem:$0x3FA2] =	sst s0  }
0x18: {  	s0 =	sld [smem:$0x3F85];
	_ =	swait.ge [sflag:s4], $0x0  }
0x19: {  	s7 =	sld [smem:$0x3F86]  }
0x1a: {  	s8 =	sadd.s32 $0xFFFFE003, lr  }
0x1b: {  	s9 =	sadd.s32 $0xFFFFFEF7, lr;
	s5 =	simm.s32 $0xFFFFFFFF;
	p2 =	slt.u32 s8, $0xFFFFF086  }
0x1c: {  	p1 =	slt.u32 s9, $0xF7A;
	s5 =	simm.s32 @!p2 $0x0  }
0x1d: {  	s5 =	simm.s32 @p1 $0x1;
	p0 =	seq.s32 s7, s2  }
0x1e: {  	s7 =	smul.u32 @!p0 $0xF7A, s2;
	p2 =	seq.s32 @!p0 s5, $0x0  }
0x1f: {  	s9 =	smul.u32 $0xF7A, s1;
	s8 =	simm.s32 @!p0 $0x1BF5;
	p2 =	por !p2, p0  }
0x20: {  	[sflag:s8] =	ssyncset.s32 @!p0 $0xFFFFF086;
	s6 =	sadd.s32 @!p0 s3, s7;
	s7 =	simm.s32 @!p0 $0x108  }
0x21: {  	s3 =	sadd.s32 s3, s9;
	s6 =	sadd.s32 @!p0 $0x88, s6;
	s7 =	simm.s32 @p2 $0x1082  }
0x22: {  	[simem:s7], [sflag:s8] =	dma.local @!p0 [hbm:s6], $0xF7A  }
0x23: {  	s9 =	sor.u32 $0xD0000000, s2;
	s6 =	simm.s32 $0x108;
	_ =	swait.ge @!p0 [sflag:s8], $0x0  }
0x24: {  	s3 =	sadd.s32 $0x88, s3;
	s6 =	simm.s32 @!p1 $0x1082;
	[sflag:s4] =	ssyncset.s32 $0xFFFFF086  }
0x25: {  	[simem:s6], [sflag:s4] =	dma.local [hbm:s3], $0xF7A  }
0x26: {  	[smem:$0x3F86] =	sst s1;
	(tag) =	ssettag s2;
	_ =	strace s9  }
0x27: {  	s1 =	sld [smem:$0x3F96]  }
0x28: {  	s2 =	sld [smem:$0x3F97]  }
0x29: {  	s4 =	sld [smem:$0x3F99]  }
0x2a: {  	p0 =	seq.s32 s5, $0x0;
	s5 =	sld [smem:$0x3F9A]  }
0x2b: {  	s6 =	sld [smem:$0x3F9B]  }
0x2c: {  	s7 =	sld [smem:$0x3F9C]  }
0x2d: {  	s3 =	simm.s32 $0x108;
	s8 =	sld [smem:$0x3F9D]  }
0x2e: {  	s3 =	simm.s32 @!p0 $0x1082;
	s9 =	sld [smem:$0x3F9E]  }
0x2f: {  	lr =	sadd.s32 s0, s3;
	s0 =	sld [smem:$0x3F95]  }
0x30: {  	s3 =	sld [smem:$0x3F98]  }
0x31: {  	[smem:$0x3FA1] =	sst s10  }
0x32: {  	s10 =	sld [smem:$0x3F9F];
	_ =	sdelay $0x3  }
0x33: {  	p0 =	seq.s32 s10, $0x1;
	s10 =	sld [smem:$0x3FA1];
	_ =	sdelay $0x3  }
0x34: {  	[smem:$0x3FA1] =	sst s10  }
0x35: {  	s10 =	sld [smem:$0x3FA0];
	_ =	sdelay $0x3  }
0x36: {  	p1 =	seq.s32 s10, $0x1;
	s10 =	sld [smem:$0x3FA1];
	_ =	sdelay $0x3  }
0x37: {  	[smem:$0x3FA1] =	sst s10  }
0x38: {  	s10 =	sld [smem:$0x3FA2]  }
0x39: {  	_ = 	snop;
	(pc) =	sbr.ind lr, $3  }
0x3a: {  	_ = 	snop  }
0x3b: {  	_ = 	snop  }
0x3c: {  	p2 =	seq.s32 s10, $0x1;
	s10 =	sld [smem:$0x3FA1]  }
0x3d: {  	_ =	shalt  }
0x3e: {  	_ =	shalt  }
0x3f: {  	_ =	shalt  }
0x40: {  	_ =	shalt  }
0x41: {  	_ =	shalt  }
0x42: {  	_ =	shalt  }
0x43: {  	_ =	shalt  }
0x44: {  	_ =	shalt  }
0x45: {  	_ =	shalt  }
0x46: {  	_ =	shalt  }
0x47: {  	_ =	shalt  }
0x48: {  	_ =	shalt  }
0x49: {  	_ =	shalt  }
0x4a: {  	_ =	shalt  }
0x4b: {  	_ =	shalt  }
0x4c: {  	_ =	shalt  }
0x4d: {  	_ =	shalt  }
0x4e: {  	_ =	shalt  }
0x4f: {  	_ =	shalt  }
0x50: {  	_ =	shalt  }
0x51: {  	_ =	shalt  }
0x52: {  	_ =	shalt  }
0x53: {  	_ =	shalt  }
0x54: {  	_ =	shalt  }
0x55: {  	_ =	shalt  }
0x56: {  	_ =	shalt  }
0x57: {  	_ =	shalt  }
0x58: {  	_ =	shalt  }
0x59: {  	_ =	shalt  }
0x5a: {  	_ =	shalt  }
0x5b: {  	_ =	shalt  }
0x5c: {  	_ =	shalt  }
0x5d: {  	_ =	shalt  }
0x5e: {  	_ =	shalt  }
0x5f: {  	_ =	shalt  }
0x60: {  	_ =	shalt  }
0x61: {  	_ =	shalt  }
0x62: {  	_ =	shalt  }
0x63: {  	_ =	shalt  }
0x64: {  	_ =	shalt  }
0x65: {  	_ =	shalt  }
0x66: {  	_ =	shalt  }
0x67: {  	_ =	shalt  }
0x68: {  	_ =	shalt  }
0x69: {  	_ =	shalt  }
0x6a: {  	_ =	shalt  }
0x6b: {  	_ =	shalt  }
0x6c: {  	_ =	shalt  }
0x6d: {  	_ =	shalt  }
0x6e: {  	_ =	shalt  }
0x6f: {  	_ =	shalt  }
0x70: {  	_ =	shalt  }
0x71: {  	_ =	shalt  }
0x72: {  	_ =	shalt  }
0x73: {  	_ =	shalt  }
0x74: {  	_ =	shalt  }
0x75: {  	_ =	shalt  }
0x76: {  	_ =	shalt  }
0x77: {  	_ =	shalt  }
0x78: {  	_ =	shalt  }
0x79: {  	_ =	shalt  }
0x7a: {  	_ =	shalt  }
0x7b: {  	_ =	shalt  }
0x7c: {  	_ =	shalt  }
0x7d: {  	_ =	shalt  }
0x7e: {  	_ =	shalt  }
0x7f: {  	_ =	shalt  }
0x80: {  	_ =	shalt  }
0x81: {  	_ =	shalt  }
0x82: {  	_ =	shalt  }
0x83: {  	_ =	shalt  }
0x84: {  	_ =	shalt  }
0x85: {  	_ =	shalt  }
0x86: {  	_ =	shalt  }
0x87: {  	_ =	shalt  }
.Lfunc_end0:
.L_simem_size_0:
called_computation.6_lowered:
.L_overlay_start_0:
0x88: {  	s2 =	sld [smem:$0x3FD9]  }
0x89: {  	s3 =	sld [smem:$0x3FFE];
	_ =	sdelay $0x1  }
0x8a: {  	s1 =	srdreg.scid  }
0x8b: {  	s0 =	sand.u32 $0x1, s1  }
0x8c: {  	s16 =	sshll.u32 s0, $0xA;
	s2 =	sadd.s32 s3, s2  }
0x8d: {  	s2 =	sadd.s32 s2, s16  }
0x8e: {  	[smem:$0x3FAD] =	sst s2  }
0x8f: {  	_ = 	snop  }
0x90: {  	(tm) =	ssettm $0x1  }
0x91: {  	s17 =	sld [smem:$0x3FFB];
	_ =	sdelay $0x3  }
0x92: {  	_ =	strace s17  }
0x93: {  	s2 =	sld [smem:$0x3FFC];
	_ =	sdelay $0x3  }
0x94: {  	_ =	strace s2  }
0x95: {  	s2 =	sld [smem:$0x3FFD];
	_ =	sdelay $0x3  }
0x96: {  	_ =	strace s2  }
0x97: {  	_ =	strace $0x8FFFFFFF  }
0x98: {  	s18 =	sld [smem:$0x3FDB];
	_ =	sdelay $0x1  }
0x99: {  	s19 =	simm.s32 $_scs_section_size  }
0x9a: {  	s4 =	simm.s32 $_size__tile_overlayer_lowered;
	s5 =	simm.s32 $_tile_overlayer_lowered  }
0x9b: {  	s22 =	simm.s32 $0x1BFF;
	s21 =	sshll.u32 s5, $0x1;
	s2 =	sadd.s32 s19, s18  }
0x9c: {  	s6 =	simm.s32 $0x0;
	s20 =	sshll.u32 s4, $0x1;
	s4 =	sadd.s32 s21, s2  }
0x9d: {  	[timem:s6], [sflag:s22] =	dma.local [hbm:s4], s20  }
0x9e: {  	_ =	swait.ge [sflag:s22], s20  }
0x9f: {  	s3 =	ssub.s32 $0x0, s20;
	[sflag:s22] =	ssyncset.done $0x0  }
0xa0: {  	[sflag:s22] =	ssyncadd.s32 s3;
	_ =	sdelay $0x1  }
0xa1: {  	s23 =	simm.s32 $0x1B8B  }
0xa2: {  	_ =	swait.ge [sflag:s23], $0x1  }
0xa3: {  	[sflag:s23] =	ssyncset.done $0x0  }
0xa4: {  	s25 =	simm.s32 $0x1B8E;
	s24 =	sld [smem:$0x3FFE];
	[sflag:s23] =	ssyncadd.s32 $0xFFFFFFFF  }
0xa5: {  	s26 =	simm.s32 $execute0_lowered;
	[smem:$0x3FD2] =	sst s25  }
0xa6: {  	s4 =	sshll.u32 s26, $0x1;
	_ =	strace $0x80000058;
	[dreg:$0x1] =	wrdreg $0xFFFFFFFF  }
0xa7: {  	s28 =	simm.s32 $_size_execute0_lowered;
	s2 =	sadd.s32 s2, s4;
	[dreg:$0x0] =	wrdreg $0x0  }
0xa8: {  	s4 =	sshll.u32 s28, $0x1;
	[dreg:$0x2] =	wrdreg s2  }
0xa9: {  	[dreg:$0x3] =	wrdreg s4  }
0xaa: {  	[dreg:$0x4] =	wrdreg $0xC0  }
0xab: {  	_ =	task [dreg:s6], $0x5FFFF  }
0xac: {  	[dreg:$0x1] =	wrdreg $0xFFFFFFFF  }
0xad: {  	[dreg:$0x0] =	wrdreg $0x60  }
0xae: {  	[dreg:$0x2] =	wrdreg s24  }
0xaf: {  	[dreg:$0x3] =	wrdreg $0x9  }
0xb0: {  	_ =	task.clear_ibuf [dreg:s6], $0x4FFFF;
	_ =	strace $0x90000058  }
0xb1: {  	s29 =	simm.s32 $0x9;
	_ =	strace $0x8000005A  }
0xb2: {  	_ =	swait.ge [sflag:s29], $0x1  }
0xb3: {  	[sflag:s29] =	ssyncadd.s32 $0xFFFFFFFF  }
0xb4: {  	_ =	strace $0x9000005A  }
0xb5: {  	_ =	sfence  }
0xb6: {  	s30 =	sld [smem:$0x0];
	_ =	sdelay $0x2  }
0xb7: {  	s31 =	sshll.u32 s1, $0xD;
	s1 =	sshrl.u32 s1, $0x2  }
0xb8: {  	s3 =	sand.u32 $0x4000, s31;
	s1 =	sadd.s32 s1, s30  }
0xb9: {  	s0 =	sor.u32 s3, s0;
	s1 =	sshll.u32 s1, $0x11  }
0xba: {  	s0 =	sor.u32 s1, s0  }
0xbb: {  	s0 =	sadd.s32 $0x8F2B, s0  }
0xbc: {  	[sflag:s0] =	ssyncadd.remote.s32 $0x1  }
0xbd: {  	_ =	sfence.sel $0xFFFF  }
0xbe: {  	[dreg:$0x0] =	wrdreg $0xFFFFFFFF;
	(pc) =	sbr.abs _section_cstart, $3  }
0xbf: {  	[dreg:$0x1] =	wrdreg $0xFFFFFFFF  }
0xc0: {  	_ =	task.clear_ibuf [dreg:s6], $0x2FFFF;
	_ =	strace $0x9FFFFFFF  }
0xc1: {  	(tm) =	ssettm $0x7FFFFFFF  }
tec
execute0_lowered:
.L_overlay_start_1:
0x0: {  	(tag) =	ssettag $0x1  }
0x1: {  	s4 =	rddreg [dreg:$0x0]  }
0x2: {  	s0 =	rddreg [dreg:$0x1];
	s2 =	simm.s32 $0x0;
	s3 =	srdreg.scid  }
0x3: {  	s1 =	stileid.u32;
	s10 =	simm.s32 $0x1080;
	s11 =	simm.s32 $0x1880  }
0x4: {  	s12 =	simm.s32 $0x2080;
	s13 =	simm.s32 $0x2880;
	s14 =	simm.s32 $0x3080  }
0x5: {  	s15 =	simm.s32 $0x3880;
	s16 =	simm.s32 $0x4080;
	s17 =	simm.s32 $0x4880  }
0x6: {  	s18 =	simm.s32 $0x5080;
	s19 =	simm.s32 $0x5880;
	s20 =	simm.s32 $0x6080  }
0x7: {  	s21 =	simm.s32 $0x6880;
	s22 =	simm.s32 $0x7080;
	s23 =	simm.s32 $0x7880  }
0x8: {  	s24 =	simm.s32 $0x1;
	s25 =	simm.s32 $0x0;
	[smem:$0x7FF] =	sst s2  }
0x9: {  	s5 =	sand.u32 $0x1, s3;
	s6 =	sshll.u32 s1, $0xC;
	s3 =	sadd.s32 $0x38C00, s4  }
0xa: {  	s8 =	sshll.u32 s1, $0x11;
	_ =	strace $0x80000059;
	s7 =	sshll.u32 s5, $0xB  }
0xb: {  	s31 =	ssub.s32 $0x2, s5;
	s8 =	sadd.s32 s8, s4;
	s5 =	sshll.u32 s5, $0x10  }
0xc: {  	s6 =	sor.u32 s7, s6;
	s9 =	sshrl.u32 s31, $0x1;
	s5 =	sadd.s32 s5, s8  }
0xd: {  	v2 =	vlaneseq.u32;
	s8 =	simm.s32 $0x80;
	s6 =	sshrl.u32 s6, $0x3;
	s7 =	ssub.s32 s31, s9  }
0xe: {  	vm0 =	vmmov $0xffff;
	v1 =	vshrl.u32 v2, $0x3;
	s5 =	sadd.s32 $0x4AC00, s5;
	s9 =	simm.s32 $0x880;
	s6 =	sadd.s32 s6, s4  }
0xf: {  	v0 =	vand.u32 $0x7, v2;
	v2 =	vor.u32 $0x8, v2;
	v1 =	vmul.u32 $0x8, v1;
	s4 =	smax.u32 s7, $0x1;
	s7 =	simm.s32 $0x2;
	s6 =	sadd.s32 $0x48C00, s6  }
.LBB2_1:
0x10: {  	s26 =	smov.u32 s5;
	s28 =	simm.s32 $0x0  }
.LBB2_2:
0x11: {  	s29 =	sadd.s32 s28, s6  }
0x12: {  	[tilespmem:s2], [sflag:$0x2] =	stream.linear.gather [hbm4b:s29+s2], $0x80, $0x38;
	[tilespmem:$0x8080] =	vst v63  }
0x13: {  	_ =	swait.ge [sflag:s7], $0x80  }
0x14: {  	[sflag:s7] =	ssyncset.done $0x0  }
0x15: {  	[sflag:s7] =	ssyncadd.s32 $0xFFFFFF80  }
0x16: {  	v3 =	vld [tilespmem:$0x0];
	_ =	sdelay $0x4  }
0x17: {  	v4 =	vshll.u32 v3, $0x1  }
0x18: {  	v3 =	vand.u32 $0x7, v3;
	v4 =	vand.u32 $0xFFFFFFF0, v4  }
0x19: {  	v3 =	vor.u32 v3, v4  }
0x1a: {  	v4 =	vperm.xlane v3, v0;
	_ =	sdelay $0x1  }
0x1b: {  	v3 =	vperm.xlane v3, v2;
	v4 =	vadd.s32 v1, v4;
	_ =	sdelay $0x1  }
0x1c: {  	v3 =	vadd.s32 v1, v3;
	_ =	sdelay $0x2  }
0x1d: {  	[tilespmem:s8], [sflag:$0x1] =	stream.indirect_vreg.gather [hbm4b:s3+s2], $0x80, v4, vm0, $0xb8;
	[tilespmem:$0x8080] =	vst v63  }
0x1e: {  	_ = 	snop  }
0x1f: {  	[tilespmem:s9], [sflag:$0x1] =	stream.indirect_vreg.gather [hbm4b:s3+s2], $0x80, v3, vm0, $0xb8;
	[tilespmem:$0x8080] =	vst v63  }
0x20: {  	v3 =	vld [tilespmem:$0x10];
	_ =	sdelay $0x4  }
0x21: {  	v57 =	vshll.u32 v3, $0x1  }
0x22: {  	v3 =	vand.u32 $0x7, v3;
	v4 =	vand.u32 $0xFFFFFFF0, v57  }
0x23: {  	v3 =	vor.u32 v3, v4  }
0x24: {  	v4 =	vperm.xlane v3, v0;
	_ =	sdelay $0x1  }
0x25: {  	v3 =	vperm.xlane v3, v2;
	v4 =	vadd.s32 v1, v4;
	_ =	sdelay $0x1  }
0x26: {  	v3 =	vadd.s32 v1, v3;
	_ =	sdelay $0x2  }
0x27: {  	[tilespmem:s10], [sflag:$0x1] =	stream.indirect_vreg.gather [hbm4b:s3+s2], $0x80, v4, vm0, $0xb8;
	[tilespmem:$0x8080] =	vst v63  }
0x28: {  	_ = 	snop  }
0x29: {  	[tilespmem:s11], [sflag:$0x1] =	stream.indirect_vreg.gather [hbm4b:s3+s2], $0x80, v3, vm0, $0xb8;
	[tilespmem:$0x8080] =	vst v63  }
0x2a: {  	v3 =	vld [tilespmem:$0x20];
	_ =	sdelay $0x4  }
0x2b: {  	v58 =	vshll.u32 v3, $0x1  }
0x2c: {  	v3 =	vand.u32 $0x7, v3;
	v4 =	vand.u32 $0xFFFFFFF0, v58  }
0x2d: {  	v3 =	vor.u32 v3, v4  }
0x2e: {  	v4 =	vperm.xlane v3, v0;
	_ =	sdelay $0x1  }
0x2f: {  	v3 =	vperm.xlane v3, v2;
	v4 =	vadd.s32 v1, v4;
	_ =	sdelay $0x1  }
0x30: {  	v3 =	vadd.s32 v1, v3;
	_ =	sdelay $0x2  }
0x31: {  	[tilespmem:s12], [sflag:$0x1] =	stream.indirect_vreg.gather [hbm4b:s3+s2], $0x80, v4, vm0, $0xb8;
	[tilespmem:$0x8080] =	vst v63  }
0x32: {  	_ = 	snop  }
0x33: {  	[tilespmem:s13], [sflag:$0x1] =	stream.indirect_vreg.gather [hbm4b:s3+s2], $0x80, v3, vm0, $0xb8;
	[tilespmem:$0x8080] =	vst v63  }
0x34: {  	v3 =	vld [tilespmem:$0x30];
	_ =	sdelay $0x4  }
0x35: {  	v59 =	vshll.u32 v3, $0x1  }
0x36: {  	v3 =	vand.u32 $0x7, v3;
	v4 =	vand.u32 $0xFFFFFFF0, v59  }
0x37: {  	v3 =	vor.u32 v3, v4  }
0x38: {  	v4 =	vperm.xlane v3, v0;
	_ =	sdelay $0x1  }
0x39: {  	v3 =	vperm.xlane v3, v2;
	v4 =	vadd.s32 v1, v4;
	_ =	sdelay $0x1  }
0x3a: {  	v3 =	vadd.s32 v1, v3;
	_ =	sdelay $0x2  }
0x3b: {  	[tilespmem:s14], [sflag:$0x1] =	stream.indirect_vreg.gather [hbm4b:s3+s2], $0x80, v4, vm0, $0xb8;
	[tilespmem:$0x8080] =	vst v63  }
0x3c: {  	_ = 	snop  }
0x3d: {  	[tilespmem:s15], [sflag:$0x1] =	stream.indirect_vreg.gather [hbm4b:s3+s2], $0x80, v3, vm0, $0xb8;
	[tilespmem:$0x8080] =	vst v63  }
0x3e: {  	v3 =	vld [tilespmem:$0x40];
	_ =	sdelay $0x4  }
0x3f: {  	v60 =	vshll.u32 v3, $0x1  }
0x40: {  	v3 =	vand.u32 $0x7, v3;
	v4 =	vand.u32 $0xFFFFFFF0, v60  }
0x41: {  	v3 =	vor.u32 v3, v4  }
0x42: {  	v4 =	vperm.xlane v3, v0;
	_ =	sdelay $0x1  }
0x43: {  	v3 =	vperm.xlane v3, v2;
	v4 =	vadd.s32 v1, v4;
	_ =	sdelay $0x1  }
0x44: {  	v3 =	vadd.s32 v1, v3;
	_ =	sdelay $0x2  }
0x45: {  	[tilespmem:s16], [sflag:$0x1] =	stream.indirect_vreg.gather [hbm4b:s3+s2], $0x80, v4, vm0, $0xb8;
	[tilespmem:$0x8080] =	vst v63  }
0x46: {  	_ = 	snop  }
0x47: {  	[tilespmem:s17], [sflag:$0x1] =	stream.indirect_vreg.gather [hbm4b:s3+s2], $0x80, v3, vm0, $0xb8;
	[tilespmem:$0x8080] =	vst v63  }
0x48: {  	v3 =	vld [tilespmem:$0x50];
	_ =	sdelay $0x4  }
0x49: {  	v61 =	vshll.u32 v3, $0x1  }
0x4a: {  	v3 =	vand.u32 $0x7, v3;
	v4 =	vand.u32 $0xFFFFFFF0, v61  }
0x4b: {  	v3 =	vor.u32 v3, v4  }
0x4c: {  	v4 =	vperm.xlane v3, v0;
	_ =	sdelay $0x1  }
0x4d: {  	v3 =	vperm.xlane v3, v2;
	v4 =	vadd.s32 v1, v4;
	_ =	sdelay $0x1  }
0x4e: {  	v3 =	vadd.s32 v1, v3;
	_ =	sdelay $0x2  }
0x4f: {  	[tilespmem:s18], [sflag:$0x1] =	stream.indirect_vreg.gather [hbm4b:s3+s2], $0x80, v4, vm0, $0xb8;
	[tilespmem:$0x8080] =	vst v63  }
0x50: {  	_ = 	snop  }
0x51: {  	[tilespmem:s19], [sflag:$0x1] =	stream.indirect_vreg.gather [hbm4b:s3+s2], $0x80, v3, vm0, $0xb8;
	[tilespmem:$0x8080] =	vst v63  }
0x52: {  	v3 =	vld [tilespmem:$0x60];
	_ =	sdelay $0x4  }
0x53: {  	v62 =	vshll.u32 v3, $0x1  }
0x54: {  	v3 =	vand.u32 $0x7, v3;
	v4 =	vand.u32 $0xFFFFFFF0, v62  }
0x55: {  	v3 =	vor.u32 v3, v4  }
0x56: {  	v4 =	vperm.xlane v3, v0;
	_ =	sdelay $0x1  }
0x57: {  	v3 =	vperm.xlane v3, v2;
	v4 =	vadd.s32 v1, v4;
	_ =	sdelay $0x1  }
0x58: {  	v3 =	vadd.s32 v1, v3;
	_ =	sdelay $0x2  }
0x59: {  	[tilespmem:s20], [sflag:$0x1] =	stream.indirect_vreg.gather [hbm4b:s3+s2], $0x80, v4, vm0, $0xb8;
	[tilespmem:$0x8080] =	vst v63  }
0x5a: {  	_ = 	snop  }
0x5b: {  	[tilespmem:s21], [sflag:$0x1] =	stream.indirect_vreg.gather [hbm4b:s3+s2], $0x80, v3, vm0, $0xb8;
	[tilespmem:$0x8080] =	vst v63  }
0x5c: {  	v3 =	vld [tilespmem:$0x70];
	_ =	sdelay $0x4  }
0x5d: {  	v63 =	vshll.u32 v3, $0x1  }
0x5e: {  	v3 =	vand.u32 $0x7, v3;
	v4 =	vand.u32 $0xFFFFFFF0, v63  }
0x5f: {  	v3 =	vor.u32 v3, v4  }
0x60: {  	v4 =	vperm.xlane v3, v0;
	_ =	sdelay $0x1  }
0x61: {  	v3 =	vperm.xlane v3, v2;
	v4 =	vadd.s32 v1, v4;
	_ =	sdelay $0x1  }
0x62: {  	v3 =	vadd.s32 v1, v3;
	_ =	sdelay $0x2  }
0x63: {  	[tilespmem:s22], [sflag:$0x1] =	stream.indirect_vreg.gather [hbm4b:s3+s2], $0x80, v4, vm0, $0xb8;
	[tilespmem:$0x8080] =	vst v63  }
0x64: {  	_ = 	snop  }
0x65: {  	[tilespmem:s23], [sflag:$0x1] =	stream.indirect_vreg.gather [hbm4b:s3+s2], $0x80, v3, vm0, $0xb8;
	[tilespmem:$0x8080] =	vst v63  }
0x66: {  	_ =	swait.ge [sflag:s24], $0x8000  }
0x67: {  	p0 =	sne.s32 s28, $0xF0;
	[sflag:s24] =	ssyncset.done $0x0  }
.Ltmp0:
0x68: {  	[sflag:s24] =	ssyncadd.s32 $0xFFFF8000;
	(pc) =	sbr.rel @p0 .LBB2_2-.Ltmp0, $4  }
0x69: {  	[hbm4b:s26+s2] =	stream.linear.scatter [tilespmem:s8], [sflag:$0x2], $0x8000, $0x38;
	[tilespmem:$0x8080] =	vst v63  }
0x6a: {  	_ =	swait.ge [sflag:s7], $0x8000  }
0x6b: {  	[sflag:s7] =	ssyncset.done $0x0  }
0x6c: {  	s28 =	sadd.s32 $0x10, s28;
	s26 =	sadd.s32 $0x1000, s26;
	[sflag:s7] =	ssyncadd.s32 $0xFFFF8000  }
0x6d: {  	s25 =	sadd.s32 $0x1, s25  }
0x6e: {  	p0 =	sne.s32 s25, s4  }
.Ltmp1:
0x6f: {  	_ = 	snop;
	(pc) =	sbr.rel @p0 .LBB2_1-.Ltmp1, $1  }
0x70: {  	_ =	sdelay $0x3  }
0x71: {  	_ =	sfence.sel $0x180000  }
0x72: {  	[bflag:$0x0] =	sbarrier.arrive $0xFFFF  }
0x73: {  	p0 =	sne.s32 s1, $0x0;
	_ =	strace $0x90000059  }
0x74: {  	s0 =	sadd.s32 @!p0 $0x100000, s0;
	[bflag:$0x2] =	sbarrier.arrive $0xFFFF  }
0x75: {  	[sflag:s0] =	ssyncadd.tile.s32 @!p0 $0x1;
	_ =	shalt  }
.Lfunc_end2:
_tile_overlayer_lowered:
.L_overlay_start_2:
0x76: {  	(tag) =	ssettag $0x2  }
0x77: {  	s0 =	rddreg [dreg:$0x0];
	s2 =	stileid.u32  }
0x78: {  	s1 =	rddreg [dreg:$0x1];
	p0 =	sne.s32 s2, $0x0  }
0x79: {  	s3 =	rddreg [dreg:$0x2];
	[bflag:$0x3] =	sbarrier.arrive $0xFFFF;
	s2 =	simm.s32 @!p0 $0x1C02  }
0x7a: {  	[timem:s3], [sflag:s2] =	dma.local @!p0 [hbm:s0], s1  }
0x7b: {  	s0 =	simm.s32 @!p0 $0x2  }
0x7c: {  	_ =	swait.ge @!p0 [sflag:s0], s1  }
0x7d: {  	s1 =	ssub.s32 @!p0 $0x0, s1;
	[sflag:s0] =	ssyncset.done @!p0 $0x0  }
0x7e: {  	[sflag:s0] =	ssyncadd.s32 @!p0 s1  }
0x7f: {  	[bflag:$0x3] =	sbarrier.arrive $0xFFFF  }
0x80: {  	_ =	shalt  }

</sc_bundles>
